<compile_context>
chip_gen: v7x
topology: tpu7x:2x2x1
jax: 0.10.2.dev20260603
libtpu: 0.0.44.dev20260713+nightly
codegen_flags: <defaults>
</compile_context>

<pallas_src>
import dataclasses
import functools

import jax
import jax.numpy as jnp
from jax import lax
from jax.experimental import pallas as pl
from jax.experimental.pallas import tpu as pltpu
from jax.experimental.pallas import tpu_sc as plsc

_B, _C, _N = 8, 64, 32768
_NC, _NS = 2, 16
_NW = _NC * _NS
_WPB = _NW // _B
_CPW = _C // _WPB
_ROWS = _B * _C
_CHUNK = 8192
_NCHK = _N // _CHUNK
_NXB = 4


def _compiler_params():
    cp = pltpu.CompilerParams()
    if "needs_layout_passes" in pltpu.CompilerParams.__dataclass_fields__:
        cp = dataclasses.replace(cp, needs_layout_passes=False)
    return cp


@jax.jit
def _sc_permute(x2d, indices):
    mesh = plsc.VectorSubcoreMesh(core_axis_name="c", subcore_axis_name="s")

    @functools.partial(
        pl.kernel,
        compiler_params=_compiler_params(),
        out_type=jax.ShapeDtypeStruct((_ROWS, _N), jnp.float32),
        mesh=mesh,
        scratch_types=[
            pltpu.VMEM((_N,), jnp.int32),
            pltpu.VMEM((_N,), jnp.float32),
            pltpu.VMEM((_N,), jnp.float32),
            *[pltpu.VMEM((_CHUNK,), jnp.float32) for _ in range(_NXB)],
            pltpu.SemaphoreType.DMA,
            *[pltpu.SemaphoreType.DMA for _ in range(_NXB)],
            pltpu.SemaphoreType.DMA,
            pltpu.SemaphoreType.DMA,
        ],
    )
    def k(x_hbm, idx_hbm, out_hbm, idx_v, o0, o1, *rest):
        xbs = tuple(rest[:_NXB])
        s_idx = rest[_NXB]
        sxs = tuple(rest[_NXB + 1:2 * _NXB + 1])
        so0, so1 = rest[2 * _NXB + 1], rest[2 * _NXB + 2]
        wid = lax.axis_index("s") * _NC + lax.axis_index("c")
        b = wid // _WPB
        base = b * _C + (wid % _WPB) * _CPW
        outs, sos = (o0, o1), (so0, so1)

        def xchunk_copy(g):
            ci, kk = divmod(g, _NCHK)
            return pltpu.async_copy(
                x_hbm.at[base + ci, pl.ds(kk * _CHUNK, _CHUNK)],
                xbs[g % _NXB], sxs[g % _NXB])

        idx_cp = pltpu.async_copy(idx_hbm.at[b], idx_v, s_idx)
        pend = [xchunk_copy(g) for g in range(_NXB - 1)]
        idx_cp.wait()

        out_cps = [None, None]
        for ci in range(_CPW):
            ob = outs[ci % 2]
            if out_cps[ci % 2] is not None:
                out_cps[ci % 2].wait()
            for kk in range(_NCHK):
                g = ci * _NCHK + kk
                cur, xb = pend.pop(0), xbs[g % _NXB]
                if g + _NXB - 1 < _CPW * _NCHK:
                    pend.append(xchunk_copy(g + _NXB - 1))
                cur.wait()

                @plsc.parallel_loop(0, _CHUNK, 16, unroll=4)
                def _(j):
                    vidx = idx_v[pl.ds(kk * _CHUNK + j, 16)]
                    vx = xb[pl.ds(j, 16)]
                    plsc.store_scatter(ob, [vidx], vx)

            out_cps[ci % 2] = pltpu.async_copy(
                ob, out_hbm.at[base + ci], sos[ci % 2])

        out_cps[0].wait()
        out_cps[1].wait()

    return k(x2d, indices)


def kernel(x, indices):
    out = _sc_permute(x.reshape(_ROWS, _N), indices)
    return out.reshape(_B, _C, _N)

# --- scband reference (transcript-rebuilt; emitter-appended) ---
"""Pipeline reference for scband-deformable-layer-reverse-16844861735644 (READ-ONLY COPY).

The authoritative reference and input builder live on the scoring server;
editing this copy changes nothing except your own understanding.
"""

import jax, jax.numpy as jnp
import numpy as np

B, C, N = 8, 64, 32768

def setup_inputs(seed: int = 0):
    key = jax.random.key(seed)
    kx, kp = jax.random.split(key)
    x = jax.random.normal(kx, (B, C, N), dtype=jnp.float32)
    keys = jax.random.split(kp, B)
    # indices must be a per-row permutation of [0, N) for the inverse-permutation trick to be valid
    indices = jnp.stack([jax.random.permutation(k, N) for k in keys]).astype(jnp.int32)
    return {"x": x, "indices": indices}

def reference(x, indices):
    # x.flatten(2)
    x = x.reshape(x.shape[0], x.shape[1], -1)
    Bb, Cc, Nn = x.shape
    # index_re = zeros_like(indices); index_re.scatter_add_(1, indices, arange(N).expand(B, N))
    ar = jnp.arange(indices.shape[-1], dtype=indices.dtype)
    batch_idx = jnp.arange(Bb)[:, None]
    index_re = jnp.zeros_like(indices).at[batch_idx, indices].add(
        jnp.broadcast_to(ar[None, :], indices.shape))
    # x = torch.gather(x, 2, index_re.unsqueeze(1).expand(-1, C, -1))
    idx = jnp.broadcast_to(index_re[:, None, :], (Bb, Cc, Nn))
    out = jnp.take_along_axis(x, idx, axis=2)
    return out

if __name__ == "__main__":
    import jax
    _d = setup_inputs()
    print(jax.jit(kernel)(*tuple(_d.values())))

</pallas_src>

<mosaic_0001>
#map = affine_map<(d0, d1) -> (0, 0)>
module attributes {stable_mosaic.version = 14 : i64} {
  func.func @k(%arg0: i32, %arg1: i32, %arg2: memref<512x32768xf32, #tpu.memory_space<hbm>>, %arg3: memref<8x32768xi32, #tpu.memory_space<hbm>>, %arg4: memref<512x32768xf32, #tpu.memory_space<hbm>>, %arg5: memref<32768xi32, #tpu.memory_space<vmem>>, %arg6: memref<32768xf32, #tpu.memory_space<vmem>>, %arg7: memref<32768xf32, #tpu.memory_space<vmem>>, %arg8: memref<8192xf32, #tpu.memory_space<vmem>>, %arg9: memref<8192xf32, #tpu.memory_space<vmem>>, %arg10: memref<8192xf32, #tpu.memory_space<vmem>>, %arg11: memref<8192xf32, #tpu.memory_space<vmem>>, %arg12: memref<!tpu.dma_semaphore, #tpu.memory_space<semaphore_mem>>, %arg13: memref<!tpu.dma_semaphore, #tpu.memory_space<semaphore_mem>>, %arg14: memref<!tpu.dma_semaphore, #tpu.memory_space<semaphore_mem>>, %arg15: memref<!tpu.dma_semaphore, #tpu.memory_space<semaphore_mem>>, %arg16: memref<!tpu.dma_semaphore, #tpu.memory_space<semaphore_mem>>, %arg17: memref<!tpu.dma_semaphore, #tpu.memory_space<semaphore_mem>>, %arg18: memref<!tpu.dma_semaphore, #tpu.memory_space<semaphore_mem>>) attributes {dimension_semantics = [#tpu.dimension_semantics<core_parallel>, #tpu.dimension_semantics<subcore_parallel>], iteration_bounds = array<i64: 2, 16>, scalar_prefetch = 0 : i64, scratch_operands = 14 : i64, tpu.core_type = #tpu.core_type<sc_vector_subcore>, window_params = [{transform_indices = #map}, {transform_indices = #map}, {transform_indices = #map}]} {
    %mul3A = arith.constant 2 : i32
    %mul3A_0 = arith.muli %arg1, %mul3A : i32
    %add3A = arith.addi %mul3A_0, %arg0 : i32
    %jit3A = arith.constant 4 : i32
    %div3A = arith.divsi %add3A, %jit3A : i32
    %sign3A = arith.constant 0 : i32
    %sign3A_1 = arith.cmpi sgt, %add3A, %sign3A : i32
    %sign3A_2 = arith.extui %sign3A_1 : i1 to i32
    %sign3A_3 = arith.constant 0 : i32
    %sign3A_4 = arith.cmpi slt, %add3A, %sign3A_3 : i32
    %sign3A_5 = arith.extui %sign3A_4 : i1 to i32
    %sign3A_6 = arith.subi %sign3A_2, %sign3A_5 : i32
    %sign3A_7 = arith.constant 0 : i32
    %sign3A_8 = arith.cmpi sgt, %jit3A, %sign3A_7 : i32
    %sign3A_9 = arith.extui %sign3A_8 : i1 to i32
    %sign3A_10 = arith.constant 0 : i32
    %sign3A_11 = arith.cmpi slt, %jit3A, %sign3A_10 : i32
    %sign3A_12 = arith.extui %sign3A_11 : i1 to i32
    %sign3A_13 = arith.subi %sign3A_9, %sign3A_12 : i32
    %ne3A = arith.cmpi ne, %sign3A_6, %sign3A_13 : i32
    %rem3A = arith.remsi %add3A, %jit3A : i32
    %ne3A_14 = arith.constant 0 : i32
    %ne3A_15 = arith.cmpi ne, %rem3A, %ne3A_14 : i32
    %and3A = arith.andi %ne3A, %ne3A_15 : i1
    %sub3A = arith.constant 1 : i32
    %sub3A_16 = arith.subi %div3A, %sub3A : i32
    %select_n3A = arith.select %and3A, %sub3A_16, %div3A : i32
    %mul3A_17 = arith.constant 64 : i32
    %mul3A_18 = arith.muli %select_n3A, %mul3A_17 : i32
    %jit3A_19 = arith.constant 4 : i32
    %eq3A = arith.constant 0 : i32
    %eq3A_20 = arith.cmpi eq, %jit3A_19, %eq3A : i32
    %jit3A_21 = arith.constant 1 : i32
    %select_n3A_22 = arith.select %eq3A_20, %jit3A_21, %jit3A_19 : i32
    %rem3A_23 = arith.remsi %add3A, %select_n3A_22 : i32
    %ne3A_24 = arith.constant 0 : i32
    %ne3A_25 = arith.cmpi ne, %rem3A_23, %ne3A_24 : i32
    %lt3A = arith.constant 0 : i32
    %lt3A_26 = arith.cmpi slt, %rem3A_23, %lt3A : i32
    %lt3A_27 = arith.constant 0 : i32
    %lt3A_28 = arith.cmpi slt, %select_n3A_22, %lt3A_27 : i32
    %ne3A_29 = arith.xori %lt3A_26, %lt3A_28 : i1
    %and3A_30 = arith.andi %ne3A_29, %ne3A_25 : i1
    %add3A_31 = arith.addi %rem3A_23, %select_n3A_22 : i32
    %select_n3A_32 = arith.select %and3A_30, %add3A_31, %rem3A_23 : i32
    %mul3A_33 = arith.constant 16 : i32
    %mul3A_34 = arith.muli %select_n3A_32, %mul3A_33 : i32
    %add3A_35 = arith.addi %mul3A_18, %mul3A_34 : i32
    %dma_start3A = arith.constant 0 : i32
    %dma_start3A_36 = tpu.memref_slice %arg3[%select_n3A, %dma_start3A] : memref<8x32768xi32, #tpu.memory_space<hbm>> -> memref<1x32768xi32, #tpu.memory_space<hbm>>
    %dma_start3A_37 = tpu.memref_squeeze %dma_start3A_36 : memref<1x32768xi32, #tpu.memory_space<hbm>> -> memref<32768xi32, #tpu.memory_space<hbm>>
    %dma_start3A_38 = arith.constant 0 : i32
    %dma_start3A_39 = tpu.memref_slice %arg3[%select_n3A, %dma_start3A_38] : memref<8x32768xi32, #tpu.memory_space<hbm>> -> memref<1x32768xi32, #tpu.memory_space<hbm>>
    %dma_start3A_40 = tpu.memref_squeeze %dma_start3A_39 : memref<1x32768xi32, #tpu.memory_space<hbm>> -> memref<32768xi32, #tpu.memory_space<hbm>>
    tpu.enqueue_dma source(%dma_start3A_40 : memref<32768xi32, #tpu.memory_space<hbm>>) target(%arg5 : memref<32768xi32, #tpu.memory_space<vmem>>) target_semaphore(%arg12 : memref<!tpu.dma_semaphore, #tpu.memory_space<semaphore_mem>>)
    %add3A_41 = arith.constant 0 : i32
    %add3A_42 = arith.addi %add3A_35, %add3A_41 : i32
    %dma_start3A_43 = arith.constant 0 : i32
    %dma_start3A_44 = tpu.memref_slice %arg2[%add3A_42, %dma_start3A_43] : memref<512x32768xf32, #tpu.memory_space<hbm>> -> memref<1x8192xf32, #tpu.memory_space<hbm>>
    %dma_start3A_45 = tpu.memref_squeeze %dma_start3A_44 : memref<1x8192xf32, #tpu.memory_space<hbm>> -> memref<8192xf32, #tpu.memory_space<hbm>>
    %dma_start3A_46 = arith.constant 0 : i32
    %dma_start3A_47 = tpu.memref_slice %arg2[%add3A_42, %dma_start3A_46] : memref<512x32768xf32, #tpu.memory_space<hbm>> -> memref<1x8192xf32, #tpu.memory_space<hbm>>
    %dma_start3A_48 = tpu.memref_squeeze %dma_start3A_47 : memref<1x8192xf32, #tpu.memory_space<hbm>> -> memref<8192xf32, #tpu.memory_space<hbm>>
    tpu.enqueue_dma source(%dma_start3A_48 : memref<8192xf32, #tpu.memory_space<hbm>>) target(%arg8 : memref<8192xf32, #tpu.memory_space<vmem>>) target_semaphore(%arg13 : memref<!tpu.dma_semaphore, #tpu.memory_space<semaphore_mem>>)
    %add3A_49 = arith.constant 0 : i32
    %add3A_50 = arith.addi %add3A_35, %add3A_49 : i32
    %dma_start3A_51 = arith.constant 8192 : i32
    %dma_start3A_52 = tpu.memref_slice %arg2[%add3A_50, %dma_start3A_51] : memref<512x32768xf32, #tpu.memory_space<hbm>> -> memref<1x8192xf32, #tpu.memory_space<hbm>>
    %dma_start3A_53 = tpu.memref_squeeze %dma_start3A_52 : memref<1x8192xf32, #tpu.memory_space<hbm>> -> memref<8192xf32, #tpu.memory_space<hbm>>
    %dma_start3A_54 = arith.constant 8192 : i32
    %dma_start3A_55 = tpu.memref_slice %arg2[%add3A_50, %dma_start3A_54] : memref<512x32768xf32, #tpu.memory_space<hbm>> -> memref<1x8192xf32, #tpu.memory_space<hbm>>
    %dma_start3A_56 = tpu.memref_squeeze %dma_start3A_55 : memref<1x8192xf32, #tpu.memory_space<hbm>> -> memref<8192xf32, #tpu.memory_space<hbm>>
    tpu.enqueue_dma source(%dma_start3A_56 : memref<8192xf32, #tpu.memory_space<hbm>>) target(%arg9 : memref<8192xf32, #tpu.memory_space<vmem>>) target_semaphore(%arg14 : memref<!tpu.dma_semaphore, #tpu.memory_space<semaphore_mem>>)
    %add3A_57 = arith.constant 0 : i32
    %add3A_58 = arith.addi %add3A_35, %add3A_57 : i32
    %dma_start3A_59 = arith.constant 16384 : i32
    %dma_start3A_60 = tpu.memref_slice %arg2[%add3A_58, %dma_start3A_59] : memref<512x32768xf32, #tpu.memory_space<hbm>> -> memref<1x8192xf32, #tpu.memory_space<hbm>>
    %dma_start3A_61 = tpu.memref_squeeze %dma_start3A_60 : memref<1x8192xf32, #tpu.memory_space<hbm>> -> memref<8192xf32, #tpu.memory_space<hbm>>
    %dma_start3A_62 = arith.constant 16384 : i32
    %dma_start3A_63 = tpu.memref_slice %arg2[%add3A_58, %dma_start3A_62] : memref<512x32768xf32, #tpu.memory_space<hbm>> -> memref<1x8192xf32, #tpu.memory_space<hbm>>
    %dma_start3A_64 = tpu.memref_squeeze %dma_start3A_63 : memref<1x8192xf32, #tpu.memory_space<hbm>> -> memref<8192xf32, #tpu.memory_space<hbm>>
    tpu.enqueue_dma source(%dma_start3A_64 : memref<8192xf32, #tpu.memory_space<hbm>>) target(%arg10 : memref<8192xf32, #tpu.memory_space<vmem>>) target_semaphore(%arg15 : memref<!tpu.dma_semaphore, #tpu.memory_space<semaphore_mem>>)
    %dma_wait3A = arith.constant 0 : i32
    %dma_wait3A_65 = tpu.memref_slice %arg3[%select_n3A, %dma_wait3A] : memref<8x32768xi32, #tpu.memory_space<hbm>> -> memref<1x32768xi32, #tpu.memory_space<hbm>>
    %dma_wait3A_66 = tpu.memref_squeeze %dma_wait3A_65 : memref<1x32768xi32, #tpu.memory_space<hbm>> -> memref<32768xi32, #tpu.memory_space<hbm>>
    %dma_wait3A_67 = arith.constant 0 : i32
    %dma_wait3A_68 = tpu.memref_slice %arg3[%select_n3A, %dma_wait3A_67] : memref<8x32768xi32, #tpu.memory_space<hbm>> -> memref<1x32768xi32, #tpu.memory_space<hbm>>
    %dma_wait3A_69 = tpu.memref_squeeze %dma_wait3A_68 : memref<1x32768xi32, #tpu.memory_space<hbm>> -> memref<32768xi32, #tpu.memory_space<hbm>>
    tpu.wait_dma2 semaphore(%arg12 : memref<!tpu.dma_semaphore, #tpu.memory_space<semaphore_mem>>) src(%dma_wait3A_69 : memref<32768xi32, #tpu.memory_space<hbm>>) dst(%arg5 : memref<32768xi32, #tpu.memory_space<vmem>>)
    %add3A_70 = arith.constant 0 : i32
    %add3A_71 = arith.addi %add3A_35, %add3A_70 : i32
    %dma_start3A_72 = arith.constant 24576 : i32
    %dma_start3A_73 = tpu.memref_slice %arg2[%add3A_71, %dma_start3A_72] : memref<512x32768xf32, #tpu.memory_space<hbm>> -> memref<1x8192xf32, #tpu.memory_space<hbm>>
    %dma_start3A_74 = tpu.memref_squeeze %dma_start3A_73 : memref<1x8192xf32, #tpu.memory_space<hbm>> -> memref<8192xf32, #tpu.memory_space<hbm>>
    %dma_start3A_75 = arith.constant 24576 : i32
    %dma_start3A_76 = tpu.memref_slice %arg2[%add3A_71, %dma_start3A_75] : memref<512x32768xf32, #tpu.memory_space<hbm>> -> memref<1x8192xf32, #tpu.memory_space<hbm>>
    %dma_start3A_77 = tpu.memref_squeeze %dma_start3A_76 : memref<1x8192xf32, #tpu.memory_space<hbm>> -> memref<8192xf32, #tpu.memory_space<hbm>>
    tpu.enqueue_dma source(%dma_start3A_77 : memref<8192xf32, #tpu.memory_space<hbm>>) target(%arg11 : memref<8192xf32, #tpu.memory_space<vmem>>) target_semaphore(%arg16 : memref<!tpu.dma_semaphore, #tpu.memory_space<semaphore_mem>>)
    %dma_wait3A_78 = arith.constant 0 : i32
    %dma_wait3A_79 = tpu.memref_slice %arg2[%add3A_42, %dma_wait3A_78] : memref<512x32768xf32, #tpu.memory_space<hbm>> -> memref<1x8192xf32, #tpu.memory_space<hbm>>
    %dma_wait3A_80 = tpu.memref_squeeze %dma_wait3A_79 : memref<1x8192xf32, #tpu.memory_space<hbm>> -> memref<8192xf32, #tpu.memory_space<hbm>>
    %dma_wait3A_81 = arith.constant 0 : i32
    %dma_wait3A_82 = tpu.memref_slice %arg2[%add3A_42, %dma_wait3A_81] : memref<512x32768xf32, #tpu.memory_space<hbm>> -> memref<1x8192xf32, #tpu.memory_space<hbm>>
    %dma_wait3A_83 = tpu.memref_squeeze %dma_wait3A_82 : memref<1x8192xf32, #tpu.memory_space<hbm>> -> memref<8192xf32, #tpu.memory_space<hbm>>
    tpu.wait_dma2 semaphore(%arg13 : memref<!tpu.dma_semaphore, #tpu.memory_space<semaphore_mem>>) src(%dma_wait3A_83 : memref<8192xf32, #tpu.memory_space<hbm>>) dst(%arg8 : memref<8192xf32, #tpu.memory_space<vmem>>)
    %parallel_loop3A = arith.constant 0 : i32
    %parallel_loop3A_84 = arith.constant 8192 : i32
    %parallel_loop3A_85 = arith.constant 16 : i32
    scf.for %parallel_loop3A_1357 = %parallel_loop3A to %parallel_loop3A_84 step %parallel_loop3A_85  : i32 {
      %parallel_loop3A_1358 = arith.constant 0 : i32
      %parallel_loop3A_1359 = arith.addi %parallel_loop3A_1358, %parallel_loop3A_1357 : i32
      %parallel_loop3A_1360 = arith.index_cast %parallel_loop3A_1359 : i32 to index
      %parallel_loop3A_1361 = tpu.vector_load %arg5[%parallel_loop3A_1360] {strides = array<i32>} : memref<32768xi32, #tpu.memory_space<vmem>>, vector<16xi32>,
      %parallel_loop3A_1362 = arith.index_cast %parallel_loop3A_1357 : i32 to index
      %parallel_loop3A_1363 = tpu.vector_load %arg8[%parallel_loop3A_1362] {strides = array<i32>} : memref<8192xf32, #tpu.memory_space<vmem>>, vector<16xf32>,
      tpu.vector_store_idx %arg6[%parallel_loop3A_1361], %parallel_loop3A_1363 : memref<32768xf32, #tpu.memory_space<vmem>>[vector<16xi32>], vector<16xf32>,
    } {sc.loop_unroll_factor = 4 : i64, sc.parallel_access}
    %add3A_86 = arith.constant 1 : i32
    %add3A_87 = arith.addi %add3A_35, %add3A_86 : i32
    %dma_start3A_88 = arith.constant 0 : i32
    %dma_start3A_89 = tpu.memref_slice %arg2[%add3A_87, %dma_start3A_88] : memref<512x32768xf32, #tpu.memory_space<hbm>> -> memref<1x8192xf32, #tpu.memory_space<hbm>>
    %dma_start3A_90 = tpu.memref_squeeze %dma_start3A_89 : memref<1x8192xf32, #tpu.memory_space<hbm>> -> memref<8192xf32, #tpu.memory_space<hbm>>
    %dma_start3A_91 = arith.constant 0 : i32
    %dma_start3A_92 = tpu.memref_slice %arg2[%add3A_87, %dma_start3A_91] : memref<512x32768xf32, #tpu.memory_space<hbm>> -> memref<1x8192xf32, #tpu.memory_space<hbm>>
    %dma_start3A_93 = tpu.memref_squeeze %dma_start3A_92 : memref<1x8192xf32, #tpu.memory_space<hbm>> -> memref<8192xf32, #tpu.memory_space<hbm>>
    tpu.enqueue_dma source(%dma_start3A_93 : memref<8192xf32, #tpu.memory_space<hbm>>) target(%arg8 : memref<8192xf32, #tpu.memory_space<vmem>>) target_semaphore(%arg13 : memref<!tpu.dma_semaphore, #tpu.memory_space<semaphore_mem>>)
    %dma_wait3A_94 = arith.constant 8192 : i32
    %dma_wait3A_95 = tpu.memref_slice %arg2[%add3A_50, %dma_wait3A_94] : memref<512x32768xf32, #tpu.memory_space<hbm>> -> memref<1x8192xf32, #tpu.memory_space<hbm>>
    %dma_wait3A_96 = tpu.memref_squeeze %dma_wait3A_95 : memref<1x8192xf32, #tpu.memory_space<hbm>> -> memref<8192xf32, #tpu.memory_space<hbm>>
    %dma_wait3A_97 = arith.constant 8192 : i32
    %dma_wait3A_98 = tpu.memref_slice %arg2[%add3A_50, %dma_wait3A_97] : memref<512x32768xf32, #tpu.memory_space<hbm>> -> memref<1x8192xf32, #tpu.memory_space<hbm>>
    %dma_wait3A_99 = tpu.memref_squeeze %dma_wait3A_98 : memref<1x8192xf32, #tpu.memory_space<hbm>> -> memref<8192xf32, #tpu.memory_space<hbm>>
    tpu.wait_dma2 semaphore(%arg14 : memref<!tpu.dma_semaphore, #tpu.memory_space<semaphore_mem>>) src(%dma_wait3A_99 : memref<8192xf32, #tpu.memory_space<hbm>>) dst(%arg9 : memref<8192xf32, #tpu.memory_space<vmem>>)
    %parallel_loop3A_100 = arith.constant 0 : i32
    %parallel_loop3A_101 = arith.constant 8192 : i32
    %parallel_loop3A_102 = arith.constant 16 : i32
    scf.for %parallel_loop3A_1357 = %parallel_loop3A_100 to %parallel_loop3A_101 step %parallel_loop3A_102  : i32 {
      %parallel_loop3A_1358 = arith.constant 8192 : i32
      %parallel_loop3A_1359 = arith.addi %parallel_loop3A_1358, %parallel_loop3A_1357 : i32
      %parallel_loop3A_1360 = arith.index_cast %parallel_loop3A_1359 : i32 to index
      %parallel_loop3A_1361 = tpu.vector_load %arg5[%parallel_loop3A_1360] {strides = array<i32>} : memref<32768xi32, #tpu.memory_space<vmem>>, vector<16xi32>,
      %parallel_loop3A_1362 = arith.index_cast %parallel_loop3A_1357 : i32 to index
      %parallel_loop3A_1363 = tpu.vector_load %arg9[%parallel_loop3A_1362] {strides = array<i32>} : memref<8192xf32, #tpu.memory_space<vmem>>, vector<16xf32>,
      tpu.vector_store_idx %arg6[%parallel_loop3A_1361], %parallel_loop3A_1363 : memref<32768xf32, #tpu.memory_space<vmem>>[vector<16xi32>], vector<16xf32>,
    } {sc.loop_unroll_factor = 4 : i64, sc.parallel_access}
    %add3A_103 = arith.constant 1 : i32
    %add3A_104 = arith.addi %add3A_35, %add3A_103 : i32
    %dma_start3A_105 = arith.constant 8192 : i32
    %dma_start3A_106 = tpu.memref_slice %arg2[%add3A_104, %dma_start3A_105] : memref<512x32768xf32, #tpu.memory_space<hbm>> -> memref<1x8192xf32, #tpu.memory_space<hbm>>
    %dma_start3A_107 = tpu.memref_squeeze %dma_start3A_106 : memref<1x8192xf32, #tpu.memory_space<hbm>> -> memref<8192xf32, #tpu.memory_space<hbm>>
    %dma_start3A_108 = arith.constant 8192 : i32
    %dma_start3A_109 = tpu.memref_slice %arg2[%add3A_104, %dma_start3A_108] : memref<512x32768xf32, #tpu.memory_space<hbm>> -> memref<1x8192xf32, #tpu.memory_space<hbm>>
    %dma_start3A_110 = tpu.memref_squeeze %dma_start3A_109 : memref<1x8192xf32, #tpu.memory_space<hbm>> -> memref<8192xf32, #tpu.memory_space<hbm>>
    tpu.enqueue_dma source(%dma_start3A_110 : memref<8192xf32, #tpu.memory_space<hbm>>) target(%arg9 : memref<8192xf32, #tpu.memory_space<vmem>>) target_semaphore(%arg14 : memref<!tpu.dma_semaphore, #tpu.memory_space<semaphore_mem>>)
    %dma_wait3A_111 = arith.constant 16384 : i32
    %dma_wait3A_112 = tpu.memref_slice %arg2[%add3A_58, %dma_wait3A_111] : memref<512x32768xf32, #tpu.memory_space<hbm>> -> memref<1x8192xf32, #tpu.memory_space<hbm>>
    %dma_wait3A_113 = tpu.memref_squeeze %dma_wait3A_112 : memref<1x8192xf32, #tpu.memory_space<hbm>> -> memref<8192xf32, #tpu.memory_space<hbm>>
    %dma_wait3A_114 = arith.constant 16384 : i32
    %dma_wait3A_115 = tpu.memref_slice %arg2[%add3A_58, %dma_wait3A_114] : memref<512x32768xf32, #tpu.memory_space<hbm>> -> memref<1x8192xf32, #tpu.memory_space<hbm>>
    %dma_wait3A_116 = tpu.memref_squeeze %dma_wait3A_115 : memref<1x8192xf32, #tpu.memory_space<hbm>> -> memref<8192xf32, #tpu.memory_space<hbm>>
    tpu.wait_dma2 semaphore(%arg15 : memref<!tpu.dma_semaphore, #tpu.memory_space<semaphore_mem>>) src(%dma_wait3A_116 : memref<8192xf32, #tpu.memory_space<hbm>>) dst(%arg10 : memref<8192xf32, #tpu.memory_space<vmem>>)
    %parallel_loop3A_117 = arith.constant 0 : i32
    %parallel_loop3A_118 = arith.constant 8192 : i32
    %parallel_loop3A_119 = arith.constant 16 : i32
    scf.for %parallel_loop3A_1357 = %parallel_loop3A_117 to %parallel_loop3A_118 step %parallel_loop3A_119  : i32 {
      %parallel_loop3A_1358 = arith.constant 16384 : i32
      %parallel_loop3A_1359 = arith.addi %parallel_loop3A_1358, %parallel_loop3A_1357 : i32
      %parallel_loop3A_1360 = arith.index_cast %parallel_loop3A_1359 : i32 to index
      %parallel_loop3A_1361 = tpu.vector_load %arg5[%parallel_loop3A_1360] {strides = array<i32>} : memref<32768xi32, #tpu.memory_space<vmem>>, vector<16xi32>,
      %parallel_loop3A_1362 = arith.index_cast %parallel_loop3A_1357 : i32 to index
      %parallel_loop3A_1363 = tpu.vector_load %arg10[%parallel_loop3A_1362] {strides = array<i32>} : memref<8192xf32, #tpu.memory_space<vmem>>, vector<16xf32>,
      tpu.vector_store_idx %arg6[%parallel_loop3A_1361], %parallel_loop3A_1363 : memref<32768xf32, #tpu.memory_space<vmem>>[vector<16xi32>], vector<16xf32>,
    } {sc.loop_unroll_factor = 4 : i64, sc.parallel_access}
    %add3A_120 = arith.constant 1 : i32
    %add3A_121 = arith.addi %add3A_35, %add3A_120 : i32
    %dma_start3A_122 = arith.constant 16384 : i32
    %dma_start3A_123 = tpu.memref_slice %arg2[%add3A_121, %dma_start3A_122] : memref<512x32768xf32, #tpu.memory_space<hbm>> -> memref<1x8192xf32, #tpu.memory_space<hbm>>
    %dma_start3A_124 = tpu.memref_squeeze %dma_start3A_123 : memref<1x8192xf32, #tpu.memory_space<hbm>> -> memref<8192xf32, #tpu.memory_space<hbm>>
    %dma_start3A_125 = arith.constant 16384 : i32
    %dma_start3A_126 = tpu.memref_slice %arg2[%add3A_121, %dma_start3A_125] : memref<512x32768xf32, #tpu.memory_space<hbm>> -> memref<1x8192xf32, #tpu.memory_space<hbm>>
    %dma_start3A_127 = tpu.memref_squeeze %dma_start3A_126 : memref<1x8192xf32, #tpu.memory_space<hbm>> -> memref<8192xf32, #tpu.memory_space<hbm>>
    tpu.enqueue_dma source(%dma_start3A_127 : memref<8192xf32, #tpu.memory_space<hbm>>) target(%arg10 : memref<8192xf32, #tpu.memory_space<vmem>>) target_semaphore(%arg15 : memref<!tpu.dma_semaphore, #tpu.memory_space<semaphore_mem>>)
    %dma_wait3A_128 = arith.constant 24576 : i32
    %dma_wait3A_129 = tpu.memref_slice %arg2[%add3A_71, %dma_wait3A_128] : memref<512x32768xf32, #tpu.memory_space<hbm>> -> memref<1x8192xf32, #tpu.memory_space<hbm>>
    %dma_wait3A_130 = tpu.memref_squeeze %dma_wait3A_129 : memref<1x8192xf32, #tpu.memory_space<hbm>> -> memref<8192xf32, #tpu.memory_space<hbm>>
    %dma_wait3A_131 = arith.constant 24576 : i32
    %dma_wait3A_132 = tpu.memref_slice %arg2[%add3A_71, %dma_wait3A_131] : memref<512x32768xf32, #tpu.memory_space<hbm>> -> memref<1x8192xf32, #tpu.memory_space<hbm>>
    %dma_wait3A_133 = tpu.memref_squeeze %dma_wait3A_132 : memref<1x8192xf32, #tpu.memory_space<hbm>> -> memref<8192xf32, #tpu.memory_space<hbm>>
    tpu.wait_dma2 semaphore(%arg16 : memref<!tpu.dma_semaphore, #tpu.memory_space<semaphore_mem>>) src(%dma_wait3A_133 : memref<8192xf32, #tpu.memory_space<hbm>>) dst(%arg11 : memref<8192xf32, #tpu.memory_space<vmem>>)
    %parallel_loop3A_134 = arith.constant 0 : i32
    %parallel_loop3A_135 = arith.constant 8192 : i32
    %parallel_loop3A_136 = arith.constant 16 : i32
    scf.for %parallel_loop3A_1357 = %parallel_loop3A_134 to %parallel_loop3A_135 step %parallel_loop3A_136  : i32 {
      %parallel_loop3A_1358 = arith.constant 24576 : i32
      %parallel_loop3A_1359 = arith.addi %parallel_loop3A_1358, %parallel_loop3A_1357 : i32
      %parallel_loop3A_1360 = arith.index_cast %parallel_loop3A_1359 : i32 to index
      %parallel_loop3A_1361 = tpu.vector_load %arg5[%parallel_loop3A_1360] {strides = array<i32>} : memref<32768xi32, #tpu.memory_space<vmem>>, vector<16xi32>,
      %parallel_loop3A_1362 = arith.index_cast %parallel_loop3A_1357 : i32 to index
      %parallel_loop3A_1363 = tpu.vector_load %arg11[%parallel_loop3A_1362] {strides = array<i32>} : memref<8192xf32, #tpu.memory_space<vmem>>, vector<16xf32>,
      tpu.vector_store_idx %arg6[%parallel_loop3A_1361], %parallel_loop3A_1363 : memref<32768xf32, #tpu.memory_space<vmem>>[vector<16xi32>], vector<16xf32>,
    } {sc.loop_unroll_factor = 4 : i64, sc.parallel_access}
    %add3A_137 = arith.constant 0 : i32
    %add3A_138 = arith.addi %add3A_35, %add3A_137 : i32
    %dma_start3A_139 = arith.constant 0 : i32
    %dma_start3A_140 = tpu.memref_slice %arg4[%add3A_138, %dma_start3A_139] : memref<512x32768xf32, #tpu.memory_space<hbm>> -> memref<1x32768xf32, #tpu.memory_space<hbm>>
    %dma_start3A_141 = tpu.memref_squeeze %dma_start3A_140 : memref<1x32768xf32, #tpu.memory_space<hbm>> -> memref<32768xf32, #tpu.memory_space<hbm>>
    %dma_start3A_142 = arith.constant 0 : i32
    %dma_start3A_143 = tpu.memref_slice %arg4[%add3A_138, %dma_start3A_142] : memref<512x32768xf32, #tpu.memory_space<hbm>> -> memref<1x32768xf32, #tpu.memory_space<hbm>>
    %dma_start3A_144 = tpu.memref_squeeze %dma_start3A_143 : memref<1x32768xf32, #tpu.memory_space<hbm>> -> memref<32768xf32, #tpu.memory_space<hbm>>
    tpu.enqueue_dma source(%arg6 : memref<32768xf32, #tpu.memory_space<vmem>>) target(%dma_start3A_144 : memref<32768xf32, #tpu.memory_space<hbm>>) target_semaphore(%arg17 : memref<!tpu.dma_semaphore, #tpu.memory_space<semaphore_mem>>)
    %add3A_145 = arith.constant 1 : i32
    %add3A_146 = arith.addi %add3A_35, %add3A_145 : i32
    %dma_start3A_147 = arith.constant 24576 : i32
    %dma_start3A_148 = tpu.memref_slice %arg2[%add3A_146, %dma_start3A_147] : memref<512x32768xf32, #tpu.memory_space<hbm>> -> memref<1x8192xf32, #tpu.memory_space<hbm>>
    %dma_start3A_149 = tpu.memref_squeeze %dma_start3A_148 : memref<1x8192xf32, #tpu.memory_space<hbm>> -> memref<8192xf32, #tpu.memory_space<hbm>>
    %dma_start3A_150 = arith.constant 24576 : i32
    %dma_start3A_151 = tpu.memref_slice %arg2[%add3A_146, %dma_start3A_150] : memref<512x32768xf32, #tpu.memory_space<hbm>> -> memref<1x8192xf32, #tpu.memory_space<hbm>>
    %dma_start3A_152 = tpu.memref_squeeze %dma_start3A_151 : memref<1x8192xf32, #tpu.memory_space<hbm>> -> memref<8192xf32, #tpu.memory_space<hbm>>
    tpu.enqueue_dma source(%dma_start3A_152 : memref<8192xf32, #tpu.memory_space<hbm>>) target(%arg11 : memref<8192xf32, #tpu.memory_space<vmem>>) target_semaphore(%arg16 : memref<!tpu.dma_semaphore, #tpu.memory_space<semaphore_mem>>)
    %dma_wait3A_153 = arith.constant 0 : i32
    %dma_wait3A_154 = tpu.memref_slice %arg2[%add3A_87, %dma_wait3A_153] : memref<512x32768xf32, #tpu.memory_space<hbm>> -> memref<1x8192xf32, #tpu.memory_space<hbm>>
    %dma_wait3A_155 = tpu.memref_squeeze %dma_wait3A_154 : memref<1x8192xf32, #tpu.memory_space<hbm>> -> memref<8192xf32, #tpu.memory_space<hbm>>
    %dma_wait3A_156 = arith.constant 0 : i32
    %dma_wait3A_157 = tpu.memref_slice %arg2[%add3A_87, %dma_wait3A_156] : memref<512x32768xf32, #tpu.memory_space<hbm>> -> memref<1x8192xf32, #tpu.memory_space<hbm>>
    %dma_wait3A_158 = tpu.memref_squeeze %dma_wait3A_157 : memref<1x8192xf32, #tpu.memory_space<hbm>> -> memref<8192xf32, #tpu.memory_space<hbm>>
    tpu.wait_dma2 semaphore(%arg13 : memref<!tpu.dma_semaphore, #tpu.memory_space<semaphore_mem>>) src(%dma_wait3A_158 : memref<8192xf32, #tpu.memory_space<hbm>>) dst(%arg8 : memref<8192xf32, #tpu.memory_space<vmem>>)
    %parallel_loop3A_159 = arith.constant 0 : i32
    %parallel_loop3A_160 = arith.constant 8192 : i32
    %parallel_loop3A_161 = arith.constant 16 : i32
    scf.for %parallel_loop3A_1357 = %parallel_loop3A_159 to %parallel_loop3A_160 step %parallel_loop3A_161  : i32 {
      %parallel_loop3A_1358 = arith.constant 0 : i32
      %parallel_loop3A_1359 = arith.addi %parallel_loop3A_1358, %parallel_loop3A_1357 : i32
      %parallel_loop3A_1360 = arith.index_cast %parallel_loop3A_1359 : i32 to index
      %parallel_loop3A_1361 = tpu.vector_load %arg5[%parallel_loop3A_1360] {strides = array<i32>} : memref<32768xi32, #tpu.memory_space<vmem>>, vector<16xi32>,
      %parallel_loop3A_1362 = arith.index_cast %parallel_loop3A_1357 : i32 to index
      %parallel_loop3A_1363 = tpu.vector_load %arg8[%parallel_loop3A_1362] {strides = array<i32>} : memref<8192xf32, #tpu.memory_space<vmem>>, vector<16xf32>,
      tpu.vector_store_idx %arg7[%parallel_loop3A_1361], %parallel_loop3A_1363 : memref<32768xf32, #tpu.memory_space<vmem>>[vector<16xi32>], vector<16xf32>,
    } {sc.loop_unroll_factor = 4 : i64, sc.parallel_access}
    %add3A_162 = arith.constant 2 : i32
    %add3A_163 = arith.addi %add3A_35, %add3A_162 : i32
    %dma_start3A_164 = arith.constant 0 : i32
    %dma_start3A_165 = tpu.memref_slice %arg2[%add3A_163, %dma_start3A_164] : memref<512x32768xf32, #tpu.memory_space<hbm>> -> memref<1x8192xf32, #tpu.memory_space<hbm>>
    %dma_start3A_166 = tpu.memref_squeeze %dma_start3A_165 : memref<1x8192xf32, #tpu.memory_space<hbm>> -> memref<8192xf32, #tpu.memory_space<hbm>>
    %dma_start3A_167 = arith.constant 0 : i32
    %dma_start3A_168 = tpu.memref_slice %arg2[%add3A_163, %dma_start3A_167] : memref<512x32768xf32, #tpu.memory_space<hbm>> -> memref<1x8192xf32, #tpu.memory_space<hbm>>
    %dma_start3A_169 = tpu.memref_squeeze %dma_start3A_168 : memref<1x8192xf32, #tpu.memory_space<hbm>> -> memref<8192xf32, #tpu.memory_space<hbm>>
    tpu.enqueue_dma source(%dma_start3A_169 : memref<8192xf32, #tpu.memory_space<hbm>>) target(%arg8 : memref<8192xf32, #tpu.memory_space<vmem>>) target_semaphore(%arg13 : memref<!tpu.dma_semaphore, #tpu.memory_space<semaphore_mem>>)
    %dma_wait3A_170 = arith.constant 8192 : i32
    %dma_wait3A_171 = tpu.memref_slice %arg2[%add3A_104, %dma_wait3A_170] : memref<512x32768xf32, #tpu.memory_space<hbm>> -> memref<1x8192xf32, #tpu.memory_space<hbm>>
    %dma_wait3A_172 = tpu.memref_squeeze %dma_wait3A_171 : memref<1x8192xf32, #tpu.memory_space<hbm>> -> memref<8192xf32, #tpu.memory_space<hbm>>
    %dma_wait3A_173 = arith.constant 8192 : i32
    %dma_wait3A_174 = tpu.memref_slice %arg2[%add3A_104, %dma_wait3A_173] : memref<512x32768xf32, #tpu.memory_space<hbm>> -> memref<1x8192xf32, #tpu.memory_space<hbm>>
    %dma_wait3A_175 = tpu.memref_squeeze %dma_wait3A_174 : memref<1x8192xf32, #tpu.memory_space<hbm>> -> memref<8192xf32, #tpu.memory_space<hbm>>
    tpu.wait_dma2 semaphore(%arg14 : memref<!tpu.dma_semaphore, #tpu.memory_space<semaphore_mem>>) src(%dma_wait3A_175 : memref<8192xf32, #tpu.memory_space<hbm>>) dst(%arg9 : memref<8192xf32, #tpu.memory_space<vmem>>)
    %parallel_loop3A_176 = arith.constant 0 : i32
    %parallel_loop3A_177 = arith.constant 8192 : i32
    %parallel_loop3A_178 = arith.constant 16 : i32
    scf.for %parallel_loop3A_1357 = %parallel_loop3A_176 to %parallel_loop3A_177 step %parallel_loop3A_178  : i32 {
      %parallel_loop3A_1358 = arith.constant 8192 : i32
      %parallel_loop3A_1359 = arith.addi %parallel_loop3A_1358, %parallel_loop3A_1357 : i32
      %parallel_loop3A_1360 = arith.index_cast %parallel_loop3A_1359 : i32 to index
      %parallel_loop3A_1361 = tpu.vector_load %arg5[%parallel_loop3A_1360] {strides = array<i32>} : memref<32768xi32, #tpu.memory_space<vmem>>, vector<16xi32>,
      %parallel_loop3A_1362 = arith.index_cast %parallel_loop3A_1357 : i32 to index
      %parallel_loop3A_1363 = tpu.vector_load %arg9[%parallel_loop3A_1362] {strides = array<i32>} : memref<8192xf32, #tpu.memory_space<vmem>>, vector<16xf32>,
      tpu.vector_store_idx %arg7[%parallel_loop3A_1361], %parallel_loop3A_1363 : memref<32768xf32, #tpu.memory_space<vmem>>[vector<16xi32>], vector<16xf32>,
    } {sc.loop_unroll_factor = 4 : i64, sc.parallel_access}
    %add3A_179 = arith.constant 2 : i32
    %add3A_180 = arith.addi %add3A_35, %add3A_179 : i32
    %dma_start3A_181 = arith.constant 8192 : i32
    %dma_start3A_182 = tpu.memref_slice %arg2[%add3A_180, %dma_start3A_181] : memref<512x32768xf32, #tpu.memory_space<hbm>> -> memref<1x8192xf32, #tpu.memory_space<hbm>>
    %dma_start3A_183 = tpu.memref_squeeze %dma_start3A_182 : memref<1x8192xf32, #tpu.memory_space<hbm>> -> memref<8192xf32, #tpu.memory_space<hbm>>
    %dma_start3A_184 = arith.constant 8192 : i32
    %dma_start3A_185 = tpu.memref_slice %arg2[%add3A_180, %dma_start3A_184] : memref<512x32768xf32, #tpu.memory_space<hbm>> -> memref<1x8192xf32, #tpu.memory_space<hbm>>
    %dma_start3A_186 = tpu.memref_squeeze %dma_start3A_185 : memref<1x8192xf32, #tpu.memory_space<hbm>> -> memref<8192xf32, #tpu.memory_space<hbm>>
    tpu.enqueue_dma source(%dma_start3A_186 : memref<8192xf32, #tpu.memory_space<hbm>>) target(%arg9 : memref<8192xf32, #tpu.memory_space<vmem>>) target_semaphore(%arg14 : memref<!tpu.dma_semaphore, #tpu.memory_space<semaphore_mem>>)
    %dma_wait3A_187 = arith.constant 16384 : i32
    %dma_wait3A_188 = tpu.memref_slice %arg2[%add3A_121, %dma_wait3A_187] : memref<512x32768xf32, #tpu.memory_space<hbm>> -> memref<1x8192xf32, #tpu.memory_space<hbm>>
    %dma_wait3A_189 = tpu.memref_squeeze %dma_wait3A_188 : memref<1x8192xf32, #tpu.memory_space<hbm>> -> memref<8192xf32, #tpu.memory_space<hbm>>
    %dma_wait3A_190 = arith.constant 16384 : i32
    %dma_wait3A_191 = tpu.memref_slice %arg2[%add3A_121, %dma_wait3A_190] : memref<512x32768xf32, #tpu.memory_space<hbm>> -> memref<1x8192xf32, #tpu.memory_space<hbm>>
    %dma_wait3A_192 = tpu.memref_squeeze %dma_wait3A_191 : memref<1x8192xf32, #tpu.memory_space<hbm>> -> memref<8192xf32, #tpu.memory_space<hbm>>
    tpu.wait_dma2 semaphore(%arg15 : memref<!tpu.dma_semaphore, #tpu.memory_space<semaphore_mem>>) src(%dma_wait3A_192 : memref<8192xf32, #tpu.memory_space<hbm>>) dst(%arg10 : memref<8192xf32, #tpu.memory_space<vmem>>)
    %parallel_loop3A_193 = arith.constant 0 : i32
    %parallel_loop3A_194 = arith.constant 8192 : i32
    %parallel_loop3A_195 = arith.constant 16 : i32
    scf.for %parallel_loop3A_1357 = %parallel_loop3A_193 to %parallel_loop3A_194 step %parallel_loop3A_195  : i32 {
      %parallel_loop3A_1358 = arith.constant 16384 : i32
      %parallel_loop3A_1359 = arith.addi %parallel_loop3A_1358, %parallel_loop3A_1357 : i32
      %parallel_loop3A_1360 = arith.index_cast %parallel_loop3A_1359 : i32 to index
      %parallel_loop3A_1361 = tpu.vector_load %arg5[%parallel_loop3A_1360] {strides = array<i32>} : memref<32768xi32, #tpu.memory_space<vmem>>, vector<16xi32>,
      %parallel_loop3A_1362 = arith.index_cast %parallel_loop3A_1357 : i32 to index
      %parallel_loop3A_1363 = tpu.vector_load %arg10[%parallel_loop3A_1362] {strides = array<i32>} : memref<8192xf32, #tpu.memory_space<vmem>>, vector<16xf32>,
      tpu.vector_store_idx %arg7[%parallel_loop3A_1361], %parallel_loop3A_1363 : memref<32768xf32, #tpu.memory_space<vmem>>[vector<16xi32>], vector<16xf32>,
    } {sc.loop_unroll_factor = 4 : i64, sc.parallel_access}
    %add3A_196 = arith.constant 2 : i32
    %add3A_197 = arith.addi %add3A_35, %add3A_196 : i32
    %dma_start3A_198 = arith.constant 16384 : i32
    %dma_start3A_199 = tpu.memref_slice %arg2[%add3A_197, %dma_start3A_198] : memref<512x32768xf32, #tpu.memory_space<hbm>> -> memref<1x8192xf32, #tpu.memory_space<hbm>>
    %dma_start3A_200 = tpu.memref_squeeze %dma_start3A_199 : memref<1x8192xf32, #tpu.memory_space<hbm>> -> memref<8192xf32, #tpu.memory_space<hbm>>
    %dma_start3A_201 = arith.constant 16384 : i32
    %dma_start3A_202 = tpu.memref_slice %arg2[%add3A_197, %dma_start3A_201] : memref<512x32768xf32, #tpu.memory_space<hbm>> -> memref<1x8192xf32, #tpu.memory_space<hbm>>
    %dma_start3A_203 = tpu.memref_squeeze %dma_start3A_202 : memref<1x8192xf32, #tpu.memory_space<hbm>> -> memref<8192xf32, #tpu.memory_space<hbm>>
    tpu.enqueue_dma source(%dma_start3A_203 : memref<8192xf32, #tpu.memory_space<hbm>>) target(%arg10 : memref<8192xf32, #tpu.memory_space<vmem>>) target_semaphore(%arg15 : memref<!tpu.dma_semaphore, #tpu.memory_space<semaphore_mem>>)
    %dma_wait3A_204 = arith.constant 24576 : i32
    %dma_wait3A_205 = tpu.memref_slice %arg2[%add3A_146, %dma_wait3A_204] : memref<512x32768xf32, #tpu.memory_space<hbm>> -> memref<1x8192xf32, #tpu.memory_space<hbm>>
    %dma_wait3A_206 = tpu.memref_squeeze %dma_wait3A_205 : memref<1x8192xf32, #tpu.memory_space<hbm>> -> memref<8192xf32, #tpu.memory_space<hbm>>
    %dma_wait3A_207 = arith.constant 24576 : i32
    %dma_wait3A_208 = tpu.memref_slice %arg2[%add3A_146, %dma_wait3A_207] : memref<512x32768xf32, #tpu.memory_space<hbm>> -> memref<1x8192xf32, #tpu.memory_space<hbm>>
    %dma_wait3A_209 = tpu.memref_squeeze %dma_wait3A_208 : memref<1x8192xf32, #tpu.memory_space<hbm>> -> memref<8192xf32, #tpu.memory_space<hbm>>
    tpu.wait_dma2 semaphore(%arg16 : memref<!tpu.dma_semaphore, #tpu.memory_space<semaphore_mem>>) src(%dma_wait3A_209 : memref<8192xf32, #tpu.memory_space<hbm>>) dst(%arg11 : memref<8192xf32, #tpu.memory_space<vmem>>)
    %parallel_loop3A_210 = arith.constant 0 : i32
    %parallel_loop3A_211 = arith.constant 8192 : i32
    %parallel_loop3A_212 = arith.constant 16 : i32
    scf.for %parallel_loop3A_1357 = %parallel_loop3A_210 to %parallel_loop3A_211 step %parallel_loop3A_212  : i32 {
      %parallel_loop3A_1358 = arith.constant 24576 : i32
      %parallel_loop3A_1359 = arith.addi %parallel_loop3A_1358, %parallel_loop3A_1357 : i32
      %parallel_loop3A_1360 = arith.index_cast %parallel_loop3A_1359 : i32 to index
      %parallel_loop3A_1361 = tpu.vector_load %arg5[%parallel_loop3A_1360] {strides = array<i32>} : memref<32768xi32, #tpu.memory_space<vmem>>, vector<16xi32>,
      %parallel_loop3A_1362 = arith.index_cast %parallel_loop3A_1357 : i32 to index
      %parallel_loop3A_1363 = tpu.vector_load %arg11[%parallel_loop3A_1362] {strides = array<i32>} : memref<8192xf32, #tpu.memory_space<vmem>>, vector<16xf32>,
      tpu.vector_store_idx %arg7[%parallel_loop3A_1361], %parallel_loop3A_1363 : memref<32768xf32, #tpu.memory_space<vmem>>[vector<16xi32>], vector<16xf32>,
    } {sc.loop_unroll_factor = 4 : i64, sc.parallel_access}
    %add3A_213 = arith.constant 1 : i32
    %add3A_214 = arith.addi %add3A_35, %add3A_213 : i32
    %dma_start3A_215 = arith.constant 0 : i32
    %dma_start3A_216 = tpu.memref_slice %arg4[%add3A_214, %dma_start3A_215] : memref<512x32768xf32, #tpu.memory_space<hbm>> -> memref<1x32768xf32, #tpu.memory_space<hbm>>
    %dma_start3A_217 = tpu.memref_squeeze %dma_start3A_216 : memref<1x32768xf32, #tpu.memory_space<hbm>> -> memref<32768xf32, #tpu.memory_space<hbm>>
    %dma_start3A_218 = arith.constant 0 : i32
    %dma_start3A_219 = tpu.memref_slice %arg4[%add3A_214, %dma_start3A_218] : memref<512x32768xf32, #tpu.memory_space<hbm>> -> memref<1x32768xf32, #tpu.memory_space<hbm>>
    %dma_start3A_220 = tpu.memref_squeeze %dma_start3A_219 : memref<1x32768xf32, #tpu.memory_space<hbm>> -> memref<32768xf32, #tpu.memory_space<hbm>>
    tpu.enqueue_dma source(%arg7 : memref<32768xf32, #tpu.memory_space<vmem>>) target(%dma_start3A_220 : memref<32768xf32, #tpu.memory_space<hbm>>) target_semaphore(%arg18 : memref<!tpu.dma_semaphore, #tpu.memory_space<semaphore_mem>>)
    %dma_wait3A_221 = arith.constant 0 : i32
    %dma_wait3A_222 = tpu.memref_slice %arg4[%add3A_138, %dma_wait3A_221] : memref<512x32768xf32, #tpu.memory_space<hbm>> -> memref<1x32768xf32, #tpu.memory_space<hbm>>
    %dma_wait3A_223 = tpu.memref_squeeze %dma_wait3A_222 : memref<1x32768xf32, #tpu.memory_space<hbm>> -> memref<32768xf32, #tpu.memory_space<hbm>>
    %dma_wait3A_224 = arith.constant 0 : i32
    %dma_wait3A_225 = tpu.memref_slice %arg4[%add3A_138, %dma_wait3A_224] : memref<512x32768xf32, #tpu.memory_space<hbm>> -> memref<1x32768xf32, #tpu.memory_space<hbm>>
    %dma_wait3A_226 = tpu.memref_squeeze %dma_wait3A_225 : memref<1x32768xf32, #tpu.memory_space<hbm>> -> memref<32768xf32, #tpu.memory_space<hbm>>
    tpu.wait_dma2 semaphore(%arg17 : memref<!tpu.dma_semaphore, #tpu.memory_space<semaphore_mem>>) src(%arg6 : memref<32768xf32, #tpu.memory_space<vmem>>) dst(%dma_wait3A_226 : memref<32768xf32, #tpu.memory_space<hbm>>)
    %add3A_227 = arith.constant 2 : i32
    %add3A_228 = arith.addi %add3A_35, %add3A_227 : i32
    %dma_start3A_229 = arith.constant 24576 : i32
    %dma_start3A_230 = tpu.memref_slice %arg2[%add3A_228, %dma_start3A_229] : memref<512x32768xf32, #tpu.memory_space<hbm>> -> memref<1x8192xf32, #tpu.memory_space<hbm>>
    %dma_start3A_231 = tpu.memref_squeeze %dma_start3A_230 : memref<1x8192xf32, #tpu.memory_space<hbm>> -> memref<8192xf32, #tpu.memory_space<hbm>>
    %dma_start3A_232 = arith.constant 24576 : i32
    %dma_start3A_233 = tpu.memref_slice %arg2[%add3A_228, %dma_start3A_232] : memref<512x32768xf32, #tpu.memory_space<hbm>> -> memref<1x8192xf32, #tpu.memory_space<hbm>>
    %dma_start3A_234 = tpu.memref_squeeze %dma_start3A_233 : memref<1x8192xf32, #tpu.memory_space<hbm>> -> memref<8192xf32, #tpu.memory_space<hbm>>
    tpu.enqueue_dma source(%dma_start3A_234 : memref<8192xf32, #tpu.memory_space<hbm>>) target(%arg11 : memref<8192xf32, #tpu.memory_space<vmem>>) target_semaphore(%arg16 : memref<!tpu.dma_semaphore, #tpu.memory_space<semaphore_mem>>)
    %dma_wait3A_235 = arith.constant 0 : i32
    %dma_wait3A_236 = tpu.memref_slice %arg2[%add3A_163, %dma_wait3A_235] : memref<512x32768xf32, #tpu.memory_space<hbm>> -> memref<1x8192xf32, #tpu.memory_space<hbm>>
    %dma_wait3A_237 = tpu.memref_squeeze %dma_wait3A_236 : memref<1x8192xf32, #tpu.memory_space<hbm>> -> memref<8192xf32, #tpu.memory_space<hbm>>
    %dma_wait3A_238 = arith.constant 0 : i32
    %dma_wait3A_239 = tpu.memref_slice %arg2[%add3A_163, %dma_wait3A_238] : memref<512x32768xf32, #tpu.memory_space<hbm>> -> memref<1x8192xf32, #tpu.memory_space<hbm>>
    %dma_wait3A_240 = tpu.memref_squeeze %dma_wait3A_239 : memref<1x8192xf32, #tpu.memory_space<hbm>> -> memref<8192xf32, #tpu.memory_space<hbm>>
    tpu.wait_dma2 semaphore(%arg13 : memref<!tpu.dma_semaphore, #tpu.memory_space<semaphore_mem>>) src(%dma_wait3A_240 : memref<8192xf32, #tpu.memory_space<hbm>>) dst(%arg8 : memref<8192xf32, #tpu.memory_space<vmem>>)
    %parallel_loop3A_241 = arith.constant 0 : i32
    %parallel_loop3A_242 = arith.constant 8192 : i32
    %parallel_loop3A_243 = arith.constant 16 : i32
    scf.for %parallel_loop3A_1357 = %parallel_loop3A_241 to %parallel_loop3A_242 step %parallel_loop3A_243  : i32 {
      %parallel_loop3A_1358 = arith.constant 0 : i32
      %parallel_loop3A_1359 = arith.addi %parallel_loop3A_1358, %parallel_loop3A_1357 : i32
      %parallel_loop3A_1360 = arith.index_cast %parallel_loop3A_1359 : i32 to index
      %parallel_loop3A_1361 = tpu.vector_load %arg5[%parallel_loop3A_1360] {strides = array<i32>} : memref<32768xi32, #tpu.memory_space<vmem>>, vector<16xi32>,
      %parallel_loop3A_1362 = arith.index_cast %parallel_loop3A_1357 : i32 to index
      %parallel_loop3A_1363 = tpu.vector_load %arg8[%parallel_loop3A_1362] {strides = array<i32>} : memref<8192xf32, #tpu.memory_space<vmem>>, vector<16xf32>,
      tpu.vector_store_idx %arg6[%parallel_loop3A_1361], %parallel_loop3A_1363 : memref<32768xf32, #tpu.memory_space<vmem>>[vector<16xi32>], vector<16xf32>,
    } {sc.loop_unroll_factor = 4 : i64, sc.parallel_access}
    %add3A_244 = arith.constant 3 : i32
    %add3A_245 = arith.addi %add3A_35, %add3A_244 : i32
    %dma_start3A_246 = arith.constant 0 : i32
    %dma_start3A_247 = tpu.memref_slice %arg2[%add3A_245, %dma_start3A_246] : memref<512x32768xf32, #tpu.memory_space<hbm>> -> memref<1x8192xf32, #tpu.memory_space<hbm>>
    %dma_start3A_248 = tpu.memref_squeeze %dma_start3A_247 : memref<1x8192xf32, #tpu.memory_space<hbm>> -> memref<8192xf32, #tpu.memory_space<hbm>>
    %dma_start3A_249 = arith.constant 0 : i32
    %dma_start3A_250 = tpu.memref_slice %arg2[%add3A_245, %dma_start3A_249] : memref<512x32768xf32, #tpu.memory_space<hbm>> -> memref<1x8192xf32, #tpu.memory_space<hbm>>
    %dma_start3A_251 = tpu.memref_squeeze %dma_start3A_250 : memref<1x8192xf32, #tpu.memory_space<hbm>> -> memref<8192xf32, #tpu.memory_space<hbm>>
    tpu.enqueue_dma source(%dma_start3A_251 : memref<8192xf32, #tpu.memory_space<hbm>>) target(%arg8 : memref<8192xf32, #tpu.memory_space<vmem>>) target_semaphore(%arg13 : memref<!tpu.dma_semaphore, #tpu.memory_space<semaphore_mem>>)
    %dma_wait3A_252 = arith.constant 8192 : i32
    %dma_wait3A_253 = tpu.memref_slice %arg2[%add3A_180, %dma_wait3A_252] : memref<512x32768xf32, #tpu.memory_space<hbm>> -> memref<1x8192xf32, #tpu.memory_space<hbm>>
    %dma_wait3A_254 = tpu.memref_squeeze %dma_wait3A_253 : memref<1x8192xf32, #tpu.memory_space<hbm>> -> memref<8192xf32, #tpu.memory_space<hbm>>
    %dma_wait3A_255 = arith.constant 8192 : i32
    %dma_wait3A_256 = tpu.memref_slice %arg2[%add3A_180, %dma_wait3A_255] : memref<512x32768xf32, #tpu.memory_space<hbm>> -> memref<1x8192xf32, #tpu.memory_space<hbm>>
    %dma_wait3A_257 = tpu.memref_squeeze %dma_wait3A_256 : memref<1x8192xf32, #tpu.memory_space<hbm>> -> memref<8192xf32, #tpu.memory_space<hbm>>
    tpu.wait_dma2 semaphore(%arg14 : memref<!tpu.dma_semaphore, #tpu.memory_space<semaphore_mem>>) src(%dma_wait3A_257 : memref<8192xf32, #tpu.memory_space<hbm>>) dst(%arg9 : memref<8192xf32, #tpu.memory_space<vmem>>)
    %parallel_loop3A_258 = arith.constant 0 : i32
    %parallel_loop3A_259 = arith.constant 8192 : i32
    %parallel_loop3A_260 = arith.constant 16 : i32
    scf.for %parallel_loop3A_1357 = %parallel_loop3A_258 to %parallel_loop3A_259 step %parallel_loop3A_260  : i32 {
      %parallel_loop3A_1358 = arith.constant 8192 : i32
      %parallel_loop3A_1359 = arith.addi %parallel_loop3A_1358, %parallel_loop3A_1357 : i32
      %parallel_loop3A_1360 = arith.index_cast %parallel_loop3A_1359 : i32 to index
      %parallel_loop3A_1361 = tpu.vector_load %arg5[%parallel_loop3A_1360] {strides = array<i32>} : memref<32768xi32, #tpu.memory_space<vmem>>, vector<16xi32>,
      %parallel_loop3A_1362 = arith.index_cast %parallel_loop3A_1357 : i32 to index
      %parallel_loop3A_1363 = tpu.vector_load %arg9[%parallel_loop3A_1362] {strides = array<i32>} : memref<8192xf32, #tpu.memory_space<vmem>>, vector<16xf32>,
      tpu.vector_store_idx %arg6[%parallel_loop3A_1361], %parallel_loop3A_1363 : memref<32768xf32, #tpu.memory_space<vmem>>[vector<16xi32>], vector<16xf32>,
    } {sc.loop_unroll_factor = 4 : i64, sc.parallel_access}
    %add3A_261 = arith.constant 3 : i32
    %add3A_262 = arith.addi %add3A_35, %add3A_261 : i32
    %dma_start3A_263 = arith.constant 8192 : i32
    %dma_start3A_264 = tpu.memref_slice %arg2[%add3A_262, %dma_start3A_263] : memref<512x32768xf32, #tpu.memory_space<hbm>> -> memref<1x8192xf32, #tpu.memory_space<hbm>>
    %dma_start3A_265 = tpu.memref_squeeze %dma_start3A_264 : memref<1x8192xf32, #tpu.memory_space<hbm>> -> memref<8192xf32, #tpu.memory_space<hbm>>
    %dma_start3A_266 = arith.constant 8192 : i32
    %dma_start3A_267 = tpu.memref_slice %arg2[%add3A_262, %dma_start3A_266] : memref<512x32768xf32, #tpu.memory_space<hbm>> -> memref<1x8192xf32, #tpu.memory_space<hbm>>
    %dma_start3A_268 = tpu.memref_squeeze %dma_start3A_267 : memref<1x8192xf32, #tpu.memory_space<hbm>> -> memref<8192xf32, #tpu.memory_space<hbm>>
    tpu.enqueue_dma source(%dma_start3A_268 : memref<8192xf32, #tpu.memory_space<hbm>>) target(%arg9 : memref<8192xf32, #tpu.memory_space<vmem>>) target_semaphore(%arg14 : memref<!tpu.dma_semaphore, #tpu.memory_space<semaphore_mem>>)
    %dma_wait3A_269 = arith.constant 16384 : i32
    %dma_wait3A_270 = tpu.memref_slice %arg2[%add3A_197, %dma_wait3A_269] : memref<512x32768xf32, #tpu.memory_space<hbm>> -> memref<1x8192xf32, #tpu.memory_space<hbm>>
    %dma_wait3A_271 = tpu.memref_squeeze %dma_wait3A_270 : memref<1x8192xf32, #tpu.memory_space<hbm>> -> memref<8192xf32, #tpu.memory_space<hbm>>
    %dma_wait3A_272 = arith.constant 16384 : i32
    %dma_wait3A_273 = tpu.memref_slice %arg2[%add3A_197, %dma_wait3A_272] : memref<512x32768xf32, #tpu.memory_space<hbm>> -> memref<1x8192xf32, #tpu.memory_space<hbm>>
    %dma_wait3A_274 = tpu.memref_squeeze %dma_wait3A_273 : memref<1x8192xf32, #tpu.memory_space<hbm>> -> memref<8192xf32, #tpu.memory_space<hbm>>
    tpu.wait_dma2 semaphore(%arg15 : memref<!tpu.dma_semaphore, #tpu.memory_space<semaphore_mem>>) src(%dma_wait3A_274 : memref<8192xf32, #tpu.memory_space<hbm>>) dst(%arg10 : memref<8192xf32, #tpu.memory_space<vmem>>)
    %parallel_loop3A_275 = arith.constant 0 : i32
    %parallel_loop3A_276 = arith.constant 8192 : i32
    %parallel_loop3A_277 = arith.constant 16 : i32
    scf.for %parallel_loop3A_1357 = %parallel_loop3A_275 to %parallel_loop3A_276 step %parallel_loop3A_277  : i32 {
      %parallel_loop3A_1358 = arith.constant 16384 : i32
      %parallel_loop3A_1359 = arith.addi %parallel_loop3A_1358, %parallel_loop3A_1357 : i32
      %parallel_loop3A_1360 = arith.index_cast %parallel_loop3A_1359 : i32 to index
      %parallel_loop3A_1361 = tpu.vector_load %arg5[%parallel_loop3A_1360] {strides = array<i32>} : memref<32768xi32, #tpu.memory_space<vmem>>, vector<16xi32>,
      %parallel_loop3A_1362 = arith.index_cast %parallel_loop3A_1357 : i32 to index
      %parallel_loop3A_1363 = tpu.vector_load %arg10[%parallel_loop3A_1362] {strides = array<i32>} : memref<8192xf32, #tpu.memory_space<vmem>>, vector<16xf32>,
      tpu.vector_store_idx %arg6[%parallel_loop3A_1361], %parallel_loop3A_1363 : memref<32768xf32, #tpu.memory_space<vmem>>[vector<16xi32>], vector<16xf32>,
    } {sc.loop_unroll_factor = 4 : i64, sc.parallel_access}
    %add3A_278 = arith.constant 3 : i32
    %add3A_279 = arith.addi %add3A_35, %add3A_278 : i32
    %dma_start3A_280 = arith.constant 16384 : i32
    %dma_start3A_281 = tpu.memref_slice %arg2[%add3A_279, %dma_start3A_280] : memref<512x32768xf32, #tpu.memory_space<hbm>> -> memref<1x8192xf32, #tpu.memory_space<hbm>>
    %dma_start3A_282 = tpu.memref_squeeze %dma_start3A_281 : memref<1x8192xf32, #tpu.memory_space<hbm>> -> memref<8192xf32, #tpu.memory_space<hbm>>
    %dma_start3A_283 = arith.constant 16384 : i32
    %dma_start3A_284 = tpu.memref_slice %arg2[%add3A_279, %dma_start3A_283] : memref<512x32768xf32, #tpu.memory_space<hbm>> -> memref<1x8192xf32, #tpu.memory_space<hbm>>
    %dma_start3A_285 = tpu.memref_squeeze %dma_start3A_284 : memref<1x8192xf32, #tpu.memory_space<hbm>> -> memref<8192xf32, #tpu.memory_space<hbm>>
    tpu.enqueue_dma source(%dma_start3A_285 : memref<8192xf32, #tpu.memory_space<hbm>>) target(%arg10 : memref<8192xf32, #tpu.memory_space<vmem>>) target_semaphore(%arg15 : memref<!tpu.dma_semaphore, #tpu.memory_space<semaphore_mem>>)
    %dma_wait3A_286 = arith.constant 24576 : i32
    %dma_wait3A_287 = tpu.memref_slice %arg2[%add3A_228, %dma_wait3A_286] : memref<512x32768xf32, #tpu.memory_space<hbm>> -> memref<1x8192xf32, #tpu.memory_space<hbm>>
    %dma_wait3A_288 = tpu.memref_squeeze %dma_wait3A_287 : memref<1x8192xf32, #tpu.memory_space<hbm>> -> memref<8192xf32, #tpu.memory_space<hbm>>
    %dma_wait3A_289 = arith.constant 24576 : i32
    %dma_wait3A_290 = tpu.memref_slice %arg2[%add3A_228, %dma_wait3A_289] : memref<512x32768xf32, #tpu.memory_space<hbm>> -> memref<1x8192xf32, #tpu.memory_space<hbm>>
    %dma_wait3A_291 = tpu.memref_squeeze %dma_wait3A_290 : memref<1x8192xf32, #tpu.memory_space<hbm>> -> memref<8192xf32, #tpu.memory_space<hbm>>
    tpu.wait_dma2 semaphore(%arg16 : memref<!tpu.dma_semaphore, #tpu.memory_space<semaphore_mem>>) src(%dma_wait3A_291 : memref<8192xf32, #tpu.memory_space<hbm>>) dst(%arg11 : memref<8192xf32, #tpu.memory_space<vmem>>)
    %parallel_loop3A_292 = arith.constant 0 : i32
    %parallel_loop3A_293 = arith.constant 8192 : i32
    %parallel_loop3A_294 = arith.constant 16 : i32
    scf.for %parallel_loop3A_1357 = %parallel_loop3A_292 to %parallel_loop3A_293 step %parallel_loop3A_294  : i32 {
      %parallel_loop3A_1358 = arith.constant 24576 : i32
      %parallel_loop3A_1359 = arith.addi %parallel_loop3A_1358, %parallel_loop3A_1357 : i32
      %parallel_loop3A_1360 = arith.index_cast %parallel_loop3A_1359 : i32 to index
      %parallel_loop3A_1361 = tpu.vector_load %arg5[%parallel_loop3A_1360] {strides = array<i32>} : memref<32768xi32, #tpu.memory_space<vmem>>, vector<16xi32>,
      %parallel_loop3A_1362 = arith.index_cast %parallel_loop3A_1357 : i32 to index
      %parallel_loop3A_1363 = tpu.vector_load %arg11[%parallel_loop3A_1362] {strides = array<i32>} : memref<8192xf32, #tpu.memory_space<vmem>>, vector<16xf32>,
      tpu.vector_store_idx %arg6[%parallel_loop3A_1361], %parallel_loop3A_1363 : memref<32768xf32, #tpu.memory_space<vmem>>[vector<16xi32>], vector<16xf32>,
    } {sc.loop_unroll_factor = 4 : i64, sc.parallel_access}
    %add3A_295 = arith.constant 2 : i32
    %add3A_296 = arith.addi %add3A_35, %add3A_295 : i32
    %dma_start3A_297 = arith.constant 0 : i32
    %dma_start3A_298 = tpu.memref_slice %arg4[%add3A_296, %dma_start3A_297] : memref<512x32768xf32, #tpu.memory_space<hbm>> -> memref<1x32768xf32, #tpu.memory_space<hbm>>
    %dma_start3A_299 = tpu.memref_squeeze %dma_start3A_298 : memref<1x32768xf32, #tpu.memory_space<hbm>> -> memref<32768xf32, #tpu.memory_space<hbm>>
    %dma_start3A_300 = arith.constant 0 : i32
    %dma_start3A_301 = tpu.memref_slice %arg4[%add3A_296, %dma_start3A_300] : memref<512x32768xf32, #tpu.memory_space<hbm>> -> memref<1x32768xf32, #tpu.memory_space<hbm>>
    %dma_start3A_302 = tpu.memref_squeeze %dma_start3A_301 : memref<1x32768xf32, #tpu.memory_space<hbm>> -> memref<32768xf32, #tpu.memory_space<hbm>>
    tpu.enqueue_dma source(%arg6 : memref<32768xf32, #tpu.memory_space<vmem>>) target(%dma_start3A_302 : memref<32768xf32, #tpu.memory_space<hbm>>) target_semaphore(%arg17 : memref<!tpu.dma_semaphore, #tpu.memory_space<semaphore_mem>>)
    %dma_wait3A_303 = arith.constant 0 : i32
    %dma_wait3A_304 = tpu.memref_slice %arg4[%add3A_214, %dma_wait3A_303] : memref<512x32768xf32, #tpu.memory_space<hbm>> -> memref<1x32768xf32, #tpu.memory_space<hbm>>
    %dma_wait3A_305 = tpu.memref_squeeze %dma_wait3A_304 : memref<1x32768xf32, #tpu.memory_space<hbm>> -> memref<32768xf32, #tpu.memory_space<hbm>>
    %dma_wait3A_306 = arith.constant 0 : i32
    %dma_wait3A_307 = tpu.memref_slice %arg4[%add3A_214, %dma_wait3A_306] : memref<512x32768xf32, #tpu.memory_space<hbm>> -> memref<1x32768xf32, #tpu.memory_space<hbm>>
    %dma_wait3A_308 = tpu.memref_squeeze %dma_wait3A_307 : memref<1x32768xf32, #tpu.memory_space<hbm>> -> memref<32768xf32, #tpu.memory_space<hbm>>
    tpu.wait_dma2 semaphore(%arg18 : memref<!tpu.dma_semaphore, #tpu.memory_space<semaphore_mem>>) src(%arg7 : memref<32768xf32, #tpu.memory_space<vmem>>) dst(%dma_wait3A_308 : memref<32768xf32, #tpu.memory_space<hbm>>)
    %add3A_309 = arith.constant 3 : i32
    %add3A_310 = arith.addi %add3A_35, %add3A_309 : i32
    %dma_start3A_311 = arith.constant 24576 : i32
    %dma_start3A_312 = tpu.memref_slice %arg2[%add3A_310, %dma_start3A_311] : memref<512x32768xf32, #tpu.memory_space<hbm>> -> memref<1x8192xf32, #tpu.memory_space<hbm>>
    %dma_start3A_313 = tpu.memref_squeeze %dma_start3A_312 : memref<1x8192xf32, #tpu.memory_space<hbm>> -> memref<8192xf32, #tpu.memory_space<hbm>>
    %dma_start3A_314 = arith.constant 24576 : i32
    %dma_start3A_315 = tpu.memref_slice %arg2[%add3A_310, %dma_start3A_314] : memref<512x32768xf32, #tpu.memory_space<hbm>> -> memref<1x8192xf32, #tpu.memory_space<hbm>>
    %dma_start3A_316 = tpu.memref_squeeze %dma_start3A_315 : memref<1x8192xf32, #tpu.memory_space<hbm>> -> memref<8192xf32, #tpu.memory_space<hbm>>
    tpu.enqueue_dma source(%dma_start3A_316 : memref<8192xf32, #tpu.memory_space<hbm>>) target(%arg11 : memref<8192xf32, #tpu.memory_space<vmem>>) target_semaphore(%arg16 : memref<!tpu.dma_semaphore, #tpu.memory_space<semaphore_mem>>)
    %dma_wait3A_317 = arith.constant 0 : i32
    %dma_wait3A_318 = tpu.memref_slice %arg2[%add3A_245, %dma_wait3A_317] : memref<512x32768xf32, #tpu.memory_space<hbm>> -> memref<1x8192xf32, #tpu.memory_space<hbm>>
    %dma_wait3A_319 = tpu.memref_squeeze %dma_wait3A_318 : memref<1x8192xf32, #tpu.memory_space<hbm>> -> memref<8192xf32, #tpu.memory_space<hbm>>
    %dma_wait3A_320 = arith.constant 0 : i32
    %dma_wait3A_321 = tpu.memref_slice %arg2[%add3A_245, %dma_wait3A_320] : memref<512x32768xf32, #tpu.memory_space<hbm>> -> memref<1x8192xf32, #tpu.memory_space<hbm>>
    %dma_wait3A_322 = tpu.memref_squeeze %dma_wait3A_321 : memref<1x8192xf32, #tpu.memory_space<hbm>> -> memref<8192xf32, #tpu.memory_space<hbm>>
    tpu.wait_dma2 semaphore(%arg13 : memref<!tpu.dma_semaphore, #tpu.memory_space<semaphore_mem>>) src(%dma_wait3A_322 : memref<8192xf32, #tpu.memory_space<hbm>>) dst(%arg8 : memref<8192xf32, #tpu.memory_space<vmem>>)
    %parallel_loop3A_323 = arith.constant 0 : i32
    %parallel_loop3A_324 = arith.constant 8192 : i32
    %parallel_loop3A_325 = arith.constant 16 : i32
    scf.for %parallel_loop3A_1357 = %parallel_loop3A_323 to %parallel_loop3A_324 step %parallel_loop3A_325  : i32 {
      %parallel_loop3A_1358 = arith.constant 0 : i32
      %parallel_loop3A_1359 = arith.addi %parallel_loop3A_1358, %parallel_loop3A_1357 : i32
      %parallel_loop3A_1360 = arith.index_cast %parallel_loop3A_1359 : i32 to index
      %parallel_loop3A_1361 = tpu.vector_load %arg5[%parallel_loop3A_1360] {strides = array<i32>} : memref<32768xi32, #tpu.memory_space<vmem>>, vector<16xi32>,
      %parallel_loop3A_1362 = arith.index_cast %parallel_loop3A_1357 : i32 to index
      %parallel_loop3A_1363 = tpu.vector_load %arg8[%parallel_loop3A_1362] {strides = array<i32>} : memref<8192xf32, #tpu.memory_space<vmem>>, vector<16xf32>,
      tpu.vector_store_idx %arg7[%parallel_loop3A_1361], %parallel_loop3A_1363 : memref<32768xf32, #tpu.memory_space<vmem>>[vector<16xi32>], vector<16xf32>,
    } {sc.loop_unroll_factor = 4 : i64, sc.parallel_access}
    %add3A_326 = arith.constant 4 : i32
    %add3A_327 = arith.addi %add3A_35, %add3A_326 : i32
    %dma_start3A_328 = arith.constant 0 : i32
    %dma_start3A_329 = tpu.memref_slice %arg2[%add3A_327, %dma_start3A_328] : memref<512x32768xf32, #tpu.memory_space<hbm>> -> memref<1x8192xf32, #tpu.memory_space<hbm>>
    %dma_start3A_330 = tpu.memref_squeeze %dma_start3A_329 : memref<1x8192xf32, #tpu.memory_space<hbm>> -> memref<8192xf32, #tpu.memory_space<hbm>>
    %dma_start3A_331 = arith.constant 0 : i32
    %dma_start3A_332 = tpu.memref_slice %arg2[%add3A_327, %dma_start3A_331] : memref<512x32768xf32, #tpu.memory_space<hbm>> -> memref<1x8192xf32, #tpu.memory_space<hbm>>
    %dma_start3A_333 = tpu.memref_squeeze %dma_start3A_332 : memref<1x8192xf32, #tpu.memory_space<hbm>> -> memref<8192xf32, #tpu.memory_space<hbm>>
    tpu.enqueue_dma source(%dma_start3A_333 : memref<8192xf32, #tpu.memory_space<hbm>>) target(%arg8 : memref<8192xf32, #tpu.memory_space<vmem>>) target_semaphore(%arg13 : memref<!tpu.dma_semaphore, #tpu.memory_space<semaphore_mem>>)
    %dma_wait3A_334 = arith.constant 8192 : i32
    %dma_wait3A_335 = tpu.memref_slice %arg2[%add3A_262, %dma_wait3A_334] : memref<512x32768xf32, #tpu.memory_space<hbm>> -> memref<1x8192xf32, #tpu.memory_space<hbm>>
    %dma_wait3A_336 = tpu.memref_squeeze %dma_wait3A_335 : memref<1x8192xf32, #tpu.memory_space<hbm>> -> memref<8192xf32, #tpu.memory_space<hbm>>
    %dma_wait3A_337 = arith.constant 8192 : i32
    %dma_wait3A_338 = tpu.memref_slice %arg2[%add3A_262, %dma_wait3A_337] : memref<512x32768xf32, #tpu.memory_space<hbm>> -> memref<1x8192xf32, #tpu.memory_space<hbm>>
    %dma_wait3A_339 = tpu.memref_squeeze %dma_wait3A_338 : memref<1x8192xf32, #tpu.memory_space<hbm>> -> memref<8192xf32, #tpu.memory_space<hbm>>
    tpu.wait_dma2 semaphore(%arg14 : memref<!tpu.dma_semaphore, #tpu.memory_space<semaphore_mem>>) src(%dma_wait3A_339 : memref<8192xf32, #tpu.memory_space<hbm>>) dst(%arg9 : memref<8192xf32, #tpu.memory_space<vmem>>)
    %parallel_loop3A_340 = arith.constant 0 : i32
    %parallel_loop3A_341 = arith.constant 8192 : i32
    %parallel_loop3A_342 = arith.constant 16 : i32
    scf.for %parallel_loop3A_1357 = %parallel_loop3A_340 to %parallel_loop3A_341 step %parallel_loop3A_342  : i32 {
      %parallel_loop3A_1358 = arith.constant 8192 : i32
      %parallel_loop3A_1359 = arith.addi %parallel_loop3A_1358, %parallel_loop3A_1357 : i32
      %parallel_loop3A_1360 = arith.index_cast %parallel_loop3A_1359 : i32 to index
      %parallel_loop3A_1361 = tpu.vector_load %arg5[%parallel_loop3A_1360] {strides = array<i32>} : memref<32768xi32, #tpu.memory_space<vmem>>, vector<16xi32>,
      %parallel_loop3A_1362 = arith.index_cast %parallel_loop3A_1357 : i32 to index
      %parallel_loop3A_1363 = tpu.vector_load %arg9[%parallel_loop3A_1362] {strides = array<i32>} : memref<8192xf32, #tpu.memory_space<vmem>>, vector<16xf32>,
      tpu.vector_store_idx %arg7[%parallel_loop3A_1361], %parallel_loop3A_1363 : memref<32768xf32, #tpu.memory_space<vmem>>[vector<16xi32>], vector<16xf32>,
    } {sc.loop_unroll_factor = 4 : i64, sc.parallel_access}
    %add3A_343 = arith.constant 4 : i32
    %add3A_344 = arith.addi %add3A_35, %add3A_343 : i32
    %dma_start3A_345 = arith.constant 8192 : i32
    %dma_start3A_346 = tpu.memref_slice %arg2[%add3A_344, %dma_start3A_345] : memref<512x32768xf32, #tpu.memory_space<hbm>> -> memref<1x8192xf32, #tpu.memory_space<hbm>>
    %dma_start3A_347 = tpu.memref_squeeze %dma_start3A_346 : memref<1x8192xf32, #tpu.memory_space<hbm>> -> memref<8192xf32, #tpu.memory_space<hbm>>
    %dma_start3A_348 = arith.constant 8192 : i32
    %dma_start3A_349 = tpu.memref_slice %arg2[%add3A_344, %dma_start3A_348] : memref<512x32768xf32, #tpu.memory_space<hbm>> -> memref<1x8192xf32, #tpu.memory_space<hbm>>
    %dma_start3A_350 = tpu.memref_squeeze %dma_start3A_349 : memref<1x8192xf32, #tpu.memory_space<hbm>> -> memref<8192xf32, #tpu.memory_space<hbm>>
    tpu.enqueue_dma source(%dma_start3A_350 : memref<8192xf32, #tpu.memory_space<hbm>>) target(%arg9 : memref<8192xf32, #tpu.memory_space<vmem>>) target_semaphore(%arg14 : memref<!tpu.dma_semaphore, #tpu.memory_space<semaphore_mem>>)
    %dma_wait3A_351 = arith.constant 16384 : i32
    %dma_wait3A_352 = tpu.memref_slice %arg2[%add3A_279, %dma_wait3A_351] : memref<512x32768xf32, #tpu.memory_space<hbm>> -> memref<1x8192xf32, #tpu.memory_space<hbm>>
    %dma_wait3A_353 = tpu.memref_squeeze %dma_wait3A_352 : memref<1x8192xf32, #tpu.memory_space<hbm>> -> memref<8192xf32, #tpu.memory_space<hbm>>
    %dma_wait3A_354 = arith.constant 16384 : i32
    %dma_wait3A_355 = tpu.memref_slice %arg2[%add3A_279, %dma_wait3A_354] : memref<512x32768xf32, #tpu.memory_space<hbm>> -> memref<1x8192xf32, #tpu.memory_space<hbm>>
    %dma_wait3A_356 = tpu.memref_squeeze %dma_wait3A_355 : memref<1x8192xf32, #tpu.memory_space<hbm>> -> memref<8192xf32, #tpu.memory_space<hbm>>
    tpu.wait_dma2 semaphore(%arg15 : memref<!tpu.dma_semaphore, #tpu.memory_space<semaphore_mem>>) src(%dma_wait3A_356 : memref<8192xf32, #tpu.memory_space<hbm>>) dst(%arg10 : memref<8192xf32, #tpu.memory_space<vmem>>)
    %parallel_loop3A_357 = arith.constant 0 : i32
    %parallel_loop3A_358 = arith.constant 8192 : i32
    %parallel_loop3A_359 = arith.constant 16 : i32
    scf.for %parallel_loop3A_1357 = %parallel_loop3A_357 to %parallel_loop3A_358 step %parallel_loop3A_359  : i32 {
      %parallel_loop3A_1358 = arith.constant 16384 : i32
      %parallel_loop3A_1359 = arith.addi %parallel_loop3A_1358, %parallel_loop3A_1357 : i32
      %parallel_loop3A_1360 = arith.index_cast %parallel_loop3A_1359 : i32 to index
      %parallel_loop3A_1361 = tpu.vector_load %arg5[%parallel_loop3A_1360] {strides = array<i32>} : memref<32768xi32, #tpu.memory_space<vmem>>, vector<16xi32>,
      %parallel_loop3A_1362 = arith.index_cast %parallel_loop3A_1357 : i32 to index
      %parallel_loop3A_1363 = tpu.vector_load %arg10[%parallel_loop3A_1362] {strides = array<i32>} : memref<8192xf32, #tpu.memory_space<vmem>>, vector<16xf32>,
      tpu.vector_store_idx %arg7[%parallel_loop3A_1361], %parallel_loop3A_1363 : memref<32768xf32, #tpu.memory_space<vmem>>[vector<16xi32>], vector<16xf32>,
    } {sc.loop_unroll_factor = 4 : i64, sc.parallel_access}
    %add3A_360 = arith.constant 4 : i32
    %add3A_361 = arith.addi %add3A_35, %add3A_360 : i32
    %dma_start3A_362 = arith.constant 16384 : i32
    %dma_start3A_363 = tpu.memref_slice %arg2[%add3A_361, %dma_start3A_362] : memref<512x32768xf32, #tpu.memory_space<hbm>> -> memref<1x8192xf32, #tpu.memory_space<hbm>>
    %dma_start3A_364 = tpu.memref_squeeze %dma_start3A_363 : memref<1x8192xf32, #tpu.memory_space<hbm>> -> memref<8192xf32, #tpu.memory_space<hbm>>
    %dma_start3A_365 = arith.constant 16384 : i32
    %dma_start3A_366 = tpu.memref_slice %arg2[%add3A_361, %dma_start3A_365] : memref<512x32768xf32, #tpu.memory_space<hbm>> -> memref<1x8192xf32, #tpu.memory_space<hbm>>
    %dma_start3A_367 = tpu.memref_squeeze %dma_start3A_366 : memref<1x8192xf32, #tpu.memory_space<hbm>> -> memref<8192xf32, #tpu.memory_space<hbm>>
    tpu.enqueue_dma source(%dma_start3A_367 : memref<8192xf32, #tpu.memory_space<hbm>>) target(%arg10 : memref<8192xf32, #tpu.memory_space<vmem>>) target_semaphore(%arg15 : memref<!tpu.dma_semaphore, #tpu.memory_space<semaphore_mem>>)
    %dma_wait3A_368 = arith.constant 24576 : i32
    %dma_wait3A_369 = tpu.memref_slice %arg2[%add3A_310, %dma_wait3A_368] : memref<512x32768xf32, #tpu.memory_space<hbm>> -> memref<1x8192xf32, #tpu.memory_space<hbm>>
    %dma_wait3A_370 = tpu.memref_squeeze %dma_wait3A_369 : memref<1x8192xf32, #tpu.memory_space<hbm>> -> memref<8192xf32, #tpu.memory_space<hbm>>
    %dma_wait3A_371 = arith.constant 24576 : i32
    %dma_wait3A_372 = tpu.memref_slice %arg2[%add3A_310, %dma_wait3A_371] : memref<512x32768xf32, #tpu.memory_space<hbm>> -> memref<1x8192xf32, #tpu.memory_space<hbm>>
    %dma_wait3A_373 = tpu.memref_squeeze %dma_wait3A_372 : memref<1x8192xf32, #tpu.memory_space<hbm>> -> memref<8192xf32, #tpu.memory_space<hbm>>
    tpu.wait_dma2 semaphore(%arg16 : memref<!tpu.dma_semaphore, #tpu.memory_space<semaphore_mem>>) src(%dma_wait3A_373 : memref<8192xf32, #tpu.memory_space<hbm>>) dst(%arg11 : memref<8192xf32, #tpu.memory_space<vmem>>)
    %parallel_loop3A_374 = arith.constant 0 : i32
    %parallel_loop3A_375 = arith.constant 8192 : i32
    %parallel_loop3A_376 = arith.constant 16 : i32
    scf.for %parallel_loop3A_1357 = %parallel_loop3A_374 to %parallel_loop3A_375 step %parallel_loop3A_376  : i32 {
      %parallel_loop3A_1358 = arith.constant 24576 : i32
      %parallel_loop3A_1359 = arith.addi %parallel_loop3A_1358, %parallel_loop3A_1357 : i32
      %parallel_loop3A_1360 = arith.index_cast %parallel_loop3A_1359 : i32 to index
      %parallel_loop3A_1361 = tpu.vector_load %arg5[%parallel_loop3A_1360] {strides = array<i32>} : memref<32768xi32, #tpu.memory_space<vmem>>, vector<16xi32>,
      %parallel_loop3A_1362 = arith.index_cast %parallel_loop3A_1357 : i32 to index
      %parallel_loop3A_1363 = tpu.vector_load %arg11[%parallel_loop3A_1362] {strides = array<i32>} : memref<8192xf32, #tpu.memory_space<vmem>>, vector<16xf32>,
      tpu.vector_store_idx %arg7[%parallel_loop3A_1361], %parallel_loop3A_1363 : memref<32768xf32, #tpu.memory_space<vmem>>[vector<16xi32>], vector<16xf32>,
    } {sc.loop_unroll_factor = 4 : i64, sc.parallel_access}
    %add3A_377 = arith.constant 3 : i32
    %add3A_378 = arith.addi %add3A_35, %add3A_377 : i32
    %dma_start3A_379 = arith.constant 0 : i32
    %dma_start3A_380 = tpu.memref_slice %arg4[%add3A_378, %dma_start3A_379] : memref<512x32768xf32, #tpu.memory_space<hbm>> -> memref<1x32768xf32, #tpu.memory_space<hbm>>
    %dma_start3A_381 = tpu.memref_squeeze %dma_start3A_380 : memref<1x32768xf32, #tpu.memory_space<hbm>> -> memref<32768xf32, #tpu.memory_space<hbm>>
    %dma_start3A_382 = arith.constant 0 : i32
    %dma_start3A_383 = tpu.memref_slice %arg4[%add3A_378, %dma_start3A_382] : memref<512x32768xf32, #tpu.memory_space<hbm>> -> memref<1x32768xf32, #tpu.memory_space<hbm>>
    %dma_start3A_384 = tpu.memref_squeeze %dma_start3A_383 : memref<1x32768xf32, #tpu.memory_space<hbm>> -> memref<32768xf32, #tpu.memory_space<hbm>>
    tpu.enqueue_dma source(%arg7 : memref<32768xf32, #tpu.memory_space<vmem>>) target(%dma_start3A_384 : memref<32768xf32, #tpu.memory_space<hbm>>) target_semaphore(%arg18 : memref<!tpu.dma_semaphore, #tpu.memory_space<semaphore_mem>>)
    %dma_wait3A_385 = arith.constant 0 : i32
    %dma_wait3A_386 = tpu.memref_slice %arg4[%add3A_296, %dma_wait3A_385] : memref<512x32768xf32, #tpu.memory_space<hbm>> -> memref<1x32768xf32, #tpu.memory_space<hbm>>
    %dma_wait3A_387 = tpu.memref_squeeze %dma_wait3A_386 : memref<1x32768xf32, #tpu.memory_space<hbm>> -> memref<32768xf32, #tpu.memory_space<hbm>>
    %dma_wait3A_388 = arith.constant 0 : i32
    %dma_wait3A_389 = tpu.memref_slice %arg4[%add3A_296, %dma_wait3A_388] : memref<512x32768xf32, #tpu.memory_space<hbm>> -> memref<1x32768xf32, #tpu.memory_space<hbm>>
    %dma_wait3A_390 = tpu.memref_squeeze %dma_wait3A_389 : memref<1x32768xf32, #tpu.memory_space<hbm>> -> memref<32768xf32, #tpu.memory_space<hbm>>
    tpu.wait_dma2 semaphore(%arg17 : memref<!tpu.dma_semaphore, #tpu.memory_space<semaphore_mem>>) src(%arg6 : memref<32768xf32, #tpu.memory_space<vmem>>) dst(%dma_wait3A_390 : memref<32768xf32, #tpu.memory_space<hbm>>)
    %add3A_391 = arith.constant 4 : i32
    %add3A_392 = arith.addi %add3A_35, %add3A_391 : i32
    %dma_start3A_393 = arith.constant 24576 : i32
    %dma_start3A_394 = tpu.memref_slice %arg2[%add3A_392, %dma_start3A_393] : memref<512x32768xf32, #tpu.memory_space<hbm>> -> memref<1x8192xf32, #tpu.memory_space<hbm>>
    %dma_start3A_395 = tpu.memref_squeeze %dma_start3A_394 : memref<1x8192xf32, #tpu.memory_space<hbm>> -> memref<8192xf32, #tpu.memory_space<hbm>>
    %dma_start3A_396 = arith.constant 24576 : i32
    %dma_start3A_397 = tpu.memref_slice %arg2[%add3A_392, %dma_start3A_396] : memref<512x32768xf32, #tpu.memory_space<hbm>> -> memref<1x8192xf32, #tpu.memory_space<hbm>>
    %dma_start3A_398 = tpu.memref_squeeze %dma_start3A_397 : memref<1x8192xf32, #tpu.memory_space<hbm>> -> memref<8192xf32, #tpu.memory_space<hbm>>
    tpu.enqueue_dma source(%dma_start3A_398 : memref<8192xf32, #tpu.memory_space<hbm>>) target(%arg11 : memref<8192xf32, #tpu.memory_space<vmem>>) target_semaphore(%arg16 : memref<!tpu.dma_semaphore, #tpu.memory_space<semaphore_mem>>)
    %dma_wait3A_399 = arith.constant 0 : i32
    %dma_wait3A_400 = tpu.memref_slice %arg2[%add3A_327, %dma_wait3A_399] : memref<512x32768xf32, #tpu.memory_space<hbm>> -> memref<1x8192xf32, #tpu.memory_space<hbm>>
    %dma_wait3A_401 = tpu.memref_squeeze %dma_wait3A_400 : memref<1x8192xf32, #tpu.memory_space<hbm>> -> memref<8192xf32, #tpu.memory_space<hbm>>
    %dma_wait3A_402 = arith.constant 0 : i32
    %dma_wait3A_403 = tpu.memref_slice %arg2[%add3A_327, %dma_wait3A_402] : memref<512x32768xf32, #tpu.memory_space<hbm>> -> memref<1x8192xf32, #tpu.memory_space<hbm>>
    %dma_wait3A_404 = tpu.memref_squeeze %dma_wait3A_403 : memref<1x8192xf32, #tpu.memory_space<hbm>> -> memref<8192xf32, #tpu.memory_space<hbm>>
    tpu.wait_dma2 semaphore(%arg13 : memref<!tpu.dma_semaphore, #tpu.memory_space<semaphore_mem>>) src(%dma_wait3A_404 : memref<8192xf32, #tpu.memory_space<hbm>>) dst(%arg8 : memref<8192xf32, #tpu.memory_space<vmem>>)
    %parallel_loop3A_405 = arith.constant 0 : i32
    %parallel_loop3A_406 = arith.constant 8192 : i32
    %parallel_loop3A_407 = arith.constant 16 : i32
    scf.for %parallel_loop3A_1357 = %parallel_loop3A_405 to %parallel_loop3A_406 step %parallel_loop3A_407  : i32 {
      %parallel_loop3A_1358 = arith.constant 0 : i32
      %parallel_loop3A_1359 = arith.addi %parallel_loop3A_1358, %parallel_loop3A_1357 : i32
      %parallel_loop3A_1360 = arith.index_cast %parallel_loop3A_1359 : i32 to index
      %parallel_loop3A_1361 = tpu.vector_load %arg5[%parallel_loop3A_1360] {strides = array<i32>} : memref<32768xi32, #tpu.memory_space<vmem>>, vector<16xi32>,
      %parallel_loop3A_1362 = arith.index_cast %parallel_loop3A_1357 : i32 to index
      %parallel_loop3A_1363 = tpu.vector_load %arg8[%parallel_loop3A_1362] {strides = array<i32>} : memref<8192xf32, #tpu.memory_space<vmem>>, vector<16xf32>,
      tpu.vector_store_idx %arg6[%parallel_loop3A_1361], %parallel_loop3A_1363 : memref<32768xf32, #tpu.memory_space<vmem>>[vector<16xi32>], vector<16xf32>,
    } {sc.loop_unroll_factor = 4 : i64, sc.parallel_access}
    %add3A_408 = arith.constant 5 : i32
    %add3A_409 = arith.addi %add3A_35, %add3A_408 : i32
    %dma_start3A_410 = arith.constant 0 : i32
    %dma_start3A_411 = tpu.memref_slice %arg2[%add3A_409, %dma_start3A_410] : memref<512x32768xf32, #tpu.memory_space<hbm>> -> memref<1x8192xf32, #tpu.memory_space<hbm>>
    %dma_start3A_412 = tpu.memref_squeeze %dma_start3A_411 : memref<1x8192xf32, #tpu.memory_space<hbm>> -> memref<8192xf32, #tpu.memory_space<hbm>>
    %dma_start3A_413 = arith.constant 0 : i32
    %dma_start3A_414 = tpu.memref_slice %arg2[%add3A_409, %dma_start3A_413] : memref<512x32768xf32, #tpu.memory_space<hbm>> -> memref<1x8192xf32, #tpu.memory_space<hbm>>
    %dma_start3A_415 = tpu.memref_squeeze %dma_start3A_414 : memref<1x8192xf32, #tpu.memory_space<hbm>> -> memref<8192xf32, #tpu.memory_space<hbm>>
    tpu.enqueue_dma source(%dma_start3A_415 : memref<8192xf32, #tpu.memory_space<hbm>>) target(%arg8 : memref<8192xf32, #tpu.memory_space<vmem>>) target_semaphore(%arg13 : memref<!tpu.dma_semaphore, #tpu.memory_space<semaphore_mem>>)
    %dma_wait3A_416 = arith.constant 8192 : i32
    %dma_wait3A_417 = tpu.memref_slice %arg2[%add3A_344, %dma_wait3A_416] : memref<512x32768xf32, #tpu.memory_space<hbm>> -> memref<1x8192xf32, #tpu.memory_space<hbm>>
    %dma_wait3A_418 = tpu.memref_squeeze %dma_wait3A_417 : memref<1x8192xf32, #tpu.memory_space<hbm>> -> memref<8192xf32, #tpu.memory_space<hbm>>
    %dma_wait3A_419 = arith.constant 8192 : i32
    %dma_wait3A_420 = tpu.memref_slice %arg2[%add3A_344, %dma_wait3A_419] : memref<512x32768xf32, #tpu.memory_space<hbm>> -> memref<1x8192xf32, #tpu.memory_space<hbm>>
    %dma_wait3A_421 = tpu.memref_squeeze %dma_wait3A_420 : memref<1x8192xf32, #tpu.memory_space<hbm>> -> memref<8192xf32, #tpu.memory_space<hbm>>
    tpu.wait_dma2 semaphore(%arg14 : memref<!tpu.dma_semaphore, #tpu.memory_space<semaphore_mem>>) src(%dma_wait3A_421 : memref<8192xf32, #tpu.memory_space<hbm>>) dst(%arg9 : memref<8192xf32, #tpu.memory_space<vmem>>)
    %parallel_loop3A_422 = arith.constant 0 : i32
    %parallel_loop3A_423 = arith.constant 8192 : i32
    %parallel_loop3A_424 = arith.constant 16 : i32
    scf.for %parallel_loop3A_1357 = %parallel_loop3A_422 to %parallel_loop3A_423 step %parallel_loop3A_424  : i32 {
      %parallel_loop3A_1358 = arith.constant 8192 : i32
      %parallel_loop3A_1359 = arith.addi %parallel_loop3A_1358, %parallel_loop3A_1357 : i32
      %parallel_loop3A_1360 = arith.index_cast %parallel_loop3A_1359 : i32 to index
      %parallel_loop3A_1361 = tpu.vector_load %arg5[%parallel_loop3A_1360] {strides = array<i32>} : memref<32768xi32, #tpu.memory_space<vmem>>, vector<16xi32>,
      %parallel_loop3A_1362 = arith.index_cast %parallel_loop3A_1357 : i32 to index
      %parallel_loop3A_1363 = tpu.vector_load %arg9[%parallel_loop3A_1362] {strides = array<i32>} : memref<8192xf32, #tpu.memory_space<vmem>>, vector<16xf32>,
      tpu.vector_store_idx %arg6[%parallel_loop3A_1361], %parallel_loop3A_1363 : memref<32768xf32, #tpu.memory_space<vmem>>[vector<16xi32>], vector<16xf32>,
    } {sc.loop_unroll_factor = 4 : i64, sc.parallel_access}
    %add3A_425 = arith.constant 5 : i32
    %add3A_426 = arith.addi %add3A_35, %add3A_425 : i32
    %dma_start3A_427 = arith.constant 8192 : i32
    %dma_start3A_428 = tpu.memref_slice %arg2[%add3A_426, %dma_start3A_427] : memref<512x32768xf32, #tpu.memory_space<hbm>> -> memref<1x8192xf32, #tpu.memory_space<hbm>>
    %dma_start3A_429 = tpu.memref_squeeze %dma_start3A_428 : memref<1x8192xf32, #tpu.memory_space<hbm>> -> memref<8192xf32, #tpu.memory_space<hbm>>
    %dma_start3A_430 = arith.constant 8192 : i32
    %dma_start3A_431 = tpu.memref_slice %arg2[%add3A_426, %dma_start3A_430] : memref<512x32768xf32, #tpu.memory_space<hbm>> -> memref<1x8192xf32, #tpu.memory_space<hbm>>
    %dma_start3A_432 = tpu.memref_squeeze %dma_start3A_431 : memref<1x8192xf32, #tpu.memory_space<hbm>> -> memref<8192xf32, #tpu.memory_space<hbm>>
    tpu.enqueue_dma source(%dma_start3A_432 : memref<8192xf32, #tpu.memory_space<hbm>>) target(%arg9 : memref<8192xf32, #tpu.memory_space<vmem>>) target_semaphore(%arg14 : memref<!tpu.dma_semaphore, #tpu.memory_space<semaphore_mem>>)
    %dma_wait3A_433 = arith.constant 16384 : i32
    %dma_wait3A_434 = tpu.memref_slice %arg2[%add3A_361, %dma_wait3A_433] : memref<512x32768xf32, #tpu.memory_space<hbm>> -> memref<1x8192xf32, #tpu.memory_space<hbm>>
    %dma_wait3A_435 = tpu.memref_squeeze %dma_wait3A_434 : memref<1x8192xf32, #tpu.memory_space<hbm>> -> memref<8192xf32, #tpu.memory_space<hbm>>
    %dma_wait3A_436 = arith.constant 16384 : i32
    %dma_wait3A_437 = tpu.memref_slice %arg2[%add3A_361, %dma_wait3A_436] : memref<512x32768xf32, #tpu.memory_space<hbm>> -> memref<1x8192xf32, #tpu.memory_space<hbm>>
    %dma_wait3A_438 = tpu.memref_squeeze %dma_wait3A_437 : memref<1x8192xf32, #tpu.memory_space<hbm>> -> memref<8192xf32, #tpu.memory_space<hbm>>
    tpu.wait_dma2 semaphore(%arg15 : memref<!tpu.dma_semaphore, #tpu.memory_space<semaphore_mem>>) src(%dma_wait3A_438 : memref<8192xf32, #tpu.memory_space<hbm>>) dst(%arg10 : memref<8192xf32, #tpu.memory_space<vmem>>)
    %parallel_loop3A_439 = arith.constant 0 : i32
    %parallel_loop3A_440 = arith.constant 8192 : i32
    %parallel_loop3A_441 = arith.constant 16 : i32
    scf.for %parallel_loop3A_1357 = %parallel_loop3A_439 to %parallel_loop3A_440 step %parallel_loop3A_441  : i32 {
      %parallel_loop3A_1358 = arith.constant 16384 : i32
      %parallel_loop3A_1359 = arith.addi %parallel_loop3A_1358, %parallel_loop3A_1357 : i32
      %parallel_loop3A_1360 = arith.index_cast %parallel_loop3A_1359 : i32 to index
      %parallel_loop3A_1361 = tpu.vector_load %arg5[%parallel_loop3A_1360] {strides = array<i32>} : memref<32768xi32, #tpu.memory_space<vmem>>, vector<16xi32>,
      %parallel_loop3A_1362 = arith.index_cast %parallel_loop3A_1357 : i32 to index
      %parallel_loop3A_1363 = tpu.vector_load %arg10[%parallel_loop3A_1362] {strides = array<i32>} : memref<8192xf32, #tpu.memory_space<vmem>>, vector<16xf32>,
      tpu.vector_store_idx %arg6[%parallel_loop3A_1361], %parallel_loop3A_1363 : memref<32768xf32, #tpu.memory_space<vmem>>[vector<16xi32>], vector<16xf32>,
    } {sc.loop_unroll_factor = 4 : i64, sc.parallel_access}
    %add3A_442 = arith.constant 5 : i32
    %add3A_443 = arith.addi %add3A_35, %add3A_442 : i32
    %dma_start3A_444 = arith.constant 16384 : i32
    %dma_start3A_445 = tpu.memref_slice %arg2[%add3A_443, %dma_start3A_444] : memref<512x32768xf32, #tpu.memory_space<hbm>> -> memref<1x8192xf32, #tpu.memory_space<hbm>>
    %dma_start3A_446 = tpu.memref_squeeze %dma_start3A_445 : memref<1x8192xf32, #tpu.memory_space<hbm>> -> memref<8192xf32, #tpu.memory_space<hbm>>
    %dma_start3A_447 = arith.constant 16384 : i32
    %dma_start3A_448 = tpu.memref_slice %arg2[%add3A_443, %dma_start3A_447] : memref<512x32768xf32, #tpu.memory_space<hbm>> -> memref<1x8192xf32, #tpu.memory_space<hbm>>
    %dma_start3A_449 = tpu.memref_squeeze %dma_start3A_448 : memref<1x8192xf32, #tpu.memory_space<hbm>> -> memref<8192xf32, #tpu.memory_space<hbm>>
    tpu.enqueue_dma source(%dma_start3A_449 : memref<8192xf32, #tpu.memory_space<hbm>>) target(%arg10 : memref<8192xf32, #tpu.memory_space<vmem>>) target_semaphore(%arg15 : memref<!tpu.dma_semaphore, #tpu.memory_space<semaphore_mem>>)
    %dma_wait3A_450 = arith.constant 24576 : i32
    %dma_wait3A_451 = tpu.memref_slice %arg2[%add3A_392, %dma_wait3A_450] : memref<512x32768xf32, #tpu.memory_space<hbm>> -> memref<1x8192xf32, #tpu.memory_space<hbm>>
    %dma_wait3A_452 = tpu.memref_squeeze %dma_wait3A_451 : memref<1x8192xf32, #tpu.memory_space<hbm>> -> memref<8192xf32, #tpu.memory_space<hbm>>
    %dma_wait3A_453 = arith.constant 24576 : i32
    %dma_wait3A_454 = tpu.memref_slice %arg2[%add3A_392, %dma_wait3A_453] : memref<512x32768xf32, #tpu.memory_space<hbm>> -> memref<1x8192xf32, #tpu.memory_space<hbm>>
    %dma_wait3A_455 = tpu.memref_squeeze %dma_wait3A_454 : memref<1x8192xf32, #tpu.memory_space<hbm>> -> memref<8192xf32, #tpu.memory_space<hbm>>
    tpu.wait_dma2 semaphore(%arg16 : memref<!tpu.dma_semaphore, #tpu.memory_space<semaphore_mem>>) src(%dma_wait3A_455 : memref<8192xf32, #tpu.memory_space<hbm>>) dst(%arg11 : memref<8192xf32, #tpu.memory_space<vmem>>)
    %parallel_loop3A_456 = arith.constant 0 : i32
    %parallel_loop3A_457 = arith.constant 8192 : i32
    %parallel_loop3A_458 = arith.constant 16 : i32
    scf.for %parallel_loop3A_1357 = %parallel_loop3A_456 to %parallel_loop3A_457 step %parallel_loop3A_458  : i32 {
      %parallel_loop3A_1358 = arith.constant 24576 : i32
      %parallel_loop3A_1359 = arith.addi %parallel_loop3A_1358, %parallel_loop3A_1357 : i32
      %parallel_loop3A_1360 = arith.index_cast %parallel_loop3A_1359 : i32 to index
      %parallel_loop3A_1361 = tpu.vector_load %arg5[%parallel_loop3A_1360] {strides = array<i32>} : memref<32768xi32, #tpu.memory_space<vmem>>, vector<16xi32>,
      %parallel_loop3A_1362 = arith.index_cast %parallel_loop3A_1357 : i32 to index
      %parallel_loop3A_1363 = tpu.vector_load %arg11[%parallel_loop3A_1362] {strides = array<i32>} : memref<8192xf32, #tpu.memory_space<vmem>>, vector<16xf32>,
      tpu.vector_store_idx %arg6[%parallel_loop3A_1361], %parallel_loop3A_1363 : memref<32768xf32, #tpu.memory_space<vmem>>[vector<16xi32>], vector<16xf32>,
    } {sc.loop_unroll_factor = 4 : i64, sc.parallel_access}
    %add3A_459 = arith.constant 4 : i32
    %add3A_460 = arith.addi %add3A_35, %add3A_459 : i32
    %dma_start3A_461 = arith.constant 0 : i32
    %dma_start3A_462 = tpu.memref_slice %arg4[%add3A_460, %dma_start3A_461] : memref<512x32768xf32, #tpu.memory_space<hbm>> -> memref<1x32768xf32, #tpu.memory_space<hbm>>
    %dma_start3A_463 = tpu.memref_squeeze %dma_start3A_462 : memref<1x32768xf32, #tpu.memory_space<hbm>> -> memref<32768xf32, #tpu.memory_space<hbm>>
    %dma_start3A_464 = arith.constant 0 : i32
    %dma_start3A_465 = tpu.memref_slice %arg4[%add3A_460, %dma_start3A_464] : memref<512x32768xf32, #tpu.memory_space<hbm>> -> memref<1x32768xf32, #tpu.memory_space<hbm>>
    %dma_start3A_466 = tpu.memref_squeeze %dma_start3A_465 : memref<1x32768xf32, #tpu.memory_space<hbm>> -> memref<32768xf32, #tpu.memory_space<hbm>>
    tpu.enqueue_dma source(%arg6 : memref<32768xf32, #tpu.memory_space<vmem>>) target(%dma_start3A_466 : memref<32768xf32, #tpu.memory_space<hbm>>) target_semaphore(%arg17 : memref<!tpu.dma_semaphore, #tpu.memory_space<semaphore_mem>>)
    %dma_wait3A_467 = arith.constant 0 : i32
    %dma_wait3A_468 = tpu.memref_slice %arg4[%add3A_378, %dma_wait3A_467] : memref<512x32768xf32, #tpu.memory_space<hbm>> -> memref<1x32768xf32, #tpu.memory_space<hbm>>
    %dma_wait3A_469 = tpu.memref_squeeze %dma_wait3A_468 : memref<1x32768xf32, #tpu.memory_space<hbm>> -> memref<32768xf32, #tpu.memory_space<hbm>>
    %dma_wait3A_470 = arith.constant 0 : i32
    %dma_wait3A_471 = tpu.memref_slice %arg4[%add3A_378, %dma_wait3A_470] : memref<512x32768xf32, #tpu.memory_space<hbm>> -> memref<1x32768xf32, #tpu.memory_space<hbm>>
    %dma_wait3A_472 = tpu.memref_squeeze %dma_wait3A_471 : memref<1x32768xf32, #tpu.memory_space<hbm>> -> memref<32768xf32, #tpu.memory_space<hbm>>
    tpu.wait_dma2 semaphore(%arg18 : memref<!tpu.dma_semaphore, #tpu.memory_space<semaphore_mem>>) src(%arg7 : memref<32768xf32, #tpu.memory_space<vmem>>) dst(%dma_wait3A_472 : memref<32768xf32, #tpu.memory_space<hbm>>)
    %add3A_473 = arith.constant 5 : i32
    %add3A_474 = arith.addi %add3A_35, %add3A_473 : i32
    %dma_start3A_475 = arith.constant 24576 : i32
    %dma_start3A_476 = tpu.memref_slice %arg2[%add3A_474, %dma_start3A_475] : memref<512x32768xf32, #tpu.memory_space<hbm>> -> memref<1x8192xf32, #tpu.memory_space<hbm>>
    %dma_start3A_477 = tpu.memref_squeeze %dma_start3A_476 : memref<1x8192xf32, #tpu.memory_space<hbm>> -> memref<8192xf32, #tpu.memory_space<hbm>>
    %dma_start3A_478 = arith.constant 24576 : i32
    %dma_start3A_479 = tpu.memref_slice %arg2[%add3A_474, %dma_start3A_478] : memref<512x32768xf32, #tpu.memory_space<hbm>> -> memref<1x8192xf32, #tpu.memory_space<hbm>>
    %dma_start3A_480 = tpu.memref_squeeze %dma_start3A_479 : memref<1x8192xf32, #tpu.memory_space<hbm>> -> memref<8192xf32, #tpu.memory_space<hbm>>
    tpu.enqueue_dma source(%dma_start3A_480 : memref<8192xf32, #tpu.memory_space<hbm>>) target(%arg11 : memref<8192xf32, #tpu.memory_space<vmem>>) target_semaphore(%arg16 : memref<!tpu.dma_semaphore, #tpu.memory_space<semaphore_mem>>)
    %dma_wait3A_481 = arith.constant 0 : i32
    %dma_wait3A_482 = tpu.memref_slice %arg2[%add3A_409, %dma_wait3A_481] : memref<512x32768xf32, #tpu.memory_space<hbm>> -> memref<1x8192xf32, #tpu.memory_space<hbm>>
    %dma_wait3A_483 = tpu.memref_squeeze %dma_wait3A_482 : memref<1x8192xf32, #tpu.memory_space<hbm>> -> memref<8192xf32, #tpu.memory_space<hbm>>
    %dma_wait3A_484 = arith.constant 0 : i32
    %dma_wait3A_485 = tpu.memref_slice %arg2[%add3A_409, %dma_wait3A_484] : memref<512x32768xf32, #tpu.memory_space<hbm>> -> memref<1x8192xf32, #tpu.memory_space<hbm>>
    %dma_wait3A_486 = tpu.memref_squeeze %dma_wait3A_485 : memref<1x8192xf32, #tpu.memory_space<hbm>> -> memref<8192xf32, #tpu.memory_space<hbm>>
    tpu.wait_dma2 semaphore(%arg13 : memref<!tpu.dma_semaphore, #tpu.memory_space<semaphore_mem>>) src(%dma_wait3A_486 : memref<8192xf32, #tpu.memory_space<hbm>>) dst(%arg8 : memref<8192xf32, #tpu.memory_space<vmem>>)
    %parallel_loop3A_487 = arith.constant 0 : i32
    %parallel_loop3A_488 = arith.constant 8192 : i32
    %parallel_loop3A_489 = arith.constant 16 : i32
    scf.for %parallel_loop3A_1357 = %parallel_loop3A_487 to %parallel_loop3A_488 step %parallel_loop3A_489  : i32 {
      %parallel_loop3A_1358 = arith.constant 0 : i32
      %parallel_loop3A_1359 = arith.addi %parallel_loop3A_1358, %parallel_loop3A_1357 : i32
      %parallel_loop3A_1360 = arith.index_cast %parallel_loop3A_1359 : i32 to index
      %parallel_loop3A_1361 = tpu.vector_load %arg5[%parallel_loop3A_1360] {strides = array<i32>} : memref<32768xi32, #tpu.memory_space<vmem>>, vector<16xi32>,
      %parallel_loop3A_1362 = arith.index_cast %parallel_loop3A_1357 : i32 to index
      %parallel_loop3A_1363 = tpu.vector_load %arg8[%parallel_loop3A_1362] {strides = array<i32>} : memref<8192xf32, #tpu.memory_space<vmem>>, vector<16xf32>,
      tpu.vector_store_idx %arg7[%parallel_loop3A_1361], %parallel_loop3A_1363 : memref<32768xf32, #tpu.memory_space<vmem>>[vector<16xi32>], vector<16xf32>,
    } {sc.loop_unroll_factor = 4 : i64, sc.parallel_access}
    %add3A_490 = arith.constant 6 : i32
    %add3A_491 = arith.addi %add3A_35, %add3A_490 : i32
    %dma_start3A_492 = arith.constant 0 : i32
    %dma_start3A_493 = tpu.memref_slice %arg2[%add3A_491, %dma_start3A_492] : memref<512x32768xf32, #tpu.memory_space<hbm>> -> memref<1x8192xf32, #tpu.memory_space<hbm>>
    %dma_start3A_494 = tpu.memref_squeeze %dma_start3A_493 : memref<1x8192xf32, #tpu.memory_space<hbm>> -> memref<8192xf32, #tpu.memory_space<hbm>>
    %dma_start3A_495 = arith.constant 0 : i32
    %dma_start3A_496 = tpu.memref_slice %arg2[%add3A_491, %dma_start3A_495] : memref<512x32768xf32, #tpu.memory_space<hbm>> -> memref<1x8192xf32, #tpu.memory_space<hbm>>
    %dma_start3A_497 = tpu.memref_squeeze %dma_start3A_496 : memref<1x8192xf32, #tpu.memory_space<hbm>> -> memref<8192xf32, #tpu.memory_space<hbm>>
    tpu.enqueue_dma source(%dma_start3A_497 : memref<8192xf32, #tpu.memory_space<hbm>>) target(%arg8 : memref<8192xf32, #tpu.memory_space<vmem>>) target_semaphore(%arg13 : memref<!tpu.dma_semaphore, #tpu.memory_space<semaphore_mem>>)
    %dma_wait3A_498 = arith.constant 8192 : i32
    %dma_wait3A_499 = tpu.memref_slice %arg2[%add3A_426, %dma_wait3A_498] : memref<512x32768xf32, #tpu.memory_space<hbm>> -> memref<1x8192xf32, #tpu.memory_space<hbm>>
    %dma_wait3A_500 = tpu.memref_squeeze %dma_wait3A_499 : memref<1x8192xf32, #tpu.memory_space<hbm>> -> memref<8192xf32, #tpu.memory_space<hbm>>
    %dma_wait3A_501 = arith.constant 8192 : i32
    %dma_wait3A_502 = tpu.memref_slice %arg2[%add3A_426, %dma_wait3A_501] : memref<512x32768xf32, #tpu.memory_space<hbm>> -> memref<1x8192xf32, #tpu.memory_space<hbm>>
    %dma_wait3A_503 = tpu.memref_squeeze %dma_wait3A_502 : memref<1x8192xf32, #tpu.memory_space<hbm>> -> memref<8192xf32, #tpu.memory_space<hbm>>
    tpu.wait_dma2 semaphore(%arg14 : memref<!tpu.dma_semaphore, #tpu.memory_space<semaphore_mem>>) src(%dma_wait3A_503 : memref<8192xf32, #tpu.memory_space<hbm>>) dst(%arg9 : memref<8192xf32, #tpu.memory_space<vmem>>)
    %parallel_loop3A_504 = arith.constant 0 : i32
    %parallel_loop3A_505 = arith.constant 8192 : i32
    %parallel_loop3A_506 = arith.constant 16 : i32
    scf.for %parallel_loop3A_1357 = %parallel_loop3A_504 to %parallel_loop3A_505 step %parallel_loop3A_506  : i32 {
      %parallel_loop3A_1358 = arith.constant 8192 : i32
      %parallel_loop3A_1359 = arith.addi %parallel_loop3A_1358, %parallel_loop3A_1357 : i32
      %parallel_loop3A_1360 = arith.index_cast %parallel_loop3A_1359 : i32 to index
      %parallel_loop3A_1361 = tpu.vector_load %arg5[%parallel_loop3A_1360] {strides = array<i32>} : memref<32768xi32, #tpu.memory_space<vmem>>, vector<16xi32>,
      %parallel_loop3A_1362 = arith.index_cast %parallel_loop3A_1357 : i32 to index
      %parallel_loop3A_1363 = tpu.vector_load %arg9[%parallel_loop3A_1362] {strides = array<i32>} : memref<8192xf32, #tpu.memory_space<vmem>>, vector<16xf32>,
      tpu.vector_store_idx %arg7[%parallel_loop3A_1361], %parallel_loop3A_1363 : memref<32768xf32, #tpu.memory_space<vmem>>[vector<16xi32>], vector<16xf32>,
    } {sc.loop_unroll_factor = 4 : i64, sc.parallel_access}
    %add3A_507 = arith.constant 6 : i32
    %add3A_508 = arith.addi %add3A_35, %add3A_507 : i32
    %dma_start3A_509 = arith.constant 8192 : i32
    %dma_start3A_510 = tpu.memref_slice %arg2[%add3A_508, %dma_start3A_509] : memref<512x32768xf32, #tpu.memory_space<hbm>> -> memref<1x8192xf32, #tpu.memory_space<hbm>>
    %dma_start3A_511 = tpu.memref_squeeze %dma_start3A_510 : memref<1x8192xf32, #tpu.memory_space<hbm>> -> memref<8192xf32, #tpu.memory_space<hbm>>
    %dma_start3A_512 = arith.constant 8192 : i32
    %dma_start3A_513 = tpu.memref_slice %arg2[%add3A_508, %dma_start3A_512] : memref<512x32768xf32, #tpu.memory_space<hbm>> -> memref<1x8192xf32, #tpu.memory_space<hbm>>
    %dma_start3A_514 = tpu.memref_squeeze %dma_start3A_513 : memref<1x8192xf32, #tpu.memory_space<hbm>> -> memref<8192xf32, #tpu.memory_space<hbm>>
    tpu.enqueue_dma source(%dma_start3A_514 : memref<8192xf32, #tpu.memory_space<hbm>>) target(%arg9 : memref<8192xf32, #tpu.memory_space<vmem>>) target_semaphore(%arg14 : memref<!tpu.dma_semaphore, #tpu.memory_space<semaphore_mem>>)
    %dma_wait3A_515 = arith.constant 16384 : i32
    %dma_wait3A_516 = tpu.memref_slice %arg2[%add3A_443, %dma_wait3A_515] : memref<512x32768xf32, #tpu.memory_space<hbm>> -> memref<1x8192xf32, #tpu.memory_space<hbm>>
    %dma_wait3A_517 = tpu.memref_squeeze %dma_wait3A_516 : memref<1x8192xf32, #tpu.memory_space<hbm>> -> memref<8192xf32, #tpu.memory_space<hbm>>
    %dma_wait3A_518 = arith.constant 16384 : i32
    %dma_wait3A_519 = tpu.memref_slice %arg2[%add3A_443, %dma_wait3A_518] : memref<512x32768xf32, #tpu.memory_space<hbm>> -> memref<1x8192xf32, #tpu.memory_space<hbm>>
    %dma_wait3A_520 = tpu.memref_squeeze %dma_wait3A_519 : memref<1x8192xf32, #tpu.memory_space<hbm>> -> memref<8192xf32, #tpu.memory_space<hbm>>
    tpu.wait_dma2 semaphore(%arg15 : memref<!tpu.dma_semaphore, #tpu.memory_space<semaphore_mem>>) src(%dma_wait3A_520 : memref<8192xf32, #tpu.memory_space<hbm>>) dst(%arg10 : memref<8192xf32, #tpu.memory_space<vmem>>)
    %parallel_loop3A_521 = arith.constant 0 : i32
    %parallel_loop3A_522 = arith.constant 8192 : i32
    %parallel_loop3A_523 = arith.constant 16 : i32
    scf.for %parallel_loop3A_1357 = %parallel_loop3A_521 to %parallel_loop3A_522 step %parallel_loop3A_523  : i32 {
      %parallel_loop3A_1358 = arith.constant 16384 : i32
      %parallel_loop3A_1359 = arith.addi %parallel_loop3A_1358, %parallel_loop3A_1357 : i32
      %parallel_loop3A_1360 = arith.index_cast %parallel_loop3A_1359 : i32 to index
      %parallel_loop3A_1361 = tpu.vector_load %arg5[%parallel_loop3A_1360] {strides = array<i32>} : memref<32768xi32, #tpu.memory_space<vmem>>, vector<16xi32>,
      %parallel_loop3A_1362 = arith.index_cast %parallel_loop3A_1357 : i32 to index
      %parallel_loop3A_1363 = tpu.vector_load %arg10[%parallel_loop3A_1362] {strides = array<i32>} : memref<8192xf32, #tpu.memory_space<vmem>>, vector<16xf32>,
      tpu.vector_store_idx %arg7[%parallel_loop3A_1361], %parallel_loop3A_1363 : memref<32768xf32, #tpu.memory_space<vmem>>[vector<16xi32>], vector<16xf32>,
    } {sc.loop_unroll_factor = 4 : i64, sc.parallel_access}
    %add3A_524 = arith.constant 6 : i32
    %add3A_525 = arith.addi %add3A_35, %add3A_524 : i32
    %dma_start3A_526 = arith.constant 16384 : i32
    %dma_start3A_527 = tpu.memref_slice %arg2[%add3A_525, %dma_start3A_526] : memref<512x32768xf32, #tpu.memory_space<hbm>> -> memref<1x8192xf32, #tpu.memory_space<hbm>>
    %dma_start3A_528 = tpu.memref_squeeze %dma_start3A_527 : memref<1x8192xf32, #tpu.memory_space<hbm>> -> memref<8192xf32, #tpu.memory_space<hbm>>
    %dma_start3A_529 = arith.constant 16384 : i32
    %dma_start3A_530 = tpu.memref_slice %arg2[%add3A_525, %dma_start3A_529] : memref<512x32768xf32, #tpu.memory_space<hbm>> -> memref<1x8192xf32, #tpu.memory_space<hbm>>
    %dma_start3A_531 = tpu.memref_squeeze %dma_start3A_530 : memref<1x8192xf32, #tpu.memory_space<hbm>> -> memref<8192xf32, #tpu.memory_space<hbm>>
    tpu.enqueue_dma source(%dma_start3A_531 : memref<8192xf32, #tpu.memory_space<hbm>>) target(%arg10 : memref<8192xf32, #tpu.memory_space<vmem>>) target_semaphore(%arg15 : memref<!tpu.dma_semaphore, #tpu.memory_space<semaphore_mem>>)
    %dma_wait3A_532 = arith.constant 24576 : i32
    %dma_wait3A_533 = tpu.memref_slice %arg2[%add3A_474, %dma_wait3A_532] : memref<512x32768xf32, #tpu.memory_space<hbm>> -> memref<1x8192xf32, #tpu.memory_space<hbm>>
    %dma_wait3A_534 = tpu.memref_squeeze %dma_wait3A_533 : memref<1x8192xf32, #tpu.memory_space<hbm>> -> memref<8192xf32, #tpu.memory_space<hbm>>
    %dma_wait3A_535 = arith.constant 24576 : i32
    %dma_wait3A_536 = tpu.memref_slice %arg2[%add3A_474, %dma_wait3A_535] : memref<512x32768xf32, #tpu.memory_space<hbm>> -> memref<1x8192xf32, #tpu.memory_space<hbm>>
    %dma_wait3A_537 = tpu.memref_squeeze %dma_wait3A_536 : memref<1x8192xf32, #tpu.memory_space<hbm>> -> memref<8192xf32, #tpu.memory_space<hbm>>
    tpu.wait_dma2 semaphore(%arg16 : memref<!tpu.dma_semaphore, #tpu.memory_space<semaphore_mem>>) src(%dma_wait3A_537 : memref<8192xf32, #tpu.memory_space<hbm>>) dst(%arg11 : memref<8192xf32, #tpu.memory_space<vmem>>)
    %parallel_loop3A_538 = arith.constant 0 : i32
    %parallel_loop3A_539 = arith.constant 8192 : i32
    %parallel_loop3A_540 = arith.constant 16 : i32
    scf.for %parallel_loop3A_1357 = %parallel_loop3A_538 to %parallel_loop3A_539 step %parallel_loop3A_540  : i32 {
      %parallel_loop3A_1358 = arith.constant 24576 : i32
      %parallel_loop3A_1359 = arith.addi %parallel_loop3A_1358, %parallel_loop3A_1357 : i32
      %parallel_loop3A_1360 = arith.index_cast %parallel_loop3A_1359 : i32 to index
      %parallel_loop3A_1361 = tpu.vector_load %arg5[%parallel_loop3A_1360] {strides = array<i32>} : memref<32768xi32, #tpu.memory_space<vmem>>, vector<16xi32>,
      %parallel_loop3A_1362 = arith.index_cast %parallel_loop3A_1357 : i32 to index
      %parallel_loop3A_1363 = tpu.vector_load %arg11[%parallel_loop3A_1362] {strides = array<i32>} : memref<8192xf32, #tpu.memory_space<vmem>>, vector<16xf32>,
      tpu.vector_store_idx %arg7[%parallel_loop3A_1361], %parallel_loop3A_1363 : memref<32768xf32, #tpu.memory_space<vmem>>[vector<16xi32>], vector<16xf32>,
    } {sc.loop_unroll_factor = 4 : i64, sc.parallel_access}
    %add3A_541 = arith.constant 5 : i32
    %add3A_542 = arith.addi %add3A_35, %add3A_541 : i32
    %dma_start3A_543 = arith.constant 0 : i32
    %dma_start3A_544 = tpu.memref_slice %arg4[%add3A_542, %dma_start3A_543] : memref<512x32768xf32, #tpu.memory_space<hbm>> -> memref<1x32768xf32, #tpu.memory_space<hbm>>
    %dma_start3A_545 = tpu.memref_squeeze %dma_start3A_544 : memref<1x32768xf32, #tpu.memory_space<hbm>> -> memref<32768xf32, #tpu.memory_space<hbm>>
    %dma_start3A_546 = arith.constant 0 : i32
    %dma_start3A_547 = tpu.memref_slice %arg4[%add3A_542, %dma_start3A_546] : memref<512x32768xf32, #tpu.memory_space<hbm>> -> memref<1x32768xf32, #tpu.memory_space<hbm>>
    %dma_start3A_548 = tpu.memref_squeeze %dma_start3A_547 : memref<1x32768xf32, #tpu.memory_space<hbm>> -> memref<32768xf32, #tpu.memory_space<hbm>>
    tpu.enqueue_dma source(%arg7 : memref<32768xf32, #tpu.memory_space<vmem>>) target(%dma_start3A_548 : memref<32768xf32, #tpu.memory_space<hbm>>) target_semaphore(%arg18 : memref<!tpu.dma_semaphore, #tpu.memory_space<semaphore_mem>>)
    %dma_wait3A_549 = arith.constant 0 : i32
    %dma_wait3A_550 = tpu.memref_slice %arg4[%add3A_460, %dma_wait3A_549] : memref<512x32768xf32, #tpu.memory_space<hbm>> -> memref<1x32768xf32, #tpu.memory_space<hbm>>
    %dma_wait3A_551 = tpu.memref_squeeze %dma_wait3A_550 : memref<1x32768xf32, #tpu.memory_space<hbm>> -> memref<32768xf32, #tpu.memory_space<hbm>>
    %dma_wait3A_552 = arith.constant 0 : i32
    %dma_wait3A_553 = tpu.memref_slice %arg4[%add3A_460, %dma_wait3A_552] : memref<512x32768xf32, #tpu.memory_space<hbm>> -> memref<1x32768xf32, #tpu.memory_space<hbm>>
    %dma_wait3A_554 = tpu.memref_squeeze %dma_wait3A_553 : memref<1x32768xf32, #tpu.memory_space<hbm>> -> memref<32768xf32, #tpu.memory_space<hbm>>
    tpu.wait_dma2 semaphore(%arg17 : memref<!tpu.dma_semaphore, #tpu.memory_space<semaphore_mem>>) src(%arg6 : memref<32768xf32, #tpu.memory_space<vmem>>) dst(%dma_wait3A_554 : memref<32768xf32, #tpu.memory_space<hbm>>)
    %add3A_555 = arith.constant 6 : i32
    %add3A_556 = arith.addi %add3A_35, %add3A_555 : i32
    %dma_start3A_557 = arith.constant 24576 : i32
    %dma_start3A_558 = tpu.memref_slice %arg2[%add3A_556, %dma_start3A_557] : memref<512x32768xf32, #tpu.memory_space<hbm>> -> memref<1x8192xf32, #tpu.memory_space<hbm>>
    %dma_start3A_559 = tpu.memref_squeeze %dma_start3A_558 : memref<1x8192xf32, #tpu.memory_space<hbm>> -> memref<8192xf32, #tpu.memory_space<hbm>>
    %dma_start3A_560 = arith.constant 24576 : i32
    %dma_start3A_561 = tpu.memref_slice %arg2[%add3A_556, %dma_start3A_560] : memref<512x32768xf32, #tpu.memory_space<hbm>> -> memref<1x8192xf32, #tpu.memory_space<hbm>>
    %dma_start3A_562 = tpu.memref_squeeze %dma_start3A_561 : memref<1x8192xf32, #tpu.memory_space<hbm>> -> memref<8192xf32, #tpu.memory_space<hbm>>
    tpu.enqueue_dma source(%dma_start3A_562 : memref<8192xf32, #tpu.memory_space<hbm>>) target(%arg11 : memref<8192xf32, #tpu.memory_space<vmem>>) target_semaphore(%arg16 : memref<!tpu.dma_semaphore, #tpu.memory_space<semaphore_mem>>)
    %dma_wait3A_563 = arith.constant 0 : i32
    %dma_wait3A_564 = tpu.memref_slice %arg2[%add3A_491, %dma_wait3A_563] : memref<512x32768xf32, #tpu.memory_space<hbm>> -> memref<1x8192xf32, #tpu.memory_space<hbm>>
    %dma_wait3A_565 = tpu.memref_squeeze %dma_wait3A_564 : memref<1x8192xf32, #tpu.memory_space<hbm>> -> memref<8192xf32, #tpu.memory_space<hbm>>
    %dma_wait3A_566 = arith.constant 0 : i32
    %dma_wait3A_567 = tpu.memref_slice %arg2[%add3A_491, %dma_wait3A_566] : memref<512x32768xf32, #tpu.memory_space<hbm>> -> memref<1x8192xf32, #tpu.memory_space<hbm>>
    %dma_wait3A_568 = tpu.memref_squeeze %dma_wait3A_567 : memref<1x8192xf32, #tpu.memory_space<hbm>> -> memref<8192xf32, #tpu.memory_space<hbm>>
    tpu.wait_dma2 semaphore(%arg13 : memref<!tpu.dma_semaphore, #tpu.memory_space<semaphore_mem>>) src(%dma_wait3A_568 : memref<8192xf32, #tpu.memory_space<hbm>>) dst(%arg8 : memref<8192xf32, #tpu.memory_space<vmem>>)
    %parallel_loop3A_569 = arith.constant 0 : i32
    %parallel_loop3A_570 = arith.constant 8192 : i32
    %parallel_loop3A_571 = arith.constant 16 : i32
    scf.for %parallel_loop3A_1357 = %parallel_loop3A_569 to %parallel_loop3A_570 step %parallel_loop3A_571  : i32 {
      %parallel_loop3A_1358 = arith.constant 0 : i32
      %parallel_loop3A_1359 = arith.addi %parallel_loop3A_1358, %parallel_loop3A_1357 : i32
      %parallel_loop3A_1360 = arith.index_cast %parallel_loop3A_1359 : i32 to index
      %parallel_loop3A_1361 = tpu.vector_load %arg5[%parallel_loop3A_1360] {strides = array<i32>} : memref<32768xi32, #tpu.memory_space<vmem>>, vector<16xi32>,
      %parallel_loop3A_1362 = arith.index_cast %parallel_loop3A_1357 : i32 to index
      %parallel_loop3A_1363 = tpu.vector_load %arg8[%parallel_loop3A_1362] {strides = array<i32>} : memref<8192xf32, #tpu.memory_space<vmem>>, vector<16xf32>,
      tpu.vector_store_idx %arg6[%parallel_loop3A_1361], %parallel_loop3A_1363 : memref<32768xf32, #tpu.memory_space<vmem>>[vector<16xi32>], vector<16xf32>,
    } {sc.loop_unroll_factor = 4 : i64, sc.parallel_access}
    %add3A_572 = arith.constant 7 : i32
    %add3A_573 = arith.addi %add3A_35, %add3A_572 : i32
    %dma_start3A_574 = arith.constant 0 : i32
    %dma_start3A_575 = tpu.memref_slice %arg2[%add3A_573, %dma_start3A_574] : memref<512x32768xf32, #tpu.memory_space<hbm>> -> memref<1x8192xf32, #tpu.memory_space<hbm>>
    %dma_start3A_576 = tpu.memref_squeeze %dma_start3A_575 : memref<1x8192xf32, #tpu.memory_space<hbm>> -> memref<8192xf32, #tpu.memory_space<hbm>>
    %dma_start3A_577 = arith.constant 0 : i32
    %dma_start3A_578 = tpu.memref_slice %arg2[%add3A_573, %dma_start3A_577] : memref<512x32768xf32, #tpu.memory_space<hbm>> -> memref<1x8192xf32, #tpu.memory_space<hbm>>
    %dma_start3A_579 = tpu.memref_squeeze %dma_start3A_578 : memref<1x8192xf32, #tpu.memory_space<hbm>> -> memref<8192xf32, #tpu.memory_space<hbm>>
    tpu.enqueue_dma source(%dma_start3A_579 : memref<8192xf32, #tpu.memory_space<hbm>>) target(%arg8 : memref<8192xf32, #tpu.memory_space<vmem>>) target_semaphore(%arg13 : memref<!tpu.dma_semaphore, #tpu.memory_space<semaphore_mem>>)
    %dma_wait3A_580 = arith.constant 8192 : i32
    %dma_wait3A_581 = tpu.memref_slice %arg2[%add3A_508, %dma_wait3A_580] : memref<512x32768xf32, #tpu.memory_space<hbm>> -> memref<1x8192xf32, #tpu.memory_space<hbm>>
    %dma_wait3A_582 = tpu.memref_squeeze %dma_wait3A_581 : memref<1x8192xf32, #tpu.memory_space<hbm>> -> memref<8192xf32, #tpu.memory_space<hbm>>
    %dma_wait3A_583 = arith.constant 8192 : i32
    %dma_wait3A_584 = tpu.memref_slice %arg2[%add3A_508, %dma_wait3A_583] : memref<512x32768xf32, #tpu.memory_space<hbm>> -> memref<1x8192xf32, #tpu.memory_space<hbm>>
    %dma_wait3A_585 = tpu.memref_squeeze %dma_wait3A_584 : memref<1x8192xf32, #tpu.memory_space<hbm>> -> memref<8192xf32, #tpu.memory_space<hbm>>
    tpu.wait_dma2 semaphore(%arg14 : memref<!tpu.dma_semaphore, #tpu.memory_space<semaphore_mem>>) src(%dma_wait3A_585 : memref<8192xf32, #tpu.memory_space<hbm>>) dst(%arg9 : memref<8192xf32, #tpu.memory_space<vmem>>)
    %parallel_loop3A_586 = arith.constant 0 : i32
    %parallel_loop3A_587 = arith.constant 8192 : i32
    %parallel_loop3A_588 = arith.constant 16 : i32
    scf.for %parallel_loop3A_1357 = %parallel_loop3A_586 to %parallel_loop3A_587 step %parallel_loop3A_588  : i32 {
      %parallel_loop3A_1358 = arith.constant 8192 : i32
      %parallel_loop3A_1359 = arith.addi %parallel_loop3A_1358, %parallel_loop3A_1357 : i32
      %parallel_loop3A_1360 = arith.index_cast %parallel_loop3A_1359 : i32 to index
      %parallel_loop3A_1361 = tpu.vector_load %arg5[%parallel_loop3A_1360] {strides = array<i32>} : memref<32768xi32, #tpu.memory_space<vmem>>, vector<16xi32>,
      %parallel_loop3A_1362 = arith.index_cast %parallel_loop3A_1357 : i32 to index
      %parallel_loop3A_1363 = tpu.vector_load %arg9[%parallel_loop3A_1362] {strides = array<i32>} : memref<8192xf32, #tpu.memory_space<vmem>>, vector<16xf32>,
      tpu.vector_store_idx %arg6[%parallel_loop3A_1361], %parallel_loop3A_1363 : memref<32768xf32, #tpu.memory_space<vmem>>[vector<16xi32>], vector<16xf32>,
    } {sc.loop_unroll_factor = 4 : i64, sc.parallel_access}
    %add3A_589 = arith.constant 7 : i32
    %add3A_590 = arith.addi %add3A_35, %add3A_589 : i32
    %dma_start3A_591 = arith.constant 8192 : i32
    %dma_start3A_592 = tpu.memref_slice %arg2[%add3A_590, %dma_start3A_591] : memref<512x32768xf32, #tpu.memory_space<hbm>> -> memref<1x8192xf32, #tpu.memory_space<hbm>>
    %dma_start3A_593 = tpu.memref_squeeze %dma_start3A_592 : memref<1x8192xf32, #tpu.memory_space<hbm>> -> memref<8192xf32, #tpu.memory_space<hbm>>
    %dma_start3A_594 = arith.constant 8192 : i32
    %dma_start3A_595 = tpu.memref_slice %arg2[%add3A_590, %dma_start3A_594] : memref<512x32768xf32, #tpu.memory_space<hbm>> -> memref<1x8192xf32, #tpu.memory_space<hbm>>
    %dma_start3A_596 = tpu.memref_squeeze %dma_start3A_595 : memref<1x8192xf32, #tpu.memory_space<hbm>> -> memref<8192xf32, #tpu.memory_space<hbm>>
    tpu.enqueue_dma source(%dma_start3A_596 : memref<8192xf32, #tpu.memory_space<hbm>>) target(%arg9 : memref<8192xf32, #tpu.memory_space<vmem>>) target_semaphore(%arg14 : memref<!tpu.dma_semaphore, #tpu.memory_space<semaphore_mem>>)
    %dma_wait3A_597 = arith.constant 16384 : i32
    %dma_wait3A_598 = tpu.memref_slice %arg2[%add3A_525, %dma_wait3A_597] : memref<512x32768xf32, #tpu.memory_space<hbm>> -> memref<1x8192xf32, #tpu.memory_space<hbm>>
    %dma_wait3A_599 = tpu.memref_squeeze %dma_wait3A_598 : memref<1x8192xf32, #tpu.memory_space<hbm>> -> memref<8192xf32, #tpu.memory_space<hbm>>
    %dma_wait3A_600 = arith.constant 16384 : i32
    %dma_wait3A_601 = tpu.memref_slice %arg2[%add3A_525, %dma_wait3A_600] : memref<512x32768xf32, #tpu.memory_space<hbm>> -> memref<1x8192xf32, #tpu.memory_space<hbm>>
    %dma_wait3A_602 = tpu.memref_squeeze %dma_wait3A_601 : memref<1x8192xf32, #tpu.memory_space<hbm>> -> memref<8192xf32, #tpu.memory_space<hbm>>
    tpu.wait_dma2 semaphore(%arg15 : memref<!tpu.dma_semaphore, #tpu.memory_space<semaphore_mem>>) src(%dma_wait3A_602 : memref<8192xf32, #tpu.memory_space<hbm>>) dst(%arg10 : memref<8192xf32, #tpu.memory_space<vmem>>)
    %parallel_loop3A_603 = arith.constant 0 : i32
    %parallel_loop3A_604 = arith.constant 8192 : i32
    %parallel_loop3A_605 = arith.constant 16 : i32
    scf.for %parallel_loop3A_1357 = %parallel_loop3A_603 to %parallel_loop3A_604 step %parallel_loop3A_605  : i32 {
      %parallel_loop3A_1358 = arith.constant 16384 : i32
      %parallel_loop3A_1359 = arith.addi %parallel_loop3A_1358, %parallel_loop3A_1357 : i32
      %parallel_loop3A_1360 = arith.index_cast %parallel_loop3A_1359 : i32 to index
      %parallel_loop3A_1361 = tpu.vector_load %arg5[%parallel_loop3A_1360] {strides = array<i32>} : memref<32768xi32, #tpu.memory_space<vmem>>, vector<16xi32>,
      %parallel_loop3A_1362 = arith.index_cast %parallel_loop3A_1357 : i32 to index
      %parallel_loop3A_1363 = tpu.vector_load %arg10[%parallel_loop3A_1362] {strides = array<i32>} : memref<8192xf32, #tpu.memory_space<vmem>>, vector<16xf32>,
      tpu.vector_store_idx %arg6[%parallel_loop3A_1361], %parallel_loop3A_1363 : memref<32768xf32, #tpu.memory_space<vmem>>[vector<16xi32>], vector<16xf32>,
    } {sc.loop_unroll_factor = 4 : i64, sc.parallel_access}
    %add3A_606 = arith.constant 7 : i32
    %add3A_607 = arith.addi %add3A_35, %add3A_606 : i32
    %dma_start3A_608 = arith.constant 16384 : i32
    %dma_start3A_609 = tpu.memref_slice %arg2[%add3A_607, %dma_start3A_608] : memref<512x32768xf32, #tpu.memory_space<hbm>> -> memref<1x8192xf32, #tpu.memory_space<hbm>>
    %dma_start3A_610 = tpu.memref_squeeze %dma_start3A_609 : memref<1x8192xf32, #tpu.memory_space<hbm>> -> memref<8192xf32, #tpu.memory_space<hbm>>
    %dma_start3A_611 = arith.constant 16384 : i32
    %dma_start3A_612 = tpu.memref_slice %arg2[%add3A_607, %dma_start3A_611] : memref<512x32768xf32, #tpu.memory_space<hbm>> -> memref<1x8192xf32, #tpu.memory_space<hbm>>
    %dma_start3A_613 = tpu.memref_squeeze %dma_start3A_612 : memref<1x8192xf32, #tpu.memory_space<hbm>> -> memref<8192xf32, #tpu.memory_space<hbm>>
    tpu.enqueue_dma source(%dma_start3A_613 : memref<8192xf32, #tpu.memory_space<hbm>>) target(%arg10 : memref<8192xf32, #tpu.memory_space<vmem>>) target_semaphore(%arg15 : memref<!tpu.dma_semaphore, #tpu.memory_space<semaphore_mem>>)
    %dma_wait3A_614 = arith.constant 24576 : i32
    %dma_wait3A_615 = tpu.memref_slice %arg2[%add3A_556, %dma_wait3A_614] : memref<512x32768xf32, #tpu.memory_space<hbm>> -> memref<1x8192xf32, #tpu.memory_space<hbm>>
    %dma_wait3A_616 = tpu.memref_squeeze %dma_wait3A_615 : memref<1x8192xf32, #tpu.memory_space<hbm>> -> memref<8192xf32, #tpu.memory_space<hbm>>
    %dma_wait3A_617 = arith.constant 24576 : i32
    %dma_wait3A_618 = tpu.memref_slice %arg2[%add3A_556, %dma_wait3A_617] : memref<512x32768xf32, #tpu.memory_space<hbm>> -> memref<1x8192xf32, #tpu.memory_space<hbm>>
    %dma_wait3A_619 = tpu.memref_squeeze %dma_wait3A_618 : memref<1x8192xf32, #tpu.memory_space<hbm>> -> memref<8192xf32, #tpu.memory_space<hbm>>
    tpu.wait_dma2 semaphore(%arg16 : memref<!tpu.dma_semaphore, #tpu.memory_space<semaphore_mem>>) src(%dma_wait3A_619 : memref<8192xf32, #tpu.memory_space<hbm>>) dst(%arg11 : memref<8192xf32, #tpu.memory_space<vmem>>)
    %parallel_loop3A_620 = arith.constant 0 : i32
    %parallel_loop3A_621 = arith.constant 8192 : i32
    %parallel_loop3A_622 = arith.constant 16 : i32
    scf.for %parallel_loop3A_1357 = %parallel_loop3A_620 to %parallel_loop3A_621 step %parallel_loop3A_622  : i32 {
      %parallel_loop3A_1358 = arith.constant 24576 : i32
      %parallel_loop3A_1359 = arith.addi %parallel_loop3A_1358, %parallel_loop3A_1357 : i32
      %parallel_loop3A_1360 = arith.index_cast %parallel_loop3A_1359 : i32 to index
      %parallel_loop3A_1361 = tpu.vector_load %arg5[%parallel_loop3A_1360] {strides = array<i32>} : memref<32768xi32, #tpu.memory_space<vmem>>, vector<16xi32>,
      %parallel_loop3A_1362 = arith.index_cast %parallel_loop3A_1357 : i32 to index
      %parallel_loop3A_1363 = tpu.vector_load %arg11[%parallel_loop3A_1362] {strides = array<i32>} : memref<8192xf32, #tpu.memory_space<vmem>>, vector<16xf32>,
      tpu.vector_store_idx %arg6[%parallel_loop3A_1361], %parallel_loop3A_1363 : memref<32768xf32, #tpu.memory_space<vmem>>[vector<16xi32>], vector<16xf32>,
    } {sc.loop_unroll_factor = 4 : i64, sc.parallel_access}
    %add3A_623 = arith.constant 6 : i32
    %add3A_624 = arith.addi %add3A_35, %add3A_623 : i32
    %dma_start3A_625 = arith.constant 0 : i32
    %dma_start3A_626 = tpu.memref_slice %arg4[%add3A_624, %dma_start3A_625] : memref<512x32768xf32, #tpu.memory_space<hbm>> -> memref<1x32768xf32, #tpu.memory_space<hbm>>
    %dma_start3A_627 = tpu.memref_squeeze %dma_start3A_626 : memref<1x32768xf32, #tpu.memory_space<hbm>> -> memref<32768xf32, #tpu.memory_space<hbm>>
    %dma_start3A_628 = arith.constant 0 : i32
    %dma_start3A_629 = tpu.memref_slice %arg4[%add3A_624, %dma_start3A_628] : memref<512x32768xf32, #tpu.memory_space<hbm>> -> memref<1x32768xf32, #tpu.memory_space<hbm>>
    %dma_start3A_630 = tpu.memref_squeeze %dma_start3A_629 : memref<1x32768xf32, #tpu.memory_space<hbm>> -> memref<32768xf32, #tpu.memory_space<hbm>>
    tpu.enqueue_dma source(%arg6 : memref<32768xf32, #tpu.memory_space<vmem>>) target(%dma_start3A_630 : memref<32768xf32, #tpu.memory_space<hbm>>) target_semaphore(%arg17 : memref<!tpu.dma_semaphore, #tpu.memory_space<semaphore_mem>>)
    %dma_wait3A_631 = arith.constant 0 : i32
    %dma_wait3A_632 = tpu.memref_slice %arg4[%add3A_542, %dma_wait3A_631] : memref<512x32768xf32, #tpu.memory_space<hbm>> -> memref<1x32768xf32, #tpu.memory_space<hbm>>
    %dma_wait3A_633 = tpu.memref_squeeze %dma_wait3A_632 : memref<1x32768xf32, #tpu.memory_space<hbm>> -> memref<32768xf32, #tpu.memory_space<hbm>>
    %dma_wait3A_634 = arith.constant 0 : i32
    %dma_wait3A_635 = tpu.memref_slice %arg4[%add3A_542, %dma_wait3A_634] : memref<512x32768xf32, #tpu.memory_space<hbm>> -> memref<1x32768xf32, #tpu.memory_space<hbm>>
    %dma_wait3A_636 = tpu.memref_squeeze %dma_wait3A_635 : memref<1x32768xf32, #tpu.memory_space<hbm>> -> memref<32768xf32, #tpu.memory_space<hbm>>
    tpu.wait_dma2 semaphore(%arg18 : memref<!tpu.dma_semaphore, #tpu.memory_space<semaphore_mem>>) src(%arg7 : memref<32768xf32, #tpu.memory_space<vmem>>) dst(%dma_wait3A_636 : memref<32768xf32, #tpu.memory_space<hbm>>)
    %add3A_637 = arith.constant 7 : i32
    %add3A_638 = arith.addi %add3A_35, %add3A_637 : i32
    %dma_start3A_639 = arith.constant 24576 : i32
    %dma_start3A_640 = tpu.memref_slice %arg2[%add3A_638, %dma_start3A_639] : memref<512x32768xf32, #tpu.memory_space<hbm>> -> memref<1x8192xf32, #tpu.memory_space<hbm>>
    %dma_start3A_641 = tpu.memref_squeeze %dma_start3A_640 : memref<1x8192xf32, #tpu.memory_space<hbm>> -> memref<8192xf32, #tpu.memory_space<hbm>>
    %dma_start3A_642 = arith.constant 24576 : i32
    %dma_start3A_643 = tpu.memref_slice %arg2[%add3A_638, %dma_start3A_642] : memref<512x32768xf32, #tpu.memory_space<hbm>> -> memref<1x8192xf32, #tpu.memory_space<hbm>>
    %dma_start3A_644 = tpu.memref_squeeze %dma_start3A_643 : memref<1x8192xf32, #tpu.memory_space<hbm>> -> memref<8192xf32, #tpu.memory_space<hbm>>
    tpu.enqueue_dma source(%dma_start3A_644 : memref<8192xf32, #tpu.memory_space<hbm>>) target(%arg11 : memref<8192xf32, #tpu.memory_space<vmem>>) target_semaphore(%arg16 : memref<!tpu.dma_semaphore, #tpu.memory_space<semaphore_mem>>)
    %dma_wait3A_645 = arith.constant 0 : i32
    %dma_wait3A_646 = tpu.memref_slice %arg2[%add3A_573, %dma_wait3A_645] : memref<512x32768xf32, #tpu.memory_space<hbm>> -> memref<1x8192xf32, #tpu.memory_space<hbm>>
    %dma_wait3A_647 = tpu.memref_squeeze %dma_wait3A_646 : memref<1x8192xf32, #tpu.memory_space<hbm>> -> memref<8192xf32, #tpu.memory_space<hbm>>
    %dma_wait3A_648 = arith.constant 0 : i32
    %dma_wait3A_649 = tpu.memref_slice %arg2[%add3A_573, %dma_wait3A_648] : memref<512x32768xf32, #tpu.memory_space<hbm>> -> memref<1x8192xf32, #tpu.memory_space<hbm>>
    %dma_wait3A_650 = tpu.memref_squeeze %dma_wait3A_649 : memref<1x8192xf32, #tpu.memory_space<hbm>> -> memref<8192xf32, #tpu.memory_space<hbm>>
    tpu.wait_dma2 semaphore(%arg13 : memref<!tpu.dma_semaphore, #tpu.memory_space<semaphore_mem>>) src(%dma_wait3A_650 : memref<8192xf32, #tpu.memory_space<hbm>>) dst(%arg8 : memref<8192xf32, #tpu.memory_space<vmem>>)
    %parallel_loop3A_651 = arith.constant 0 : i32
    %parallel_loop3A_652 = arith.constant 8192 : i32
    %parallel_loop3A_653 = arith.constant 16 : i32
    scf.for %parallel_loop3A_1357 = %parallel_loop3A_651 to %parallel_loop3A_652 step %parallel_loop3A_653  : i32 {
      %parallel_loop3A_1358 = arith.constant 0 : i32
      %parallel_loop3A_1359 = arith.addi %parallel_loop3A_1358, %parallel_loop3A_1357 : i32
      %parallel_loop3A_1360 = arith.index_cast %parallel_loop3A_1359 : i32 to index
      %parallel_loop3A_1361 = tpu.vector_load %arg5[%parallel_loop3A_1360] {strides = array<i32>} : memref<32768xi32, #tpu.memory_space<vmem>>, vector<16xi32>,
      %parallel_loop3A_1362 = arith.index_cast %parallel_loop3A_1357 : i32 to index
      %parallel_loop3A_1363 = tpu.vector_load %arg8[%parallel_loop3A_1362] {strides = array<i32>} : memref<8192xf32, #tpu.memory_space<vmem>>, vector<16xf32>,
      tpu.vector_store_idx %arg7[%parallel_loop3A_1361], %parallel_loop3A_1363 : memref<32768xf32, #tpu.memory_space<vmem>>[vector<16xi32>], vector<16xf32>,
    } {sc.loop_unroll_factor = 4 : i64, sc.parallel_access}
    %add3A_654 = arith.constant 8 : i32
    %add3A_655 = arith.addi %add3A_35, %add3A_654 : i32
    %dma_start3A_656 = arith.constant 0 : i32
    %dma_start3A_657 = tpu.memref_slice %arg2[%add3A_655, %dma_start3A_656] : memref<512x32768xf32, #tpu.memory_space<hbm>> -> memref<1x8192xf32, #tpu.memory_space<hbm>>
    %dma_start3A_658 = tpu.memref_squeeze %dma_start3A_657 : memref<1x8192xf32, #tpu.memory_space<hbm>> -> memref<8192xf32, #tpu.memory_space<hbm>>
    %dma_start3A_659 = arith.constant 0 : i32
    %dma_start3A_660 = tpu.memref_slice %arg2[%add3A_655, %dma_start3A_659] : memref<512x32768xf32, #tpu.memory_space<hbm>> -> memref<1x8192xf32, #tpu.memory_space<hbm>>
    %dma_start3A_661 = tpu.memref_squeeze %dma_start3A_660 : memref<1x8192xf32, #tpu.memory_space<hbm>> -> memref<8192xf32, #tpu.memory_space<hbm>>
    tpu.enqueue_dma source(%dma_start3A_661 : memref<8192xf32, #tpu.memory_space<hbm>>) target(%arg8 : memref<8192xf32, #tpu.memory_space<vmem>>) target_semaphore(%arg13 : memref<!tpu.dma_semaphore, #tpu.memory_space<semaphore_mem>>)
    %dma_wait3A_662 = arith.constant 8192 : i32
    %dma_wait3A_663 = tpu.memref_slice %arg2[%add3A_590, %dma_wait3A_662] : memref<512x32768xf32, #tpu.memory_space<hbm>> -> memref<1x8192xf32, #tpu.memory_space<hbm>>
    %dma_wait3A_664 = tpu.memref_squeeze %dma_wait3A_663 : memref<1x8192xf32, #tpu.memory_space<hbm>> -> memref<8192xf32, #tpu.memory_space<hbm>>
    %dma_wait3A_665 = arith.constant 8192 : i32
    %dma_wait3A_666 = tpu.memref_slice %arg2[%add3A_590, %dma_wait3A_665] : memref<512x32768xf32, #tpu.memory_space<hbm>> -> memref<1x8192xf32, #tpu.memory_space<hbm>>
    %dma_wait3A_667 = tpu.memref_squeeze %dma_wait3A_666 : memref<1x8192xf32, #tpu.memory_space<hbm>> -> memref<8192xf32, #tpu.memory_space<hbm>>
    tpu.wait_dma2 semaphore(%arg14 : memref<!tpu.dma_semaphore, #tpu.memory_space<semaphore_mem>>) src(%dma_wait3A_667 : memref<8192xf32, #tpu.memory_space<hbm>>) dst(%arg9 : memref<8192xf32, #tpu.memory_space<vmem>>)
    %parallel_loop3A_668 = arith.constant 0 : i32
    %parallel_loop3A_669 = arith.constant 8192 : i32
    %parallel_loop3A_670 = arith.constant 16 : i32
    scf.for %parallel_loop3A_1357 = %parallel_loop3A_668 to %parallel_loop3A_669 step %parallel_loop3A_670  : i32 {
      %parallel_loop3A_1358 = arith.constant 8192 : i32
      %parallel_loop3A_1359 = arith.addi %parallel_loop3A_1358, %parallel_loop3A_1357 : i32
      %parallel_loop3A_1360 = arith.index_cast %parallel_loop3A_1359 : i32 to index
      %parallel_loop3A_1361 = tpu.vector_load %arg5[%parallel_loop3A_1360] {strides = array<i32>} : memref<32768xi32, #tpu.memory_space<vmem>>, vector<16xi32>,
      %parallel_loop3A_1362 = arith.index_cast %parallel_loop3A_1357 : i32 to index
      %parallel_loop3A_1363 = tpu.vector_load %arg9[%parallel_loop3A_1362] {strides = array<i32>} : memref<8192xf32, #tpu.memory_space<vmem>>, vector<16xf32>,
      tpu.vector_store_idx %arg7[%parallel_loop3A_1361], %parallel_loop3A_1363 : memref<32768xf32, #tpu.memory_space<vmem>>[vector<16xi32>], vector<16xf32>,
    } {sc.loop_unroll_factor = 4 : i64, sc.parallel_access}
    %add3A_671 = arith.constant 8 : i32
    %add3A_672 = arith.addi %add3A_35, %add3A_671 : i32
    %dma_start3A_673 = arith.constant 8192 : i32
    %dma_start3A_674 = tpu.memref_slice %arg2[%add3A_672, %dma_start3A_673] : memref<512x32768xf32, #tpu.memory_space<hbm>> -> memref<1x8192xf32, #tpu.memory_space<hbm>>
    %dma_start3A_675 = tpu.memref_squeeze %dma_start3A_674 : memref<1x8192xf32, #tpu.memory_space<hbm>> -> memref<8192xf32, #tpu.memory_space<hbm>>
    %dma_start3A_676 = arith.constant 8192 : i32
    %dma_start3A_677 = tpu.memref_slice %arg2[%add3A_672, %dma_start3A_676] : memref<512x32768xf32, #tpu.memory_space<hbm>> -> memref<1x8192xf32, #tpu.memory_space<hbm>>
    %dma_start3A_678 = tpu.memref_squeeze %dma_start3A_677 : memref<1x8192xf32, #tpu.memory_space<hbm>> -> memref<8192xf32, #tpu.memory_space<hbm>>
    tpu.enqueue_dma source(%dma_start3A_678 : memref<8192xf32, #tpu.memory_space<hbm>>) target(%arg9 : memref<8192xf32, #tpu.memory_space<vmem>>) target_semaphore(%arg14 : memref<!tpu.dma_semaphore, #tpu.memory_space<semaphore_mem>>)
    %dma_wait3A_679 = arith.constant 16384 : i32
    %dma_wait3A_680 = tpu.memref_slice %arg2[%add3A_607, %dma_wait3A_679] : memref<512x32768xf32, #tpu.memory_space<hbm>> -> memref<1x8192xf32, #tpu.memory_space<hbm>>
    %dma_wait3A_681 = tpu.memref_squeeze %dma_wait3A_680 : memref<1x8192xf32, #tpu.memory_space<hbm>> -> memref<8192xf32, #tpu.memory_space<hbm>>
    %dma_wait3A_682 = arith.constant 16384 : i32
    %dma_wait3A_683 = tpu.memref_slice %arg2[%add3A_607, %dma_wait3A_682] : memref<512x32768xf32, #tpu.memory_space<hbm>> -> memref<1x8192xf32, #tpu.memory_space<hbm>>
    %dma_wait3A_684 = tpu.memref_squeeze %dma_wait3A_683 : memref<1x8192xf32, #tpu.memory_space<hbm>> -> memref<8192xf32, #tpu.memory_space<hbm>>
    tpu.wait_dma2 semaphore(%arg15 : memref<!tpu.dma_semaphore, #tpu.memory_space<semaphore_mem>>) src(%dma_wait3A_684 : memref<8192xf32, #tpu.memory_space<hbm>>) dst(%arg10 : memref<8192xf32, #tpu.memory_space<vmem>>)
    %parallel_loop3A_685 = arith.constant 0 : i32
    %parallel_loop3A_686 = arith.constant 8192 : i32
    %parallel_loop3A_687 = arith.constant 16 : i32
    scf.for %parallel_loop3A_1357 = %parallel_loop3A_685 to %parallel_loop3A_686 step %parallel_loop3A_687  : i32 {
      %parallel_loop3A_1358 = arith.constant 16384 : i32
      %parallel_loop3A_1359 = arith.addi %parallel_loop3A_1358, %parallel_loop3A_1357 : i32
      %parallel_loop3A_1360 = arith.index_cast %parallel_loop3A_1359 : i32 to index
      %parallel_loop3A_1361 = tpu.vector_load %arg5[%parallel_loop3A_1360] {strides = array<i32>} : memref<32768xi32, #tpu.memory_space<vmem>>, vector<16xi32>,
      %parallel_loop3A_1362 = arith.index_cast %parallel_loop3A_1357 : i32 to index
      %parallel_loop3A_1363 = tpu.vector_load %arg10[%parallel_loop3A_1362] {strides = array<i32>} : memref<8192xf32, #tpu.memory_space<vmem>>, vector<16xf32>,
      tpu.vector_store_idx %arg7[%parallel_loop3A_1361], %parallel_loop3A_1363 : memref<32768xf32, #tpu.memory_space<vmem>>[vector<16xi32>], vector<16xf32>,
    } {sc.loop_unroll_factor = 4 : i64, sc.parallel_access}
    %add3A_688 = arith.constant 8 : i32
    %add3A_689 = arith.addi %add3A_35, %add3A_688 : i32
    %dma_start3A_690 = arith.constant 16384 : i32
    %dma_start3A_691 = tpu.memref_slice %arg2[%add3A_689, %dma_start3A_690] : memref<512x32768xf32, #tpu.memory_space<hbm>> -> memref<1x8192xf32, #tpu.memory_space<hbm>>
    %dma_start3A_692 = tpu.memref_squeeze %dma_start3A_691 : memref<1x8192xf32, #tpu.memory_space<hbm>> -> memref<8192xf32, #tpu.memory_space<hbm>>
    %dma_start3A_693 = arith.constant 16384 : i32
    %dma_start3A_694 = tpu.memref_slice %arg2[%add3A_689, %dma_start3A_693] : memref<512x32768xf32, #tpu.memory_space<hbm>> -> memref<1x8192xf32, #tpu.memory_space<hbm>>
    %dma_start3A_695 = tpu.memref_squeeze %dma_start3A_694 : memref<1x8192xf32, #tpu.memory_space<hbm>> -> memref<8192xf32, #tpu.memory_space<hbm>>
    tpu.enqueue_dma source(%dma_start3A_695 : memref<8192xf32, #tpu.memory_space<hbm>>) target(%arg10 : memref<8192xf32, #tpu.memory_space<vmem>>) target_semaphore(%arg15 : memref<!tpu.dma_semaphore, #tpu.memory_space<semaphore_mem>>)
    %dma_wait3A_696 = arith.constant 24576 : i32
    %dma_wait3A_697 = tpu.memref_slice %arg2[%add3A_638, %dma_wait3A_696] : memref<512x32768xf32, #tpu.memory_space<hbm>> -> memref<1x8192xf32, #tpu.memory_space<hbm>>
    %dma_wait3A_698 = tpu.memref_squeeze %dma_wait3A_697 : memref<1x8192xf32, #tpu.memory_space<hbm>> -> memref<8192xf32, #tpu.memory_space<hbm>>
    %dma_wait3A_699 = arith.constant 24576 : i32
    %dma_wait3A_700 = tpu.memref_slice %arg2[%add3A_638, %dma_wait3A_699] : memref<512x32768xf32, #tpu.memory_space<hbm>> -> memref<1x8192xf32, #tpu.memory_space<hbm>>
    %dma_wait3A_701 = tpu.memref_squeeze %dma_wait3A_700 : memref<1x8192xf32, #tpu.memory_space<hbm>> -> memref<8192xf32, #tpu.memory_space<hbm>>
    tpu.wait_dma2 semaphore(%arg16 : memref<!tpu.dma_semaphore, #tpu.memory_space<semaphore_mem>>) src(%dma_wait3A_701 : memref<8192xf32, #tpu.memory_space<hbm>>) dst(%arg11 : memref<8192xf32, #tpu.memory_space<vmem>>)
    %parallel_loop3A_702 = arith.constant 0 : i32
    %parallel_loop3A_703 = arith.constant 8192 : i32
    %parallel_loop3A_704 = arith.constant 16 : i32
    scf.for %parallel_loop3A_1357 = %parallel_loop3A_702 to %parallel_loop3A_703 step %parallel_loop3A_704  : i32 {
      %parallel_loop3A_1358 = arith.constant 24576 : i32
      %parallel_loop3A_1359 = arith.addi %parallel_loop3A_1358, %parallel_loop3A_1357 : i32
      %parallel_loop3A_1360 = arith.index_cast %parallel_loop3A_1359 : i32 to index
      %parallel_loop3A_1361 = tpu.vector_load %arg5[%parallel_loop3A_1360] {strides = array<i32>} : memref<32768xi32, #tpu.memory_space<vmem>>, vector<16xi32>,
      %parallel_loop3A_1362 = arith.index_cast %parallel_loop3A_1357 : i32 to index
      %parallel_loop3A_1363 = tpu.vector_load %arg11[%parallel_loop3A_1362] {strides = array<i32>} : memref<8192xf32, #tpu.memory_space<vmem>>, vector<16xf32>,
      tpu.vector_store_idx %arg7[%parallel_loop3A_1361], %parallel_loop3A_1363 : memref<32768xf32, #tpu.memory_space<vmem>>[vector<16xi32>], vector<16xf32>,
    } {sc.loop_unroll_factor = 4 : i64, sc.parallel_access}
    %add3A_705 = arith.constant 7 : i32
    %add3A_706 = arith.addi %add3A_35, %add3A_705 : i32
    %dma_start3A_707 = arith.constant 0 : i32
    %dma_start3A_708 = tpu.memref_slice %arg4[%add3A_706, %dma_start3A_707] : memref<512x32768xf32, #tpu.memory_space<hbm>> -> memref<1x32768xf32, #tpu.memory_space<hbm>>
    %dma_start3A_709 = tpu.memref_squeeze %dma_start3A_708 : memref<1x32768xf32, #tpu.memory_space<hbm>> -> memref<32768xf32, #tpu.memory_space<hbm>>
    %dma_start3A_710 = arith.constant 0 : i32
    %dma_start3A_711 = tpu.memref_slice %arg4[%add3A_706, %dma_start3A_710] : memref<512x32768xf32, #tpu.memory_space<hbm>> -> memref<1x32768xf32, #tpu.memory_space<hbm>>
    %dma_start3A_712 = tpu.memref_squeeze %dma_start3A_711 : memref<1x32768xf32, #tpu.memory_space<hbm>> -> memref<32768xf32, #tpu.memory_space<hbm>>
    tpu.enqueue_dma source(%arg7 : memref<32768xf32, #tpu.memory_space<vmem>>) target(%dma_start3A_712 : memref<32768xf32, #tpu.memory_space<hbm>>) target_semaphore(%arg18 : memref<!tpu.dma_semaphore, #tpu.memory_space<semaphore_mem>>)
    %dma_wait3A_713 = arith.constant 0 : i32
    %dma_wait3A_714 = tpu.memref_slice %arg4[%add3A_624, %dma_wait3A_713] : memref<512x32768xf32, #tpu.memory_space<hbm>> -> memref<1x32768xf32, #tpu.memory_space<hbm>>
    %dma_wait3A_715 = tpu.memref_squeeze %dma_wait3A_714 : memref<1x32768xf32, #tpu.memory_space<hbm>> -> memref<32768xf32, #tpu.memory_space<hbm>>
    %dma_wait3A_716 = arith.constant 0 : i32
    %dma_wait3A_717 = tpu.memref_slice %arg4[%add3A_624, %dma_wait3A_716] : memref<512x32768xf32, #tpu.memory_space<hbm>> -> memref<1x32768xf32, #tpu.memory_space<hbm>>
    %dma_wait3A_718 = tpu.memref_squeeze %dma_wait3A_717 : memref<1x32768xf32, #tpu.memory_space<hbm>> -> memref<32768xf32, #tpu.memory_space<hbm>>
    tpu.wait_dma2 semaphore(%arg17 : memref<!tpu.dma_semaphore, #tpu.memory_space<semaphore_mem>>) src(%arg6 : memref<32768xf32, #tpu.memory_space<vmem>>) dst(%dma_wait3A_718 : memref<32768xf32, #tpu.memory_space<hbm>>)
    %add3A_719 = arith.constant 8 : i32
    %add3A_720 = arith.addi %add3A_35, %add3A_719 : i32
    %dma_start3A_721 = arith.constant 24576 : i32
    %dma_start3A_722 = tpu.memref_slice %arg2[%add3A_720, %dma_start3A_721] : memref<512x32768xf32, #tpu.memory_space<hbm>> -> memref<1x8192xf32, #tpu.memory_space<hbm>>
    %dma_start3A_723 = tpu.memref_squeeze %dma_start3A_722 : memref<1x8192xf32, #tpu.memory_space<hbm>> -> memref<8192xf32, #tpu.memory_space<hbm>>
    %dma_start3A_724 = arith.constant 24576 : i32
    %dma_start3A_725 = tpu.memref_slice %arg2[%add3A_720, %dma_start3A_724] : memref<512x32768xf32, #tpu.memory_space<hbm>> -> memref<1x8192xf32, #tpu.memory_space<hbm>>
    %dma_start3A_726 = tpu.memref_squeeze %dma_start3A_725 : memref<1x8192xf32, #tpu.memory_space<hbm>> -> memref<8192xf32, #tpu.memory_space<hbm>>
    tpu.enqueue_dma source(%dma_start3A_726 : memref<8192xf32, #tpu.memory_space<hbm>>) target(%arg11 : memref<8192xf32, #tpu.memory_space<vmem>>) target_semaphore(%arg16 : memref<!tpu.dma_semaphore, #tpu.memory_space<semaphore_mem>>)
    %dma_wait3A_727 = arith.constant 0 : i32
    %dma_wait3A_728 = tpu.memref_slice %arg2[%add3A_655, %dma_wait3A_727] : memref<512x32768xf32, #tpu.memory_space<hbm>> -> memref<1x8192xf32, #tpu.memory_space<hbm>>
    %dma_wait3A_729 = tpu.memref_squeeze %dma_wait3A_728 : memref<1x8192xf32, #tpu.memory_space<hbm>> -> memref<8192xf32, #tpu.memory_space<hbm>>
    %dma_wait3A_730 = arith.constant 0 : i32
    %dma_wait3A_731 = tpu.memref_slice %arg2[%add3A_655, %dma_wait3A_730] : memref<512x32768xf32, #tpu.memory_space<hbm>> -> memref<1x8192xf32, #tpu.memory_space<hbm>>
    %dma_wait3A_732 = tpu.memref_squeeze %dma_wait3A_731 : memref<1x8192xf32, #tpu.memory_space<hbm>> -> memref<8192xf32, #tpu.memory_space<hbm>>
    tpu.wait_dma2 semaphore(%arg13 : memref<!tpu.dma_semaphore, #tpu.memory_space<semaphore_mem>>) src(%dma_wait3A_732 : memref<8192xf32, #tpu.memory_space<hbm>>) dst(%arg8 : memref<8192xf32, #tpu.memory_space<vmem>>)
    %parallel_loop3A_733 = arith.constant 0 : i32
    %parallel_loop3A_734 = arith.constant 8192 : i32
    %parallel_loop3A_735 = arith.constant 16 : i32
    scf.for %parallel_loop3A_1357 = %parallel_loop3A_733 to %parallel_loop3A_734 step %parallel_loop3A_735  : i32 {
      %parallel_loop3A_1358 = arith.constant 0 : i32
      %parallel_loop3A_1359 = arith.addi %parallel_loop3A_1358, %parallel_loop3A_1357 : i32
      %parallel_loop3A_1360 = arith.index_cast %parallel_loop3A_1359 : i32 to index
      %parallel_loop3A_1361 = tpu.vector_load %arg5[%parallel_loop3A_1360] {strides = array<i32>} : memref<32768xi32, #tpu.memory_space<vmem>>, vector<16xi32>,
      %parallel_loop3A_1362 = arith.index_cast %parallel_loop3A_1357 : i32 to index
      %parallel_loop3A_1363 = tpu.vector_load %arg8[%parallel_loop3A_1362] {strides = array<i32>} : memref<8192xf32, #tpu.memory_space<vmem>>, vector<16xf32>,
      tpu.vector_store_idx %arg6[%parallel_loop3A_1361], %parallel_loop3A_1363 : memref<32768xf32, #tpu.memory_space<vmem>>[vector<16xi32>], vector<16xf32>,
    } {sc.loop_unroll_factor = 4 : i64, sc.parallel_access}
    %add3A_736 = arith.constant 9 : i32
    %add3A_737 = arith.addi %add3A_35, %add3A_736 : i32
    %dma_start3A_738 = arith.constant 0 : i32
    %dma_start3A_739 = tpu.memref_slice %arg2[%add3A_737, %dma_start3A_738] : memref<512x32768xf32, #tpu.memory_space<hbm>> -> memref<1x8192xf32, #tpu.memory_space<hbm>>
    %dma_start3A_740 = tpu.memref_squeeze %dma_start3A_739 : memref<1x8192xf32, #tpu.memory_space<hbm>> -> memref<8192xf32, #tpu.memory_space<hbm>>
    %dma_start3A_741 = arith.constant 0 : i32
    %dma_start3A_742 = tpu.memref_slice %arg2[%add3A_737, %dma_start3A_741] : memref<512x32768xf32, #tpu.memory_space<hbm>> -> memref<1x8192xf32, #tpu.memory_space<hbm>>
    %dma_start3A_743 = tpu.memref_squeeze %dma_start3A_742 : memref<1x8192xf32, #tpu.memory_space<hbm>> -> memref<8192xf32, #tpu.memory_space<hbm>>
    tpu.enqueue_dma source(%dma_start3A_743 : memref<8192xf32, #tpu.memory_space<hbm>>) target(%arg8 : memref<8192xf32, #tpu.memory_space<vmem>>) target_semaphore(%arg13 : memref<!tpu.dma_semaphore, #tpu.memory_space<semaphore_mem>>)
    %dma_wait3A_744 = arith.constant 8192 : i32
    %dma_wait3A_745 = tpu.memref_slice %arg2[%add3A_672, %dma_wait3A_744] : memref<512x32768xf32, #tpu.memory_space<hbm>> -> memref<1x8192xf32, #tpu.memory_space<hbm>>
    %dma_wait3A_746 = tpu.memref_squeeze %dma_wait3A_745 : memref<1x8192xf32, #tpu.memory_space<hbm>> -> memref<8192xf32, #tpu.memory_space<hbm>>
    %dma_wait3A_747 = arith.constant 8192 : i32
    %dma_wait3A_748 = tpu.memref_slice %arg2[%add3A_672, %dma_wait3A_747] : memref<512x32768xf32, #tpu.memory_space<hbm>> -> memref<1x8192xf32, #tpu.memory_space<hbm>>
    %dma_wait3A_749 = tpu.memref_squeeze %dma_wait3A_748 : memref<1x8192xf32, #tpu.memory_space<hbm>> -> memref<8192xf32, #tpu.memory_space<hbm>>
    tpu.wait_dma2 semaphore(%arg14 : memref<!tpu.dma_semaphore, #tpu.memory_space<semaphore_mem>>) src(%dma_wait3A_749 : memref<8192xf32, #tpu.memory_space<hbm>>) dst(%arg9 : memref<8192xf32, #tpu.memory_space<vmem>>)
    %parallel_loop3A_750 = arith.constant 0 : i32
    %parallel_loop3A_751 = arith.constant 8192 : i32
    %parallel_loop3A_752 = arith.constant 16 : i32
    scf.for %parallel_loop3A_1357 = %parallel_loop3A_750 to %parallel_loop3A_751 step %parallel_loop3A_752  : i32 {
      %parallel_loop3A_1358 = arith.constant 8192 : i32
      %parallel_loop3A_1359 = arith.addi %parallel_loop3A_1358, %parallel_loop3A_1357 : i32
      %parallel_loop3A_1360 = arith.index_cast %parallel_loop3A_1359 : i32 to index
      %parallel_loop3A_1361 = tpu.vector_load %arg5[%parallel_loop3A_1360] {strides = array<i32>} : memref<32768xi32, #tpu.memory_space<vmem>>, vector<16xi32>,
      %parallel_loop3A_1362 = arith.index_cast %parallel_loop3A_1357 : i32 to index
      %parallel_loop3A_1363 = tpu.vector_load %arg9[%parallel_loop3A_1362] {strides = array<i32>} : memref<8192xf32, #tpu.memory_space<vmem>>, vector<16xf32>,
      tpu.vector_store_idx %arg6[%parallel_loop3A_1361], %parallel_loop3A_1363 : memref<32768xf32, #tpu.memory_space<vmem>>[vector<16xi32>], vector<16xf32>,
    } {sc.loop_unroll_factor = 4 : i64, sc.parallel_access}
    %add3A_753 = arith.constant 9 : i32
    %add3A_754 = arith.addi %add3A_35, %add3A_753 : i32
    %dma_start3A_755 = arith.constant 8192 : i32
    %dma_start3A_756 = tpu.memref_slice %arg2[%add3A_754, %dma_start3A_755] : memref<512x32768xf32, #tpu.memory_space<hbm>> -> memref<1x8192xf32, #tpu.memory_space<hbm>>
    %dma_start3A_757 = tpu.memref_squeeze %dma_start3A_756 : memref<1x8192xf32, #tpu.memory_space<hbm>> -> memref<8192xf32, #tpu.memory_space<hbm>>
    %dma_start3A_758 = arith.constant 8192 : i32
    %dma_start3A_759 = tpu.memref_slice %arg2[%add3A_754, %dma_start3A_758] : memref<512x32768xf32, #tpu.memory_space<hbm>> -> memref<1x8192xf32, #tpu.memory_space<hbm>>
    %dma_start3A_760 = tpu.memref_squeeze %dma_start3A_759 : memref<1x8192xf32, #tpu.memory_space<hbm>> -> memref<8192xf32, #tpu.memory_space<hbm>>
    tpu.enqueue_dma source(%dma_start3A_760 : memref<8192xf32, #tpu.memory_space<hbm>>) target(%arg9 : memref<8192xf32, #tpu.memory_space<vmem>>) target_semaphore(%arg14 : memref<!tpu.dma_semaphore, #tpu.memory_space<semaphore_mem>>)
    %dma_wait3A_761 = arith.constant 16384 : i32
    %dma_wait3A_762 = tpu.memref_slice %arg2[%add3A_689, %dma_wait3A_761] : memref<512x32768xf32, #tpu.memory_space<hbm>> -> memref<1x8192xf32, #tpu.memory_space<hbm>>
    %dma_wait3A_763 = tpu.memref_squeeze %dma_wait3A_762 : memref<1x8192xf32, #tpu.memory_space<hbm>> -> memref<8192xf32, #tpu.memory_space<hbm>>
    %dma_wait3A_764 = arith.constant 16384 : i32
    %dma_wait3A_765 = tpu.memref_slice %arg2[%add3A_689, %dma_wait3A_764] : memref<512x32768xf32, #tpu.memory_space<hbm>> -> memref<1x8192xf32, #tpu.memory_space<hbm>>
    %dma_wait3A_766 = tpu.memref_squeeze %dma_wait3A_765 : memref<1x8192xf32, #tpu.memory_space<hbm>> -> memref<8192xf32, #tpu.memory_space<hbm>>
    tpu.wait_dma2 semaphore(%arg15 : memref<!tpu.dma_semaphore, #tpu.memory_space<semaphore_mem>>) src(%dma_wait3A_766 : memref<8192xf32, #tpu.memory_space<hbm>>) dst(%arg10 : memref<8192xf32, #tpu.memory_space<vmem>>)
    %parallel_loop3A_767 = arith.constant 0 : i32
    %parallel_loop3A_768 = arith.constant 8192 : i32
    %parallel_loop3A_769 = arith.constant 16 : i32
    scf.for %parallel_loop3A_1357 = %parallel_loop3A_767 to %parallel_loop3A_768 step %parallel_loop3A_769  : i32 {
      %parallel_loop3A_1358 = arith.constant 16384 : i32
      %parallel_loop3A_1359 = arith.addi %parallel_loop3A_1358, %parallel_loop3A_1357 : i32
      %parallel_loop3A_1360 = arith.index_cast %parallel_loop3A_1359 : i32 to index
      %parallel_loop3A_1361 = tpu.vector_load %arg5[%parallel_loop3A_1360] {strides = array<i32>} : memref<32768xi32, #tpu.memory_space<vmem>>, vector<16xi32>,
      %parallel_loop3A_1362 = arith.index_cast %parallel_loop3A_1357 : i32 to index
      %parallel_loop3A_1363 = tpu.vector_load %arg10[%parallel_loop3A_1362] {strides = array<i32>} : memref<8192xf32, #tpu.memory_space<vmem>>, vector<16xf32>,
      tpu.vector_store_idx %arg6[%parallel_loop3A_1361], %parallel_loop3A_1363 : memref<32768xf32, #tpu.memory_space<vmem>>[vector<16xi32>], vector<16xf32>,
    } {sc.loop_unroll_factor = 4 : i64, sc.parallel_access}
    %add3A_770 = arith.constant 9 : i32
    %add3A_771 = arith.addi %add3A_35, %add3A_770 : i32
    %dma_start3A_772 = arith.constant 16384 : i32
    %dma_start3A_773 = tpu.memref_slice %arg2[%add3A_771, %dma_start3A_772] : memref<512x32768xf32, #tpu.memory_space<hbm>> -> memref<1x8192xf32, #tpu.memory_space<hbm>>
    %dma_start3A_774 = tpu.memref_squeeze %dma_start3A_773 : memref<1x8192xf32, #tpu.memory_space<hbm>> -> memref<8192xf32, #tpu.memory_space<hbm>>
    %dma_start3A_775 = arith.constant 16384 : i32
    %dma_start3A_776 = tpu.memref_slice %arg2[%add3A_771, %dma_start3A_775] : memref<512x32768xf32, #tpu.memory_space<hbm>> -> memref<1x8192xf32, #tpu.memory_space<hbm>>
    %dma_start3A_777 = tpu.memref_squeeze %dma_start3A_776 : memref<1x8192xf32, #tpu.memory_space<hbm>> -> memref<8192xf32, #tpu.memory_space<hbm>>
    tpu.enqueue_dma source(%dma_start3A_777 : memref<8192xf32, #tpu.memory_space<hbm>>) target(%arg10 : memref<8192xf32, #tpu.memory_space<vmem>>) target_semaphore(%arg15 : memref<!tpu.dma_semaphore, #tpu.memory_space<semaphore_mem>>)
    %dma_wait3A_778 = arith.constant 24576 : i32
    %dma_wait3A_779 = tpu.memref_slice %arg2[%add3A_720, %dma_wait3A_778] : memref<512x32768xf32, #tpu.memory_space<hbm>> -> memref<1x8192xf32, #tpu.memory_space<hbm>>
    %dma_wait3A_780 = tpu.memref_squeeze %dma_wait3A_779 : memref<1x8192xf32, #tpu.memory_space<hbm>> -> memref<8192xf32, #tpu.memory_space<hbm>>
    %dma_wait3A_781 = arith.constant 24576 : i32
    %dma_wait3A_782 = tpu.memref_slice %arg2[%add3A_720, %dma_wait3A_781] : memref<512x32768xf32, #tpu.memory_space<hbm>> -> memref<1x8192xf32, #tpu.memory_space<hbm>>
    %dma_wait3A_783 = tpu.memref_squeeze %dma_wait3A_782 : memref<1x8192xf32, #tpu.memory_space<hbm>> -> memref<8192xf32, #tpu.memory_space<hbm>>
    tpu.wait_dma2 semaphore(%arg16 : memref<!tpu.dma_semaphore, #tpu.memory_space<semaphore_mem>>) src(%dma_wait3A_783 : memref<8192xf32, #tpu.memory_space<hbm>>) dst(%arg11 : memref<8192xf32, #tpu.memory_space<vmem>>)
    %parallel_loop3A_784 = arith.constant 0 : i32
    %parallel_loop3A_785 = arith.constant 8192 : i32
    %parallel_loop3A_786 = arith.constant 16 : i32
    scf.for %parallel_loop3A_1357 = %parallel_loop3A_784 to %parallel_loop3A_785 step %parallel_loop3A_786  : i32 {
      %parallel_loop3A_1358 = arith.constant 24576 : i32
      %parallel_loop3A_1359 = arith.addi %parallel_loop3A_1358, %parallel_loop3A_1357 : i32
      %parallel_loop3A_1360 = arith.index_cast %parallel_loop3A_1359 : i32 to index
      %parallel_loop3A_1361 = tpu.vector_load %arg5[%parallel_loop3A_1360] {strides = array<i32>} : memref<32768xi32, #tpu.memory_space<vmem>>, vector<16xi32>,
      %parallel_loop3A_1362 = arith.index_cast %parallel_loop3A_1357 : i32 to index
      %parallel_loop3A_1363 = tpu.vector_load %arg11[%parallel_loop3A_1362] {strides = array<i32>} : memref<8192xf32, #tpu.memory_space<vmem>>, vector<16xf32>,
      tpu.vector_store_idx %arg6[%parallel_loop3A_1361], %parallel_loop3A_1363 : memref<32768xf32, #tpu.memory_space<vmem>>[vector<16xi32>], vector<16xf32>,
    } {sc.loop_unroll_factor = 4 : i64, sc.parallel_access}
    %add3A_787 = arith.constant 8 : i32
    %add3A_788 = arith.addi %add3A_35, %add3A_787 : i32
    %dma_start3A_789 = arith.constant 0 : i32
    %dma_start3A_790 = tpu.memref_slice %arg4[%add3A_788, %dma_start3A_789] : memref<512x32768xf32, #tpu.memory_space<hbm>> -> memref<1x32768xf32, #tpu.memory_space<hbm>>
    %dma_start3A_791 = tpu.memref_squeeze %dma_start3A_790 : memref<1x32768xf32, #tpu.memory_space<hbm>> -> memref<32768xf32, #tpu.memory_space<hbm>>
    %dma_start3A_792 = arith.constant 0 : i32
    %dma_start3A_793 = tpu.memref_slice %arg4[%add3A_788, %dma_start3A_792] : memref<512x32768xf32, #tpu.memory_space<hbm>> -> memref<1x32768xf32, #tpu.memory_space<hbm>>
    %dma_start3A_794 = tpu.memref_squeeze %dma_start3A_793 : memref<1x32768xf32, #tpu.memory_space<hbm>> -> memref<32768xf32, #tpu.memory_space<hbm>>
    tpu.enqueue_dma source(%arg6 : memref<32768xf32, #tpu.memory_space<vmem>>) target(%dma_start3A_794 : memref<32768xf32, #tpu.memory_space<hbm>>) target_semaphore(%arg17 : memref<!tpu.dma_semaphore, #tpu.memory_space<semaphore_mem>>)
    %dma_wait3A_795 = arith.constant 0 : i32
    %dma_wait3A_796 = tpu.memref_slice %arg4[%add3A_706, %dma_wait3A_795] : memref<512x32768xf32, #tpu.memory_space<hbm>> -> memref<1x32768xf32, #tpu.memory_space<hbm>>
    %dma_wait3A_797 = tpu.memref_squeeze %dma_wait3A_796 : memref<1x32768xf32, #tpu.memory_space<hbm>> -> memref<32768xf32, #tpu.memory_space<hbm>>
    %dma_wait3A_798 = arith.constant 0 : i32
    %dma_wait3A_799 = tpu.memref_slice %arg4[%add3A_706, %dma_wait3A_798] : memref<512x32768xf32, #tpu.memory_space<hbm>> -> memref<1x32768xf32, #tpu.memory_space<hbm>>
    %dma_wait3A_800 = tpu.memref_squeeze %dma_wait3A_799 : memref<1x32768xf32, #tpu.memory_space<hbm>> -> memref<32768xf32, #tpu.memory_space<hbm>>
    tpu.wait_dma2 semaphore(%arg18 : memref<!tpu.dma_semaphore, #tpu.memory_space<semaphore_mem>>) src(%arg7 : memref<32768xf32, #tpu.memory_space<vmem>>) dst(%dma_wait3A_800 : memref<32768xf32, #tpu.memory_space<hbm>>)
    %add3A_801 = arith.constant 9 : i32
    %add3A_802 = arith.addi %add3A_35, %add3A_801 : i32
    %dma_start3A_803 = arith.constant 24576 : i32
    %dma_start3A_804 = tpu.memref_slice %arg2[%add3A_802, %dma_start3A_803] : memref<512x32768xf32, #tpu.memory_space<hbm>> -> memref<1x8192xf32, #tpu.memory_space<hbm>>
    %dma_start3A_805 = tpu.memref_squeeze %dma_start3A_804 : memref<1x8192xf32, #tpu.memory_space<hbm>> -> memref<8192xf32, #tpu.memory_space<hbm>>
    %dma_start3A_806 = arith.constant 24576 : i32
    %dma_start3A_807 = tpu.memref_slice %arg2[%add3A_802, %dma_start3A_806] : memref<512x32768xf32, #tpu.memory_space<hbm>> -> memref<1x8192xf32, #tpu.memory_space<hbm>>
    %dma_start3A_808 = tpu.memref_squeeze %dma_start3A_807 : memref<1x8192xf32, #tpu.memory_space<hbm>> -> memref<8192xf32, #tpu.memory_space<hbm>>
    tpu.enqueue_dma source(%dma_start3A_808 : memref<8192xf32, #tpu.memory_space<hbm>>) target(%arg11 : memref<8192xf32, #tpu.memory_space<vmem>>) target_semaphore(%arg16 : memref<!tpu.dma_semaphore, #tpu.memory_space<semaphore_mem>>)
    %dma_wait3A_809 = arith.constant 0 : i32
    %dma_wait3A_810 = tpu.memref_slice %arg2[%add3A_737, %dma_wait3A_809] : memref<512x32768xf32, #tpu.memory_space<hbm>> -> memref<1x8192xf32, #tpu.memory_space<hbm>>
    %dma_wait3A_811 = tpu.memref_squeeze %dma_wait3A_810 : memref<1x8192xf32, #tpu.memory_space<hbm>> -> memref<8192xf32, #tpu.memory_space<hbm>>
    %dma_wait3A_812 = arith.constant 0 : i32
    %dma_wait3A_813 = tpu.memref_slice %arg2[%add3A_737, %dma_wait3A_812] : memref<512x32768xf32, #tpu.memory_space<hbm>> -> memref<1x8192xf32, #tpu.memory_space<hbm>>
    %dma_wait3A_814 = tpu.memref_squeeze %dma_wait3A_813 : memref<1x8192xf32, #tpu.memory_space<hbm>> -> memref<8192xf32, #tpu.memory_space<hbm>>
    tpu.wait_dma2 semaphore(%arg13 : memref<!tpu.dma_semaphore, #tpu.memory_space<semaphore_mem>>) src(%dma_wait3A_814 : memref<8192xf32, #tpu.memory_space<hbm>>) dst(%arg8 : memref<8192xf32, #tpu.memory_space<vmem>>)
    %parallel_loop3A_815 = arith.constant 0 : i32
    %parallel_loop3A_816 = arith.constant 8192 : i32
    %parallel_loop3A_817 = arith.constant 16 : i32
    scf.for %parallel_loop3A_1357 = %parallel_loop3A_815 to %parallel_loop3A_816 step %parallel_loop3A_817  : i32 {
      %parallel_loop3A_1358 = arith.constant 0 : i32
      %parallel_loop3A_1359 = arith.addi %parallel_loop3A_1358, %parallel_loop3A_1357 : i32
      %parallel_loop3A_1360 = arith.index_cast %parallel_loop3A_1359 : i32 to index
      %parallel_loop3A_1361 = tpu.vector_load %arg5[%parallel_loop3A_1360] {strides = array<i32>} : memref<32768xi32, #tpu.memory_space<vmem>>, vector<16xi32>,
      %parallel_loop3A_1362 = arith.index_cast %parallel_loop3A_1357 : i32 to index
      %parallel_loop3A_1363 = tpu.vector_load %arg8[%parallel_loop3A_1362] {strides = array<i32>} : memref<8192xf32, #tpu.memory_space<vmem>>, vector<16xf32>,
      tpu.vector_store_idx %arg7[%parallel_loop3A_1361], %parallel_loop3A_1363 : memref<32768xf32, #tpu.memory_space<vmem>>[vector<16xi32>], vector<16xf32>,
    } {sc.loop_unroll_factor = 4 : i64, sc.parallel_access}
    %add3A_818 = arith.constant 10 : i32
    %add3A_819 = arith.addi %add3A_35, %add3A_818 : i32
    %dma_start3A_820 = arith.constant 0 : i32
    %dma_start3A_821 = tpu.memref_slice %arg2[%add3A_819, %dma_start3A_820] : memref<512x32768xf32, #tpu.memory_space<hbm>> -> memref<1x8192xf32, #tpu.memory_space<hbm>>
    %dma_start3A_822 = tpu.memref_squeeze %dma_start3A_821 : memref<1x8192xf32, #tpu.memory_space<hbm>> -> memref<8192xf32, #tpu.memory_space<hbm>>
    %dma_start3A_823 = arith.constant 0 : i32
    %dma_start3A_824 = tpu.memref_slice %arg2[%add3A_819, %dma_start3A_823] : memref<512x32768xf32, #tpu.memory_space<hbm>> -> memref<1x8192xf32, #tpu.memory_space<hbm>>
    %dma_start3A_825 = tpu.memref_squeeze %dma_start3A_824 : memref<1x8192xf32, #tpu.memory_space<hbm>> -> memref<8192xf32, #tpu.memory_space<hbm>>
    tpu.enqueue_dma source(%dma_start3A_825 : memref<8192xf32, #tpu.memory_space<hbm>>) target(%arg8 : memref<8192xf32, #tpu.memory_space<vmem>>) target_semaphore(%arg13 : memref<!tpu.dma_semaphore, #tpu.memory_space<semaphore_mem>>)
    %dma_wait3A_826 = arith.constant 8192 : i32
    %dma_wait3A_827 = tpu.memref_slice %arg2[%add3A_754, %dma_wait3A_826] : memref<512x32768xf32, #tpu.memory_space<hbm>> -> memref<1x8192xf32, #tpu.memory_space<hbm>>
    %dma_wait3A_828 = tpu.memref_squeeze %dma_wait3A_827 : memref<1x8192xf32, #tpu.memory_space<hbm>> -> memref<8192xf32, #tpu.memory_space<hbm>>
    %dma_wait3A_829 = arith.constant 8192 : i32
    %dma_wait3A_830 = tpu.memref_slice %arg2[%add3A_754, %dma_wait3A_829] : memref<512x32768xf32, #tpu.memory_space<hbm>> -> memref<1x8192xf32, #tpu.memory_space<hbm>>
    %dma_wait3A_831 = tpu.memref_squeeze %dma_wait3A_830 : memref<1x8192xf32, #tpu.memory_space<hbm>> -> memref<8192xf32, #tpu.memory_space<hbm>>
    tpu.wait_dma2 semaphore(%arg14 : memref<!tpu.dma_semaphore, #tpu.memory_space<semaphore_mem>>) src(%dma_wait3A_831 : memref<8192xf32, #tpu.memory_space<hbm>>) dst(%arg9 : memref<8192xf32, #tpu.memory_space<vmem>>)
    %parallel_loop3A_832 = arith.constant 0 : i32
    %parallel_loop3A_833 = arith.constant 8192 : i32
    %parallel_loop3A_834 = arith.constant 16 : i32
    scf.for %parallel_loop3A_1357 = %parallel_loop3A_832 to %parallel_loop3A_833 step %parallel_loop3A_834  : i32 {
      %parallel_loop3A_1358 = arith.constant 8192 : i32
      %parallel_loop3A_1359 = arith.addi %parallel_loop3A_1358, %parallel_loop3A_1357 : i32
      %parallel_loop3A_1360 = arith.index_cast %parallel_loop3A_1359 : i32 to index
      %parallel_loop3A_1361 = tpu.vector_load %arg5[%parallel_loop3A_1360] {strides = array<i32>} : memref<32768xi32, #tpu.memory_space<vmem>>, vector<16xi32>,
      %parallel_loop3A_1362 = arith.index_cast %parallel_loop3A_1357 : i32 to index
      %parallel_loop3A_1363 = tpu.vector_load %arg9[%parallel_loop3A_1362] {strides = array<i32>} : memref<8192xf32, #tpu.memory_space<vmem>>, vector<16xf32>,
      tpu.vector_store_idx %arg7[%parallel_loop3A_1361], %parallel_loop3A_1363 : memref<32768xf32, #tpu.memory_space<vmem>>[vector<16xi32>], vector<16xf32>,
    } {sc.loop_unroll_factor = 4 : i64, sc.parallel_access}
    %add3A_835 = arith.constant 10 : i32
    %add3A_836 = arith.addi %add3A_35, %add3A_835 : i32
    %dma_start3A_837 = arith.constant 8192 : i32
    %dma_start3A_838 = tpu.memref_slice %arg2[%add3A_836, %dma_start3A_837] : memref<512x32768xf32, #tpu.memory_space<hbm>> -> memref<1x8192xf32, #tpu.memory_space<hbm>>
    %dma_start3A_839 = tpu.memref_squeeze %dma_start3A_838 : memref<1x8192xf32, #tpu.memory_space<hbm>> -> memref<8192xf32, #tpu.memory_space<hbm>>
    %dma_start3A_840 = arith.constant 8192 : i32
    %dma_start3A_841 = tpu.memref_slice %arg2[%add3A_836, %dma_start3A_840] : memref<512x32768xf32, #tpu.memory_space<hbm>> -> memref<1x8192xf32, #tpu.memory_space<hbm>>
    %dma_start3A_842 = tpu.memref_squeeze %dma_start3A_841 : memref<1x8192xf32, #tpu.memory_space<hbm>> -> memref<8192xf32, #tpu.memory_space<hbm>>
    tpu.enqueue_dma source(%dma_start3A_842 : memref<8192xf32, #tpu.memory_space<hbm>>) target(%arg9 : memref<8192xf32, #tpu.memory_space<vmem>>) target_semaphore(%arg14 : memref<!tpu.dma_semaphore, #tpu.memory_space<semaphore_mem>>)
    %dma_wait3A_843 = arith.constant 16384 : i32
    %dma_wait3A_844 = tpu.memref_slice %arg2[%add3A_771, %dma_wait3A_843] : memref<512x32768xf32, #tpu.memory_space<hbm>> -> memref<1x8192xf32, #tpu.memory_space<hbm>>
    %dma_wait3A_845 = tpu.memref_squeeze %dma_wait3A_844 : memref<1x8192xf32, #tpu.memory_space<hbm>> -> memref<8192xf32, #tpu.memory_space<hbm>>
    %dma_wait3A_846 = arith.constant 16384 : i32
    %dma_wait3A_847 = tpu.memref_slice %arg2[%add3A_771, %dma_wait3A_846] : memref<512x32768xf32, #tpu.memory_space<hbm>> -> memref<1x8192xf32, #tpu.memory_space<hbm>>
    %dma_wait3A_848 = tpu.memref_squeeze %dma_wait3A_847 : memref<1x8192xf32, #tpu.memory_space<hbm>> -> memref<8192xf32, #tpu.memory_space<hbm>>
    tpu.wait_dma2 semaphore(%arg15 : memref<!tpu.dma_semaphore, #tpu.memory_space<semaphore_mem>>) src(%dma_wait3A_848 : memref<8192xf32, #tpu.memory_space<hbm>>) dst(%arg10 : memref<8192xf32, #tpu.memory_space<vmem>>)
    %parallel_loop3A_849 = arith.constant 0 : i32
    %parallel_loop3A_850 = arith.constant 8192 : i32
    %parallel_loop3A_851 = arith.constant 16 : i32
    scf.for %parallel_loop3A_1357 = %parallel_loop3A_849 to %parallel_loop3A_850 step %parallel_loop3A_851  : i32 {
      %parallel_loop3A_1358 = arith.constant 16384 : i32
      %parallel_loop3A_1359 = arith.addi %parallel_loop3A_1358, %parallel_loop3A_1357 : i32
      %parallel_loop3A_1360 = arith.index_cast %parallel_loop3A_1359 : i32 to index
      %parallel_loop3A_1361 = tpu.vector_load %arg5[%parallel_loop3A_1360] {strides = array<i32>} : memref<32768xi32, #tpu.memory_space<vmem>>, vector<16xi32>,
      %parallel_loop3A_1362 = arith.index_cast %parallel_loop3A_1357 : i32 to index
      %parallel_loop3A_1363 = tpu.vector_load %arg10[%parallel_loop3A_1362] {strides = array<i32>} : memref<8192xf32, #tpu.memory_space<vmem>>, vector<16xf32>,
      tpu.vector_store_idx %arg7[%parallel_loop3A_1361], %parallel_loop3A_1363 : memref<32768xf32, #tpu.memory_space<vmem>>[vector<16xi32>], vector<16xf32>,
    } {sc.loop_unroll_factor = 4 : i64, sc.parallel_access}
    %add3A_852 = arith.constant 10 : i32
    %add3A_853 = arith.addi %add3A_35, %add3A_852 : i32
    %dma_start3A_854 = arith.constant 16384 : i32
    %dma_start3A_855 = tpu.memref_slice %arg2[%add3A_853, %dma_start3A_854] : memref<512x32768xf32, #tpu.memory_space<hbm>> -> memref<1x8192xf32, #tpu.memory_space<hbm>>
    %dma_start3A_856 = tpu.memref_squeeze %dma_start3A_855 : memref<1x8192xf32, #tpu.memory_space<hbm>> -> memref<8192xf32, #tpu.memory_space<hbm>>
    %dma_start3A_857 = arith.constant 16384 : i32
    %dma_start3A_858 = tpu.memref_slice %arg2[%add3A_853, %dma_start3A_857] : memref<512x32768xf32, #tpu.memory_space<hbm>> -> memref<1x8192xf32, #tpu.memory_space<hbm>>
    %dma_start3A_859 = tpu.memref_squeeze %dma_start3A_858 : memref<1x8192xf32, #tpu.memory_space<hbm>> -> memref<8192xf32, #tpu.memory_space<hbm>>
    tpu.enqueue_dma source(%dma_start3A_859 : memref<8192xf32, #tpu.memory_space<hbm>>) target(%arg10 : memref<8192xf32, #tpu.memory_space<vmem>>) target_semaphore(%arg15 : memref<!tpu.dma_semaphore, #tpu.memory_space<semaphore_mem>>)
    %dma_wait3A_860 = arith.constant 24576 : i32
    %dma_wait3A_861 = tpu.memref_slice %arg2[%add3A_802, %dma_wait3A_860] : memref<512x32768xf32, #tpu.memory_space<hbm>> -> memref<1x8192xf32, #tpu.memory_space<hbm>>
    %dma_wait3A_862 = tpu.memref_squeeze %dma_wait3A_861 : memref<1x8192xf32, #tpu.memory_space<hbm>> -> memref<8192xf32, #tpu.memory_space<hbm>>
    %dma_wait3A_863 = arith.constant 24576 : i32
    %dma_wait3A_864 = tpu.memref_slice %arg2[%add3A_802, %dma_wait3A_863] : memref<512x32768xf32, #tpu.memory_space<hbm>> -> memref<1x8192xf32, #tpu.memory_space<hbm>>
    %dma_wait3A_865 = tpu.memref_squeeze %dma_wait3A_864 : memref<1x8192xf32, #tpu.memory_space<hbm>> -> memref<8192xf32, #tpu.memory_space<hbm>>
    tpu.wait_dma2 semaphore(%arg16 : memref<!tpu.dma_semaphore, #tpu.memory_space<semaphore_mem>>) src(%dma_wait3A_865 : memref<8192xf32, #tpu.memory_space<hbm>>) dst(%arg11 : memref<8192xf32, #tpu.memory_space<vmem>>)
    %parallel_loop3A_866 = arith.constant 0 : i32
    %parallel_loop3A_867 = arith.constant 8192 : i32
    %parallel_loop3A_868 = arith.constant 16 : i32
    scf.for %parallel_loop3A_1357 = %parallel_loop3A_866 to %parallel_loop3A_867 step %parallel_loop3A_868  : i32 {
      %parallel_loop3A_1358 = arith.constant 24576 : i32
      %parallel_loop3A_1359 = arith.addi %parallel_loop3A_1358, %parallel_loop3A_1357 : i32
      %parallel_loop3A_1360 = arith.index_cast %parallel_loop3A_1359 : i32 to index
      %parallel_loop3A_1361 = tpu.vector_load %arg5[%parallel_loop3A_1360] {strides = array<i32>} : memref<32768xi32, #tpu.memory_space<vmem>>, vector<16xi32>,
      %parallel_loop3A_1362 = arith.index_cast %parallel_loop3A_1357 : i32 to index
      %parallel_loop3A_1363 = tpu.vector_load %arg11[%parallel_loop3A_1362] {strides = array<i32>} : memref<8192xf32, #tpu.memory_space<vmem>>, vector<16xf32>,
      tpu.vector_store_idx %arg7[%parallel_loop3A_1361], %parallel_loop3A_1363 : memref<32768xf32, #tpu.memory_space<vmem>>[vector<16xi32>], vector<16xf32>,
    } {sc.loop_unroll_factor = 4 : i64, sc.parallel_access}
    %add3A_869 = arith.constant 9 : i32
    %add3A_870 = arith.addi %add3A_35, %add3A_869 : i32
    %dma_start3A_871 = arith.constant 0 : i32
    %dma_start3A_872 = tpu.memref_slice %arg4[%add3A_870, %dma_start3A_871] : memref<512x32768xf32, #tpu.memory_space<hbm>> -> memref<1x32768xf32, #tpu.memory_space<hbm>>
    %dma_start3A_873 = tpu.memref_squeeze %dma_start3A_872 : memref<1x32768xf32, #tpu.memory_space<hbm>> -> memref<32768xf32, #tpu.memory_space<hbm>>
    %dma_start3A_874 = arith.constant 0 : i32
    %dma_start3A_875 = tpu.memref_slice %arg4[%add3A_870, %dma_start3A_874] : memref<512x32768xf32, #tpu.memory_space<hbm>> -> memref<1x32768xf32, #tpu.memory_space<hbm>>
    %dma_start3A_876 = tpu.memref_squeeze %dma_start3A_875 : memref<1x32768xf32, #tpu.memory_space<hbm>> -> memref<32768xf32, #tpu.memory_space<hbm>>
    tpu.enqueue_dma source(%arg7 : memref<32768xf32, #tpu.memory_space<vmem>>) target(%dma_start3A_876 : memref<32768xf32, #tpu.memory_space<hbm>>) target_semaphore(%arg18 : memref<!tpu.dma_semaphore, #tpu.memory_space<semaphore_mem>>)
    %dma_wait3A_877 = arith.constant 0 : i32
    %dma_wait3A_878 = tpu.memref_slice %arg4[%add3A_788, %dma_wait3A_877] : memref<512x32768xf32, #tpu.memory_space<hbm>> -> memref<1x32768xf32, #tpu.memory_space<hbm>>
    %dma_wait3A_879 = tpu.memref_squeeze %dma_wait3A_878 : memref<1x32768xf32, #tpu.memory_space<hbm>> -> memref<32768xf32, #tpu.memory_space<hbm>>
    %dma_wait3A_880 = arith.constant 0 : i32
    %dma_wait3A_881 = tpu.memref_slice %arg4[%add3A_788, %dma_wait3A_880] : memref<512x32768xf32, #tpu.memory_space<hbm>> -> memref<1x32768xf32, #tpu.memory_space<hbm>>
    %dma_wait3A_882 = tpu.memref_squeeze %dma_wait3A_881 : memref<1x32768xf32, #tpu.memory_space<hbm>> -> memref<32768xf32, #tpu.memory_space<hbm>>
    tpu.wait_dma2 semaphore(%arg17 : memref<!tpu.dma_semaphore, #tpu.memory_space<semaphore_mem>>) src(%arg6 : memref<32768xf32, #tpu.memory_space<vmem>>) dst(%dma_wait3A_882 : memref<32768xf32, #tpu.memory_space<hbm>>)
    %add3A_883 = arith.constant 10 : i32
    %add3A_884 = arith.addi %add3A_35, %add3A_883 : i32
    %dma_start3A_885 = arith.constant 24576 : i32
    %dma_start3A_886 = tpu.memref_slice %arg2[%add3A_884, %dma_start3A_885] : memref<512x32768xf32, #tpu.memory_space<hbm>> -> memref<1x8192xf32, #tpu.memory_space<hbm>>
    %dma_start3A_887 = tpu.memref_squeeze %dma_start3A_886 : memref<1x8192xf32, #tpu.memory_space<hbm>> -> memref<8192xf32, #tpu.memory_space<hbm>>
    %dma_start3A_888 = arith.constant 24576 : i32
    %dma_start3A_889 = tpu.memref_slice %arg2[%add3A_884, %dma_start3A_888] : memref<512x32768xf32, #tpu.memory_space<hbm>> -> memref<1x8192xf32, #tpu.memory_space<hbm>>
    %dma_start3A_890 = tpu.memref_squeeze %dma_start3A_889 : memref<1x8192xf32, #tpu.memory_space<hbm>> -> memref<8192xf32, #tpu.memory_space<hbm>>
    tpu.enqueue_dma source(%dma_start3A_890 : memref<8192xf32, #tpu.memory_space<hbm>>) target(%arg11 : memref<8192xf32, #tpu.memory_space<vmem>>) target_semaphore(%arg16 : memref<!tpu.dma_semaphore, #tpu.memory_space<semaphore_mem>>)
    %dma_wait3A_891 = arith.constant 0 : i32
    %dma_wait3A_892 = tpu.memref_slice %arg2[%add3A_819, %dma_wait3A_891] : memref<512x32768xf32, #tpu.memory_space<hbm>> -> memref<1x8192xf32, #tpu.memory_space<hbm>>
    %dma_wait3A_893 = tpu.memref_squeeze %dma_wait3A_892 : memref<1x8192xf32, #tpu.memory_space<hbm>> -> memref<8192xf32, #tpu.memory_space<hbm>>
    %dma_wait3A_894 = arith.constant 0 : i32
    %dma_wait3A_895 = tpu.memref_slice %arg2[%add3A_819, %dma_wait3A_894] : memref<512x32768xf32, #tpu.memory_space<hbm>> -> memref<1x8192xf32, #tpu.memory_space<hbm>>
    %dma_wait3A_896 = tpu.memref_squeeze %dma_wait3A_895 : memref<1x8192xf32, #tpu.memory_space<hbm>> -> memref<8192xf32, #tpu.memory_space<hbm>>
    tpu.wait_dma2 semaphore(%arg13 : memref<!tpu.dma_semaphore, #tpu.memory_space<semaphore_mem>>) src(%dma_wait3A_896 : memref<8192xf32, #tpu.memory_space<hbm>>) dst(%arg8 : memref<8192xf32, #tpu.memory_space<vmem>>)
    %parallel_loop3A_897 = arith.constant 0 : i32
    %parallel_loop3A_898 = arith.constant 8192 : i32
    %parallel_loop3A_899 = arith.constant 16 : i32
    scf.for %parallel_loop3A_1357 = %parallel_loop3A_897 to %parallel_loop3A_898 step %parallel_loop3A_899  : i32 {
      %parallel_loop3A_1358 = arith.constant 0 : i32
      %parallel_loop3A_1359 = arith.addi %parallel_loop3A_1358, %parallel_loop3A_1357 : i32
      %parallel_loop3A_1360 = arith.index_cast %parallel_loop3A_1359 : i32 to index
      %parallel_loop3A_1361 = tpu.vector_load %arg5[%parallel_loop3A_1360] {strides = array<i32>} : memref<32768xi32, #tpu.memory_space<vmem>>, vector<16xi32>,
      %parallel_loop3A_1362 = arith.index_cast %parallel_loop3A_1357 : i32 to index
      %parallel_loop3A_1363 = tpu.vector_load %arg8[%parallel_loop3A_1362] {strides = array<i32>} : memref<8192xf32, #tpu.memory_space<vmem>>, vector<16xf32>,
      tpu.vector_store_idx %arg6[%parallel_loop3A_1361], %parallel_loop3A_1363 : memref<32768xf32, #tpu.memory_space<vmem>>[vector<16xi32>], vector<16xf32>,
    } {sc.loop_unroll_factor = 4 : i64, sc.parallel_access}
    %add3A_900 = arith.constant 11 : i32
    %add3A_901 = arith.addi %add3A_35, %add3A_900 : i32
    %dma_start3A_902 = arith.constant 0 : i32
    %dma_start3A_903 = tpu.memref_slice %arg2[%add3A_901, %dma_start3A_902] : memref<512x32768xf32, #tpu.memory_space<hbm>> -> memref<1x8192xf32, #tpu.memory_space<hbm>>
    %dma_start3A_904 = tpu.memref_squeeze %dma_start3A_903 : memref<1x8192xf32, #tpu.memory_space<hbm>> -> memref<8192xf32, #tpu.memory_space<hbm>>
    %dma_start3A_905 = arith.constant 0 : i32
    %dma_start3A_906 = tpu.memref_slice %arg2[%add3A_901, %dma_start3A_905] : memref<512x32768xf32, #tpu.memory_space<hbm>> -> memref<1x8192xf32, #tpu.memory_space<hbm>>
    %dma_start3A_907 = tpu.memref_squeeze %dma_start3A_906 : memref<1x8192xf32, #tpu.memory_space<hbm>> -> memref<8192xf32, #tpu.memory_space<hbm>>
    tpu.enqueue_dma source(%dma_start3A_907 : memref<8192xf32, #tpu.memory_space<hbm>>) target(%arg8 : memref<8192xf32, #tpu.memory_space<vmem>>) target_semaphore(%arg13 : memref<!tpu.dma_semaphore, #tpu.memory_space<semaphore_mem>>)
    %dma_wait3A_908 = arith.constant 8192 : i32
    %dma_wait3A_909 = tpu.memref_slice %arg2[%add3A_836, %dma_wait3A_908] : memref<512x32768xf32, #tpu.memory_space<hbm>> -> memref<1x8192xf32, #tpu.memory_space<hbm>>
    %dma_wait3A_910 = tpu.memref_squeeze %dma_wait3A_909 : memref<1x8192xf32, #tpu.memory_space<hbm>> -> memref<8192xf32, #tpu.memory_space<hbm>>
    %dma_wait3A_911 = arith.constant 8192 : i32
    %dma_wait3A_912 = tpu.memref_slice %arg2[%add3A_836, %dma_wait3A_911] : memref<512x32768xf32, #tpu.memory_space<hbm>> -> memref<1x8192xf32, #tpu.memory_space<hbm>>
    %dma_wait3A_913 = tpu.memref_squeeze %dma_wait3A_912 : memref<1x8192xf32, #tpu.memory_space<hbm>> -> memref<8192xf32, #tpu.memory_space<hbm>>
    tpu.wait_dma2 semaphore(%arg14 : memref<!tpu.dma_semaphore, #tpu.memory_space<semaphore_mem>>) src(%dma_wait3A_913 : memref<8192xf32, #tpu.memory_space<hbm>>) dst(%arg9 : memref<8192xf32, #tpu.memory_space<vmem>>)
    %parallel_loop3A_914 = arith.constant 0 : i32
    %parallel_loop3A_915 = arith.constant 8192 : i32
    %parallel_loop3A_916 = arith.constant 16 : i32
    scf.for %parallel_loop3A_1357 = %parallel_loop3A_914 to %parallel_loop3A_915 step %parallel_loop3A_916  : i32 {
      %parallel_loop3A_1358 = arith.constant 8192 : i32
      %parallel_loop3A_1359 = arith.addi %parallel_loop3A_1358, %parallel_loop3A_1357 : i32
      %parallel_loop3A_1360 = arith.index_cast %parallel_loop3A_1359 : i32 to index
      %parallel_loop3A_1361 = tpu.vector_load %arg5[%parallel_loop3A_1360] {strides = array<i32>} : memref<32768xi32, #tpu.memory_space<vmem>>, vector<16xi32>,
      %parallel_loop3A_1362 = arith.index_cast %parallel_loop3A_1357 : i32 to index
      %parallel_loop3A_1363 = tpu.vector_load %arg9[%parallel_loop3A_1362] {strides = array<i32>} : memref<8192xf32, #tpu.memory_space<vmem>>, vector<16xf32>,
      tpu.vector_store_idx %arg6[%parallel_loop3A_1361], %parallel_loop3A_1363 : memref<32768xf32, #tpu.memory_space<vmem>>[vector<16xi32>], vector<16xf32>,
    } {sc.loop_unroll_factor = 4 : i64, sc.parallel_access}
    %add3A_917 = arith.constant 11 : i32
    %add3A_918 = arith.addi %add3A_35, %add3A_917 : i32
    %dma_start3A_919 = arith.constant 8192 : i32
    %dma_start3A_920 = tpu.memref_slice %arg2[%add3A_918, %dma_start3A_919] : memref<512x32768xf32, #tpu.memory_space<hbm>> -> memref<1x8192xf32, #tpu.memory_space<hbm>>
    %dma_start3A_921 = tpu.memref_squeeze %dma_start3A_920 : memref<1x8192xf32, #tpu.memory_space<hbm>> -> memref<8192xf32, #tpu.memory_space<hbm>>
    %dma_start3A_922 = arith.constant 8192 : i32
    %dma_start3A_923 = tpu.memref_slice %arg2[%add3A_918, %dma_start3A_922] : memref<512x32768xf32, #tpu.memory_space<hbm>> -> memref<1x8192xf32, #tpu.memory_space<hbm>>
    %dma_start3A_924 = tpu.memref_squeeze %dma_start3A_923 : memref<1x8192xf32, #tpu.memory_space<hbm>> -> memref<8192xf32, #tpu.memory_space<hbm>>
    tpu.enqueue_dma source(%dma_start3A_924 : memref<8192xf32, #tpu.memory_space<hbm>>) target(%arg9 : memref<8192xf32, #tpu.memory_space<vmem>>) target_semaphore(%arg14 : memref<!tpu.dma_semaphore, #tpu.memory_space<semaphore_mem>>)
    %dma_wait3A_925 = arith.constant 16384 : i32
    %dma_wait3A_926 = tpu.memref_slice %arg2[%add3A_853, %dma_wait3A_925] : memref<512x32768xf32, #tpu.memory_space<hbm>> -> memref<1x8192xf32, #tpu.memory_space<hbm>>
    %dma_wait3A_927 = tpu.memref_squeeze %dma_wait3A_926 : memref<1x8192xf32, #tpu.memory_space<hbm>> -> memref<8192xf32, #tpu.memory_space<hbm>>
    %dma_wait3A_928 = arith.constant 16384 : i32
    %dma_wait3A_929 = tpu.memref_slice %arg2[%add3A_853, %dma_wait3A_928] : memref<512x32768xf32, #tpu.memory_space<hbm>> -> memref<1x8192xf32, #tpu.memory_space<hbm>>
    %dma_wait3A_930 = tpu.memref_squeeze %dma_wait3A_929 : memref<1x8192xf32, #tpu.memory_space<hbm>> -> memref<8192xf32, #tpu.memory_space<hbm>>
    tpu.wait_dma2 semaphore(%arg15 : memref<!tpu.dma_semaphore, #tpu.memory_space<semaphore_mem>>) src(%dma_wait3A_930 : memref<8192xf32, #tpu.memory_space<hbm>>) dst(%arg10 : memref<8192xf32, #tpu.memory_space<vmem>>)
    %parallel_loop3A_931 = arith.constant 0 : i32
    %parallel_loop3A_932 = arith.constant 8192 : i32
    %parallel_loop3A_933 = arith.constant 16 : i32
    scf.for %parallel_loop3A_1357 = %parallel_loop3A_931 to %parallel_loop3A_932 step %parallel_loop3A_933  : i32 {
      %parallel_loop3A_1358 = arith.constant 16384 : i32
      %parallel_loop3A_1359 = arith.addi %parallel_loop3A_1358, %parallel_loop3A_1357 : i32
      %parallel_loop3A_1360 = arith.index_cast %parallel_loop3A_1359 : i32 to index
      %parallel_loop3A_1361 = tpu.vector_load %arg5[%parallel_loop3A_1360] {strides = array<i32>} : memref<32768xi32, #tpu.memory_space<vmem>>, vector<16xi32>,
      %parallel_loop3A_1362 = arith.index_cast %parallel_loop3A_1357 : i32 to index
      %parallel_loop3A_1363 = tpu.vector_load %arg10[%parallel_loop3A_1362] {strides = array<i32>} : memref<8192xf32, #tpu.memory_space<vmem>>, vector<16xf32>,
      tpu.vector_store_idx %arg6[%parallel_loop3A_1361], %parallel_loop3A_1363 : memref<32768xf32, #tpu.memory_space<vmem>>[vector<16xi32>], vector<16xf32>,
    } {sc.loop_unroll_factor = 4 : i64, sc.parallel_access}
    %add3A_934 = arith.constant 11 : i32
    %add3A_935 = arith.addi %add3A_35, %add3A_934 : i32
    %dma_start3A_936 = arith.constant 16384 : i32
    %dma_start3A_937 = tpu.memref_slice %arg2[%add3A_935, %dma_start3A_936] : memref<512x32768xf32, #tpu.memory_space<hbm>> -> memref<1x8192xf32, #tpu.memory_space<hbm>>
    %dma_start3A_938 = tpu.memref_squeeze %dma_start3A_937 : memref<1x8192xf32, #tpu.memory_space<hbm>> -> memref<8192xf32, #tpu.memory_space<hbm>>
    %dma_start3A_939 = arith.constant 16384 : i32
    %dma_start3A_940 = tpu.memref_slice %arg2[%add3A_935, %dma_start3A_939] : memref<512x32768xf32, #tpu.memory_space<hbm>> -> memref<1x8192xf32, #tpu.memory_space<hbm>>
    %dma_start3A_941 = tpu.memref_squeeze %dma_start3A_940 : memref<1x8192xf32, #tpu.memory_space<hbm>> -> memref<8192xf32, #tpu.memory_space<hbm>>
    tpu.enqueue_dma source(%dma_start3A_941 : memref<8192xf32, #tpu.memory_space<hbm>>) target(%arg10 : memref<8192xf32, #tpu.memory_space<vmem>>) target_semaphore(%arg15 : memref<!tpu.dma_semaphore, #tpu.memory_space<semaphore_mem>>)
    %dma_wait3A_942 = arith.constant 24576 : i32
    %dma_wait3A_943 = tpu.memref_slice %arg2[%add3A_884, %dma_wait3A_942] : memref<512x32768xf32, #tpu.memory_space<hbm>> -> memref<1x8192xf32, #tpu.memory_space<hbm>>
    %dma_wait3A_944 = tpu.memref_squeeze %dma_wait3A_943 : memref<1x8192xf32, #tpu.memory_space<hbm>> -> memref<8192xf32, #tpu.memory_space<hbm>>
    %dma_wait3A_945 = arith.constant 24576 : i32
    %dma_wait3A_946 = tpu.memref_slice %arg2[%add3A_884, %dma_wait3A_945] : memref<512x32768xf32, #tpu.memory_space<hbm>> -> memref<1x8192xf32, #tpu.memory_space<hbm>>
    %dma_wait3A_947 = tpu.memref_squeeze %dma_wait3A_946 : memref<1x8192xf32, #tpu.memory_space<hbm>> -> memref<8192xf32, #tpu.memory_space<hbm>>
    tpu.wait_dma2 semaphore(%arg16 : memref<!tpu.dma_semaphore, #tpu.memory_space<semaphore_mem>>) src(%dma_wait3A_947 : memref<8192xf32, #tpu.memory_space<hbm>>) dst(%arg11 : memref<8192xf32, #tpu.memory_space<vmem>>)
    %parallel_loop3A_948 = arith.constant 0 : i32
    %parallel_loop3A_949 = arith.constant 8192 : i32
    %parallel_loop3A_950 = arith.constant 16 : i32
    scf.for %parallel_loop3A_1357 = %parallel_loop3A_948 to %parallel_loop3A_949 step %parallel_loop3A_950  : i32 {
      %parallel_loop3A_1358 = arith.constant 24576 : i32
      %parallel_loop3A_1359 = arith.addi %parallel_loop3A_1358, %parallel_loop3A_1357 : i32
      %parallel_loop3A_1360 = arith.index_cast %parallel_loop3A_1359 : i32 to index
      %parallel_loop3A_1361 = tpu.vector_load %arg5[%parallel_loop3A_1360] {strides = array<i32>} : memref<32768xi32, #tpu.memory_space<vmem>>, vector<16xi32>,
      %parallel_loop3A_1362 = arith.index_cast %parallel_loop3A_1357 : i32 to index
      %parallel_loop3A_1363 = tpu.vector_load %arg11[%parallel_loop3A_1362] {strides = array<i32>} : memref<8192xf32, #tpu.memory_space<vmem>>, vector<16xf32>,
      tpu.vector_store_idx %arg6[%parallel_loop3A_1361], %parallel_loop3A_1363 : memref<32768xf32, #tpu.memory_space<vmem>>[vector<16xi32>], vector<16xf32>,
    } {sc.loop_unroll_factor = 4 : i64, sc.parallel_access}
    %add3A_951 = arith.constant 10 : i32
    %add3A_952 = arith.addi %add3A_35, %add3A_951 : i32
    %dma_start3A_953 = arith.constant 0 : i32
    %dma_start3A_954 = tpu.memref_slice %arg4[%add3A_952, %dma_start3A_953] : memref<512x32768xf32, #tpu.memory_space<hbm>> -> memref<1x32768xf32, #tpu.memory_space<hbm>>
    %dma_start3A_955 = tpu.memref_squeeze %dma_start3A_954 : memref<1x32768xf32, #tpu.memory_space<hbm>> -> memref<32768xf32, #tpu.memory_space<hbm>>
    %dma_start3A_956 = arith.constant 0 : i32
    %dma_start3A_957 = tpu.memref_slice %arg4[%add3A_952, %dma_start3A_956] : memref<512x32768xf32, #tpu.memory_space<hbm>> -> memref<1x32768xf32, #tpu.memory_space<hbm>>
    %dma_start3A_958 = tpu.memref_squeeze %dma_start3A_957 : memref<1x32768xf32, #tpu.memory_space<hbm>> -> memref<32768xf32, #tpu.memory_space<hbm>>
    tpu.enqueue_dma source(%arg6 : memref<32768xf32, #tpu.memory_space<vmem>>) target(%dma_start3A_958 : memref<32768xf32, #tpu.memory_space<hbm>>) target_semaphore(%arg17 : memref<!tpu.dma_semaphore, #tpu.memory_space<semaphore_mem>>)
    %dma_wait3A_959 = arith.constant 0 : i32
    %dma_wait3A_960 = tpu.memref_slice %arg4[%add3A_870, %dma_wait3A_959] : memref<512x32768xf32, #tpu.memory_space<hbm>> -> memref<1x32768xf32, #tpu.memory_space<hbm>>
    %dma_wait3A_961 = tpu.memref_squeeze %dma_wait3A_960 : memref<1x32768xf32, #tpu.memory_space<hbm>> -> memref<32768xf32, #tpu.memory_space<hbm>>
    %dma_wait3A_962 = arith.constant 0 : i32
    %dma_wait3A_963 = tpu.memref_slice %arg4[%add3A_870, %dma_wait3A_962] : memref<512x32768xf32, #tpu.memory_space<hbm>> -> memref<1x32768xf32, #tpu.memory_space<hbm>>
    %dma_wait3A_964 = tpu.memref_squeeze %dma_wait3A_963 : memref<1x32768xf32, #tpu.memory_space<hbm>> -> memref<32768xf32, #tpu.memory_space<hbm>>
    tpu.wait_dma2 semaphore(%arg18 : memref<!tpu.dma_semaphore, #tpu.memory_space<semaphore_mem>>) src(%arg7 : memref<32768xf32, #tpu.memory_space<vmem>>) dst(%dma_wait3A_964 : memref<32768xf32, #tpu.memory_space<hbm>>)
    %add3A_965 = arith.constant 11 : i32
    %add3A_966 = arith.addi %add3A_35, %add3A_965 : i32
    %dma_start3A_967 = arith.constant 24576 : i32
    %dma_start3A_968 = tpu.memref_slice %arg2[%add3A_966, %dma_start3A_967] : memref<512x32768xf32, #tpu.memory_space<hbm>> -> memref<1x8192xf32, #tpu.memory_space<hbm>>
    %dma_start3A_969 = tpu.memref_squeeze %dma_start3A_968 : memref<1x8192xf32, #tpu.memory_space<hbm>> -> memref<8192xf32, #tpu.memory_space<hbm>>
    %dma_start3A_970 = arith.constant 24576 : i32
    %dma_start3A_971 = tpu.memref_slice %arg2[%add3A_966, %dma_start3A_970] : memref<512x32768xf32, #tpu.memory_space<hbm>> -> memref<1x8192xf32, #tpu.memory_space<hbm>>
    %dma_start3A_972 = tpu.memref_squeeze %dma_start3A_971 : memref<1x8192xf32, #tpu.memory_space<hbm>> -> memref<8192xf32, #tpu.memory_space<hbm>>
    tpu.enqueue_dma source(%dma_start3A_972 : memref<8192xf32, #tpu.memory_space<hbm>>) target(%arg11 : memref<8192xf32, #tpu.memory_space<vmem>>) target_semaphore(%arg16 : memref<!tpu.dma_semaphore, #tpu.memory_space<semaphore_mem>>)
    %dma_wait3A_973 = arith.constant 0 : i32
    %dma_wait3A_974 = tpu.memref_slice %arg2[%add3A_901, %dma_wait3A_973] : memref<512x32768xf32, #tpu.memory_space<hbm>> -> memref<1x8192xf32, #tpu.memory_space<hbm>>
    %dma_wait3A_975 = tpu.memref_squeeze %dma_wait3A_974 : memref<1x8192xf32, #tpu.memory_space<hbm>> -> memref<8192xf32, #tpu.memory_space<hbm>>
    %dma_wait3A_976 = arith.constant 0 : i32
    %dma_wait3A_977 = tpu.memref_slice %arg2[%add3A_901, %dma_wait3A_976] : memref<512x32768xf32, #tpu.memory_space<hbm>> -> memref<1x8192xf32, #tpu.memory_space<hbm>>
    %dma_wait3A_978 = tpu.memref_squeeze %dma_wait3A_977 : memref<1x8192xf32, #tpu.memory_space<hbm>> -> memref<8192xf32, #tpu.memory_space<hbm>>
    tpu.wait_dma2 semaphore(%arg13 : memref<!tpu.dma_semaphore, #tpu.memory_space<semaphore_mem>>) src(%dma_wait3A_978 : memref<8192xf32, #tpu.memory_space<hbm>>) dst(%arg8 : memref<8192xf32, #tpu.memory_space<vmem>>)
    %parallel_loop3A_979 = arith.constant 0 : i32
    %parallel_loop3A_980 = arith.constant 8192 : i32
    %parallel_loop3A_981 = arith.constant 16 : i32
    scf.for %parallel_loop3A_1357 = %parallel_loop3A_979 to %parallel_loop3A_980 step %parallel_loop3A_981  : i32 {
      %parallel_loop3A_1358 = arith.constant 0 : i32
      %parallel_loop3A_1359 = arith.addi %parallel_loop3A_1358, %parallel_loop3A_1357 : i32
      %parallel_loop3A_1360 = arith.index_cast %parallel_loop3A_1359 : i32 to index
      %parallel_loop3A_1361 = tpu.vector_load %arg5[%parallel_loop3A_1360] {strides = array<i32>} : memref<32768xi32, #tpu.memory_space<vmem>>, vector<16xi32>,
      %parallel_loop3A_1362 = arith.index_cast %parallel_loop3A_1357 : i32 to index
      %parallel_loop3A_1363 = tpu.vector_load %arg8[%parallel_loop3A_1362] {strides = array<i32>} : memref<8192xf32, #tpu.memory_space<vmem>>, vector<16xf32>,
      tpu.vector_store_idx %arg7[%parallel_loop3A_1361], %parallel_loop3A_1363 : memref<32768xf32, #tpu.memory_space<vmem>>[vector<16xi32>], vector<16xf32>,
    } {sc.loop_unroll_factor = 4 : i64, sc.parallel_access}
    %add3A_982 = arith.constant 12 : i32
    %add3A_983 = arith.addi %add3A_35, %add3A_982 : i32
    %dma_start3A_984 = arith.constant 0 : i32
    %dma_start3A_985 = tpu.memref_slice %arg2[%add3A_983, %dma_start3A_984] : memref<512x32768xf32, #tpu.memory_space<hbm>> -> memref<1x8192xf32, #tpu.memory_space<hbm>>
    %dma_start3A_986 = tpu.memref_squeeze %dma_start3A_985 : memref<1x8192xf32, #tpu.memory_space<hbm>> -> memref<8192xf32, #tpu.memory_space<hbm>>
    %dma_start3A_987 = arith.constant 0 : i32
    %dma_start3A_988 = tpu.memref_slice %arg2[%add3A_983, %dma_start3A_987] : memref<512x32768xf32, #tpu.memory_space<hbm>> -> memref<1x8192xf32, #tpu.memory_space<hbm>>
    %dma_start3A_989 = tpu.memref_squeeze %dma_start3A_988 : memref<1x8192xf32, #tpu.memory_space<hbm>> -> memref<8192xf32, #tpu.memory_space<hbm>>
    tpu.enqueue_dma source(%dma_start3A_989 : memref<8192xf32, #tpu.memory_space<hbm>>) target(%arg8 : memref<8192xf32, #tpu.memory_space<vmem>>) target_semaphore(%arg13 : memref<!tpu.dma_semaphore, #tpu.memory_space<semaphore_mem>>)
    %dma_wait3A_990 = arith.constant 8192 : i32
    %dma_wait3A_991 = tpu.memref_slice %arg2[%add3A_918, %dma_wait3A_990] : memref<512x32768xf32, #tpu.memory_space<hbm>> -> memref<1x8192xf32, #tpu.memory_space<hbm>>
    %dma_wait3A_992 = tpu.memref_squeeze %dma_wait3A_991 : memref<1x8192xf32, #tpu.memory_space<hbm>> -> memref<8192xf32, #tpu.memory_space<hbm>>
    %dma_wait3A_993 = arith.constant 8192 : i32
    %dma_wait3A_994 = tpu.memref_slice %arg2[%add3A_918, %dma_wait3A_993] : memref<512x32768xf32, #tpu.memory_space<hbm>> -> memref<1x8192xf32, #tpu.memory_space<hbm>>
    %dma_wait3A_995 = tpu.memref_squeeze %dma_wait3A_994 : memref<1x8192xf32, #tpu.memory_space<hbm>> -> memref<8192xf32, #tpu.memory_space<hbm>>
    tpu.wait_dma2 semaphore(%arg14 : memref<!tpu.dma_semaphore, #tpu.memory_space<semaphore_mem>>) src(%dma_wait3A_995 : memref<8192xf32, #tpu.memory_space<hbm>>) dst(%arg9 : memref<8192xf32, #tpu.memory_space<vmem>>)
    %parallel_loop3A_996 = arith.constant 0 : i32
    %parallel_loop3A_997 = arith.constant 8192 : i32
    %parallel_loop3A_998 = arith.constant 16 : i32
    scf.for %parallel_loop3A_1357 = %parallel_loop3A_996 to %parallel_loop3A_997 step %parallel_loop3A_998  : i32 {
      %parallel_loop3A_1358 = arith.constant 8192 : i32
      %parallel_loop3A_1359 = arith.addi %parallel_loop3A_1358, %parallel_loop3A_1357 : i32
      %parallel_loop3A_1360 = arith.index_cast %parallel_loop3A_1359 : i32 to index
      %parallel_loop3A_1361 = tpu.vector_load %arg5[%parallel_loop3A_1360] {strides = array<i32>} : memref<32768xi32, #tpu.memory_space<vmem>>, vector<16xi32>,
      %parallel_loop3A_1362 = arith.index_cast %parallel_loop3A_1357 : i32 to index
      %parallel_loop3A_1363 = tpu.vector_load %arg9[%parallel_loop3A_1362] {strides = array<i32>} : memref<8192xf32, #tpu.memory_space<vmem>>, vector<16xf32>,
      tpu.vector_store_idx %arg7[%parallel_loop3A_1361], %parallel_loop3A_1363 : memref<32768xf32, #tpu.memory_space<vmem>>[vector<16xi32>], vector<16xf32>,
    } {sc.loop_unroll_factor = 4 : i64, sc.parallel_access}
    %add3A_999 = arith.constant 12 : i32
    %add3A_1000 = arith.addi %add3A_35, %add3A_999 : i32
    %dma_start3A_1001 = arith.constant 8192 : i32
    %dma_start3A_1002 = tpu.memref_slice %arg2[%add3A_1000, %dma_start3A_1001] : memref<512x32768xf32, #tpu.memory_space<hbm>> -> memref<1x8192xf32, #tpu.memory_space<hbm>>
    %dma_start3A_1003 = tpu.memref_squeeze %dma_start3A_1002 : memref<1x8192xf32, #tpu.memory_space<hbm>> -> memref<8192xf32, #tpu.memory_space<hbm>>
    %dma_start3A_1004 = arith.constant 8192 : i32
    %dma_start3A_1005 = tpu.memref_slice %arg2[%add3A_1000, %dma_start3A_1004] : memref<512x32768xf32, #tpu.memory_space<hbm>> -> memref<1x8192xf32, #tpu.memory_space<hbm>>
    %dma_start3A_1006 = tpu.memref_squeeze %dma_start3A_1005 : memref<1x8192xf32, #tpu.memory_space<hbm>> -> memref<8192xf32, #tpu.memory_space<hbm>>
    tpu.enqueue_dma source(%dma_start3A_1006 : memref<8192xf32, #tpu.memory_space<hbm>>) target(%arg9 : memref<8192xf32, #tpu.memory_space<vmem>>) target_semaphore(%arg14 : memref<!tpu.dma_semaphore, #tpu.memory_space<semaphore_mem>>)
    %dma_wait3A_1007 = arith.constant 16384 : i32
    %dma_wait3A_1008 = tpu.memref_slice %arg2[%add3A_935, %dma_wait3A_1007] : memref<512x32768xf32, #tpu.memory_space<hbm>> -> memref<1x8192xf32, #tpu.memory_space<hbm>>
    %dma_wait3A_1009 = tpu.memref_squeeze %dma_wait3A_1008 : memref<1x8192xf32, #tpu.memory_space<hbm>> -> memref<8192xf32, #tpu.memory_space<hbm>>
    %dma_wait3A_1010 = arith.constant 16384 : i32
    %dma_wait3A_1011 = tpu.memref_slice %arg2[%add3A_935, %dma_wait3A_1010] : memref<512x32768xf32, #tpu.memory_space<hbm>> -> memref<1x8192xf32, #tpu.memory_space<hbm>>
    %dma_wait3A_1012 = tpu.memref_squeeze %dma_wait3A_1011 : memref<1x8192xf32, #tpu.memory_space<hbm>> -> memref<8192xf32, #tpu.memory_space<hbm>>
    tpu.wait_dma2 semaphore(%arg15 : memref<!tpu.dma_semaphore, #tpu.memory_space<semaphore_mem>>) src(%dma_wait3A_1012 : memref<8192xf32, #tpu.memory_space<hbm>>) dst(%arg10 : memref<8192xf32, #tpu.memory_space<vmem>>)
    %parallel_loop3A_1013 = arith.constant 0 : i32
    %parallel_loop3A_1014 = arith.constant 8192 : i32
    %parallel_loop3A_1015 = arith.constant 16 : i32
    scf.for %parallel_loop3A_1357 = %parallel_loop3A_1013 to %parallel_loop3A_1014 step %parallel_loop3A_1015  : i32 {
      %parallel_loop3A_1358 = arith.constant 16384 : i32
      %parallel_loop3A_1359 = arith.addi %parallel_loop3A_1358, %parallel_loop3A_1357 : i32
      %parallel_loop3A_1360 = arith.index_cast %parallel_loop3A_1359 : i32 to index
      %parallel_loop3A_1361 = tpu.vector_load %arg5[%parallel_loop3A_1360] {strides = array<i32>} : memref<32768xi32, #tpu.memory_space<vmem>>, vector<16xi32>,
      %parallel_loop3A_1362 = arith.index_cast %parallel_loop3A_1357 : i32 to index
      %parallel_loop3A_1363 = tpu.vector_load %arg10[%parallel_loop3A_1362] {strides = array<i32>} : memref<8192xf32, #tpu.memory_space<vmem>>, vector<16xf32>,
      tpu.vector_store_idx %arg7[%parallel_loop3A_1361], %parallel_loop3A_1363 : memref<32768xf32, #tpu.memory_space<vmem>>[vector<16xi32>], vector<16xf32>,
    } {sc.loop_unroll_factor = 4 : i64, sc.parallel_access}
    %add3A_1016 = arith.constant 12 : i32
    %add3A_1017 = arith.addi %add3A_35, %add3A_1016 : i32
    %dma_start3A_1018 = arith.constant 16384 : i32
    %dma_start3A_1019 = tpu.memref_slice %arg2[%add3A_1017, %dma_start3A_1018] : memref<512x32768xf32, #tpu.memory_space<hbm>> -> memref<1x8192xf32, #tpu.memory_space<hbm>>
    %dma_start3A_1020 = tpu.memref_squeeze %dma_start3A_1019 : memref<1x8192xf32, #tpu.memory_space<hbm>> -> memref<8192xf32, #tpu.memory_space<hbm>>
    %dma_start3A_1021 = arith.constant 16384 : i32
    %dma_start3A_1022 = tpu.memref_slice %arg2[%add3A_1017, %dma_start3A_1021] : memref<512x32768xf32, #tpu.memory_space<hbm>> -> memref<1x8192xf32, #tpu.memory_space<hbm>>
    %dma_start3A_1023 = tpu.memref_squeeze %dma_start3A_1022 : memref<1x8192xf32, #tpu.memory_space<hbm>> -> memref<8192xf32, #tpu.memory_space<hbm>>
    tpu.enqueue_dma source(%dma_start3A_1023 : memref<8192xf32, #tpu.memory_space<hbm>>) target(%arg10 : memref<8192xf32, #tpu.memory_space<vmem>>) target_semaphore(%arg15 : memref<!tpu.dma_semaphore, #tpu.memory_space<semaphore_mem>>)
    %dma_wait3A_1024 = arith.constant 24576 : i32
    %dma_wait3A_1025 = tpu.memref_slice %arg2[%add3A_966, %dma_wait3A_1024] : memref<512x32768xf32, #tpu.memory_space<hbm>> -> memref<1x8192xf32, #tpu.memory_space<hbm>>
    %dma_wait3A_1026 = tpu.memref_squeeze %dma_wait3A_1025 : memref<1x8192xf32, #tpu.memory_space<hbm>> -> memref<8192xf32, #tpu.memory_space<hbm>>
    %dma_wait3A_1027 = arith.constant 24576 : i32
    %dma_wait3A_1028 = tpu.memref_slice %arg2[%add3A_966, %dma_wait3A_1027] : memref<512x32768xf32, #tpu.memory_space<hbm>> -> memref<1x8192xf32, #tpu.memory_space<hbm>>
    %dma_wait3A_1029 = tpu.memref_squeeze %dma_wait3A_1028 : memref<1x8192xf32, #tpu.memory_space<hbm>> -> memref<8192xf32, #tpu.memory_space<hbm>>
    tpu.wait_dma2 semaphore(%arg16 : memref<!tpu.dma_semaphore, #tpu.memory_space<semaphore_mem>>) src(%dma_wait3A_1029 : memref<8192xf32, #tpu.memory_space<hbm>>) dst(%arg11 : memref<8192xf32, #tpu.memory_space<vmem>>)
    %parallel_loop3A_1030 = arith.constant 0 : i32
    %parallel_loop3A_1031 = arith.constant 8192 : i32
    %parallel_loop3A_1032 = arith.constant 16 : i32
    scf.for %parallel_loop3A_1357 = %parallel_loop3A_1030 to %parallel_loop3A_1031 step %parallel_loop3A_1032  : i32 {
      %parallel_loop3A_1358 = arith.constant 24576 : i32
      %parallel_loop3A_1359 = arith.addi %parallel_loop3A_1358, %parallel_loop3A_1357 : i32
      %parallel_loop3A_1360 = arith.index_cast %parallel_loop3A_1359 : i32 to index
      %parallel_loop3A_1361 = tpu.vector_load %arg5[%parallel_loop3A_1360] {strides = array<i32>} : memref<32768xi32, #tpu.memory_space<vmem>>, vector<16xi32>,
      %parallel_loop3A_1362 = arith.index_cast %parallel_loop3A_1357 : i32 to index
      %parallel_loop3A_1363 = tpu.vector_load %arg11[%parallel_loop3A_1362] {strides = array<i32>} : memref<8192xf32, #tpu.memory_space<vmem>>, vector<16xf32>,
      tpu.vector_store_idx %arg7[%parallel_loop3A_1361], %parallel_loop3A_1363 : memref<32768xf32, #tpu.memory_space<vmem>>[vector<16xi32>], vector<16xf32>,
    } {sc.loop_unroll_factor = 4 : i64, sc.parallel_access}
    %add3A_1033 = arith.constant 11 : i32
    %add3A_1034 = arith.addi %add3A_35, %add3A_1033 : i32
    %dma_start3A_1035 = arith.constant 0 : i32
    %dma_start3A_1036 = tpu.memref_slice %arg4[%add3A_1034, %dma_start3A_1035] : memref<512x32768xf32, #tpu.memory_space<hbm>> -> memref<1x32768xf32, #tpu.memory_space<hbm>>
    %dma_start3A_1037 = tpu.memref_squeeze %dma_start3A_1036 : memref<1x32768xf32, #tpu.memory_space<hbm>> -> memref<32768xf32, #tpu.memory_space<hbm>>
    %dma_start3A_1038 = arith.constant 0 : i32
    %dma_start3A_1039 = tpu.memref_slice %arg4[%add3A_1034, %dma_start3A_1038] : memref<512x32768xf32, #tpu.memory_space<hbm>> -> memref<1x32768xf32, #tpu.memory_space<hbm>>
    %dma_start3A_1040 = tpu.memref_squeeze %dma_start3A_1039 : memref<1x32768xf32, #tpu.memory_space<hbm>> -> memref<32768xf32, #tpu.memory_space<hbm>>
    tpu.enqueue_dma source(%arg7 : memref<32768xf32, #tpu.memory_space<vmem>>) target(%dma_start3A_1040 : memref<32768xf32, #tpu.memory_space<hbm>>) target_semaphore(%arg18 : memref<!tpu.dma_semaphore, #tpu.memory_space<semaphore_mem>>)
    %dma_wait3A_1041 = arith.constant 0 : i32
    %dma_wait3A_1042 = tpu.memref_slice %arg4[%add3A_952, %dma_wait3A_1041] : memref<512x32768xf32, #tpu.memory_space<hbm>> -> memref<1x32768xf32, #tpu.memory_space<hbm>>
    %dma_wait3A_1043 = tpu.memref_squeeze %dma_wait3A_1042 : memref<1x32768xf32, #tpu.memory_space<hbm>> -> memref<32768xf32, #tpu.memory_space<hbm>>
    %dma_wait3A_1044 = arith.constant 0 : i32
    %dma_wait3A_1045 = tpu.memref_slice %arg4[%add3A_952, %dma_wait3A_1044] : memref<512x32768xf32, #tpu.memory_space<hbm>> -> memref<1x32768xf32, #tpu.memory_space<hbm>>
    %dma_wait3A_1046 = tpu.memref_squeeze %dma_wait3A_1045 : memref<1x32768xf32, #tpu.memory_space<hbm>> -> memref<32768xf32, #tpu.memory_space<hbm>>
    tpu.wait_dma2 semaphore(%arg17 : memref<!tpu.dma_semaphore, #tpu.memory_space<semaphore_mem>>) src(%arg6 : memref<32768xf32, #tpu.memory_space<vmem>>) dst(%dma_wait3A_1046 : memref<32768xf32, #tpu.memory_space<hbm>>)
    %add3A_1047 = arith.constant 12 : i32
    %add3A_1048 = arith.addi %add3A_35, %add3A_1047 : i32
    %dma_start3A_1049 = arith.constant 24576 : i32
    %dma_start3A_1050 = tpu.memref_slice %arg2[%add3A_1048, %dma_start3A_1049] : memref<512x32768xf32, #tpu.memory_space<hbm>> -> memref<1x8192xf32, #tpu.memory_space<hbm>>
    %dma_start3A_1051 = tpu.memref_squeeze %dma_start3A_1050 : memref<1x8192xf32, #tpu.memory_space<hbm>> -> memref<8192xf32, #tpu.memory_space<hbm>>
    %dma_start3A_1052 = arith.constant 24576 : i32
    %dma_start3A_1053 = tpu.memref_slice %arg2[%add3A_1048, %dma_start3A_1052] : memref<512x32768xf32, #tpu.memory_space<hbm>> -> memref<1x8192xf32, #tpu.memory_space<hbm>>
    %dma_start3A_1054 = tpu.memref_squeeze %dma_start3A_1053 : memref<1x8192xf32, #tpu.memory_space<hbm>> -> memref<8192xf32, #tpu.memory_space<hbm>>
    tpu.enqueue_dma source(%dma_start3A_1054 : memref<8192xf32, #tpu.memory_space<hbm>>) target(%arg11 : memref<8192xf32, #tpu.memory_space<vmem>>) target_semaphore(%arg16 : memref<!tpu.dma_semaphore, #tpu.memory_space<semaphore_mem>>)
    %dma_wait3A_1055 = arith.constant 0 : i32
    %dma_wait3A_1056 = tpu.memref_slice %arg2[%add3A_983, %dma_wait3A_1055] : memref<512x32768xf32, #tpu.memory_space<hbm>> -> memref<1x8192xf32, #tpu.memory_space<hbm>>
    %dma_wait3A_1057 = tpu.memref_squeeze %dma_wait3A_1056 : memref<1x8192xf32, #tpu.memory_space<hbm>> -> memref<8192xf32, #tpu.memory_space<hbm>>
    %dma_wait3A_1058 = arith.constant 0 : i32
    %dma_wait3A_1059 = tpu.memref_slice %arg2[%add3A_983, %dma_wait3A_1058] : memref<512x32768xf32, #tpu.memory_space<hbm>> -> memref<1x8192xf32, #tpu.memory_space<hbm>>
    %dma_wait3A_1060 = tpu.memref_squeeze %dma_wait3A_1059 : memref<1x8192xf32, #tpu.memory_space<hbm>> -> memref<8192xf32, #tpu.memory_space<hbm>>
    tpu.wait_dma2 semaphore(%arg13 : memref<!tpu.dma_semaphore, #tpu.memory_space<semaphore_mem>>) src(%dma_wait3A_1060 : memref<8192xf32, #tpu.memory_space<hbm>>) dst(%arg8 : memref<8192xf32, #tpu.memory_space<vmem>>)
    %parallel_loop3A_1061 = arith.constant 0 : i32
    %parallel_loop3A_1062 = arith.constant 8192 : i32
    %parallel_loop3A_1063 = arith.constant 16 : i32
    scf.for %parallel_loop3A_1357 = %parallel_loop3A_1061 to %parallel_loop3A_1062 step %parallel_loop3A_1063  : i32 {
      %parallel_loop3A_1358 = arith.constant 0 : i32
      %parallel_loop3A_1359 = arith.addi %parallel_loop3A_1358, %parallel_loop3A_1357 : i32
      %parallel_loop3A_1360 = arith.index_cast %parallel_loop3A_1359 : i32 to index
      %parallel_loop3A_1361 = tpu.vector_load %arg5[%parallel_loop3A_1360] {strides = array<i32>} : memref<32768xi32, #tpu.memory_space<vmem>>, vector<16xi32>,
      %parallel_loop3A_1362 = arith.index_cast %parallel_loop3A_1357 : i32 to index
      %parallel_loop3A_1363 = tpu.vector_load %arg8[%parallel_loop3A_1362] {strides = array<i32>} : memref<8192xf32, #tpu.memory_space<vmem>>, vector<16xf32>,
      tpu.vector_store_idx %arg6[%parallel_loop3A_1361], %parallel_loop3A_1363 : memref<32768xf32, #tpu.memory_space<vmem>>[vector<16xi32>], vector<16xf32>,
    } {sc.loop_unroll_factor = 4 : i64, sc.parallel_access}
    %add3A_1064 = arith.constant 13 : i32
    %add3A_1065 = arith.addi %add3A_35, %add3A_1064 : i32
    %dma_start3A_1066 = arith.constant 0 : i32
    %dma_start3A_1067 = tpu.memref_slice %arg2[%add3A_1065, %dma_start3A_1066] : memref<512x32768xf32, #tpu.memory_space<hbm>> -> memref<1x8192xf32, #tpu.memory_space<hbm>>
    %dma_start3A_1068 = tpu.memref_squeeze %dma_start3A_1067 : memref<1x8192xf32, #tpu.memory_space<hbm>> -> memref<8192xf32, #tpu.memory_space<hbm>>
    %dma_start3A_1069 = arith.constant 0 : i32
    %dma_start3A_1070 = tpu.memref_slice %arg2[%add3A_1065, %dma_start3A_1069] : memref<512x32768xf32, #tpu.memory_space<hbm>> -> memref<1x8192xf32, #tpu.memory_space<hbm>>
    %dma_start3A_1071 = tpu.memref_squeeze %dma_start3A_1070 : memref<1x8192xf32, #tpu.memory_space<hbm>> -> memref<8192xf32, #tpu.memory_space<hbm>>
    tpu.enqueue_dma source(%dma_start3A_1071 : memref<8192xf32, #tpu.memory_space<hbm>>) target(%arg8 : memref<8192xf32, #tpu.memory_space<vmem>>) target_semaphore(%arg13 : memref<!tpu.dma_semaphore, #tpu.memory_space<semaphore_mem>>)
    %dma_wait3A_1072 = arith.constant 8192 : i32
    %dma_wait3A_1073 = tpu.memref_slice %arg2[%add3A_1000, %dma_wait3A_1072] : memref<512x32768xf32, #tpu.memory_space<hbm>> -> memref<1x8192xf32, #tpu.memory_space<hbm>>
    %dma_wait3A_1074 = tpu.memref_squeeze %dma_wait3A_1073 : memref<1x8192xf32, #tpu.memory_space<hbm>> -> memref<8192xf32, #tpu.memory_space<hbm>>
    %dma_wait3A_1075 = arith.constant 8192 : i32
    %dma_wait3A_1076 = tpu.memref_slice %arg2[%add3A_1000, %dma_wait3A_1075] : memref<512x32768xf32, #tpu.memory_space<hbm>> -> memref<1x8192xf32, #tpu.memory_space<hbm>>
    %dma_wait3A_1077 = tpu.memref_squeeze %dma_wait3A_1076 : memref<1x8192xf32, #tpu.memory_space<hbm>> -> memref<8192xf32, #tpu.memory_space<hbm>>
    tpu.wait_dma2 semaphore(%arg14 : memref<!tpu.dma_semaphore, #tpu.memory_space<semaphore_mem>>) src(%dma_wait3A_1077 : memref<8192xf32, #tpu.memory_space<hbm>>) dst(%arg9 : memref<8192xf32, #tpu.memory_space<vmem>>)
    %parallel_loop3A_1078 = arith.constant 0 : i32
    %parallel_loop3A_1079 = arith.constant 8192 : i32
    %parallel_loop3A_1080 = arith.constant 16 : i32
    scf.for %parallel_loop3A_1357 = %parallel_loop3A_1078 to %parallel_loop3A_1079 step %parallel_loop3A_1080  : i32 {
      %parallel_loop3A_1358 = arith.constant 8192 : i32
      %parallel_loop3A_1359 = arith.addi %parallel_loop3A_1358, %parallel_loop3A_1357 : i32
      %parallel_loop3A_1360 = arith.index_cast %parallel_loop3A_1359 : i32 to index
      %parallel_loop3A_1361 = tpu.vector_load %arg5[%parallel_loop3A_1360] {strides = array<i32>} : memref<32768xi32, #tpu.memory_space<vmem>>, vector<16xi32>,
      %parallel_loop3A_1362 = arith.index_cast %parallel_loop3A_1357 : i32 to index
      %parallel_loop3A_1363 = tpu.vector_load %arg9[%parallel_loop3A_1362] {strides = array<i32>} : memref<8192xf32, #tpu.memory_space<vmem>>, vector<16xf32>,
      tpu.vector_store_idx %arg6[%parallel_loop3A_1361], %parallel_loop3A_1363 : memref<32768xf32, #tpu.memory_space<vmem>>[vector<16xi32>], vector<16xf32>,
    } {sc.loop_unroll_factor = 4 : i64, sc.parallel_access}
    %add3A_1081 = arith.constant 13 : i32
    %add3A_1082 = arith.addi %add3A_35, %add3A_1081 : i32
    %dma_start3A_1083 = arith.constant 8192 : i32
    %dma_start3A_1084 = tpu.memref_slice %arg2[%add3A_1082, %dma_start3A_1083] : memref<512x32768xf32, #tpu.memory_space<hbm>> -> memref<1x8192xf32, #tpu.memory_space<hbm>>
    %dma_start3A_1085 = tpu.memref_squeeze %dma_start3A_1084 : memref<1x8192xf32, #tpu.memory_space<hbm>> -> memref<8192xf32, #tpu.memory_space<hbm>>
    %dma_start3A_1086 = arith.constant 8192 : i32
    %dma_start3A_1087 = tpu.memref_slice %arg2[%add3A_1082, %dma_start3A_1086] : memref<512x32768xf32, #tpu.memory_space<hbm>> -> memref<1x8192xf32, #tpu.memory_space<hbm>>
    %dma_start3A_1088 = tpu.memref_squeeze %dma_start3A_1087 : memref<1x8192xf32, #tpu.memory_space<hbm>> -> memref<8192xf32, #tpu.memory_space<hbm>>
    tpu.enqueue_dma source(%dma_start3A_1088 : memref<8192xf32, #tpu.memory_space<hbm>>) target(%arg9 : memref<8192xf32, #tpu.memory_space<vmem>>) target_semaphore(%arg14 : memref<!tpu.dma_semaphore, #tpu.memory_space<semaphore_mem>>)
    %dma_wait3A_1089 = arith.constant 16384 : i32
    %dma_wait3A_1090 = tpu.memref_slice %arg2[%add3A_1017, %dma_wait3A_1089] : memref<512x32768xf32, #tpu.memory_space<hbm>> -> memref<1x8192xf32, #tpu.memory_space<hbm>>
    %dma_wait3A_1091 = tpu.memref_squeeze %dma_wait3A_1090 : memref<1x8192xf32, #tpu.memory_space<hbm>> -> memref<8192xf32, #tpu.memory_space<hbm>>
    %dma_wait3A_1092 = arith.constant 16384 : i32
    %dma_wait3A_1093 = tpu.memref_slice %arg2[%add3A_1017, %dma_wait3A_1092] : memref<512x32768xf32, #tpu.memory_space<hbm>> -> memref<1x8192xf32, #tpu.memory_space<hbm>>
    %dma_wait3A_1094 = tpu.memref_squeeze %dma_wait3A_1093 : memref<1x8192xf32, #tpu.memory_space<hbm>> -> memref<8192xf32, #tpu.memory_space<hbm>>
    tpu.wait_dma2 semaphore(%arg15 : memref<!tpu.dma_semaphore, #tpu.memory_space<semaphore_mem>>) src(%dma_wait3A_1094 : memref<8192xf32, #tpu.memory_space<hbm>>) dst(%arg10 : memref<8192xf32, #tpu.memory_space<vmem>>)
    %parallel_loop3A_1095 = arith.constant 0 : i32
    %parallel_loop3A_1096 = arith.constant 8192 : i32
    %parallel_loop3A_1097 = arith.constant 16 : i32
    scf.for %parallel_loop3A_1357 = %parallel_loop3A_1095 to %parallel_loop3A_1096 step %parallel_loop3A_1097  : i32 {
      %parallel_loop3A_1358 = arith.constant 16384 : i32
      %parallel_loop3A_1359 = arith.addi %parallel_loop3A_1358, %parallel_loop3A_1357 : i32
      %parallel_loop3A_1360 = arith.index_cast %parallel_loop3A_1359 : i32 to index
      %parallel_loop3A_1361 = tpu.vector_load %arg5[%parallel_loop3A_1360] {strides = array<i32>} : memref<32768xi32, #tpu.memory_space<vmem>>, vector<16xi32>,
      %parallel_loop3A_1362 = arith.index_cast %parallel_loop3A_1357 : i32 to index
      %parallel_loop3A_1363 = tpu.vector_load %arg10[%parallel_loop3A_1362] {strides = array<i32>} : memref<8192xf32, #tpu.memory_space<vmem>>, vector<16xf32>,
      tpu.vector_store_idx %arg6[%parallel_loop3A_1361], %parallel_loop3A_1363 : memref<32768xf32, #tpu.memory_space<vmem>>[vector<16xi32>], vector<16xf32>,
    } {sc.loop_unroll_factor = 4 : i64, sc.parallel_access}
    %add3A_1098 = arith.constant 13 : i32
    %add3A_1099 = arith.addi %add3A_35, %add3A_1098 : i32
    %dma_start3A_1100 = arith.constant 16384 : i32
    %dma_start3A_1101 = tpu.memref_slice %arg2[%add3A_1099, %dma_start3A_1100] : memref<512x32768xf32, #tpu.memory_space<hbm>> -> memref<1x8192xf32, #tpu.memory_space<hbm>>
    %dma_start3A_1102 = tpu.memref_squeeze %dma_start3A_1101 : memref<1x8192xf32, #tpu.memory_space<hbm>> -> memref<8192xf32, #tpu.memory_space<hbm>>
    %dma_start3A_1103 = arith.constant 16384 : i32
    %dma_start3A_1104 = tpu.memref_slice %arg2[%add3A_1099, %dma_start3A_1103] : memref<512x32768xf32, #tpu.memory_space<hbm>> -> memref<1x8192xf32, #tpu.memory_space<hbm>>
    %dma_start3A_1105 = tpu.memref_squeeze %dma_start3A_1104 : memref<1x8192xf32, #tpu.memory_space<hbm>> -> memref<8192xf32, #tpu.memory_space<hbm>>
    tpu.enqueue_dma source(%dma_start3A_1105 : memref<8192xf32, #tpu.memory_space<hbm>>) target(%arg10 : memref<8192xf32, #tpu.memory_space<vmem>>) target_semaphore(%arg15 : memref<!tpu.dma_semaphore, #tpu.memory_space<semaphore_mem>>)
    %dma_wait3A_1106 = arith.constant 24576 : i32
    %dma_wait3A_1107 = tpu.memref_slice %arg2[%add3A_1048, %dma_wait3A_1106] : memref<512x32768xf32, #tpu.memory_space<hbm>> -> memref<1x8192xf32, #tpu.memory_space<hbm>>
    %dma_wait3A_1108 = tpu.memref_squeeze %dma_wait3A_1107 : memref<1x8192xf32, #tpu.memory_space<hbm>> -> memref<8192xf32, #tpu.memory_space<hbm>>
    %dma_wait3A_1109 = arith.constant 24576 : i32
    %dma_wait3A_1110 = tpu.memref_slice %arg2[%add3A_1048, %dma_wait3A_1109] : memref<512x32768xf32, #tpu.memory_space<hbm>> -> memref<1x8192xf32, #tpu.memory_space<hbm>>
    %dma_wait3A_1111 = tpu.memref_squeeze %dma_wait3A_1110 : memref<1x8192xf32, #tpu.memory_space<hbm>> -> memref<8192xf32, #tpu.memory_space<hbm>>
    tpu.wait_dma2 semaphore(%arg16 : memref<!tpu.dma_semaphore, #tpu.memory_space<semaphore_mem>>) src(%dma_wait3A_1111 : memref<8192xf32, #tpu.memory_space<hbm>>) dst(%arg11 : memref<8192xf32, #tpu.memory_space<vmem>>)
    %parallel_loop3A_1112 = arith.constant 0 : i32
    %parallel_loop3A_1113 = arith.constant 8192 : i32
    %parallel_loop3A_1114 = arith.constant 16 : i32
    scf.for %parallel_loop3A_1357 = %parallel_loop3A_1112 to %parallel_loop3A_1113 step %parallel_loop3A_1114  : i32 {
      %parallel_loop3A_1358 = arith.constant 24576 : i32
      %parallel_loop3A_1359 = arith.addi %parallel_loop3A_1358, %parallel_loop3A_1357 : i32
      %parallel_loop3A_1360 = arith.index_cast %parallel_loop3A_1359 : i32 to index
      %parallel_loop3A_1361 = tpu.vector_load %arg5[%parallel_loop3A_1360] {strides = array<i32>} : memref<32768xi32, #tpu.memory_space<vmem>>, vector<16xi32>,
      %parallel_loop3A_1362 = arith.index_cast %parallel_loop3A_1357 : i32 to index
      %parallel_loop3A_1363 = tpu.vector_load %arg11[%parallel_loop3A_1362] {strides = array<i32>} : memref<8192xf32, #tpu.memory_space<vmem>>, vector<16xf32>,
      tpu.vector_store_idx %arg6[%parallel_loop3A_1361], %parallel_loop3A_1363 : memref<32768xf32, #tpu.memory_space<vmem>>[vector<16xi32>], vector<16xf32>,
    } {sc.loop_unroll_factor = 4 : i64, sc.parallel_access}
    %add3A_1115 = arith.constant 12 : i32
    %add3A_1116 = arith.addi %add3A_35, %add3A_1115 : i32
    %dma_start3A_1117 = arith.constant 0 : i32
    %dma_start3A_1118 = tpu.memref_slice %arg4[%add3A_1116, %dma_start3A_1117] : memref<512x32768xf32, #tpu.memory_space<hbm>> -> memref<1x32768xf32, #tpu.memory_space<hbm>>
    %dma_start3A_1119 = tpu.memref_squeeze %dma_start3A_1118 : memref<1x32768xf32, #tpu.memory_space<hbm>> -> memref<32768xf32, #tpu.memory_space<hbm>>
    %dma_start3A_1120 = arith.constant 0 : i32
    %dma_start3A_1121 = tpu.memref_slice %arg4[%add3A_1116, %dma_start3A_1120] : memref<512x32768xf32, #tpu.memory_space<hbm>> -> memref<1x32768xf32, #tpu.memory_space<hbm>>
    %dma_start3A_1122 = tpu.memref_squeeze %dma_start3A_1121 : memref<1x32768xf32, #tpu.memory_space<hbm>> -> memref<32768xf32, #tpu.memory_space<hbm>>
    tpu.enqueue_dma source(%arg6 : memref<32768xf32, #tpu.memory_space<vmem>>) target(%dma_start3A_1122 : memref<32768xf32, #tpu.memory_space<hbm>>) target_semaphore(%arg17 : memref<!tpu.dma_semaphore, #tpu.memory_space<semaphore_mem>>)
    %dma_wait3A_1123 = arith.constant 0 : i32
    %dma_wait3A_1124 = tpu.memref_slice %arg4[%add3A_1034, %dma_wait3A_1123] : memref<512x32768xf32, #tpu.memory_space<hbm>> -> memref<1x32768xf32, #tpu.memory_space<hbm>>
    %dma_wait3A_1125 = tpu.memref_squeeze %dma_wait3A_1124 : memref<1x32768xf32, #tpu.memory_space<hbm>> -> memref<32768xf32, #tpu.memory_space<hbm>>
    %dma_wait3A_1126 = arith.constant 0 : i32
    %dma_wait3A_1127 = tpu.memref_slice %arg4[%add3A_1034, %dma_wait3A_1126] : memref<512x32768xf32, #tpu.memory_space<hbm>> -> memref<1x32768xf32, #tpu.memory_space<hbm>>
    %dma_wait3A_1128 = tpu.memref_squeeze %dma_wait3A_1127 : memref<1x32768xf32, #tpu.memory_space<hbm>> -> memref<32768xf32, #tpu.memory_space<hbm>>
    tpu.wait_dma2 semaphore(%arg18 : memref<!tpu.dma_semaphore, #tpu.memory_space<semaphore_mem>>) src(%arg7 : memref<32768xf32, #tpu.memory_space<vmem>>) dst(%dma_wait3A_1128 : memref<32768xf32, #tpu.memory_space<hbm>>)
    %add3A_1129 = arith.constant 13 : i32
    %add3A_1130 = arith.addi %add3A_35, %add3A_1129 : i32
    %dma_start3A_1131 = arith.constant 24576 : i32
    %dma_start3A_1132 = tpu.memref_slice %arg2[%add3A_1130, %dma_start3A_1131] : memref<512x32768xf32, #tpu.memory_space<hbm>> -> memref<1x8192xf32, #tpu.memory_space<hbm>>
    %dma_start3A_1133 = tpu.memref_squeeze %dma_start3A_1132 : memref<1x8192xf32, #tpu.memory_space<hbm>> -> memref<8192xf32, #tpu.memory_space<hbm>>
    %dma_start3A_1134 = arith.constant 24576 : i32
    %dma_start3A_1135 = tpu.memref_slice %arg2[%add3A_1130, %dma_start3A_1134] : memref<512x32768xf32, #tpu.memory_space<hbm>> -> memref<1x8192xf32, #tpu.memory_space<hbm>>
    %dma_start3A_1136 = tpu.memref_squeeze %dma_start3A_1135 : memref<1x8192xf32, #tpu.memory_space<hbm>> -> memref<8192xf32, #tpu.memory_space<hbm>>
    tpu.enqueue_dma source(%dma_start3A_1136 : memref<8192xf32, #tpu.memory_space<hbm>>) target(%arg11 : memref<8192xf32, #tpu.memory_space<vmem>>) target_semaphore(%arg16 : memref<!tpu.dma_semaphore, #tpu.memory_space<semaphore_mem>>)
    %dma_wait3A_1137 = arith.constant 0 : i32
    %dma_wait3A_1138 = tpu.memref_slice %arg2[%add3A_1065, %dma_wait3A_1137] : memref<512x32768xf32, #tpu.memory_space<hbm>> -> memref<1x8192xf32, #tpu.memory_space<hbm>>
    %dma_wait3A_1139 = tpu.memref_squeeze %dma_wait3A_1138 : memref<1x8192xf32, #tpu.memory_space<hbm>> -> memref<8192xf32, #tpu.memory_space<hbm>>
    %dma_wait3A_1140 = arith.constant 0 : i32
    %dma_wait3A_1141 = tpu.memref_slice %arg2[%add3A_1065, %dma_wait3A_1140] : memref<512x32768xf32, #tpu.memory_space<hbm>> -> memref<1x8192xf32, #tpu.memory_space<hbm>>
    %dma_wait3A_1142 = tpu.memref_squeeze %dma_wait3A_1141 : memref<1x8192xf32, #tpu.memory_space<hbm>> -> memref<8192xf32, #tpu.memory_space<hbm>>
    tpu.wait_dma2 semaphore(%arg13 : memref<!tpu.dma_semaphore, #tpu.memory_space<semaphore_mem>>) src(%dma_wait3A_1142 : memref<8192xf32, #tpu.memory_space<hbm>>) dst(%arg8 : memref<8192xf32, #tpu.memory_space<vmem>>)
    %parallel_loop3A_1143 = arith.constant 0 : i32
    %parallel_loop3A_1144 = arith.constant 8192 : i32
    %parallel_loop3A_1145 = arith.constant 16 : i32
    scf.for %parallel_loop3A_1357 = %parallel_loop3A_1143 to %parallel_loop3A_1144 step %parallel_loop3A_1145  : i32 {
      %parallel_loop3A_1358 = arith.constant 0 : i32
      %parallel_loop3A_1359 = arith.addi %parallel_loop3A_1358, %parallel_loop3A_1357 : i32
      %parallel_loop3A_1360 = arith.index_cast %parallel_loop3A_1359 : i32 to index
      %parallel_loop3A_1361 = tpu.vector_load %arg5[%parallel_loop3A_1360] {strides = array<i32>} : memref<32768xi32, #tpu.memory_space<vmem>>, vector<16xi32>,
      %parallel_loop3A_1362 = arith.index_cast %parallel_loop3A_1357 : i32 to index
      %parallel_loop3A_1363 = tpu.vector_load %arg8[%parallel_loop3A_1362] {strides = array<i32>} : memref<8192xf32, #tpu.memory_space<vmem>>, vector<16xf32>,
      tpu.vector_store_idx %arg7[%parallel_loop3A_1361], %parallel_loop3A_1363 : memref<32768xf32, #tpu.memory_space<vmem>>[vector<16xi32>], vector<16xf32>,
    } {sc.loop_unroll_factor = 4 : i64, sc.parallel_access}
    %add3A_1146 = arith.constant 14 : i32
    %add3A_1147 = arith.addi %add3A_35, %add3A_1146 : i32
    %dma_start3A_1148 = arith.constant 0 : i32
    %dma_start3A_1149 = tpu.memref_slice %arg2[%add3A_1147, %dma_start3A_1148] : memref<512x32768xf32, #tpu.memory_space<hbm>> -> memref<1x8192xf32, #tpu.memory_space<hbm>>
    %dma_start3A_1150 = tpu.memref_squeeze %dma_start3A_1149 : memref<1x8192xf32, #tpu.memory_space<hbm>> -> memref<8192xf32, #tpu.memory_space<hbm>>
    %dma_start3A_1151 = arith.constant 0 : i32
    %dma_start3A_1152 = tpu.memref_slice %arg2[%add3A_1147, %dma_start3A_1151] : memref<512x32768xf32, #tpu.memory_space<hbm>> -> memref<1x8192xf32, #tpu.memory_space<hbm>>
    %dma_start3A_1153 = tpu.memref_squeeze %dma_start3A_1152 : memref<1x8192xf32, #tpu.memory_space<hbm>> -> memref<8192xf32, #tpu.memory_space<hbm>>
    tpu.enqueue_dma source(%dma_start3A_1153 : memref<8192xf32, #tpu.memory_space<hbm>>) target(%arg8 : memref<8192xf32, #tpu.memory_space<vmem>>) target_semaphore(%arg13 : memref<!tpu.dma_semaphore, #tpu.memory_space<semaphore_mem>>)
    %dma_wait3A_1154 = arith.constant 8192 : i32
    %dma_wait3A_1155 = tpu.memref_slice %arg2[%add3A_1082, %dma_wait3A_1154] : memref<512x32768xf32, #tpu.memory_space<hbm>> -> memref<1x8192xf32, #tpu.memory_space<hbm>>
    %dma_wait3A_1156 = tpu.memref_squeeze %dma_wait3A_1155 : memref<1x8192xf32, #tpu.memory_space<hbm>> -> memref<8192xf32, #tpu.memory_space<hbm>>
    %dma_wait3A_1157 = arith.constant 8192 : i32
    %dma_wait3A_1158 = tpu.memref_slice %arg2[%add3A_1082, %dma_wait3A_1157] : memref<512x32768xf32, #tpu.memory_space<hbm>> -> memref<1x8192xf32, #tpu.memory_space<hbm>>
    %dma_wait3A_1159 = tpu.memref_squeeze %dma_wait3A_1158 : memref<1x8192xf32, #tpu.memory_space<hbm>> -> memref<8192xf32, #tpu.memory_space<hbm>>
    tpu.wait_dma2 semaphore(%arg14 : memref<!tpu.dma_semaphore, #tpu.memory_space<semaphore_mem>>) src(%dma_wait3A_1159 : memref<8192xf32, #tpu.memory_space<hbm>>) dst(%arg9 : memref<8192xf32, #tpu.memory_space<vmem>>)
    %parallel_loop3A_1160 = arith.constant 0 : i32
    %parallel_loop3A_1161 = arith.constant 8192 : i32
    %parallel_loop3A_1162 = arith.constant 16 : i32
    scf.for %parallel_loop3A_1357 = %parallel_loop3A_1160 to %parallel_loop3A_1161 step %parallel_loop3A_1162  : i32 {
      %parallel_loop3A_1358 = arith.constant 8192 : i32
      %parallel_loop3A_1359 = arith.addi %parallel_loop3A_1358, %parallel_loop3A_1357 : i32
      %parallel_loop3A_1360 = arith.index_cast %parallel_loop3A_1359 : i32 to index
      %parallel_loop3A_1361 = tpu.vector_load %arg5[%parallel_loop3A_1360] {strides = array<i32>} : memref<32768xi32, #tpu.memory_space<vmem>>, vector<16xi32>,
      %parallel_loop3A_1362 = arith.index_cast %parallel_loop3A_1357 : i32 to index
      %parallel_loop3A_1363 = tpu.vector_load %arg9[%parallel_loop3A_1362] {strides = array<i32>} : memref<8192xf32, #tpu.memory_space<vmem>>, vector<16xf32>,
      tpu.vector_store_idx %arg7[%parallel_loop3A_1361], %parallel_loop3A_1363 : memref<32768xf32, #tpu.memory_space<vmem>>[vector<16xi32>], vector<16xf32>,
    } {sc.loop_unroll_factor = 4 : i64, sc.parallel_access}
    %add3A_1163 = arith.constant 14 : i32
    %add3A_1164 = arith.addi %add3A_35, %add3A_1163 : i32
    %dma_start3A_1165 = arith.constant 8192 : i32
    %dma_start3A_1166 = tpu.memref_slice %arg2[%add3A_1164, %dma_start3A_1165] : memref<512x32768xf32, #tpu.memory_space<hbm>> -> memref<1x8192xf32, #tpu.memory_space<hbm>>
    %dma_start3A_1167 = tpu.memref_squeeze %dma_start3A_1166 : memref<1x8192xf32, #tpu.memory_space<hbm>> -> memref<8192xf32, #tpu.memory_space<hbm>>
    %dma_start3A_1168 = arith.constant 8192 : i32
    %dma_start3A_1169 = tpu.memref_slice %arg2[%add3A_1164, %dma_start3A_1168] : memref<512x32768xf32, #tpu.memory_space<hbm>> -> memref<1x8192xf32, #tpu.memory_space<hbm>>
    %dma_start3A_1170 = tpu.memref_squeeze %dma_start3A_1169 : memref<1x8192xf32, #tpu.memory_space<hbm>> -> memref<8192xf32, #tpu.memory_space<hbm>>
    tpu.enqueue_dma source(%dma_start3A_1170 : memref<8192xf32, #tpu.memory_space<hbm>>) target(%arg9 : memref<8192xf32, #tpu.memory_space<vmem>>) target_semaphore(%arg14 : memref<!tpu.dma_semaphore, #tpu.memory_space<semaphore_mem>>)
    %dma_wait3A_1171 = arith.constant 16384 : i32
    %dma_wait3A_1172 = tpu.memref_slice %arg2[%add3A_1099, %dma_wait3A_1171] : memref<512x32768xf32, #tpu.memory_space<hbm>> -> memref<1x8192xf32, #tpu.memory_space<hbm>>
    %dma_wait3A_1173 = tpu.memref_squeeze %dma_wait3A_1172 : memref<1x8192xf32, #tpu.memory_space<hbm>> -> memref<8192xf32, #tpu.memory_space<hbm>>
    %dma_wait3A_1174 = arith.constant 16384 : i32
    %dma_wait3A_1175 = tpu.memref_slice %arg2[%add3A_1099, %dma_wait3A_1174] : memref<512x32768xf32, #tpu.memory_space<hbm>> -> memref<1x8192xf32, #tpu.memory_space<hbm>>
    %dma_wait3A_1176 = tpu.memref_squeeze %dma_wait3A_1175 : memref<1x8192xf32, #tpu.memory_space<hbm>> -> memref<8192xf32, #tpu.memory_space<hbm>>
    tpu.wait_dma2 semaphore(%arg15 : memref<!tpu.dma_semaphore, #tpu.memory_space<semaphore_mem>>) src(%dma_wait3A_1176 : memref<8192xf32, #tpu.memory_space<hbm>>) dst(%arg10 : memref<8192xf32, #tpu.memory_space<vmem>>)
    %parallel_loop3A_1177 = arith.constant 0 : i32
    %parallel_loop3A_1178 = arith.constant 8192 : i32
    %parallel_loop3A_1179 = arith.constant 16 : i32
    scf.for %parallel_loop3A_1357 = %parallel_loop3A_1177 to %parallel_loop3A_1178 step %parallel_loop3A_1179  : i32 {
      %parallel_loop3A_1358 = arith.constant 16384 : i32
      %parallel_loop3A_1359 = arith.addi %parallel_loop3A_1358, %parallel_loop3A_1357 : i32
      %parallel_loop3A_1360 = arith.index_cast %parallel_loop3A_1359 : i32 to index
      %parallel_loop3A_1361 = tpu.vector_load %arg5[%parallel_loop3A_1360] {strides = array<i32>} : memref<32768xi32, #tpu.memory_space<vmem>>, vector<16xi32>,
      %parallel_loop3A_1362 = arith.index_cast %parallel_loop3A_1357 : i32 to index
      %parallel_loop3A_1363 = tpu.vector_load %arg10[%parallel_loop3A_1362] {strides = array<i32>} : memref<8192xf32, #tpu.memory_space<vmem>>, vector<16xf32>,
      tpu.vector_store_idx %arg7[%parallel_loop3A_1361], %parallel_loop3A_1363 : memref<32768xf32, #tpu.memory_space<vmem>>[vector<16xi32>], vector<16xf32>,
    } {sc.loop_unroll_factor = 4 : i64, sc.parallel_access}
    %add3A_1180 = arith.constant 14 : i32
    %add3A_1181 = arith.addi %add3A_35, %add3A_1180 : i32
    %dma_start3A_1182 = arith.constant 16384 : i32
    %dma_start3A_1183 = tpu.memref_slice %arg2[%add3A_1181, %dma_start3A_1182] : memref<512x32768xf32, #tpu.memory_space<hbm>> -> memref<1x8192xf32, #tpu.memory_space<hbm>>
    %dma_start3A_1184 = tpu.memref_squeeze %dma_start3A_1183 : memref<1x8192xf32, #tpu.memory_space<hbm>> -> memref<8192xf32, #tpu.memory_space<hbm>>
    %dma_start3A_1185 = arith.constant 16384 : i32
    %dma_start3A_1186 = tpu.memref_slice %arg2[%add3A_1181, %dma_start3A_1185] : memref<512x32768xf32, #tpu.memory_space<hbm>> -> memref<1x8192xf32, #tpu.memory_space<hbm>>
    %dma_start3A_1187 = tpu.memref_squeeze %dma_start3A_1186 : memref<1x8192xf32, #tpu.memory_space<hbm>> -> memref<8192xf32, #tpu.memory_space<hbm>>
    tpu.enqueue_dma source(%dma_start3A_1187 : memref<8192xf32, #tpu.memory_space<hbm>>) target(%arg10 : memref<8192xf32, #tpu.memory_space<vmem>>) target_semaphore(%arg15 : memref<!tpu.dma_semaphore, #tpu.memory_space<semaphore_mem>>)
    %dma_wait3A_1188 = arith.constant 24576 : i32
    %dma_wait3A_1189 = tpu.memref_slice %arg2[%add3A_1130, %dma_wait3A_1188] : memref<512x32768xf32, #tpu.memory_space<hbm>> -> memref<1x8192xf32, #tpu.memory_space<hbm>>
    %dma_wait3A_1190 = tpu.memref_squeeze %dma_wait3A_1189 : memref<1x8192xf32, #tpu.memory_space<hbm>> -> memref<8192xf32, #tpu.memory_space<hbm>>
    %dma_wait3A_1191 = arith.constant 24576 : i32
    %dma_wait3A_1192 = tpu.memref_slice %arg2[%add3A_1130, %dma_wait3A_1191] : memref<512x32768xf32, #tpu.memory_space<hbm>> -> memref<1x8192xf32, #tpu.memory_space<hbm>>
    %dma_wait3A_1193 = tpu.memref_squeeze %dma_wait3A_1192 : memref<1x8192xf32, #tpu.memory_space<hbm>> -> memref<8192xf32, #tpu.memory_space<hbm>>
    tpu.wait_dma2 semaphore(%arg16 : memref<!tpu.dma_semaphore, #tpu.memory_space<semaphore_mem>>) src(%dma_wait3A_1193 : memref<8192xf32, #tpu.memory_space<hbm>>) dst(%arg11 : memref<8192xf32, #tpu.memory_space<vmem>>)
    %parallel_loop3A_1194 = arith.constant 0 : i32
    %parallel_loop3A_1195 = arith.constant 8192 : i32
    %parallel_loop3A_1196 = arith.constant 16 : i32
    scf.for %parallel_loop3A_1357 = %parallel_loop3A_1194 to %parallel_loop3A_1195 step %parallel_loop3A_1196  : i32 {
      %parallel_loop3A_1358 = arith.constant 24576 : i32
      %parallel_loop3A_1359 = arith.addi %parallel_loop3A_1358, %parallel_loop3A_1357 : i32
      %parallel_loop3A_1360 = arith.index_cast %parallel_loop3A_1359 : i32 to index
      %parallel_loop3A_1361 = tpu.vector_load %arg5[%parallel_loop3A_1360] {strides = array<i32>} : memref<32768xi32, #tpu.memory_space<vmem>>, vector<16xi32>,
      %parallel_loop3A_1362 = arith.index_cast %parallel_loop3A_1357 : i32 to index
      %parallel_loop3A_1363 = tpu.vector_load %arg11[%parallel_loop3A_1362] {strides = array<i32>} : memref<8192xf32, #tpu.memory_space<vmem>>, vector<16xf32>,
      tpu.vector_store_idx %arg7[%parallel_loop3A_1361], %parallel_loop3A_1363 : memref<32768xf32, #tpu.memory_space<vmem>>[vector<16xi32>], vector<16xf32>,
    } {sc.loop_unroll_factor = 4 : i64, sc.parallel_access}
    %add3A_1197 = arith.constant 13 : i32
    %add3A_1198 = arith.addi %add3A_35, %add3A_1197 : i32
    %dma_start3A_1199 = arith.constant 0 : i32
    %dma_start3A_1200 = tpu.memref_slice %arg4[%add3A_1198, %dma_start3A_1199] : memref<512x32768xf32, #tpu.memory_space<hbm>> -> memref<1x32768xf32, #tpu.memory_space<hbm>>
    %dma_start3A_1201 = tpu.memref_squeeze %dma_start3A_1200 : memref<1x32768xf32, #tpu.memory_space<hbm>> -> memref<32768xf32, #tpu.memory_space<hbm>>
    %dma_start3A_1202 = arith.constant 0 : i32
    %dma_start3A_1203 = tpu.memref_slice %arg4[%add3A_1198, %dma_start3A_1202] : memref<512x32768xf32, #tpu.memory_space<hbm>> -> memref<1x32768xf32, #tpu.memory_space<hbm>>
    %dma_start3A_1204 = tpu.memref_squeeze %dma_start3A_1203 : memref<1x32768xf32, #tpu.memory_space<hbm>> -> memref<32768xf32, #tpu.memory_space<hbm>>
    tpu.enqueue_dma source(%arg7 : memref<32768xf32, #tpu.memory_space<vmem>>) target(%dma_start3A_1204 : memref<32768xf32, #tpu.memory_space<hbm>>) target_semaphore(%arg18 : memref<!tpu.dma_semaphore, #tpu.memory_space<semaphore_mem>>)
    %dma_wait3A_1205 = arith.constant 0 : i32
    %dma_wait3A_1206 = tpu.memref_slice %arg4[%add3A_1116, %dma_wait3A_1205] : memref<512x32768xf32, #tpu.memory_space<hbm>> -> memref<1x32768xf32, #tpu.memory_space<hbm>>
    %dma_wait3A_1207 = tpu.memref_squeeze %dma_wait3A_1206 : memref<1x32768xf32, #tpu.memory_space<hbm>> -> memref<32768xf32, #tpu.memory_space<hbm>>
    %dma_wait3A_1208 = arith.constant 0 : i32
    %dma_wait3A_1209 = tpu.memref_slice %arg4[%add3A_1116, %dma_wait3A_1208] : memref<512x32768xf32, #tpu.memory_space<hbm>> -> memref<1x32768xf32, #tpu.memory_space<hbm>>
    %dma_wait3A_1210 = tpu.memref_squeeze %dma_wait3A_1209 : memref<1x32768xf32, #tpu.memory_space<hbm>> -> memref<32768xf32, #tpu.memory_space<hbm>>
    tpu.wait_dma2 semaphore(%arg17 : memref<!tpu.dma_semaphore, #tpu.memory_space<semaphore_mem>>) src(%arg6 : memref<32768xf32, #tpu.memory_space<vmem>>) dst(%dma_wait3A_1210 : memref<32768xf32, #tpu.memory_space<hbm>>)
    %add3A_1211 = arith.constant 14 : i32
    %add3A_1212 = arith.addi %add3A_35, %add3A_1211 : i32
    %dma_start3A_1213 = arith.constant 24576 : i32
    %dma_start3A_1214 = tpu.memref_slice %arg2[%add3A_1212, %dma_start3A_1213] : memref<512x32768xf32, #tpu.memory_space<hbm>> -> memref<1x8192xf32, #tpu.memory_space<hbm>>
    %dma_start3A_1215 = tpu.memref_squeeze %dma_start3A_1214 : memref<1x8192xf32, #tpu.memory_space<hbm>> -> memref<8192xf32, #tpu.memory_space<hbm>>
    %dma_start3A_1216 = arith.constant 24576 : i32
    %dma_start3A_1217 = tpu.memref_slice %arg2[%add3A_1212, %dma_start3A_1216] : memref<512x32768xf32, #tpu.memory_space<hbm>> -> memref<1x8192xf32, #tpu.memory_space<hbm>>
    %dma_start3A_1218 = tpu.memref_squeeze %dma_start3A_1217 : memref<1x8192xf32, #tpu.memory_space<hbm>> -> memref<8192xf32, #tpu.memory_space<hbm>>
    tpu.enqueue_dma source(%dma_start3A_1218 : memref<8192xf32, #tpu.memory_space<hbm>>) target(%arg11 : memref<8192xf32, #tpu.memory_space<vmem>>) target_semaphore(%arg16 : memref<!tpu.dma_semaphore, #tpu.memory_space<semaphore_mem>>)
    %dma_wait3A_1219 = arith.constant 0 : i32
    %dma_wait3A_1220 = tpu.memref_slice %arg2[%add3A_1147, %dma_wait3A_1219] : memref<512x32768xf32, #tpu.memory_space<hbm>> -> memref<1x8192xf32, #tpu.memory_space<hbm>>
    %dma_wait3A_1221 = tpu.memref_squeeze %dma_wait3A_1220 : memref<1x8192xf32, #tpu.memory_space<hbm>> -> memref<8192xf32, #tpu.memory_space<hbm>>
    %dma_wait3A_1222 = arith.constant 0 : i32
    %dma_wait3A_1223 = tpu.memref_slice %arg2[%add3A_1147, %dma_wait3A_1222] : memref<512x32768xf32, #tpu.memory_space<hbm>> -> memref<1x8192xf32, #tpu.memory_space<hbm>>
    %dma_wait3A_1224 = tpu.memref_squeeze %dma_wait3A_1223 : memref<1x8192xf32, #tpu.memory_space<hbm>> -> memref<8192xf32, #tpu.memory_space<hbm>>
    tpu.wait_dma2 semaphore(%arg13 : memref<!tpu.dma_semaphore, #tpu.memory_space<semaphore_mem>>) src(%dma_wait3A_1224 : memref<8192xf32, #tpu.memory_space<hbm>>) dst(%arg8 : memref<8192xf32, #tpu.memory_space<vmem>>)
    %parallel_loop3A_1225 = arith.constant 0 : i32
    %parallel_loop3A_1226 = arith.constant 8192 : i32
    %parallel_loop3A_1227 = arith.constant 16 : i32
    scf.for %parallel_loop3A_1357 = %parallel_loop3A_1225 to %parallel_loop3A_1226 step %parallel_loop3A_1227  : i32 {
      %parallel_loop3A_1358 = arith.constant 0 : i32
      %parallel_loop3A_1359 = arith.addi %parallel_loop3A_1358, %parallel_loop3A_1357 : i32
      %parallel_loop3A_1360 = arith.index_cast %parallel_loop3A_1359 : i32 to index
      %parallel_loop3A_1361 = tpu.vector_load %arg5[%parallel_loop3A_1360] {strides = array<i32>} : memref<32768xi32, #tpu.memory_space<vmem>>, vector<16xi32>,
      %parallel_loop3A_1362 = arith.index_cast %parallel_loop3A_1357 : i32 to index
      %parallel_loop3A_1363 = tpu.vector_load %arg8[%parallel_loop3A_1362] {strides = array<i32>} : memref<8192xf32, #tpu.memory_space<vmem>>, vector<16xf32>,
      tpu.vector_store_idx %arg6[%parallel_loop3A_1361], %parallel_loop3A_1363 : memref<32768xf32, #tpu.memory_space<vmem>>[vector<16xi32>], vector<16xf32>,
    } {sc.loop_unroll_factor = 4 : i64, sc.parallel_access}
    %add3A_1228 = arith.constant 15 : i32
    %add3A_1229 = arith.addi %add3A_35, %add3A_1228 : i32
    %dma_start3A_1230 = arith.constant 0 : i32
    %dma_start3A_1231 = tpu.memref_slice %arg2[%add3A_1229, %dma_start3A_1230] : memref<512x32768xf32, #tpu.memory_space<hbm>> -> memref<1x8192xf32, #tpu.memory_space<hbm>>
    %dma_start3A_1232 = tpu.memref_squeeze %dma_start3A_1231 : memref<1x8192xf32, #tpu.memory_space<hbm>> -> memref<8192xf32, #tpu.memory_space<hbm>>
    %dma_start3A_1233 = arith.constant 0 : i32
    %dma_start3A_1234 = tpu.memref_slice %arg2[%add3A_1229, %dma_start3A_1233] : memref<512x32768xf32, #tpu.memory_space<hbm>> -> memref<1x8192xf32, #tpu.memory_space<hbm>>
    %dma_start3A_1235 = tpu.memref_squeeze %dma_start3A_1234 : memref<1x8192xf32, #tpu.memory_space<hbm>> -> memref<8192xf32, #tpu.memory_space<hbm>>
    tpu.enqueue_dma source(%dma_start3A_1235 : memref<8192xf32, #tpu.memory_space<hbm>>) target(%arg8 : memref<8192xf32, #tpu.memory_space<vmem>>) target_semaphore(%arg13 : memref<!tpu.dma_semaphore, #tpu.memory_space<semaphore_mem>>)
    %dma_wait3A_1236 = arith.constant 8192 : i32
    %dma_wait3A_1237 = tpu.memref_slice %arg2[%add3A_1164, %dma_wait3A_1236] : memref<512x32768xf32, #tpu.memory_space<hbm>> -> memref<1x8192xf32, #tpu.memory_space<hbm>>
    %dma_wait3A_1238 = tpu.memref_squeeze %dma_wait3A_1237 : memref<1x8192xf32, #tpu.memory_space<hbm>> -> memref<8192xf32, #tpu.memory_space<hbm>>
    %dma_wait3A_1239 = arith.constant 8192 : i32
    %dma_wait3A_1240 = tpu.memref_slice %arg2[%add3A_1164, %dma_wait3A_1239] : memref<512x32768xf32, #tpu.memory_space<hbm>> -> memref<1x8192xf32, #tpu.memory_space<hbm>>
    %dma_wait3A_1241 = tpu.memref_squeeze %dma_wait3A_1240 : memref<1x8192xf32, #tpu.memory_space<hbm>> -> memref<8192xf32, #tpu.memory_space<hbm>>
    tpu.wait_dma2 semaphore(%arg14 : memref<!tpu.dma_semaphore, #tpu.memory_space<semaphore_mem>>) src(%dma_wait3A_1241 : memref<8192xf32, #tpu.memory_space<hbm>>) dst(%arg9 : memref<8192xf32, #tpu.memory_space<vmem>>)
    %parallel_loop3A_1242 = arith.constant 0 : i32
    %parallel_loop3A_1243 = arith.constant 8192 : i32
    %parallel_loop3A_1244 = arith.constant 16 : i32
    scf.for %parallel_loop3A_1357 = %parallel_loop3A_1242 to %parallel_loop3A_1243 step %parallel_loop3A_1244  : i32 {
      %parallel_loop3A_1358 = arith.constant 8192 : i32
      %parallel_loop3A_1359 = arith.addi %parallel_loop3A_1358, %parallel_loop3A_1357 : i32
      %parallel_loop3A_1360 = arith.index_cast %parallel_loop3A_1359 : i32 to index
      %parallel_loop3A_1361 = tpu.vector_load %arg5[%parallel_loop3A_1360] {strides = array<i32>} : memref<32768xi32, #tpu.memory_space<vmem>>, vector<16xi32>,
      %parallel_loop3A_1362 = arith.index_cast %parallel_loop3A_1357 : i32 to index
      %parallel_loop3A_1363 = tpu.vector_load %arg9[%parallel_loop3A_1362] {strides = array<i32>} : memref<8192xf32, #tpu.memory_space<vmem>>, vector<16xf32>,
      tpu.vector_store_idx %arg6[%parallel_loop3A_1361], %parallel_loop3A_1363 : memref<32768xf32, #tpu.memory_space<vmem>>[vector<16xi32>], vector<16xf32>,
    } {sc.loop_unroll_factor = 4 : i64, sc.parallel_access}
    %add3A_1245 = arith.constant 15 : i32
    %add3A_1246 = arith.addi %add3A_35, %add3A_1245 : i32
    %dma_start3A_1247 = arith.constant 8192 : i32
    %dma_start3A_1248 = tpu.memref_slice %arg2[%add3A_1246, %dma_start3A_1247] : memref<512x32768xf32, #tpu.memory_space<hbm>> -> memref<1x8192xf32, #tpu.memory_space<hbm>>
    %dma_start3A_1249 = tpu.memref_squeeze %dma_start3A_1248 : memref<1x8192xf32, #tpu.memory_space<hbm>> -> memref<8192xf32, #tpu.memory_space<hbm>>
    %dma_start3A_1250 = arith.constant 8192 : i32
    %dma_start3A_1251 = tpu.memref_slice %arg2[%add3A_1246, %dma_start3A_1250] : memref<512x32768xf32, #tpu.memory_space<hbm>> -> memref<1x8192xf32, #tpu.memory_space<hbm>>
    %dma_start3A_1252 = tpu.memref_squeeze %dma_start3A_1251 : memref<1x8192xf32, #tpu.memory_space<hbm>> -> memref<8192xf32, #tpu.memory_space<hbm>>
    tpu.enqueue_dma source(%dma_start3A_1252 : memref<8192xf32, #tpu.memory_space<hbm>>) target(%arg9 : memref<8192xf32, #tpu.memory_space<vmem>>) target_semaphore(%arg14 : memref<!tpu.dma_semaphore, #tpu.memory_space<semaphore_mem>>)
    %dma_wait3A_1253 = arith.constant 16384 : i32
    %dma_wait3A_1254 = tpu.memref_slice %arg2[%add3A_1181, %dma_wait3A_1253] : memref<512x32768xf32, #tpu.memory_space<hbm>> -> memref<1x8192xf32, #tpu.memory_space<hbm>>
    %dma_wait3A_1255 = tpu.memref_squeeze %dma_wait3A_1254 : memref<1x8192xf32, #tpu.memory_space<hbm>> -> memref<8192xf32, #tpu.memory_space<hbm>>
    %dma_wait3A_1256 = arith.constant 16384 : i32
    %dma_wait3A_1257 = tpu.memref_slice %arg2[%add3A_1181, %dma_wait3A_1256] : memref<512x32768xf32, #tpu.memory_space<hbm>> -> memref<1x8192xf32, #tpu.memory_space<hbm>>
    %dma_wait3A_1258 = tpu.memref_squeeze %dma_wait3A_1257 : memref<1x8192xf32, #tpu.memory_space<hbm>> -> memref<8192xf32, #tpu.memory_space<hbm>>
    tpu.wait_dma2 semaphore(%arg15 : memref<!tpu.dma_semaphore, #tpu.memory_space<semaphore_mem>>) src(%dma_wait3A_1258 : memref<8192xf32, #tpu.memory_space<hbm>>) dst(%arg10 : memref<8192xf32, #tpu.memory_space<vmem>>)
    %parallel_loop3A_1259 = arith.constant 0 : i32
    %parallel_loop3A_1260 = arith.constant 8192 : i32
    %parallel_loop3A_1261 = arith.constant 16 : i32
    scf.for %parallel_loop3A_1357 = %parallel_loop3A_1259 to %parallel_loop3A_1260 step %parallel_loop3A_1261  : i32 {
      %parallel_loop3A_1358 = arith.constant 16384 : i32
      %parallel_loop3A_1359 = arith.addi %parallel_loop3A_1358, %parallel_loop3A_1357 : i32
      %parallel_loop3A_1360 = arith.index_cast %parallel_loop3A_1359 : i32 to index
      %parallel_loop3A_1361 = tpu.vector_load %arg5[%parallel_loop3A_1360] {strides = array<i32>} : memref<32768xi32, #tpu.memory_space<vmem>>, vector<16xi32>,
      %parallel_loop3A_1362 = arith.index_cast %parallel_loop3A_1357 : i32 to index
      %parallel_loop3A_1363 = tpu.vector_load %arg10[%parallel_loop3A_1362] {strides = array<i32>} : memref<8192xf32, #tpu.memory_space<vmem>>, vector<16xf32>,
      tpu.vector_store_idx %arg6[%parallel_loop3A_1361], %parallel_loop3A_1363 : memref<32768xf32, #tpu.memory_space<vmem>>[vector<16xi32>], vector<16xf32>,
    } {sc.loop_unroll_factor = 4 : i64, sc.parallel_access}
    %add3A_1262 = arith.constant 15 : i32
    %add3A_1263 = arith.addi %add3A_35, %add3A_1262 : i32
    %dma_start3A_1264 = arith.constant 16384 : i32
    %dma_start3A_1265 = tpu.memref_slice %arg2[%add3A_1263, %dma_start3A_1264] : memref<512x32768xf32, #tpu.memory_space<hbm>> -> memref<1x8192xf32, #tpu.memory_space<hbm>>
    %dma_start3A_1266 = tpu.memref_squeeze %dma_start3A_1265 : memref<1x8192xf32, #tpu.memory_space<hbm>> -> memref<8192xf32, #tpu.memory_space<hbm>>
    %dma_start3A_1267 = arith.constant 16384 : i32
    %dma_start3A_1268 = tpu.memref_slice %arg2[%add3A_1263, %dma_start3A_1267] : memref<512x32768xf32, #tpu.memory_space<hbm>> -> memref<1x8192xf32, #tpu.memory_space<hbm>>
    %dma_start3A_1269 = tpu.memref_squeeze %dma_start3A_1268 : memref<1x8192xf32, #tpu.memory_space<hbm>> -> memref<8192xf32, #tpu.memory_space<hbm>>
    tpu.enqueue_dma source(%dma_start3A_1269 : memref<8192xf32, #tpu.memory_space<hbm>>) target(%arg10 : memref<8192xf32, #tpu.memory_space<vmem>>) target_semaphore(%arg15 : memref<!tpu.dma_semaphore, #tpu.memory_space<semaphore_mem>>)
    %dma_wait3A_1270 = arith.constant 24576 : i32
    %dma_wait3A_1271 = tpu.memref_slice %arg2[%add3A_1212, %dma_wait3A_1270] : memref<512x32768xf32, #tpu.memory_space<hbm>> -> memref<1x8192xf32, #tpu.memory_space<hbm>>
    %dma_wait3A_1272 = tpu.memref_squeeze %dma_wait3A_1271 : memref<1x8192xf32, #tpu.memory_space<hbm>> -> memref<8192xf32, #tpu.memory_space<hbm>>
    %dma_wait3A_1273 = arith.constant 24576 : i32
    %dma_wait3A_1274 = tpu.memref_slice %arg2[%add3A_1212, %dma_wait3A_1273] : memref<512x32768xf32, #tpu.memory_space<hbm>> -> memref<1x8192xf32, #tpu.memory_space<hbm>>
    %dma_wait3A_1275 = tpu.memref_squeeze %dma_wait3A_1274 : memref<1x8192xf32, #tpu.memory_space<hbm>> -> memref<8192xf32, #tpu.memory_space<hbm>>
    tpu.wait_dma2 semaphore(%arg16 : memref<!tpu.dma_semaphore, #tpu.memory_space<semaphore_mem>>) src(%dma_wait3A_1275 : memref<8192xf32, #tpu.memory_space<hbm>>) dst(%arg11 : memref<8192xf32, #tpu.memory_space<vmem>>)
    %parallel_loop3A_1276 = arith.constant 0 : i32
    %parallel_loop3A_1277 = arith.constant 8192 : i32
    %parallel_loop3A_1278 = arith.constant 16 : i32
    scf.for %parallel_loop3A_1357 = %parallel_loop3A_1276 to %parallel_loop3A_1277 step %parallel_loop3A_1278  : i32 {
      %parallel_loop3A_1358 = arith.constant 24576 : i32
      %parallel_loop3A_1359 = arith.addi %parallel_loop3A_1358, %parallel_loop3A_1357 : i32
      %parallel_loop3A_1360 = arith.index_cast %parallel_loop3A_1359 : i32 to index
      %parallel_loop3A_1361 = tpu.vector_load %arg5[%parallel_loop3A_1360] {strides = array<i32>} : memref<32768xi32, #tpu.memory_space<vmem>>, vector<16xi32>,
      %parallel_loop3A_1362 = arith.index_cast %parallel_loop3A_1357 : i32 to index
      %parallel_loop3A_1363 = tpu.vector_load %arg11[%parallel_loop3A_1362] {strides = array<i32>} : memref<8192xf32, #tpu.memory_space<vmem>>, vector<16xf32>,
      tpu.vector_store_idx %arg6[%parallel_loop3A_1361], %parallel_loop3A_1363 : memref<32768xf32, #tpu.memory_space<vmem>>[vector<16xi32>], vector<16xf32>,
    } {sc.loop_unroll_factor = 4 : i64, sc.parallel_access}
    %add3A_1279 = arith.constant 14 : i32
    %add3A_1280 = arith.addi %add3A_35, %add3A_1279 : i32
    %dma_start3A_1281 = arith.constant 0 : i32
    %dma_start3A_1282 = tpu.memref_slice %arg4[%add3A_1280, %dma_start3A_1281] : memref<512x32768xf32, #tpu.memory_space<hbm>> -> memref<1x32768xf32, #tpu.memory_space<hbm>>
    %dma_start3A_1283 = tpu.memref_squeeze %dma_start3A_1282 : memref<1x32768xf32, #tpu.memory_space<hbm>> -> memref<32768xf32, #tpu.memory_space<hbm>>
    %dma_start3A_1284 = arith.constant 0 : i32
    %dma_start3A_1285 = tpu.memref_slice %arg4[%add3A_1280, %dma_start3A_1284] : memref<512x32768xf32, #tpu.memory_space<hbm>> -> memref<1x32768xf32, #tpu.memory_space<hbm>>
    %dma_start3A_1286 = tpu.memref_squeeze %dma_start3A_1285 : memref<1x32768xf32, #tpu.memory_space<hbm>> -> memref<32768xf32, #tpu.memory_space<hbm>>
    tpu.enqueue_dma source(%arg6 : memref<32768xf32, #tpu.memory_space<vmem>>) target(%dma_start3A_1286 : memref<32768xf32, #tpu.memory_space<hbm>>) target_semaphore(%arg17 : memref<!tpu.dma_semaphore, #tpu.memory_space<semaphore_mem>>)
    %dma_wait3A_1287 = arith.constant 0 : i32
    %dma_wait3A_1288 = tpu.memref_slice %arg4[%add3A_1198, %dma_wait3A_1287] : memref<512x32768xf32, #tpu.memory_space<hbm>> -> memref<1x32768xf32, #tpu.memory_space<hbm>>
    %dma_wait3A_1289 = tpu.memref_squeeze %dma_wait3A_1288 : memref<1x32768xf32, #tpu.memory_space<hbm>> -> memref<32768xf32, #tpu.memory_space<hbm>>
    %dma_wait3A_1290 = arith.constant 0 : i32
    %dma_wait3A_1291 = tpu.memref_slice %arg4[%add3A_1198, %dma_wait3A_1290] : memref<512x32768xf32, #tpu.memory_space<hbm>> -> memref<1x32768xf32, #tpu.memory_space<hbm>>
    %dma_wait3A_1292 = tpu.memref_squeeze %dma_wait3A_1291 : memref<1x32768xf32, #tpu.memory_space<hbm>> -> memref<32768xf32, #tpu.memory_space<hbm>>
    tpu.wait_dma2 semaphore(%arg18 : memref<!tpu.dma_semaphore, #tpu.memory_space<semaphore_mem>>) src(%arg7 : memref<32768xf32, #tpu.memory_space<vmem>>) dst(%dma_wait3A_1292 : memref<32768xf32, #tpu.memory_space<hbm>>)
    %add3A_1293 = arith.constant 15 : i32
    %add3A_1294 = arith.addi %add3A_35, %add3A_1293 : i32
    %dma_start3A_1295 = arith.constant 24576 : i32
    %dma_start3A_1296 = tpu.memref_slice %arg2[%add3A_1294, %dma_start3A_1295] : memref<512x32768xf32, #tpu.memory_space<hbm>> -> memref<1x8192xf32, #tpu.memory_space<hbm>>
    %dma_start3A_1297 = tpu.memref_squeeze %dma_start3A_1296 : memref<1x8192xf32, #tpu.memory_space<hbm>> -> memref<8192xf32, #tpu.memory_space<hbm>>
    %dma_start3A_1298 = arith.constant 24576 : i32
    %dma_start3A_1299 = tpu.memref_slice %arg2[%add3A_1294, %dma_start3A_1298] : memref<512x32768xf32, #tpu.memory_space<hbm>> -> memref<1x8192xf32, #tpu.memory_space<hbm>>
    %dma_start3A_1300 = tpu.memref_squeeze %dma_start3A_1299 : memref<1x8192xf32, #tpu.memory_space<hbm>> -> memref<8192xf32, #tpu.memory_space<hbm>>
    tpu.enqueue_dma source(%dma_start3A_1300 : memref<8192xf32, #tpu.memory_space<hbm>>) target(%arg11 : memref<8192xf32, #tpu.memory_space<vmem>>) target_semaphore(%arg16 : memref<!tpu.dma_semaphore, #tpu.memory_space<semaphore_mem>>)
    %dma_wait3A_1301 = arith.constant 0 : i32
    %dma_wait3A_1302 = tpu.memref_slice %arg2[%add3A_1229, %dma_wait3A_1301] : memref<512x32768xf32, #tpu.memory_space<hbm>> -> memref<1x8192xf32, #tpu.memory_space<hbm>>
    %dma_wait3A_1303 = tpu.memref_squeeze %dma_wait3A_1302 : memref<1x8192xf32, #tpu.memory_space<hbm>> -> memref<8192xf32, #tpu.memory_space<hbm>>
    %dma_wait3A_1304 = arith.constant 0 : i32
    %dma_wait3A_1305 = tpu.memref_slice %arg2[%add3A_1229, %dma_wait3A_1304] : memref<512x32768xf32, #tpu.memory_space<hbm>> -> memref<1x8192xf32, #tpu.memory_space<hbm>>
    %dma_wait3A_1306 = tpu.memref_squeeze %dma_wait3A_1305 : memref<1x8192xf32, #tpu.memory_space<hbm>> -> memref<8192xf32, #tpu.memory_space<hbm>>
    tpu.wait_dma2 semaphore(%arg13 : memref<!tpu.dma_semaphore, #tpu.memory_space<semaphore_mem>>) src(%dma_wait3A_1306 : memref<8192xf32, #tpu.memory_space<hbm>>) dst(%arg8 : memref<8192xf32, #tpu.memory_space<vmem>>)
    %parallel_loop3A_1307 = arith.constant 0 : i32
    %parallel_loop3A_1308 = arith.constant 8192 : i32
    %parallel_loop3A_1309 = arith.constant 16 : i32
    scf.for %parallel_loop3A_1357 = %parallel_loop3A_1307 to %parallel_loop3A_1308 step %parallel_loop3A_1309  : i32 {
      %parallel_loop3A_1358 = arith.constant 0 : i32
      %parallel_loop3A_1359 = arith.addi %parallel_loop3A_1358, %parallel_loop3A_1357 : i32
      %parallel_loop3A_1360 = arith.index_cast %parallel_loop3A_1359 : i32 to index
      %parallel_loop3A_1361 = tpu.vector_load %arg5[%parallel_loop3A_1360] {strides = array<i32>} : memref<32768xi32, #tpu.memory_space<vmem>>, vector<16xi32>,
      %parallel_loop3A_1362 = arith.index_cast %parallel_loop3A_1357 : i32 to index
      %parallel_loop3A_1363 = tpu.vector_load %arg8[%parallel_loop3A_1362] {strides = array<i32>} : memref<8192xf32, #tpu.memory_space<vmem>>, vector<16xf32>,
      tpu.vector_store_idx %arg7[%parallel_loop3A_1361], %parallel_loop3A_1363 : memref<32768xf32, #tpu.memory_space<vmem>>[vector<16xi32>], vector<16xf32>,
    } {sc.loop_unroll_factor = 4 : i64, sc.parallel_access}
    %dma_wait3A_1310 = arith.constant 8192 : i32
    %dma_wait3A_1311 = tpu.memref_slice %arg2[%add3A_1246, %dma_wait3A_1310] : memref<512x32768xf32, #tpu.memory_space<hbm>> -> memref<1x8192xf32, #tpu.memory_space<hbm>>
    %dma_wait3A_1312 = tpu.memref_squeeze %dma_wait3A_1311 : memref<1x8192xf32, #tpu.memory_space<hbm>> -> memref<8192xf32, #tpu.memory_space<hbm>>
    %dma_wait3A_1313 = arith.constant 8192 : i32
    %dma_wait3A_1314 = tpu.memref_slice %arg2[%add3A_1246, %dma_wait3A_1313] : memref<512x32768xf32, #tpu.memory_space<hbm>> -> memref<1x8192xf32, #tpu.memory_space<hbm>>
    %dma_wait3A_1315 = tpu.memref_squeeze %dma_wait3A_1314 : memref<1x8192xf32, #tpu.memory_space<hbm>> -> memref<8192xf32, #tpu.memory_space<hbm>>
    tpu.wait_dma2 semaphore(%arg14 : memref<!tpu.dma_semaphore, #tpu.memory_space<semaphore_mem>>) src(%dma_wait3A_1315 : memref<8192xf32, #tpu.memory_space<hbm>>) dst(%arg9 : memref<8192xf32, #tpu.memory_space<vmem>>)
    %parallel_loop3A_1316 = arith.constant 0 : i32
    %parallel_loop3A_1317 = arith.constant 8192 : i32
    %parallel_loop3A_1318 = arith.constant 16 : i32
    scf.for %parallel_loop3A_1357 = %parallel_loop3A_1316 to %parallel_loop3A_1317 step %parallel_loop3A_1318  : i32 {
      %parallel_loop3A_1358 = arith.constant 8192 : i32
      %parallel_loop3A_1359 = arith.addi %parallel_loop3A_1358, %parallel_loop3A_1357 : i32
      %parallel_loop3A_1360 = arith.index_cast %parallel_loop3A_1359 : i32 to index
      %parallel_loop3A_1361 = tpu.vector_load %arg5[%parallel_loop3A_1360] {strides = array<i32>} : memref<32768xi32, #tpu.memory_space<vmem>>, vector<16xi32>,
      %parallel_loop3A_1362 = arith.index_cast %parallel_loop3A_1357 : i32 to index
      %parallel_loop3A_1363 = tpu.vector_load %arg9[%parallel_loop3A_1362] {strides = array<i32>} : memref<8192xf32, #tpu.memory_space<vmem>>, vector<16xf32>,
      tpu.vector_store_idx %arg7[%parallel_loop3A_1361], %parallel_loop3A_1363 : memref<32768xf32, #tpu.memory_space<vmem>>[vector<16xi32>], vector<16xf32>,
    } {sc.loop_unroll_factor = 4 : i64, sc.parallel_access}
    %dma_wait3A_1319 = arith.constant 16384 : i32
    %dma_wait3A_1320 = tpu.memref_slice %arg2[%add3A_1263, %dma_wait3A_1319] : memref<512x32768xf32, #tpu.memory_space<hbm>> -> memref<1x8192xf32, #tpu.memory_space<hbm>>
    %dma_wait3A_1321 = tpu.memref_squeeze %dma_wait3A_1320 : memref<1x8192xf32, #tpu.memory_space<hbm>> -> memref<8192xf32, #tpu.memory_space<hbm>>
    %dma_wait3A_1322 = arith.constant 16384 : i32
    %dma_wait3A_1323 = tpu.memref_slice %arg2[%add3A_1263, %dma_wait3A_1322] : memref<512x32768xf32, #tpu.memory_space<hbm>> -> memref<1x8192xf32, #tpu.memory_space<hbm>>
    %dma_wait3A_1324 = tpu.memref_squeeze %dma_wait3A_1323 : memref<1x8192xf32, #tpu.memory_space<hbm>> -> memref<8192xf32, #tpu.memory_space<hbm>>
    tpu.wait_dma2 semaphore(%arg15 : memref<!tpu.dma_semaphore, #tpu.memory_space<semaphore_mem>>) src(%dma_wait3A_1324 : memref<8192xf32, #tpu.memory_space<hbm>>) dst(%arg10 : memref<8192xf32, #tpu.memory_space<vmem>>)
    %parallel_loop3A_1325 = arith.constant 0 : i32
    %parallel_loop3A_1326 = arith.constant 8192 : i32
    %parallel_loop3A_1327 = arith.constant 16 : i32
    scf.for %parallel_loop3A_1357 = %parallel_loop3A_1325 to %parallel_loop3A_1326 step %parallel_loop3A_1327  : i32 {
      %parallel_loop3A_1358 = arith.constant 16384 : i32
      %parallel_loop3A_1359 = arith.addi %parallel_loop3A_1358, %parallel_loop3A_1357 : i32
      %parallel_loop3A_1360 = arith.index_cast %parallel_loop3A_1359 : i32 to index
      %parallel_loop3A_1361 = tpu.vector_load %arg5[%parallel_loop3A_1360] {strides = array<i32>} : memref<32768xi32, #tpu.memory_space<vmem>>, vector<16xi32>,
      %parallel_loop3A_1362 = arith.index_cast %parallel_loop3A_1357 : i32 to index
      %parallel_loop3A_1363 = tpu.vector_load %arg10[%parallel_loop3A_1362] {strides = array<i32>} : memref<8192xf32, #tpu.memory_space<vmem>>, vector<16xf32>,
      tpu.vector_store_idx %arg7[%parallel_loop3A_1361], %parallel_loop3A_1363 : memref<32768xf32, #tpu.memory_space<vmem>>[vector<16xi32>], vector<16xf32>,
    } {sc.loop_unroll_factor = 4 : i64, sc.parallel_access}
    %dma_wait3A_1328 = arith.constant 24576 : i32
    %dma_wait3A_1329 = tpu.memref_slice %arg2[%add3A_1294, %dma_wait3A_1328] : memref<512x32768xf32, #tpu.memory_space<hbm>> -> memref<1x8192xf32, #tpu.memory_space<hbm>>
    %dma_wait3A_1330 = tpu.memref_squeeze %dma_wait3A_1329 : memref<1x8192xf32, #tpu.memory_space<hbm>> -> memref<8192xf32, #tpu.memory_space<hbm>>
    %dma_wait3A_1331 = arith.constant 24576 : i32
    %dma_wait3A_1332 = tpu.memref_slice %arg2[%add3A_1294, %dma_wait3A_1331] : memref<512x32768xf32, #tpu.memory_space<hbm>> -> memref<1x8192xf32, #tpu.memory_space<hbm>>
    %dma_wait3A_1333 = tpu.memref_squeeze %dma_wait3A_1332 : memref<1x8192xf32, #tpu.memory_space<hbm>> -> memref<8192xf32, #tpu.memory_space<hbm>>
    tpu.wait_dma2 semaphore(%arg16 : memref<!tpu.dma_semaphore, #tpu.memory_space<semaphore_mem>>) src(%dma_wait3A_1333 : memref<8192xf32, #tpu.memory_space<hbm>>) dst(%arg11 : memref<8192xf32, #tpu.memory_space<vmem>>)
    %parallel_loop3A_1334 = arith.constant 0 : i32
    %parallel_loop3A_1335 = arith.constant 8192 : i32
    %parallel_loop3A_1336 = arith.constant 16 : i32
    scf.for %parallel_loop3A_1357 = %parallel_loop3A_1334 to %parallel_loop3A_1335 step %parallel_loop3A_1336  : i32 {
      %parallel_loop3A_1358 = arith.constant 24576 : i32
      %parallel_loop3A_1359 = arith.addi %parallel_loop3A_1358, %parallel_loop3A_1357 : i32
      %parallel_loop3A_1360 = arith.index_cast %parallel_loop3A_1359 : i32 to index
      %parallel_loop3A_1361 = tpu.vector_load %arg5[%parallel_loop3A_1360] {strides = array<i32>} : memref<32768xi32, #tpu.memory_space<vmem>>, vector<16xi32>,
      %parallel_loop3A_1362 = arith.index_cast %parallel_loop3A_1357 : i32 to index
      %parallel_loop3A_1363 = tpu.vector_load %arg11[%parallel_loop3A_1362] {strides = array<i32>} : memref<8192xf32, #tpu.memory_space<vmem>>, vector<16xf32>,
      tpu.vector_store_idx %arg7[%parallel_loop3A_1361], %parallel_loop3A_1363 : memref<32768xf32, #tpu.memory_space<vmem>>[vector<16xi32>], vector<16xf32>,
    } {sc.loop_unroll_factor = 4 : i64, sc.parallel_access}
    %add3A_1337 = arith.constant 15 : i32
    %add3A_1338 = arith.addi %add3A_35, %add3A_1337 : i32
    %dma_start3A_1339 = arith.constant 0 : i32
    %dma_start3A_1340 = tpu.memref_slice %arg4[%add3A_1338, %dma_start3A_1339] : memref<512x32768xf32, #tpu.memory_space<hbm>> -> memref<1x32768xf32, #tpu.memory_space<hbm>>
    %dma_start3A_1341 = tpu.memref_squeeze %dma_start3A_1340 : memref<1x32768xf32, #tpu.memory_space<hbm>> -> memref<32768xf32, #tpu.memory_space<hbm>>
    %dma_start3A_1342 = arith.constant 0 : i32
    %dma_start3A_1343 = tpu.memref_slice %arg4[%add3A_1338, %dma_start3A_1342] : memref<512x32768xf32, #tpu.memory_space<hbm>> -> memref<1x32768xf32, #tpu.memory_space<hbm>>
    %dma_start3A_1344 = tpu.memref_squeeze %dma_start3A_1343 : memref<1x32768xf32, #tpu.memory_space<hbm>> -> memref<32768xf32, #tpu.memory_space<hbm>>
    tpu.enqueue_dma source(%arg7 : memref<32768xf32, #tpu.memory_space<vmem>>) target(%dma_start3A_1344 : memref<32768xf32, #tpu.memory_space<hbm>>) target_semaphore(%arg18 : memref<!tpu.dma_semaphore, #tpu.memory_space<semaphore_mem>>)
    %dma_wait3A_1345 = arith.constant 0 : i32
    %dma_wait3A_1346 = tpu.memref_slice %arg4[%add3A_1280, %dma_wait3A_1345] : memref<512x32768xf32, #tpu.memory_space<hbm>> -> memref<1x32768xf32, #tpu.memory_space<hbm>>
    %dma_wait3A_1347 = tpu.memref_squeeze %dma_wait3A_1346 : memref<1x32768xf32, #tpu.memory_space<hbm>> -> memref<32768xf32, #tpu.memory_space<hbm>>
    %dma_wait3A_1348 = arith.constant 0 : i32
    %dma_wait3A_1349 = tpu.memref_slice %arg4[%add3A_1280, %dma_wait3A_1348] : memref<512x32768xf32, #tpu.memory_space<hbm>> -> memref<1x32768xf32, #tpu.memory_space<hbm>>
    %dma_wait3A_1350 = tpu.memref_squeeze %dma_wait3A_1349 : memref<1x32768xf32, #tpu.memory_space<hbm>> -> memref<32768xf32, #tpu.memory_space<hbm>>
    tpu.wait_dma2 semaphore(%arg17 : memref<!tpu.dma_semaphore, #tpu.memory_space<semaphore_mem>>) src(%arg6 : memref<32768xf32, #tpu.memory_space<vmem>>) dst(%dma_wait3A_1350 : memref<32768xf32, #tpu.memory_space<hbm>>)
    %dma_wait3A_1351 = arith.constant 0 : i32
    %dma_wait3A_1352 = tpu.memref_slice %arg4[%add3A_1338, %dma_wait3A_1351] : memref<512x32768xf32, #tpu.memory_space<hbm>> -> memref<1x32768xf32, #tpu.memory_space<hbm>>
    %dma_wait3A_1353 = tpu.memref_squeeze %dma_wait3A_1352 : memref<1x32768xf32, #tpu.memory_space<hbm>> -> memref<32768xf32, #tpu.memory_space<hbm>>
    %dma_wait3A_1354 = arith.constant 0 : i32
    %dma_wait3A_1355 = tpu.memref_slice %arg4[%add3A_1338, %dma_wait3A_1354] : memref<512x32768xf32, #tpu.memory_space<hbm>> -> memref<1x32768xf32, #tpu.memory_space<hbm>>
    %dma_wait3A_1356 = tpu.memref_squeeze %dma_wait3A_1355 : memref<1x32768xf32, #tpu.memory_space<hbm>> -> memref<32768xf32, #tpu.memory_space<hbm>>
    tpu.wait_dma2 semaphore(%arg18 : memref<!tpu.dma_semaphore, #tpu.memory_space<semaphore_mem>>) src(%arg7 : memref<32768xf32, #tpu.memory_space<vmem>>) dst(%dma_wait3A_1356 : memref<32768xf32, #tpu.memory_space<hbm>>)
    return
  }
}

</mosaic_0001>

<sc_bundles>
// kernel: _sc_permute.3.cloned.1.call-start
scs
__scs_entry_jumppad:
0x0: {  	(pc) =	sbr.rel $0x88, $3  }
0x1: {  	(tag) =	ssettag $0x0;
	lr =	simm.s32 $0x1  }
0x2: {  	[smem:$0x3F9F] =	sst lr;
	_ =	strace $0xD0000000  }
0x3: {  	_ = 	snop  }
0x4: {  	_ = 	snop  }
0x5: {  	_ = 	snop  }
0x6: {  	_ = 	snop  }
0x7: {  	_ = 	snop  }
__scs_overlays_trampoline_lowered:
0x8: {  	[smem:$0x3FAE] =	sst s0  }
0x9: {  	[smem:$0x3FAF] =	sst s1  }
0xa: {  	[smem:$0x3FB0] =	sst s2  }
0xb: {  	[smem:$0x3FB1] =	sst s3  }
0xc: {  	[smem:$0x3FB2] =	sst s4  }
0xd: {  	[smem:$0x3FB3] =	sst s5  }
0xe: {  	[smem:$0x3FB4] =	sst s6  }
0xf: {  	[smem:$0x3FB5] =	sst s7  }
0x10: {  	[smem:$0x3FB6] =	sst s8  }
0x11: {  	[smem:$0x3FB7] =	sst s9;
	s0 =	simm.s32 @!p0 $0x0  }
0x12: {  	s1 =	sld [smem:$0x3F9D];
	s0 =	simm.s32 @p0 $0x1  }
0x13: {  	[smem:$0x3FB8] =	sst s0;
	s0 =	simm.s32 @!p1 $0x0  }
0x14: {  	s2 =	sld [smem:$0x3F9C];
	s0 =	simm.s32 @p1 $0x1  }
0x15: {  	[smem:$0x3FB9] =	sst s0;
	s0 =	simm.s32 @!p2 $0x0  }
0x16: {  	s3 =	sld [smem:$0x3FDB];
	s0 =	simm.s32 @p2 $0x1  }
0x17: {  	s4 =	simm.s32 $0x1BF5;
	[smem:$0x3FBB] =	sst s0  }
0x18: {  	s0 =	sld [smem:$0x3F9E];
	_ =	swait.ge [sflag:s4], $0x0  }
0x19: {  	s7 =	sld [smem:$0x3F9F]  }
0x1a: {  	s8 =	sadd.s32 $0xFFFFE003, lr  }
0x1b: {  	s9 =	sadd.s32 $0xFFFFFEF7, lr;
	s5 =	simm.s32 $0xFFFFFFFF;
	p2 =	slt.u32 s8, $0xFFFFF086  }
0x1c: {  	p1 =	slt.u32 s9, $0xF7A;
	s5 =	simm.s32 @!p2 $0x0  }
0x1d: {  	s5 =	simm.s32 @p1 $0x1;
	p0 =	seq.s32 s7, s2  }
0x1e: {  	s7 =	smul.u32 @!p0 $0xF7A, s2;
	p2 =	seq.s32 @!p0 s5, $0x0  }
0x1f: {  	s9 =	smul.u32 $0xF7A, s1;
	s8 =	simm.s32 @!p0 $0x1BF5;
	p2 =	por !p2, p0  }
0x20: {  	[sflag:s8] =	ssyncset.s32 @!p0 $0xFFFFF086;
	s6 =	sadd.s32 @!p0 s3, s7;
	s7 =	simm.s32 @!p0 $0x108  }
0x21: {  	s3 =	sadd.s32 s3, s9;
	s6 =	sadd.s32 @!p0 $0x88, s6;
	s7 =	simm.s32 @p2 $0x1082  }
0x22: {  	[simem:s7], [sflag:s8] =	dma.local @!p0 [hbm:s6], $0xF7A  }
0x23: {  	s9 =	sor.u32 $0xD0000000, s2;
	s6 =	simm.s32 $0x108;
	_ =	swait.ge @!p0 [sflag:s8], $0x0  }
0x24: {  	s3 =	sadd.s32 $0x88, s3;
	s6 =	simm.s32 @!p1 $0x1082;
	[sflag:s4] =	ssyncset.s32 $0xFFFFF086  }
0x25: {  	[simem:s6], [sflag:s4] =	dma.local [hbm:s3], $0xF7A  }
0x26: {  	[smem:$0x3F9F] =	sst s1;
	(tag) =	ssettag s2;
	_ =	strace s9  }
0x27: {  	s1 =	sld [smem:$0x3FAF]  }
0x28: {  	s2 =	sld [smem:$0x3FB0]  }
0x29: {  	s4 =	sld [smem:$0x3FB2]  }
0x2a: {  	p0 =	seq.s32 s5, $0x0;
	s5 =	sld [smem:$0x3FB3]  }
0x2b: {  	s6 =	sld [smem:$0x3FB4]  }
0x2c: {  	s7 =	sld [smem:$0x3FB5]  }
0x2d: {  	s3 =	simm.s32 $0x108;
	s8 =	sld [smem:$0x3FB6]  }
0x2e: {  	s3 =	simm.s32 @!p0 $0x1082;
	s9 =	sld [smem:$0x3FB7]  }
0x2f: {  	lr =	sadd.s32 s0, s3;
	s0 =	sld [smem:$0x3FAE]  }
0x30: {  	s3 =	sld [smem:$0x3FB1]  }
0x31: {  	[smem:$0x3FBA] =	sst s10  }
0x32: {  	s10 =	sld [smem:$0x3FB8];
	_ =	sdelay $0x3  }
0x33: {  	p0 =	seq.s32 s10, $0x1;
	s10 =	sld [smem:$0x3FBA];
	_ =	sdelay $0x3  }
0x34: {  	[smem:$0x3FBA] =	sst s10  }
0x35: {  	s10 =	sld [smem:$0x3FB9];
	_ =	sdelay $0x3  }
0x36: {  	p1 =	seq.s32 s10, $0x1;
	s10 =	sld [smem:$0x3FBA];
	_ =	sdelay $0x3  }
0x37: {  	[smem:$0x3FBA] =	sst s10  }
0x38: {  	s10 =	sld [smem:$0x3FBB]  }
0x39: {  	_ = 	snop;
	(pc) =	sbr.ind lr, $3  }
0x3a: {  	_ = 	snop  }
0x3b: {  	_ = 	snop  }
0x3c: {  	p2 =	seq.s32 s10, $0x1;
	s10 =	sld [smem:$0x3FBA]  }
0x3d: {  	_ =	shalt  }
0x3e: {  	_ =	shalt  }
0x3f: {  	_ =	shalt  }
0x40: {  	_ =	shalt  }
0x41: {  	_ =	shalt  }
0x42: {  	_ =	shalt  }
0x43: {  	_ =	shalt  }
0x44: {  	_ =	shalt  }
0x45: {  	_ =	shalt  }
0x46: {  	_ =	shalt  }
0x47: {  	_ =	shalt  }
0x48: {  	_ =	shalt  }
0x49: {  	_ =	shalt  }
0x4a: {  	_ =	shalt  }
0x4b: {  	_ =	shalt  }
0x4c: {  	_ =	shalt  }
0x4d: {  	_ =	shalt  }
0x4e: {  	_ =	shalt  }
0x4f: {  	_ =	shalt  }
0x50: {  	_ =	shalt  }
0x51: {  	_ =	shalt  }
0x52: {  	_ =	shalt  }
0x53: {  	_ =	shalt  }
0x54: {  	_ =	shalt  }
0x55: {  	_ =	shalt  }
0x56: {  	_ =	shalt  }
0x57: {  	_ =	shalt  }
0x58: {  	_ =	shalt  }
0x59: {  	_ =	shalt  }
0x5a: {  	_ =	shalt  }
0x5b: {  	_ =	shalt  }
0x5c: {  	_ =	shalt  }
0x5d: {  	_ =	shalt  }
0x5e: {  	_ =	shalt  }
0x5f: {  	_ =	shalt  }
0x60: {  	_ =	shalt  }
0x61: {  	_ =	shalt  }
0x62: {  	_ =	shalt  }
0x63: {  	_ =	shalt  }
0x64: {  	_ =	shalt  }
0x65: {  	_ =	shalt  }
0x66: {  	_ =	shalt  }
0x67: {  	_ =	shalt  }
0x68: {  	_ =	shalt  }
0x69: {  	_ =	shalt  }
0x6a: {  	_ =	shalt  }
0x6b: {  	_ =	shalt  }
0x6c: {  	_ =	shalt  }
0x6d: {  	_ =	shalt  }
0x6e: {  	_ =	shalt  }
0x6f: {  	_ =	shalt  }
0x70: {  	_ =	shalt  }
0x71: {  	_ =	shalt  }
0x72: {  	_ =	shalt  }
0x73: {  	_ =	shalt  }
0x74: {  	_ =	shalt  }
0x75: {  	_ =	shalt  }
0x76: {  	_ =	shalt  }
0x77: {  	_ =	shalt  }
0x78: {  	_ =	shalt  }
0x79: {  	_ =	shalt  }
0x7a: {  	_ =	shalt  }
0x7b: {  	_ =	shalt  }
0x7c: {  	_ =	shalt  }
0x7d: {  	_ =	shalt  }
0x7e: {  	_ =	shalt  }
0x7f: {  	_ =	shalt  }
0x80: {  	_ =	shalt  }
0x81: {  	_ =	shalt  }
0x82: {  	_ =	shalt  }
0x83: {  	_ =	shalt  }
0x84: {  	_ =	shalt  }
0x85: {  	_ =	shalt  }
0x86: {  	_ =	shalt  }
0x87: {  	_ =	shalt  }
.Lfunc_end0:
.L_simem_size_0:
called_computation_lowered:
.L_overlay_start_0:
0x88: {  	s2 =	sld [smem:$0x3FD9]  }
0x89: {  	s3 =	sld [smem:$0x3FFE];
	_ =	sdelay $0x1  }
0x8a: {  	s1 =	srdreg.scid  }
0x8b: {  	s0 =	sand.u32 $0x1, s1  }
0x8c: {  	s18 =	sshll.u32 s0, $0xA;
	s2 =	sadd.s32 s3, s2  }
0x8d: {  	s2 =	sadd.s32 s2, s18  }
0x8e: {  	[smem:$0x3FC6] =	sst s2  }
0x8f: {  	_ = 	snop  }
0x90: {  	s2 =	sld [smem:$0x3FC9]  }
0x91: {  	s19 =	sld [smem:$0x3FC8]  }
0x92: {  	s4 =	sld [smem:$0x3FD0];
	(tm) =	ssettm $0x1  }
0x93: {  	s5 =	sld [smem:$0x3FFB];
	_ =	sdelay $0x3  }
0x94: {  	_ =	strace s5  }
0x95: {  	s5 =	sld [smem:$0x3FFC];
	_ =	sdelay $0x3  }
0x96: {  	_ =	strace s5  }
0x97: {  	s5 =	sld [smem:$0x3FFD];
	_ =	sdelay $0x3  }
0x98: {  	_ =	strace s5  }
0x99: {  	_ =	strace $0x8FFFFFFF  }
0x9a: {  	s20 =	sld [smem:$0x3FDB];
	_ =	sdelay $0x1  }
0x9b: {  	s6 =	simm.s32 $_scs_section_size  }
0x9c: {  	s7 =	simm.s32 $_size__tile_overlayer_lowered;
	s8 =	simm.s32 $_tile_overlayer_lowered  }
0x9d: {  	s23 =	simm.s32 $0x1BFF;
	s22 =	sshll.u32 s8, $0x1;
	s5 =	sadd.s32 s6, s20  }
0x9e: {  	s9 =	simm.s32 $0x0;
	s21 =	sshll.u32 s7, $0x1;
	s7 =	sadd.s32 s22, s5  }
0x9f: {  	[timem:s9], [sflag:s23] =	dma.local [hbm:s7], s21  }
0xa0: {  	_ =	swait.ge [sflag:s23], s21  }
0xa1: {  	s6 =	ssub.s32 $0x0, s21;
	[sflag:s23] =	ssyncset.done $0x0  }
0xa2: {  	[sflag:s23] =	ssyncadd.s32 s6;
	_ =	sdelay $0x1  }
0xa3: {  	s24 =	simm.s32 $0x1B8B  }
0xa4: {  	_ =	swait.ge [sflag:s24], $0x1  }
0xa5: {  	[sflag:s24] =	ssyncset.done $0x0  }
0xa6: {  	s25 =	simm.s32 $0x1B8E;
	[sflag:s24] =	ssyncadd.s32 $0xFFFFFFFF  }
0xa7: {  	s26 =	simm.s32 $execute0_lowered;
	[smem:$0x3FD2] =	sst s25  }
0xa8: {  	s6 =	sshll.u32 s26, $0x1;
	_ =	strace $0x80000046;
	[dreg:$0x1] =	wrdreg $0xFFFFFFFF  }
0xa9: {  	s28 =	simm.s32 $_size_execute0_lowered;
	s5 =	sadd.s32 s5, s6;
	[dreg:$0x0] =	wrdreg $0x0  }
0xaa: {  	s6 =	sshll.u32 s28, $0x1;
	[dreg:$0x2] =	wrdreg s5  }
0xab: {  	[dreg:$0x3] =	wrdreg s6  }
0xac: {  	[dreg:$0x4] =	wrdreg $0xC0  }
0xad: {  	_ =	task [dreg:s9], $0x5FFFF  }
0xae: {  	[dreg:$0x1] =	wrdreg $0xFFFFFFFF  }
0xaf: {  	[dreg:$0x0] =	wrdreg $0x60  }
0xb0: {  	[dreg:$0x2] =	wrdreg s2  }
0xb1: {  	[dreg:$0x3] =	wrdreg s19  }
0xb2: {  	[dreg:$0x4] =	wrdreg s4  }
0xb3: {  	[dreg:$0x5] =	wrdreg $0x9  }
0xb4: {  	_ =	task.clear_ibuf [dreg:s9], $0x6FFFF;
	_ =	strace $0x90000046  }
0xb5: {  	s29 =	simm.s32 $0x9;
	_ =	strace $0x80000048  }
0xb6: {  	_ =	swait.ge [sflag:s29], $0x1  }
0xb7: {  	[sflag:s29] =	ssyncadd.s32 $0xFFFFFFFF  }
0xb8: {  	_ =	strace $0x90000048  }
0xb9: {  	_ =	sfence  }
0xba: {  	s30 =	sld [smem:$0x0];
	_ =	sdelay $0x2  }
0xbb: {  	s31 =	sshll.u32 s1, $0xD;
	s1 =	sshrl.u32 s1, $0x2  }
0xbc: {  	s3 =	sand.u32 $0x4000, s31;
	s1 =	sadd.s32 s1, s30  }
0xbd: {  	s0 =	sor.u32 s3, s0;
	s1 =	sshll.u32 s1, $0x11  }
0xbe: {  	s0 =	sor.u32 s1, s0  }
0xbf: {  	s0 =	sadd.s32 $0x8F2B, s0  }
0xc0: {  	[sflag:s0] =	ssyncadd.remote.s32 $0x1  }
0xc1: {  	_ =	sfence.sel $0xFFFF  }
0xc2: {  	[dreg:$0x0] =	wrdreg $0xFFFFFFFF;
	(pc) =	sbr.abs _section_cstart, $3  }
0xc3: {  	[dreg:$0x1] =	wrdreg $0xFFFFFFFF  }
0xc4: {  	_ =	task.clear_ibuf [dreg:s9], $0x2FFFF;
	_ =	strace $0x9FFFFFFF  }
0xc5: {  	(tm) =	ssettm $0x7FFFFFFF  }
tec
execute0_lowered:
.L_overlay_start_1:
0x0: {  	(tag) =	ssettag $0x1  }
0x1: {  	s5 =	stileid.u32  }
0x2: {  	s2 =	srdreg.scid;
	s3 =	sshll.u32 s5, $0x1  }
0x3: {  	s0 =	rddreg [dreg:$0x0];
	s2 =	sand.u32 $0x1, s2;
	s3 =	sand.u32 $0x2, s3  }
0x4: {  	s1 =	rddreg [dreg:$0x1];
	s5 =	sshrl.u32 s5, $0x1;
	s3 =	sor.u32 s2, s3  }
0x5: {  	s4 =	rddreg [dreg:$0x2];
	s6 =	sshll.u32 s5, $0x12;
	s3 =	sshll.u32 s3, $0x10  }
0x6: {  	s7 =	simm.s32 $0x0;
	s5 =	sshll.u32 s5, $0x4;
	s3 =	sor.u32 s6, s3  }
0x7: {  	[smem:$0x7FF] =	sst s7;
	s1 =	sadd.s32 s1, s5;
	s6 =	sor.u32 $0x10, s3  }
0x8: {  	[dreg:$0x4] =	wrdreg s1;
	s25 =	sor.u32 $0x20, s3;
	s24 =	sadd.s32 s0, s6  }
0x9: {  	s26 =	sadd.s32 s0, s25;
	[dreg:$0x5] =	wrdreg s24  }
0xa: {  	s8 =	sor.u32 $0x30, s3;
	s7 =	sadd.s32 s4, s6;
	[dreg:$0x6] =	wrdreg s26  }
0xb: {  	s2 =	ssub.s32 $0x2, s2;
	s9 =	sadd.s32 s0, s8;
	[dreg:$0x7] =	wrdreg s7  }
0xc: {  	s10 =	sor.u32 $0x40, s3;
	s1 =	sadd.s32 s4, s25;
	[dreg:$0x8] =	wrdreg s9  }
0xd: {  	s23 =	sshrl.u32 s2, $0x1;
	s11 =	sadd.s32 s0, s10;
	[dreg:$0x9] =	wrdreg s1  }
0xe: {  	s12 =	sor.u32 $0x50, s3;
	s5 =	sadd.s32 s4, s8;
	[dreg:$0xa] =	wrdreg s11  }
0xf: {  	s14 =	sor.u32 $0x60, s3;
	s13 =	sadd.s32 s0, s12;
	[dreg:$0xb] =	wrdreg s5  }
0x10: {  	s16 =	sor.u32 $0x70, s3;
	s15 =	sadd.s32 s0, s14;
	[dreg:$0xc] =	wrdreg s13  }
0x11: {  	s18 =	sor.u32 $0x8000, s3;
	s17 =	sadd.s32 s0, s16;
	[dreg:$0xe] =	wrdreg s15  }
0x12: {  	s20 =	sor.u32 $0x8010, s3;
	s19 =	sadd.s32 s0, s18;
	[dreg:$0x10] =	wrdreg s17  }
0x13: {  	s22 =	sor.u32 $0x8020, s3;
	s21 =	sadd.s32 s0, s20;
	[dreg:$0x12] =	wrdreg s19  }
0x14: {  	s2 =	ssub.s32 s2, s23;
	s23 =	sadd.s32 s0, s22;
	[dreg:$0x14] =	wrdreg s21  }
0x15: {  	s1 =	sadd.s32 s4, s10;
	[dreg:$0x17] =	wrdreg s23  }
0x16: {  	s5 =	sadd.s32 s4, s12;
	[dreg:$0xd] =	wrdreg s1  }
0x17: {  	s8 =	sor.u32 $0x8050, s3;
	s7 =	sadd.s32 s4, s3;
	[dreg:$0xf] =	wrdreg s5  }
0x18: {  	s10 =	sadd.s32 s0, s8;
	[dreg:$0x1d] =	wrdreg s7  }
0x19: {  	s28 =	sadd.s32 s0, s3;
	s1 =	sadd.s32 s4, s14;
	[dreg:$0x1e] =	wrdreg s10  }
0x1a: {  	s24 =	sor.u32 $0x8030, s3;
	s5 =	sadd.s32 s4, s16;
	[dreg:$0x11] =	wrdreg s1  }
0x1b: {  	s26 =	sor.u32 $0x8040, s3;
	s25 =	sadd.s32 s0, s24;
	[dreg:$0x13] =	wrdreg s5  }
0x1c: {  	s9 =	sor.u32 $0x8060, s3;
	s6 =	sadd.s32 s0, s26;
	[dreg:$0x19] =	wrdreg s25  }
0x1d: {  	s3 =	sor.u32 $0x8070, s3;
	s11 =	sadd.s32 s0, s9;
	[dreg:$0x1b] =	wrdreg s6  }
0x1e: {  	s0 =	sadd.s32 s0, s3;
	[smem:$0x7D3] =	sst s11  }
0x1f: {  	s12 =	sadd.s32 s4, s9;
	[smem:$0x7D4] =	sst s0  }
0x20: {  	s13 =	sadd.s32 s4, s3;
	[smem:$0x7D5] =	sst s12  }
0x21: {  	s1 =	sadd.s32 s4, s18;
	[smem:$0x7D6] =	sst s13  }
0x22: {  	s5 =	sadd.s32 s4, s20;
	[dreg:$0x15] =	wrdreg s1  }
0x23: {  	[dreg:$0x16] =	wrdreg s5;
	s1 =	sadd.s32 s4, s22  }
0x24: {  	s5 =	sadd.s32 s4, s24;
	[dreg:$0x18] =	wrdreg s1  }
0x25: {  	[dreg:$0x1a] =	wrdreg s5;
	s1 =	sadd.s32 s4, s26  }
0x26: {  	[dreg:$0x1c] =	wrdreg s1;
	s1 =	sadd.s32 s4, s8  }
0x27: {  	s14 =	smax.u32 s2, $0x1;
	[dreg:$0x1f] =	wrdreg s1  }
0x28: {  	s15 =	sadd.s32 $0x2000, s28;
	_ =	strace $0x80000047;
	[smem:$0x7D7] =	sst s14  }
0x29: {  	s16 =	sadd.s32 $0x4000, s28;
	[smem:$0x7D8] =	sst s15  }
0x2a: {  	s17 =	sadd.s32 $0x6000, s28;
	[smem:$0x7D9] =	sst s16  }
0x2b: {  	s18 =	sadd.s32 $0x2010, s28;
	[smem:$0x7DA] =	sst s17  }
0x2c: {  	s19 =	sadd.s32 $0x4010, s28;
	[smem:$0x7DB] =	sst s18  }
0x2d: {  	s20 =	sadd.s32 $0x6010, s28;
	[smem:$0x7DC] =	sst s19  }
0x2e: {  	s21 =	sadd.s32 $0x2020, s28;
	[smem:$0x7DD] =	sst s20  }
0x2f: {  	s22 =	sadd.s32 $0x4020, s28;
	[smem:$0x7DE] =	sst s21  }
0x30: {  	s23 =	sadd.s32 $0x6020, s28;
	[smem:$0x7DF] =	sst s22  }
0x31: {  	s24 =	sadd.s32 $0x2030, s28;
	[smem:$0x7E0] =	sst s23  }
0x32: {  	s25 =	sadd.s32 $0x4030, s28;
	[smem:$0x7E1] =	sst s24  }
0x33: {  	s26 =	sadd.s32 $0x6030, s28;
	[smem:$0x7E2] =	sst s25  }
0x34: {  	s1 =	sadd.s32 $0x2040, s28;
	[smem:$0x7E3] =	sst s26  }
0x35: {  	s2 =	sadd.s32 $0x4040, s28;
	[smem:$0x7E4] =	sst s1  }
0x36: {  	s3 =	sadd.s32 $0x6040, s28;
	[smem:$0x7E5] =	sst s2  }
0x37: {  	s4 =	sadd.s32 $0x2050, s28;
	[smem:$0x7E6] =	sst s3  }
0x38: {  	s5 =	sadd.s32 $0x4050, s28;
	[smem:$0x7E7] =	sst s4  }
0x39: {  	s6 =	sadd.s32 $0x6050, s28;
	[smem:$0x7E8] =	sst s5  }
0x3a: {  	s7 =	sadd.s32 $0x2060, s28;
	[smem:$0x7E9] =	sst s6  }
0x3b: {  	s8 =	sadd.s32 $0x4060, s28;
	[smem:$0x7EA] =	sst s7  }
0x3c: {  	s9 =	sadd.s32 $0x6060, s28;
	[smem:$0x7EB] =	sst s8  }
0x3d: {  	s10 =	sadd.s32 $0x2070, s28;
	[smem:$0x7EC] =	sst s9  }
0x3e: {  	s11 =	sadd.s32 $0x4070, s28;
	[smem:$0x7ED] =	sst s10  }
0x3f: {  	s12 =	sadd.s32 $0x6070, s28;
	[smem:$0x7EE] =	sst s11  }
0x40: {  	s13 =	sadd.s32 $0xA000, s28;
	[smem:$0x7EF] =	sst s12  }
0x41: {  	[smem:$0x7F0] =	sst s13;
	s14 =	sadd.s32 $0xC000, s28  }
0x42: {  	s29 =	simm.s32 $0x1C000;
	s15 =	sadd.s32 $0xE000, s28;
	[smem:$0x7F1] =	sst s14  }
0x43: {  	s31 =	simm.s32 $0x1;
	s16 =	sadd.s32 $0xA010, s28;
	[smem:$0x7F2] =	sst s15  }
0x44: {  	s30 =	simm.s32 $0x1E000;
	s17 =	sadd.s32 $0xC010, s28;
	[smem:$0x7F3] =	sst s16  }
0x45: {  	s0 =	simm.s32 $0x2;
	s18 =	sadd.s32 $0xE010, s28;
	[smem:$0x7F4] =	sst s17  }
0x46: {  	s19 =	sadd.s32 $0xA020, s28;
	s20 =	sadd.s32 $0xC020, s28;
	[smem:$0x7F5] =	sst s18  }
0x47: {  	s21 =	sadd.s32 $0xE020, s28;
	s22 =	sadd.s32 $0xA030, s28;
	[smem:$0x7F6] =	sst s19  }
0x48: {  	s23 =	sadd.s32 $0xC030, s28;
	s24 =	sadd.s32 $0xE030, s28;
	[smem:$0x7F7] =	sst s20  }
0x49: {  	s25 =	sadd.s32 $0xA040, s28;
	s26 =	sadd.s32 $0xC040, s28;
	[smem:$0x7F8] =	sst s21  }
0x4a: {  	s13 =	sadd.s32 $0xE040, s28;
	s1 =	simm.s32 $0x8000;
	[smem:$0x7F9] =	sst s22  }
0x4b: {  	s2 =	simm.s32 $0x3;
	s3 =	simm.s32 $0x4;
	[smem:$0x7FA] =	sst s23  }
0x4c: {  	s4 =	simm.s32 $0x5;
	s5 =	simm.s32 $0x10000;
	[smem:$0x7FB] =	sst s24  }
0x4d: {  	s6 =	simm.s32 $0x6;
	s7 =	simm.s32 $0x7;
	[smem:$0x7FC] =	sst s25  }
0x4e: {  	s8 =	simm.s32 $0x0;
	[smem:$0x7FD] =	sst s26;
	s14 =	sadd.s32 $0xA050, s28  }
0x4f: {  	s15 =	sadd.s32 $0xC050, s28;
	s16 =	sadd.s32 $0xE050, s28;
	s17 =	sadd.s32 $0xA060, s28  }
0x50: {  	s18 =	sadd.s32 $0xC060, s28;
	s19 =	sadd.s32 $0xE060, s28;
	s20 =	sadd.s32 $0xA070, s28  }
0x51: {  	s21 =	sadd.s32 $0xC070, s28;
	s22 =	sadd.s32 $0xE070, s28;
	s23 =	simm.s32 $0x80  }
0x52: {  	s24 =	simm.s32 $0x400;
	s25 =	simm.s32 $0x18000;
	s26 =	simm.s32 $0x1A000  }
.LBB2_1:
0x53: {  	s9 =	simm.s32 $0x0;
	s10 =	rddreg [dreg:$0x4]  }
0x54: {  	[tilespmem:s9], [sflag:$0x1] =	stream.strided.gather [hbm4b:s10+s23], $0x8000, s24, s23, $0x38;
	v63 =	vld [tilespmem:$0x0]  }
0x55: {  	s12 =	sld [smem:$0x7D8]  }
0x56: {  	[tilespmem:s25], [sflag:$0x2] =	stream.strided.gather [hbm4b:s28+s23], $0x2000, s24, s23, $0x38;
	v63 =	vld [tilespmem:$0x0]  }
0x57: {  	s10 =	sld [smem:$0x7D9]  }
0x58: {  	[tilespmem:s26], [sflag:$0x3] =	stream.strided.gather [hbm4b:s12+s23], $0x2000, s24, s23, $0x38;
	v63 =	vld [tilespmem:$0x0]  }
0x59: {  	_ = 	snop  }
0x5a: {  	[tilespmem:s29], [sflag:$0x4] =	stream.strided.gather [hbm4b:s10+s23], $0x2000, s24, s23, $0x38;
	v63 =	vld [tilespmem:$0x0]  }
0x5b: {  	_ =	swait.ge [sflag:s31], $0x8000  }
0x5c: {  	s11 =	sld [smem:$0x7DA]  }
0x5d: {  	[sflag:s31] =	ssyncset.done $0x0  }
0x5e: {  	[sflag:s31] =	ssyncadd.s32 $0xFFFF8000  }
0x5f: {  	[tilespmem:s30], [sflag:$0x5] =	stream.strided.gather [hbm4b:s11+s23], $0x2000, s24, s23, $0x38;
	v63 =	vld [tilespmem:$0x0]  }
0x60: {  	_ =	swait.ge [sflag:s0], $0x2000  }
0x61: {  	[sflag:s0] =	ssyncset.done $0x0  }
0x62: {  	s12 =	simm.s32 $0x20;
	[sflag:s0] =	ssyncadd.s32 $0xFFFFE000  }
0x63: {  	v0 =	vld [tilespmem:s12+$0x10]  }
0x64: {  	v4 =	vld [tilespmem:s12+$0xFFFFFFF0]  }
0x65: {  	s9 =	simm.s32 $0x18020;
	v2 =	vld [tilespmem:s12+$0x0]  }
0x66: {  	v6 =	vld [tilespmem:s9+$0x10]  }
0x67: {  	v1 =	vld [tilespmem:s12+$0xFFFFFFE0]  }
0x68: {  	v3 =	vld [tilespmem:s9+$0xFFFFFFE0]  }
0x69: {  	v7 =	vld [tilespmem:s9+$0xFFFFFFF0]  }
0x6a: {  	s10 =	simm.s32 $0x0;
	s11 =	simm.s32 $0x60;
	v5 =	vld [tilespmem:s9+$0x0]  }
.LBB2_2:
0x6b: {  	s10 =	sadd.s32 $0x40, s10;
	[tilespmem:v0+s1+$0x0] =	vst.idx.msk $0xffff, v6;
	v0 =	vld [tilespmem:s11+$0x10]  }
0x6c: {  	v8 =	vld [tilespmem:s11+$0xFFFFFFF0];
	p0 =	slt.u32 s10, $0x1FC0  }
0x6d: {  	s9 =	sadd.s32 $0x40, s9;
	v9 =	vld [tilespmem:s11+$0x0]  }
.Ltmp0:
0x6e: {  	v6 =	vld [tilespmem:s9+$0x10];
	[tilespmem:v4+s1+$0x0] =	vst.idx.msk $0xffff, v7;
	(pc) =	sbr.rel @p0 .LBB2_2-.Ltmp0, $4  }
0x6f: {  	[tilespmem:v1+s1+$0x0] =	vst.idx.msk $0xffff, v3;
	v1 =	vld [tilespmem:s11+$0xFFFFFFE0]  }
0x70: {  	v3 =	vld [tilespmem:s9+$0xFFFFFFE0];
	[tilespmem:v2+s1+$0x0] =	vst.idx.msk $0xffff, v5  }
0x71: {  	v7 =	vld [tilespmem:s9+$0xFFFFFFF0];
	v4 =	vmov v8  }
0x72: {  	s11 =	sadd.s32 $0x40, s11;
	v5 =	vld [tilespmem:s9+$0x0];
	v2 =	vmov v9  }
0x73: {  	_ =	sdelay $0x3  }
0x74: {  	[tilespmem:v0+s1+$0x0] =	vst.idx.msk $0xffff, v6  }
0x75: {  	[tilespmem:v1+s1+$0x0] =	vst.idx.msk $0xffff, v3  }
0x76: {  	[tilespmem:v4+s1+$0x0] =	vst.idx.msk $0xffff, v7  }
0x77: {  	[tilespmem:v2+s1+$0x0] =	vst.idx.msk $0xffff, v5  }
0x78: {  	s9 =	rddreg [dreg:$0x5]  }
0x79: {  	[tilespmem:s25], [sflag:$0x2] =	stream.strided.gather [hbm4b:s9+s23], $0x2000, s24, s23, $0x38;
	v63 =	vld [tilespmem:$0x0]  }
0x7a: {  	_ =	swait.ge [sflag:s2], $0x2000  }
0x7b: {  	s11 =	simm.s32 $0x0;
	[sflag:s2] =	ssyncset.done $0x0  }
0x7c: {  	s9 =	sand.u32 $0x1FC0, s11;
	[sflag:s2] =	ssyncadd.s32 $0xFFFFE000  }
0x7d: {  	s10 =	simm.s32 $0x1A020;
	v0 =	vld [tilespmem:s9+$0x2000]  }
0x7e: {  	v3 =	vld [tilespmem:s10+$0xFFFFFFF0]  }
0x7f: {  	s11 =	simm.s32 $0x2030;
	v5 =	vld [tilespmem:s10+$0x10]  }
0x80: {  	v9 =	vld [tilespmem:s11+$0x0]  }
0x81: {  	v10 =	vld [tilespmem:s11+$0xFFFFFFF0]  }
0x82: {  	v2 =	vld [tilespmem:s11+$0xFFFFFFE0]  }
0x83: {  	v11 =	vld [tilespmem:s10+$0x0]  }
0x84: {  	s9 =	simm.s32 $0x40;
	v6 =	vld [tilespmem:s10+$0xFFFFFFE0];
	s10 =	simm.s32 $0x1A060  }
0x85: {  	s12 =	sand.u32 $0x1FC0, s9;
	v7 =	vld [tilespmem:s10+$0xFFFFFFF0]  }
0x86: {  	v1 =	vld [tilespmem:s12+$0x2000]  }
0x87: {  	s11 =	simm.s32 $0x2070;
	v8 =	vld [tilespmem:s10+$0x10]  }
0x88: {  	v4 =	vld [tilespmem:s11+$0x0];
	[tilespmem:v9+s1+$0x0] =	vst.idx.msk $0xffff, v5  }
0x89: {  	v5 =	vld [tilespmem:s11+$0xFFFFFFF0];
	[tilespmem:v10+s1+$0x0] =	vst.idx.msk $0xffff, v11  }
.LBB2_4:
0x8a: {  	s9 =	sadd.s32 $0x40, s9;
	[tilespmem:v2+s1+$0x0] =	vst.idx.msk $0xffff, v3;
	v2 =	vld [tilespmem:s11+$0xFFFFFFE0]  }
0x8b: {  	s12 =	sand.u32 $0x1FC0, s9;
	p0 =	slt.u32 s9, $0x1FC0;
	v9 =	vld [tilespmem:s10+$0x0];
	[tilespmem:v0+s1+$0x0] =	vst.idx.msk $0xffff, v6;
	v0 =	vmov v1;
	v3 =	vmov v7  }
0x8c: {  	v1 =	vld [tilespmem:s12+$0x2000];
	v10 =	vmov v8  }
.Ltmp1:
0x8d: {  	v6 =	vld [tilespmem:s10+$0xFFFFFFE0];
	s10 =	sadd.s32 $0x40, s10;
	(pc) =	sbr.rel @p0 .LBB2_4-.Ltmp1, $4  }
0x8e: {  	v7 =	vld [tilespmem:s10+$0xFFFFFFF0]  }
0x8f: {  	s11 =	sadd.s32 $0x40, s11;
	v8 =	vld [tilespmem:s10+$0x10]  }
0x90: {  	[tilespmem:v4+s1+$0x0] =	vst.idx.msk $0xffff, v10;
	v4 =	vld [tilespmem:s11+$0x0]  }
0x91: {  	[tilespmem:v5+s1+$0x0] =	vst.idx.msk $0xffff, v9;
	v5 =	vld [tilespmem:s11+$0xFFFFFFF0]  }
0x92: {  	_ =	sdelay $0x1  }
0x93: {  	v9 =	vld [tilespmem:s11+$0xFFFFFFE0]  }
0x94: {  	v10 =	vld [tilespmem:s10+$0x0]  }
0x95: {  	[tilespmem:v2+s1+$0x0] =	vst.idx.msk $0xffff, v3;
	v2 =	vld [tilespmem:s10+$0xFFFFFFE0];
	_ =	sdelay $0x1  }
0x96: {  	[tilespmem:v0+s1+$0x0] =	vst.idx.msk $0xffff, v6  }
0x97: {  	[tilespmem:v4+s1+$0x0] =	vst.idx.msk $0xffff, v8  }
0x98: {  	[tilespmem:v5+s1+$0x0] =	vst.idx.msk $0xffff, v10  }
0x99: {  	[tilespmem:v1+s1+$0x0] =	vst.idx.msk $0xffff, v2  }
0x9a: {  	[tilespmem:v9+s1+$0x0] =	vst.idx.msk $0xffff, v7  }
0x9b: {  	s9 =	sld [smem:$0x7DB];
	_ =	sdelay $0x2  }
0x9c: {  	[tilespmem:s26], [sflag:$0x3] =	stream.strided.gather [hbm4b:s9+s23], $0x2000, s24, s23, $0x38;
	v63 =	vld [tilespmem:$0x0]  }
0x9d: {  	_ =	swait.ge [sflag:s3], $0x2000  }
0x9e: {  	s11 =	simm.s32 $0x0;
	[sflag:s3] =	ssyncset.done $0x0  }
0x9f: {  	s9 =	sand.u32 $0x1FC0, s11;
	[sflag:s3] =	ssyncadd.s32 $0xFFFFE000  }
0xa0: {  	s10 =	simm.s32 $0x1C020;
	v0 =	vld [tilespmem:s9+$0x4000]  }
0xa1: {  	v3 =	vld [tilespmem:s10+$0xFFFFFFF0]  }
0xa2: {  	s12 =	simm.s32 $0x4030;
	v5 =	vld [tilespmem:s10+$0x10]  }
0xa3: {  	v9 =	vld [tilespmem:s12+$0x0]  }
0xa4: {  	v10 =	vld [tilespmem:s12+$0xFFFFFFF0]  }
0xa5: {  	v2 =	vld [tilespmem:s12+$0xFFFFFFE0]  }
0xa6: {  	v11 =	vld [tilespmem:s10+$0x0]  }
0xa7: {  	s9 =	simm.s32 $0x40;
	v6 =	vld [tilespmem:s10+$0xFFFFFFE0];
	s10 =	simm.s32 $0x1C060  }
0xa8: {  	s12 =	sand.u32 $0x1FC0, s9;
	v7 =	vld [tilespmem:s10+$0xFFFFFFF0]  }
0xa9: {  	v1 =	vld [tilespmem:s12+$0x4000]  }
0xaa: {  	s11 =	simm.s32 $0x4070;
	v8 =	vld [tilespmem:s10+$0x10]  }
0xab: {  	v4 =	vld [tilespmem:s11+$0x0];
	[tilespmem:v9+s1+$0x0] =	vst.idx.msk $0xffff, v5  }
0xac: {  	v5 =	vld [tilespmem:s11+$0xFFFFFFF0];
	[tilespmem:v10+s1+$0x0] =	vst.idx.msk $0xffff, v11  }
.LBB2_6:
0xad: {  	s9 =	sadd.s32 $0x40, s9;
	[tilespmem:v2+s1+$0x0] =	vst.idx.msk $0xffff, v3;
	v2 =	vld [tilespmem:s11+$0xFFFFFFE0]  }
0xae: {  	s12 =	sand.u32 $0x1FC0, s9;
	p0 =	slt.u32 s9, $0x1FC0;
	v9 =	vld [tilespmem:s10+$0x0];
	[tilespmem:v0+s1+$0x0] =	vst.idx.msk $0xffff, v6;
	v0 =	vmov v1;
	v3 =	vmov v7  }
0xaf: {  	v1 =	vld [tilespmem:s12+$0x4000];
	v10 =	vmov v8  }
.Ltmp2:
0xb0: {  	v6 =	vld [tilespmem:s10+$0xFFFFFFE0];
	s10 =	sadd.s32 $0x40, s10;
	(pc) =	sbr.rel @p0 .LBB2_6-.Ltmp2, $4  }
0xb1: {  	v7 =	vld [tilespmem:s10+$0xFFFFFFF0]  }
0xb2: {  	s11 =	sadd.s32 $0x40, s11;
	v8 =	vld [tilespmem:s10+$0x10]  }
0xb3: {  	[tilespmem:v4+s1+$0x0] =	vst.idx.msk $0xffff, v10;
	v4 =	vld [tilespmem:s11+$0x0]  }
0xb4: {  	[tilespmem:v5+s1+$0x0] =	vst.idx.msk $0xffff, v9;
	v5 =	vld [tilespmem:s11+$0xFFFFFFF0]  }
0xb5: {  	_ =	sdelay $0x1  }
0xb6: {  	v9 =	vld [tilespmem:s11+$0xFFFFFFE0]  }
0xb7: {  	v10 =	vld [tilespmem:s10+$0x0]  }
0xb8: {  	[tilespmem:v2+s1+$0x0] =	vst.idx.msk $0xffff, v3;
	v2 =	vld [tilespmem:s10+$0xFFFFFFE0];
	_ =	sdelay $0x1  }
0xb9: {  	[tilespmem:v0+s1+$0x0] =	vst.idx.msk $0xffff, v6  }
0xba: {  	[tilespmem:v4+s1+$0x0] =	vst.idx.msk $0xffff, v8  }
0xbb: {  	[tilespmem:v5+s1+$0x0] =	vst.idx.msk $0xffff, v10  }
0xbc: {  	[tilespmem:v1+s1+$0x0] =	vst.idx.msk $0xffff, v2  }
0xbd: {  	[tilespmem:v9+s1+$0x0] =	vst.idx.msk $0xffff, v7  }
0xbe: {  	s9 =	sld [smem:$0x7DC];
	_ =	sdelay $0x2  }
0xbf: {  	[tilespmem:s29], [sflag:$0x4] =	stream.strided.gather [hbm4b:s9+s23], $0x2000, s24, s23, $0x38;
	v63 =	vld [tilespmem:$0x0]  }
0xc0: {  	_ =	swait.ge [sflag:s4], $0x2000  }
0xc1: {  	s11 =	simm.s32 $0x0;
	[sflag:s4] =	ssyncset.done $0x0  }
0xc2: {  	s9 =	sand.u32 $0x1FC0, s11;
	[sflag:s4] =	ssyncadd.s32 $0xFFFFE000  }
0xc3: {  	s10 =	simm.s32 $0x1E020;
	v0 =	vld [tilespmem:s9+$0x6000]  }
0xc4: {  	v3 =	vld [tilespmem:s10+$0xFFFFFFF0]  }
0xc5: {  	s12 =	simm.s32 $0x6030;
	v5 =	vld [tilespmem:s10+$0x10]  }
0xc6: {  	v9 =	vld [tilespmem:s12+$0x0]  }
0xc7: {  	v10 =	vld [tilespmem:s12+$0xFFFFFFF0]  }
0xc8: {  	v2 =	vld [tilespmem:s12+$0xFFFFFFE0]  }
0xc9: {  	v11 =	vld [tilespmem:s10+$0x0]  }
0xca: {  	s9 =	simm.s32 $0x40;
	v6 =	vld [tilespmem:s10+$0xFFFFFFE0];
	s10 =	simm.s32 $0x1E060  }
0xcb: {  	s12 =	sand.u32 $0x1FC0, s9;
	v7 =	vld [tilespmem:s10+$0xFFFFFFF0]  }
0xcc: {  	v1 =	vld [tilespmem:s12+$0x6000]  }
0xcd: {  	s11 =	simm.s32 $0x6070;
	v8 =	vld [tilespmem:s10+$0x10]  }
0xce: {  	v4 =	vld [tilespmem:s11+$0x0];
	[tilespmem:v9+s1+$0x0] =	vst.idx.msk $0xffff, v5  }
0xcf: {  	v5 =	vld [tilespmem:s11+$0xFFFFFFF0];
	[tilespmem:v10+s1+$0x0] =	vst.idx.msk $0xffff, v11  }
.LBB2_8:
0xd0: {  	s9 =	sadd.s32 $0x40, s9;
	[tilespmem:v2+s1+$0x0] =	vst.idx.msk $0xffff, v3;
	v2 =	vld [tilespmem:s11+$0xFFFFFFE0]  }
0xd1: {  	s12 =	sand.u32 $0x1FC0, s9;
	p0 =	slt.u32 s9, $0x1FC0;
	v9 =	vld [tilespmem:s10+$0x0];
	[tilespmem:v0+s1+$0x0] =	vst.idx.msk $0xffff, v6;
	v0 =	vmov v1;
	v3 =	vmov v7  }
0xd2: {  	v1 =	vld [tilespmem:s12+$0x6000];
	v10 =	vmov v8  }
.Ltmp3:
0xd3: {  	v6 =	vld [tilespmem:s10+$0xFFFFFFE0];
	s10 =	sadd.s32 $0x40, s10;
	(pc) =	sbr.rel @p0 .LBB2_8-.Ltmp3, $4  }
0xd4: {  	v7 =	vld [tilespmem:s10+$0xFFFFFFF0]  }
0xd5: {  	s11 =	sadd.s32 $0x40, s11;
	v8 =	vld [tilespmem:s10+$0x10]  }
0xd6: {  	[tilespmem:v4+s1+$0x0] =	vst.idx.msk $0xffff, v10;
	v4 =	vld [tilespmem:s11+$0x0]  }
0xd7: {  	[tilespmem:v5+s1+$0x0] =	vst.idx.msk $0xffff, v9;
	v5 =	vld [tilespmem:s11+$0xFFFFFFF0]  }
0xd8: {  	_ =	sdelay $0x1  }
0xd9: {  	v9 =	vld [tilespmem:s11+$0xFFFFFFE0]  }
0xda: {  	v10 =	vld [tilespmem:s10+$0x0]  }
0xdb: {  	[tilespmem:v2+s1+$0x0] =	vst.idx.msk $0xffff, v3;
	v2 =	vld [tilespmem:s10+$0xFFFFFFE0];
	_ =	sdelay $0x1  }
0xdc: {  	[tilespmem:v0+s1+$0x0] =	vst.idx.msk $0xffff, v6  }
0xdd: {  	[tilespmem:v4+s1+$0x0] =	vst.idx.msk $0xffff, v8  }
0xde: {  	[tilespmem:v5+s1+$0x0] =	vst.idx.msk $0xffff, v10  }
0xdf: {  	[tilespmem:v1+s1+$0x0] =	vst.idx.msk $0xffff, v2  }
0xe0: {  	[tilespmem:v9+s1+$0x0] =	vst.idx.msk $0xffff, v7  }
0xe1: {  	s9 =	rddreg [dreg:$0x1d]  }
0xe2: {  	s11 =	sld [smem:$0x7DD]  }
0xe3: {  	[hbm4b:s9+s23] =	stream.strided.scatter [tilespmem:s1], [sflag:$0x6], $0x8000, s24, s23, $0x38;
	v63 =	vld [tilespmem:$0x0]  }
0xe4: {  	_ = 	snop  }
0xe5: {  	[tilespmem:s30], [sflag:$0x5] =	stream.strided.gather [hbm4b:s11+s23], $0x2000, s24, s23, $0x38;
	v63 =	vld [tilespmem:$0x0]  }
0xe6: {  	_ =	swait.ge [sflag:s0], $0x2000  }
0xe7: {  	[sflag:s0] =	ssyncset.done $0x0  }
0xe8: {  	s12 =	simm.s32 $0x20;
	[sflag:s0] =	ssyncadd.s32 $0xFFFFE000  }
0xe9: {  	v0 =	vld [tilespmem:s12+$0x10]  }
0xea: {  	v4 =	vld [tilespmem:s12+$0xFFFFFFF0]  }
0xeb: {  	s9 =	simm.s32 $0x18020;
	v2 =	vld [tilespmem:s12+$0x0]  }
0xec: {  	v6 =	vld [tilespmem:s9+$0x10]  }
0xed: {  	v1 =	vld [tilespmem:s12+$0xFFFFFFE0]  }
0xee: {  	v3 =	vld [tilespmem:s9+$0xFFFFFFE0]  }
0xef: {  	v7 =	vld [tilespmem:s9+$0xFFFFFFF0]  }
0xf0: {  	s10 =	simm.s32 $0x0;
	s11 =	simm.s32 $0x60;
	v5 =	vld [tilespmem:s9+$0x0]  }
.LBB2_10:
0xf1: {  	s10 =	sadd.s32 $0x40, s10;
	[tilespmem:v0+s5+$0x0] =	vst.idx.msk $0xffff, v6;
	v0 =	vld [tilespmem:s11+$0x10]  }
0xf2: {  	v8 =	vld [tilespmem:s11+$0xFFFFFFF0];
	p0 =	slt.u32 s10, $0x1FC0  }
0xf3: {  	s9 =	sadd.s32 $0x40, s9;
	v9 =	vld [tilespmem:s11+$0x0]  }
.Ltmp4:
0xf4: {  	v6 =	vld [tilespmem:s9+$0x10];
	[tilespmem:v4+s5+$0x0] =	vst.idx.msk $0xffff, v7;
	(pc) =	sbr.rel @p0 .LBB2_10-.Ltmp4, $4  }
0xf5: {  	[tilespmem:v1+s5+$0x0] =	vst.idx.msk $0xffff, v3;
	v1 =	vld [tilespmem:s11+$0xFFFFFFE0]  }
0xf6: {  	v3 =	vld [tilespmem:s9+$0xFFFFFFE0];
	[tilespmem:v2+s5+$0x0] =	vst.idx.msk $0xffff, v5  }
0xf7: {  	v7 =	vld [tilespmem:s9+$0xFFFFFFF0];
	v4 =	vmov v8  }
0xf8: {  	s11 =	sadd.s32 $0x40, s11;
	v5 =	vld [tilespmem:s9+$0x0];
	v2 =	vmov v9  }
0xf9: {  	_ =	sdelay $0x3  }
0xfa: {  	[tilespmem:v0+s5+$0x0] =	vst.idx.msk $0xffff, v6  }
0xfb: {  	[tilespmem:v1+s5+$0x0] =	vst.idx.msk $0xffff, v3  }
0xfc: {  	[tilespmem:v4+s5+$0x0] =	vst.idx.msk $0xffff, v7  }
0xfd: {  	[tilespmem:v2+s5+$0x0] =	vst.idx.msk $0xffff, v5  }
0xfe: {  	s9 =	rddreg [dreg:$0x6]  }
0xff: {  	[tilespmem:s25], [sflag:$0x2] =	stream.strided.gather [hbm4b:s9+s23], $0x2000, s24, s23, $0x38;
	v63 =	vld [tilespmem:$0x0]  }
0x100: {  	_ =	swait.ge [sflag:s2], $0x2000  }
0x101: {  	s11 =	simm.s32 $0x0;
	[sflag:s2] =	ssyncset.done $0x0  }
0x102: {  	s9 =	sand.u32 $0x1FC0, s11;
	[sflag:s2] =	ssyncadd.s32 $0xFFFFE000  }
0x103: {  	s10 =	simm.s32 $0x1A020;
	v0 =	vld [tilespmem:s9+$0x2000]  }
0x104: {  	v3 =	vld [tilespmem:s10+$0xFFFFFFF0]  }
0x105: {  	s11 =	simm.s32 $0x2030;
	v5 =	vld [tilespmem:s10+$0x10]  }
0x106: {  	v9 =	vld [tilespmem:s11+$0x0]  }
0x107: {  	v10 =	vld [tilespmem:s11+$0xFFFFFFF0]  }
0x108: {  	v2 =	vld [tilespmem:s11+$0xFFFFFFE0]  }
0x109: {  	v11 =	vld [tilespmem:s10+$0x0]  }
0x10a: {  	s9 =	simm.s32 $0x40;
	v6 =	vld [tilespmem:s10+$0xFFFFFFE0];
	s10 =	simm.s32 $0x1A060  }
0x10b: {  	s12 =	sand.u32 $0x1FC0, s9;
	v7 =	vld [tilespmem:s10+$0xFFFFFFF0]  }
0x10c: {  	v1 =	vld [tilespmem:s12+$0x2000]  }
0x10d: {  	s11 =	simm.s32 $0x2070;
	v8 =	vld [tilespmem:s10+$0x10]  }
0x10e: {  	v4 =	vld [tilespmem:s11+$0x0];
	[tilespmem:v9+s5+$0x0] =	vst.idx.msk $0xffff, v5  }
0x10f: {  	v5 =	vld [tilespmem:s11+$0xFFFFFFF0];
	[tilespmem:v10+s5+$0x0] =	vst.idx.msk $0xffff, v11  }
.LBB2_12:
0x110: {  	s9 =	sadd.s32 $0x40, s9;
	[tilespmem:v2+s5+$0x0] =	vst.idx.msk $0xffff, v3;
	v2 =	vld [tilespmem:s11+$0xFFFFFFE0]  }
0x111: {  	s12 =	sand.u32 $0x1FC0, s9;
	p0 =	slt.u32 s9, $0x1FC0;
	v9 =	vld [tilespmem:s10+$0x0];
	[tilespmem:v0+s5+$0x0] =	vst.idx.msk $0xffff, v6;
	v0 =	vmov v1;
	v3 =	vmov v7  }
0x112: {  	v1 =	vld [tilespmem:s12+$0x2000];
	v10 =	vmov v8  }
.Ltmp5:
0x113: {  	v6 =	vld [tilespmem:s10+$0xFFFFFFE0];
	s10 =	sadd.s32 $0x40, s10;
	(pc) =	sbr.rel @p0 .LBB2_12-.Ltmp5, $4  }
0x114: {  	v7 =	vld [tilespmem:s10+$0xFFFFFFF0]  }
0x115: {  	s11 =	sadd.s32 $0x40, s11;
	v8 =	vld [tilespmem:s10+$0x10]  }
0x116: {  	[tilespmem:v4+s5+$0x0] =	vst.idx.msk $0xffff, v10;
	v4 =	vld [tilespmem:s11+$0x0]  }
0x117: {  	[tilespmem:v5+s5+$0x0] =	vst.idx.msk $0xffff, v9;
	v5 =	vld [tilespmem:s11+$0xFFFFFFF0]  }
0x118: {  	_ =	sdelay $0x1  }
0x119: {  	v9 =	vld [tilespmem:s11+$0xFFFFFFE0]  }
0x11a: {  	v10 =	vld [tilespmem:s10+$0x0]  }
0x11b: {  	[tilespmem:v2+s5+$0x0] =	vst.idx.msk $0xffff, v3;
	v2 =	vld [tilespmem:s10+$0xFFFFFFE0];
	_ =	sdelay $0x1  }
0x11c: {  	[tilespmem:v0+s5+$0x0] =	vst.idx.msk $0xffff, v6  }
0x11d: {  	[tilespmem:v4+s5+$0x0] =	vst.idx.msk $0xffff, v8  }
0x11e: {  	[tilespmem:v5+s5+$0x0] =	vst.idx.msk $0xffff, v10  }
0x11f: {  	[tilespmem:v1+s5+$0x0] =	vst.idx.msk $0xffff, v2  }
0x120: {  	[tilespmem:v9+s5+$0x0] =	vst.idx.msk $0xffff, v7  }
0x121: {  	s9 =	sld [smem:$0x7DE];
	_ =	sdelay $0x2  }
0x122: {  	[tilespmem:s26], [sflag:$0x3] =	stream.strided.gather [hbm4b:s9+s23], $0x2000, s24, s23, $0x38;
	v63 =	vld [tilespmem:$0x0]  }
0x123: {  	_ =	swait.ge [sflag:s3], $0x2000  }
0x124: {  	s11 =	simm.s32 $0x0;
	[sflag:s3] =	ssyncset.done $0x0  }
0x125: {  	s9 =	sand.u32 $0x1FC0, s11;
	[sflag:s3] =	ssyncadd.s32 $0xFFFFE000  }
0x126: {  	s10 =	simm.s32 $0x1C020;
	v0 =	vld [tilespmem:s9+$0x4000]  }
0x127: {  	v3 =	vld [tilespmem:s10+$0xFFFFFFF0]  }
0x128: {  	s12 =	simm.s32 $0x4030;
	v5 =	vld [tilespmem:s10+$0x10]  }
0x129: {  	v9 =	vld [tilespmem:s12+$0x0]  }
0x12a: {  	v10 =	vld [tilespmem:s12+$0xFFFFFFF0]  }
0x12b: {  	v2 =	vld [tilespmem:s12+$0xFFFFFFE0]  }
0x12c: {  	v11 =	vld [tilespmem:s10+$0x0]  }
0x12d: {  	s9 =	simm.s32 $0x40;
	v6 =	vld [tilespmem:s10+$0xFFFFFFE0];
	s10 =	simm.s32 $0x1C060  }
0x12e: {  	s12 =	sand.u32 $0x1FC0, s9;
	v7 =	vld [tilespmem:s10+$0xFFFFFFF0]  }
0x12f: {  	v1 =	vld [tilespmem:s12+$0x4000]  }
0x130: {  	s11 =	simm.s32 $0x4070;
	v8 =	vld [tilespmem:s10+$0x10]  }
0x131: {  	v4 =	vld [tilespmem:s11+$0x0];
	[tilespmem:v9+s5+$0x0] =	vst.idx.msk $0xffff, v5  }
0x132: {  	v5 =	vld [tilespmem:s11+$0xFFFFFFF0];
	[tilespmem:v10+s5+$0x0] =	vst.idx.msk $0xffff, v11  }
.LBB2_14:
0x133: {  	s9 =	sadd.s32 $0x40, s9;
	[tilespmem:v2+s5+$0x0] =	vst.idx.msk $0xffff, v3;
	v2 =	vld [tilespmem:s11+$0xFFFFFFE0]  }
0x134: {  	s12 =	sand.u32 $0x1FC0, s9;
	p0 =	slt.u32 s9, $0x1FC0;
	v9 =	vld [tilespmem:s10+$0x0];
	[tilespmem:v0+s5+$0x0] =	vst.idx.msk $0xffff, v6;
	v0 =	vmov v1;
	v3 =	vmov v7  }
0x135: {  	v1 =	vld [tilespmem:s12+$0x4000];
	v10 =	vmov v8  }
.Ltmp6:
0x136: {  	v6 =	vld [tilespmem:s10+$0xFFFFFFE0];
	s10 =	sadd.s32 $0x40, s10;
	(pc) =	sbr.rel @p0 .LBB2_14-.Ltmp6, $4  }
0x137: {  	v7 =	vld [tilespmem:s10+$0xFFFFFFF0]  }
0x138: {  	s11 =	sadd.s32 $0x40, s11;
	v8 =	vld [tilespmem:s10+$0x10]  }
0x139: {  	[tilespmem:v4+s5+$0x0] =	vst.idx.msk $0xffff, v10;
	v4 =	vld [tilespmem:s11+$0x0]  }
0x13a: {  	[tilespmem:v5+s5+$0x0] =	vst.idx.msk $0xffff, v9;
	v5 =	vld [tilespmem:s11+$0xFFFFFFF0]  }
0x13b: {  	_ =	sdelay $0x1  }
0x13c: {  	v9 =	vld [tilespmem:s11+$0xFFFFFFE0]  }
0x13d: {  	v10 =	vld [tilespmem:s10+$0x0]  }
0x13e: {  	[tilespmem:v2+s5+$0x0] =	vst.idx.msk $0xffff, v3;
	v2 =	vld [tilespmem:s10+$0xFFFFFFE0];
	_ =	sdelay $0x1  }
0x13f: {  	[tilespmem:v0+s5+$0x0] =	vst.idx.msk $0xffff, v6  }
0x140: {  	[tilespmem:v4+s5+$0x0] =	vst.idx.msk $0xffff, v8  }
0x141: {  	[tilespmem:v5+s5+$0x0] =	vst.idx.msk $0xffff, v10  }
0x142: {  	[tilespmem:v1+s5+$0x0] =	vst.idx.msk $0xffff, v2  }
0x143: {  	[tilespmem:v9+s5+$0x0] =	vst.idx.msk $0xffff, v7  }
0x144: {  	s9 =	sld [smem:$0x7DF];
	_ =	sdelay $0x2  }
0x145: {  	[tilespmem:s29], [sflag:$0x4] =	stream.strided.gather [hbm4b:s9+s23], $0x2000, s24, s23, $0x38;
	v63 =	vld [tilespmem:$0x0]  }
0x146: {  	_ =	swait.ge [sflag:s4], $0x2000  }
0x147: {  	s11 =	simm.s32 $0x0;
	[sflag:s4] =	ssyncset.done $0x0  }
0x148: {  	s9 =	sand.u32 $0x1FC0, s11;
	[sflag:s4] =	ssyncadd.s32 $0xFFFFE000  }
0x149: {  	s10 =	simm.s32 $0x1E020;
	v0 =	vld [tilespmem:s9+$0x6000]  }
0x14a: {  	v3 =	vld [tilespmem:s10+$0xFFFFFFF0]  }
0x14b: {  	s12 =	simm.s32 $0x6030;
	v5 =	vld [tilespmem:s10+$0x10]  }
0x14c: {  	v9 =	vld [tilespmem:s12+$0x0]  }
0x14d: {  	v10 =	vld [tilespmem:s12+$0xFFFFFFF0]  }
0x14e: {  	v2 =	vld [tilespmem:s12+$0xFFFFFFE0]  }
0x14f: {  	v11 =	vld [tilespmem:s10+$0x0]  }
0x150: {  	s9 =	simm.s32 $0x40;
	v6 =	vld [tilespmem:s10+$0xFFFFFFE0];
	s10 =	simm.s32 $0x1E060  }
0x151: {  	s12 =	sand.u32 $0x1FC0, s9;
	v7 =	vld [tilespmem:s10+$0xFFFFFFF0]  }
0x152: {  	v1 =	vld [tilespmem:s12+$0x6000]  }
0x153: {  	s11 =	simm.s32 $0x6070;
	v8 =	vld [tilespmem:s10+$0x10]  }
0x154: {  	v4 =	vld [tilespmem:s11+$0x0];
	[tilespmem:v9+s5+$0x0] =	vst.idx.msk $0xffff, v5  }
0x155: {  	v5 =	vld [tilespmem:s11+$0xFFFFFFF0];
	[tilespmem:v10+s5+$0x0] =	vst.idx.msk $0xffff, v11  }
.LBB2_16:
0x156: {  	s9 =	sadd.s32 $0x40, s9;
	[tilespmem:v2+s5+$0x0] =	vst.idx.msk $0xffff, v3;
	v2 =	vld [tilespmem:s11+$0xFFFFFFE0]  }
0x157: {  	s12 =	sand.u32 $0x1FC0, s9;
	p0 =	slt.u32 s9, $0x1FC0;
	v9 =	vld [tilespmem:s10+$0x0];
	[tilespmem:v0+s5+$0x0] =	vst.idx.msk $0xffff, v6;
	v0 =	vmov v1;
	v3 =	vmov v7  }
0x158: {  	v1 =	vld [tilespmem:s12+$0x6000];
	v10 =	vmov v8  }
.Ltmp7:
0x159: {  	v6 =	vld [tilespmem:s10+$0xFFFFFFE0];
	s10 =	sadd.s32 $0x40, s10;
	(pc) =	sbr.rel @p0 .LBB2_16-.Ltmp7, $4  }
0x15a: {  	v7 =	vld [tilespmem:s10+$0xFFFFFFF0]  }
0x15b: {  	s11 =	sadd.s32 $0x40, s11;
	v8 =	vld [tilespmem:s10+$0x10]  }
0x15c: {  	[tilespmem:v4+s5+$0x0] =	vst.idx.msk $0xffff, v10;
	v4 =	vld [tilespmem:s11+$0x0]  }
0x15d: {  	[tilespmem:v5+s5+$0x0] =	vst.idx.msk $0xffff, v9;
	v5 =	vld [tilespmem:s11+$0xFFFFFFF0]  }
0x15e: {  	_ =	sdelay $0x1  }
0x15f: {  	v9 =	vld [tilespmem:s11+$0xFFFFFFE0]  }
0x160: {  	v10 =	vld [tilespmem:s10+$0x0]  }
0x161: {  	[tilespmem:v2+s5+$0x0] =	vst.idx.msk $0xffff, v3;
	v2 =	vld [tilespmem:s10+$0xFFFFFFE0];
	_ =	sdelay $0x1  }
0x162: {  	[tilespmem:v0+s5+$0x0] =	vst.idx.msk $0xffff, v6  }
0x163: {  	[tilespmem:v4+s5+$0x0] =	vst.idx.msk $0xffff, v8  }
0x164: {  	[tilespmem:v5+s5+$0x0] =	vst.idx.msk $0xffff, v10  }
0x165: {  	[tilespmem:v1+s5+$0x0] =	vst.idx.msk $0xffff, v2  }
0x166: {  	[tilespmem:v9+s5+$0x0] =	vst.idx.msk $0xffff, v7  }
0x167: {  	s9 =	rddreg [dreg:$0x7]  }
0x168: {  	[hbm4b:s9+s23] =	stream.strided.scatter [tilespmem:s5], [sflag:$0x7], $0x8000, s24, s23, $0x38;
	v63 =	vld [tilespmem:$0x0]  }
0x169: {  	_ =	swait.ge [sflag:s6], $0x8000  }
0x16a: {  	s11 =	sld [smem:$0x7E0]  }
0x16b: {  	[sflag:s6] =	ssyncset.done $0x0  }
0x16c: {  	[sflag:s6] =	ssyncadd.s32 $0xFFFF8000  }
0x16d: {  	[tilespmem:s30], [sflag:$0x5] =	stream.strided.gather [hbm4b:s11+s23], $0x2000, s24, s23, $0x38;
	v63 =	vld [tilespmem:$0x0]  }
0x16e: {  	_ =	swait.ge [sflag:s0], $0x2000  }
0x16f: {  	[sflag:s0] =	ssyncset.done $0x0  }
0x170: {  	s12 =	simm.s32 $0x20;
	[sflag:s0] =	ssyncadd.s32 $0xFFFFE000  }
0x171: {  	v0 =	vld [tilespmem:s12+$0x10]  }
0x172: {  	v4 =	vld [tilespmem:s12+$0xFFFFFFF0]  }
0x173: {  	s9 =	simm.s32 $0x18020;
	v2 =	vld [tilespmem:s12+$0x0]  }
0x174: {  	v6 =	vld [tilespmem:s9+$0x10]  }
0x175: {  	v1 =	vld [tilespmem:s12+$0xFFFFFFE0]  }
0x176: {  	v3 =	vld [tilespmem:s9+$0xFFFFFFE0]  }
0x177: {  	v7 =	vld [tilespmem:s9+$0xFFFFFFF0]  }
0x178: {  	s10 =	simm.s32 $0x0;
	s11 =	simm.s32 $0x60;
	v5 =	vld [tilespmem:s9+$0x0]  }
.LBB2_18:
0x179: {  	s10 =	sadd.s32 $0x40, s10;
	[tilespmem:v0+s1+$0x0] =	vst.idx.msk $0xffff, v6;
	v0 =	vld [tilespmem:s11+$0x10]  }
0x17a: {  	v8 =	vld [tilespmem:s11+$0xFFFFFFF0];
	p0 =	slt.u32 s10, $0x1FC0  }
0x17b: {  	s9 =	sadd.s32 $0x40, s9;
	v9 =	vld [tilespmem:s11+$0x0]  }
.Ltmp8:
0x17c: {  	v6 =	vld [tilespmem:s9+$0x10];
	[tilespmem:v4+s1+$0x0] =	vst.idx.msk $0xffff, v7;
	(pc) =	sbr.rel @p0 .LBB2_18-.Ltmp8, $4  }
0x17d: {  	[tilespmem:v1+s1+$0x0] =	vst.idx.msk $0xffff, v3;
	v1 =	vld [tilespmem:s11+$0xFFFFFFE0]  }
0x17e: {  	v3 =	vld [tilespmem:s9+$0xFFFFFFE0];
	[tilespmem:v2+s1+$0x0] =	vst.idx.msk $0xffff, v5  }
0x17f: {  	v7 =	vld [tilespmem:s9+$0xFFFFFFF0];
	v4 =	vmov v8  }
0x180: {  	s11 =	sadd.s32 $0x40, s11;
	v5 =	vld [tilespmem:s9+$0x0];
	v2 =	vmov v9  }
0x181: {  	_ =	sdelay $0x3  }
0x182: {  	[tilespmem:v0+s1+$0x0] =	vst.idx.msk $0xffff, v6  }
0x183: {  	[tilespmem:v1+s1+$0x0] =	vst.idx.msk $0xffff, v3  }
0x184: {  	[tilespmem:v4+s1+$0x0] =	vst.idx.msk $0xffff, v7  }
0x185: {  	[tilespmem:v2+s1+$0x0] =	vst.idx.msk $0xffff, v5  }
0x186: {  	s9 =	rddreg [dreg:$0x8]  }
0x187: {  	[tilespmem:s25], [sflag:$0x2] =	stream.strided.gather [hbm4b:s9+s23], $0x2000, s24, s23, $0x38;
	v63 =	vld [tilespmem:$0x0]  }
0x188: {  	_ =	swait.ge [sflag:s2], $0x2000  }
0x189: {  	s11 =	simm.s32 $0x0;
	[sflag:s2] =	ssyncset.done $0x0  }
0x18a: {  	s9 =	sand.u32 $0x1FC0, s11;
	[sflag:s2] =	ssyncadd.s32 $0xFFFFE000  }
0x18b: {  	s10 =	simm.s32 $0x1A020;
	v0 =	vld [tilespmem:s9+$0x2000]  }
0x18c: {  	v3 =	vld [tilespmem:s10+$0xFFFFFFF0]  }
0x18d: {  	s11 =	simm.s32 $0x2030;
	v5 =	vld [tilespmem:s10+$0x10]  }
0x18e: {  	v9 =	vld [tilespmem:s11+$0x0]  }
0x18f: {  	v10 =	vld [tilespmem:s11+$0xFFFFFFF0]  }
0x190: {  	v2 =	vld [tilespmem:s11+$0xFFFFFFE0]  }
0x191: {  	v11 =	vld [tilespmem:s10+$0x0]  }
0x192: {  	s9 =	simm.s32 $0x40;
	v6 =	vld [tilespmem:s10+$0xFFFFFFE0];
	s10 =	simm.s32 $0x1A060  }
0x193: {  	s12 =	sand.u32 $0x1FC0, s9;
	v7 =	vld [tilespmem:s10+$0xFFFFFFF0]  }
0x194: {  	v1 =	vld [tilespmem:s12+$0x2000]  }
0x195: {  	s11 =	simm.s32 $0x2070;
	v8 =	vld [tilespmem:s10+$0x10]  }
0x196: {  	v4 =	vld [tilespmem:s11+$0x0];
	[tilespmem:v9+s1+$0x0] =	vst.idx.msk $0xffff, v5  }
0x197: {  	v5 =	vld [tilespmem:s11+$0xFFFFFFF0];
	[tilespmem:v10+s1+$0x0] =	vst.idx.msk $0xffff, v11  }
.LBB2_20:
0x198: {  	s9 =	sadd.s32 $0x40, s9;
	[tilespmem:v2+s1+$0x0] =	vst.idx.msk $0xffff, v3;
	v2 =	vld [tilespmem:s11+$0xFFFFFFE0]  }
0x199: {  	s12 =	sand.u32 $0x1FC0, s9;
	p0 =	slt.u32 s9, $0x1FC0;
	v9 =	vld [tilespmem:s10+$0x0];
	[tilespmem:v0+s1+$0x0] =	vst.idx.msk $0xffff, v6;
	v0 =	vmov v1;
	v3 =	vmov v7  }
0x19a: {  	v1 =	vld [tilespmem:s12+$0x2000];
	v10 =	vmov v8  }
.Ltmp9:
0x19b: {  	v6 =	vld [tilespmem:s10+$0xFFFFFFE0];
	s10 =	sadd.s32 $0x40, s10;
	(pc) =	sbr.rel @p0 .LBB2_20-.Ltmp9, $4  }
0x19c: {  	v7 =	vld [tilespmem:s10+$0xFFFFFFF0]  }
0x19d: {  	s11 =	sadd.s32 $0x40, s11;
	v8 =	vld [tilespmem:s10+$0x10]  }
0x19e: {  	[tilespmem:v4+s1+$0x0] =	vst.idx.msk $0xffff, v10;
	v4 =	vld [tilespmem:s11+$0x0]  }
0x19f: {  	[tilespmem:v5+s1+$0x0] =	vst.idx.msk $0xffff, v9;
	v5 =	vld [tilespmem:s11+$0xFFFFFFF0]  }
0x1a0: {  	_ =	sdelay $0x1  }
0x1a1: {  	v9 =	vld [tilespmem:s11+$0xFFFFFFE0]  }
0x1a2: {  	v10 =	vld [tilespmem:s10+$0x0]  }
0x1a3: {  	[tilespmem:v2+s1+$0x0] =	vst.idx.msk $0xffff, v3;
	v2 =	vld [tilespmem:s10+$0xFFFFFFE0];
	_ =	sdelay $0x1  }
0x1a4: {  	[tilespmem:v0+s1+$0x0] =	vst.idx.msk $0xffff, v6  }
0x1a5: {  	[tilespmem:v4+s1+$0x0] =	vst.idx.msk $0xffff, v8  }
0x1a6: {  	[tilespmem:v5+s1+$0x0] =	vst.idx.msk $0xffff, v10  }
0x1a7: {  	[tilespmem:v1+s1+$0x0] =	vst.idx.msk $0xffff, v2  }
0x1a8: {  	[tilespmem:v9+s1+$0x0] =	vst.idx.msk $0xffff, v7  }
0x1a9: {  	s9 =	sld [smem:$0x7E1];
	_ =	sdelay $0x2  }
0x1aa: {  	[tilespmem:s26], [sflag:$0x3] =	stream.strided.gather [hbm4b:s9+s23], $0x2000, s24, s23, $0x38;
	v63 =	vld [tilespmem:$0x0]  }
0x1ab: {  	_ =	swait.ge [sflag:s3], $0x2000  }
0x1ac: {  	s11 =	simm.s32 $0x0;
	[sflag:s3] =	ssyncset.done $0x0  }
0x1ad: {  	s9 =	sand.u32 $0x1FC0, s11;
	[sflag:s3] =	ssyncadd.s32 $0xFFFFE000  }
0x1ae: {  	s10 =	simm.s32 $0x1C020;
	v0 =	vld [tilespmem:s9+$0x4000]  }
0x1af: {  	v3 =	vld [tilespmem:s10+$0xFFFFFFF0]  }
0x1b0: {  	s12 =	simm.s32 $0x4030;
	v5 =	vld [tilespmem:s10+$0x10]  }
0x1b1: {  	v9 =	vld [tilespmem:s12+$0x0]  }
0x1b2: {  	v10 =	vld [tilespmem:s12+$0xFFFFFFF0]  }
0x1b3: {  	v2 =	vld [tilespmem:s12+$0xFFFFFFE0]  }
0x1b4: {  	v11 =	vld [tilespmem:s10+$0x0]  }
0x1b5: {  	s9 =	simm.s32 $0x40;
	v6 =	vld [tilespmem:s10+$0xFFFFFFE0];
	s10 =	simm.s32 $0x1C060  }
0x1b6: {  	s12 =	sand.u32 $0x1FC0, s9;
	v7 =	vld [tilespmem:s10+$0xFFFFFFF0]  }
0x1b7: {  	v1 =	vld [tilespmem:s12+$0x4000]  }
0x1b8: {  	s11 =	simm.s32 $0x4070;
	v8 =	vld [tilespmem:s10+$0x10]  }
0x1b9: {  	v4 =	vld [tilespmem:s11+$0x0];
	[tilespmem:v9+s1+$0x0] =	vst.idx.msk $0xffff, v5  }
0x1ba: {  	v5 =	vld [tilespmem:s11+$0xFFFFFFF0];
	[tilespmem:v10+s1+$0x0] =	vst.idx.msk $0xffff, v11  }
.LBB2_22:
0x1bb: {  	s9 =	sadd.s32 $0x40, s9;
	[tilespmem:v2+s1+$0x0] =	vst.idx.msk $0xffff, v3;
	v2 =	vld [tilespmem:s11+$0xFFFFFFE0]  }
0x1bc: {  	s12 =	sand.u32 $0x1FC0, s9;
	p0 =	slt.u32 s9, $0x1FC0;
	v9 =	vld [tilespmem:s10+$0x0];
	[tilespmem:v0+s1+$0x0] =	vst.idx.msk $0xffff, v6;
	v0 =	vmov v1;
	v3 =	vmov v7  }
0x1bd: {  	v1 =	vld [tilespmem:s12+$0x4000];
	v10 =	vmov v8  }
.Ltmp10:
0x1be: {  	v6 =	vld [tilespmem:s10+$0xFFFFFFE0];
	s10 =	sadd.s32 $0x40, s10;
	(pc) =	sbr.rel @p0 .LBB2_22-.Ltmp10, $4  }
0x1bf: {  	v7 =	vld [tilespmem:s10+$0xFFFFFFF0]  }
0x1c0: {  	s11 =	sadd.s32 $0x40, s11;
	v8 =	vld [tilespmem:s10+$0x10]  }
0x1c1: {  	[tilespmem:v4+s1+$0x0] =	vst.idx.msk $0xffff, v10;
	v4 =	vld [tilespmem:s11+$0x0]  }
0x1c2: {  	[tilespmem:v5+s1+$0x0] =	vst.idx.msk $0xffff, v9;
	v5 =	vld [tilespmem:s11+$0xFFFFFFF0]  }
0x1c3: {  	_ =	sdelay $0x1  }
0x1c4: {  	v9 =	vld [tilespmem:s11+$0xFFFFFFE0]  }
0x1c5: {  	v10 =	vld [tilespmem:s10+$0x0]  }
0x1c6: {  	[tilespmem:v2+s1+$0x0] =	vst.idx.msk $0xffff, v3;
	v2 =	vld [tilespmem:s10+$0xFFFFFFE0];
	_ =	sdelay $0x1  }
0x1c7: {  	[tilespmem:v0+s1+$0x0] =	vst.idx.msk $0xffff, v6  }
0x1c8: {  	[tilespmem:v4+s1+$0x0] =	vst.idx.msk $0xffff, v8  }
0x1c9: {  	[tilespmem:v5+s1+$0x0] =	vst.idx.msk $0xffff, v10  }
0x1ca: {  	[tilespmem:v1+s1+$0x0] =	vst.idx.msk $0xffff, v2  }
0x1cb: {  	[tilespmem:v9+s1+$0x0] =	vst.idx.msk $0xffff, v7  }
0x1cc: {  	s9 =	sld [smem:$0x7E2];
	_ =	sdelay $0x2  }
0x1cd: {  	[tilespmem:s29], [sflag:$0x4] =	stream.strided.gather [hbm4b:s9+s23], $0x2000, s24, s23, $0x38;
	v63 =	vld [tilespmem:$0x0]  }
0x1ce: {  	_ =	swait.ge [sflag:s4], $0x2000  }
0x1cf: {  	s11 =	simm.s32 $0x0;
	[sflag:s4] =	ssyncset.done $0x0  }
0x1d0: {  	s9 =	sand.u32 $0x1FC0, s11;
	[sflag:s4] =	ssyncadd.s32 $0xFFFFE000  }
0x1d1: {  	s10 =	simm.s32 $0x1E020;
	v0 =	vld [tilespmem:s9+$0x6000]  }
0x1d2: {  	v3 =	vld [tilespmem:s10+$0xFFFFFFF0]  }
0x1d3: {  	s12 =	simm.s32 $0x6030;
	v5 =	vld [tilespmem:s10+$0x10]  }
0x1d4: {  	v9 =	vld [tilespmem:s12+$0x0]  }
0x1d5: {  	v10 =	vld [tilespmem:s12+$0xFFFFFFF0]  }
0x1d6: {  	v2 =	vld [tilespmem:s12+$0xFFFFFFE0]  }
0x1d7: {  	v11 =	vld [tilespmem:s10+$0x0]  }
0x1d8: {  	s9 =	simm.s32 $0x40;
	v6 =	vld [tilespmem:s10+$0xFFFFFFE0];
	s10 =	simm.s32 $0x1E060  }
0x1d9: {  	s12 =	sand.u32 $0x1FC0, s9;
	v7 =	vld [tilespmem:s10+$0xFFFFFFF0]  }
0x1da: {  	v1 =	vld [tilespmem:s12+$0x6000]  }
0x1db: {  	s11 =	simm.s32 $0x6070;
	v8 =	vld [tilespmem:s10+$0x10]  }
0x1dc: {  	v4 =	vld [tilespmem:s11+$0x0];
	[tilespmem:v9+s1+$0x0] =	vst.idx.msk $0xffff, v5  }
0x1dd: {  	v5 =	vld [tilespmem:s11+$0xFFFFFFF0];
	[tilespmem:v10+s1+$0x0] =	vst.idx.msk $0xffff, v11  }
.LBB2_24:
0x1de: {  	s9 =	sadd.s32 $0x40, s9;
	[tilespmem:v2+s1+$0x0] =	vst.idx.msk $0xffff, v3;
	v2 =	vld [tilespmem:s11+$0xFFFFFFE0]  }
0x1df: {  	s12 =	sand.u32 $0x1FC0, s9;
	p0 =	slt.u32 s9, $0x1FC0;
	v9 =	vld [tilespmem:s10+$0x0];
	[tilespmem:v0+s1+$0x0] =	vst.idx.msk $0xffff, v6;
	v0 =	vmov v1;
	v3 =	vmov v7  }
0x1e0: {  	v1 =	vld [tilespmem:s12+$0x6000];
	v10 =	vmov v8  }
.Ltmp11:
0x1e1: {  	v6 =	vld [tilespmem:s10+$0xFFFFFFE0];
	s10 =	sadd.s32 $0x40, s10;
	(pc) =	sbr.rel @p0 .LBB2_24-.Ltmp11, $4  }
0x1e2: {  	v7 =	vld [tilespmem:s10+$0xFFFFFFF0]  }
0x1e3: {  	s11 =	sadd.s32 $0x40, s11;
	v8 =	vld [tilespmem:s10+$0x10]  }
0x1e4: {  	[tilespmem:v4+s1+$0x0] =	vst.idx.msk $0xffff, v10;
	v4 =	vld [tilespmem:s11+$0x0]  }
0x1e5: {  	[tilespmem:v5+s1+$0x0] =	vst.idx.msk $0xffff, v9;
	v5 =	vld [tilespmem:s11+$0xFFFFFFF0]  }
0x1e6: {  	_ =	sdelay $0x1  }
0x1e7: {  	v9 =	vld [tilespmem:s11+$0xFFFFFFE0]  }
0x1e8: {  	v10 =	vld [tilespmem:s10+$0x0]  }
0x1e9: {  	[tilespmem:v2+s1+$0x0] =	vst.idx.msk $0xffff, v3;
	v2 =	vld [tilespmem:s10+$0xFFFFFFE0];
	_ =	sdelay $0x1  }
0x1ea: {  	[tilespmem:v0+s1+$0x0] =	vst.idx.msk $0xffff, v6  }
0x1eb: {  	[tilespmem:v4+s1+$0x0] =	vst.idx.msk $0xffff, v8  }
0x1ec: {  	[tilespmem:v5+s1+$0x0] =	vst.idx.msk $0xffff, v10  }
0x1ed: {  	[tilespmem:v1+s1+$0x0] =	vst.idx.msk $0xffff, v2  }
0x1ee: {  	[tilespmem:v9+s1+$0x0] =	vst.idx.msk $0xffff, v7  }
0x1ef: {  	s9 =	rddreg [dreg:$0x9]  }
0x1f0: {  	[hbm4b:s9+s23] =	stream.strided.scatter [tilespmem:s1], [sflag:$0x6], $0x8000, s24, s23, $0x38;
	v63 =	vld [tilespmem:$0x0]  }
0x1f1: {  	_ =	swait.ge [sflag:s7], $0x8000  }
0x1f2: {  	s11 =	sld [smem:$0x7E3]  }
0x1f3: {  	[sflag:s7] =	ssyncset.done $0x0  }
0x1f4: {  	[sflag:s7] =	ssyncadd.s32 $0xFFFF8000  }
0x1f5: {  	[tilespmem:s30], [sflag:$0x5] =	stream.strided.gather [hbm4b:s11+s23], $0x2000, s24, s23, $0x38;
	v63 =	vld [tilespmem:$0x0]  }
0x1f6: {  	_ =	swait.ge [sflag:s0], $0x2000  }
0x1f7: {  	[sflag:s0] =	ssyncset.done $0x0  }
0x1f8: {  	s12 =	simm.s32 $0x20;
	[sflag:s0] =	ssyncadd.s32 $0xFFFFE000  }
0x1f9: {  	v0 =	vld [tilespmem:s12+$0x10]  }
0x1fa: {  	v4 =	vld [tilespmem:s12+$0xFFFFFFF0]  }
0x1fb: {  	s9 =	simm.s32 $0x18020;
	v2 =	vld [tilespmem:s12+$0x0]  }
0x1fc: {  	v6 =	vld [tilespmem:s9+$0x10]  }
0x1fd: {  	v1 =	vld [tilespmem:s12+$0xFFFFFFE0]  }
0x1fe: {  	v3 =	vld [tilespmem:s9+$0xFFFFFFE0]  }
0x1ff: {  	v7 =	vld [tilespmem:s9+$0xFFFFFFF0]  }
0x200: {  	s10 =	simm.s32 $0x0;
	s11 =	simm.s32 $0x60;
	v5 =	vld [tilespmem:s9+$0x0]  }
.LBB2_26:
0x201: {  	s10 =	sadd.s32 $0x40, s10;
	[tilespmem:v0+s5+$0x0] =	vst.idx.msk $0xffff, v6;
	v0 =	vld [tilespmem:s11+$0x10]  }
0x202: {  	v8 =	vld [tilespmem:s11+$0xFFFFFFF0];
	p0 =	slt.u32 s10, $0x1FC0  }
0x203: {  	s9 =	sadd.s32 $0x40, s9;
	v9 =	vld [tilespmem:s11+$0x0]  }
.Ltmp12:
0x204: {  	v6 =	vld [tilespmem:s9+$0x10];
	[tilespmem:v4+s5+$0x0] =	vst.idx.msk $0xffff, v7;
	(pc) =	sbr.rel @p0 .LBB2_26-.Ltmp12, $4  }
0x205: {  	[tilespmem:v1+s5+$0x0] =	vst.idx.msk $0xffff, v3;
	v1 =	vld [tilespmem:s11+$0xFFFFFFE0]  }
0x206: {  	v3 =	vld [tilespmem:s9+$0xFFFFFFE0];
	[tilespmem:v2+s5+$0x0] =	vst.idx.msk $0xffff, v5  }
0x207: {  	v7 =	vld [tilespmem:s9+$0xFFFFFFF0];
	v4 =	vmov v8  }
0x208: {  	s11 =	sadd.s32 $0x40, s11;
	v5 =	vld [tilespmem:s9+$0x0];
	v2 =	vmov v9  }
0x209: {  	_ =	sdelay $0x3  }
0x20a: {  	[tilespmem:v0+s5+$0x0] =	vst.idx.msk $0xffff, v6  }
0x20b: {  	[tilespmem:v1+s5+$0x0] =	vst.idx.msk $0xffff, v3  }
0x20c: {  	[tilespmem:v4+s5+$0x0] =	vst.idx.msk $0xffff, v7  }
0x20d: {  	[tilespmem:v2+s5+$0x0] =	vst.idx.msk $0xffff, v5  }
0x20e: {  	s9 =	rddreg [dreg:$0xa]  }
0x20f: {  	[tilespmem:s25], [sflag:$0x2] =	stream.strided.gather [hbm4b:s9+s23], $0x2000, s24, s23, $0x38;
	v63 =	vld [tilespmem:$0x0]  }
0x210: {  	_ =	swait.ge [sflag:s2], $0x2000  }
0x211: {  	s11 =	simm.s32 $0x0;
	[sflag:s2] =	ssyncset.done $0x0  }
0x212: {  	s9 =	sand.u32 $0x1FC0, s11;
	[sflag:s2] =	ssyncadd.s32 $0xFFFFE000  }
0x213: {  	s10 =	simm.s32 $0x1A020;
	v0 =	vld [tilespmem:s9+$0x2000]  }
0x214: {  	v3 =	vld [tilespmem:s10+$0xFFFFFFF0]  }
0x215: {  	s11 =	simm.s32 $0x2030;
	v5 =	vld [tilespmem:s10+$0x10]  }
0x216: {  	v9 =	vld [tilespmem:s11+$0x0]  }
0x217: {  	v10 =	vld [tilespmem:s11+$0xFFFFFFF0]  }
0x218: {  	v2 =	vld [tilespmem:s11+$0xFFFFFFE0]  }
0x219: {  	v11 =	vld [tilespmem:s10+$0x0]  }
0x21a: {  	s9 =	simm.s32 $0x40;
	v6 =	vld [tilespmem:s10+$0xFFFFFFE0];
	s10 =	simm.s32 $0x1A060  }
0x21b: {  	s12 =	sand.u32 $0x1FC0, s9;
	v7 =	vld [tilespmem:s10+$0xFFFFFFF0]  }
0x21c: {  	v1 =	vld [tilespmem:s12+$0x2000]  }
0x21d: {  	s11 =	simm.s32 $0x2070;
	v8 =	vld [tilespmem:s10+$0x10]  }
0x21e: {  	v4 =	vld [tilespmem:s11+$0x0];
	[tilespmem:v9+s5+$0x0] =	vst.idx.msk $0xffff, v5  }
0x21f: {  	v5 =	vld [tilespmem:s11+$0xFFFFFFF0];
	[tilespmem:v10+s5+$0x0] =	vst.idx.msk $0xffff, v11  }
.LBB2_28:
0x220: {  	s9 =	sadd.s32 $0x40, s9;
	[tilespmem:v2+s5+$0x0] =	vst.idx.msk $0xffff, v3;
	v2 =	vld [tilespmem:s11+$0xFFFFFFE0]  }
0x221: {  	s12 =	sand.u32 $0x1FC0, s9;
	p0 =	slt.u32 s9, $0x1FC0;
	v9 =	vld [tilespmem:s10+$0x0];
	[tilespmem:v0+s5+$0x0] =	vst.idx.msk $0xffff, v6;
	v0 =	vmov v1;
	v3 =	vmov v7  }
0x222: {  	v1 =	vld [tilespmem:s12+$0x2000];
	v10 =	vmov v8  }
.Ltmp13:
0x223: {  	v6 =	vld [tilespmem:s10+$0xFFFFFFE0];
	s10 =	sadd.s32 $0x40, s10;
	(pc) =	sbr.rel @p0 .LBB2_28-.Ltmp13, $4  }
0x224: {  	v7 =	vld [tilespmem:s10+$0xFFFFFFF0]  }
0x225: {  	s11 =	sadd.s32 $0x40, s11;
	v8 =	vld [tilespmem:s10+$0x10]  }
0x226: {  	[tilespmem:v4+s5+$0x0] =	vst.idx.msk $0xffff, v10;
	v4 =	vld [tilespmem:s11+$0x0]  }
0x227: {  	[tilespmem:v5+s5+$0x0] =	vst.idx.msk $0xffff, v9;
	v5 =	vld [tilespmem:s11+$0xFFFFFFF0]  }
0x228: {  	_ =	sdelay $0x1  }
0x229: {  	v9 =	vld [tilespmem:s11+$0xFFFFFFE0]  }
0x22a: {  	v10 =	vld [tilespmem:s10+$0x0]  }
0x22b: {  	[tilespmem:v2+s5+$0x0] =	vst.idx.msk $0xffff, v3;
	v2 =	vld [tilespmem:s10+$0xFFFFFFE0];
	_ =	sdelay $0x1  }
0x22c: {  	[tilespmem:v0+s5+$0x0] =	vst.idx.msk $0xffff, v6  }
0x22d: {  	[tilespmem:v4+s5+$0x0] =	vst.idx.msk $0xffff, v8  }
0x22e: {  	[tilespmem:v5+s5+$0x0] =	vst.idx.msk $0xffff, v10  }
0x22f: {  	[tilespmem:v1+s5+$0x0] =	vst.idx.msk $0xffff, v2  }
0x230: {  	[tilespmem:v9+s5+$0x0] =	vst.idx.msk $0xffff, v7  }
0x231: {  	s9 =	sld [smem:$0x7E4];
	_ =	sdelay $0x2  }
0x232: {  	[tilespmem:s26], [sflag:$0x3] =	stream.strided.gather [hbm4b:s9+s23], $0x2000, s24, s23, $0x38;
	v63 =	vld [tilespmem:$0x0]  }
0x233: {  	_ =	swait.ge [sflag:s3], $0x2000  }
0x234: {  	s11 =	simm.s32 $0x0;
	[sflag:s3] =	ssyncset.done $0x0  }
0x235: {  	s9 =	sand.u32 $0x1FC0, s11;
	[sflag:s3] =	ssyncadd.s32 $0xFFFFE000  }
0x236: {  	s10 =	simm.s32 $0x1C020;
	v0 =	vld [tilespmem:s9+$0x4000]  }
0x237: {  	v3 =	vld [tilespmem:s10+$0xFFFFFFF0]  }
0x238: {  	s12 =	simm.s32 $0x4030;
	v5 =	vld [tilespmem:s10+$0x10]  }
0x239: {  	v9 =	vld [tilespmem:s12+$0x0]  }
0x23a: {  	v10 =	vld [tilespmem:s12+$0xFFFFFFF0]  }
0x23b: {  	v2 =	vld [tilespmem:s12+$0xFFFFFFE0]  }
0x23c: {  	v11 =	vld [tilespmem:s10+$0x0]  }
0x23d: {  	s9 =	simm.s32 $0x40;
	v6 =	vld [tilespmem:s10+$0xFFFFFFE0];
	s10 =	simm.s32 $0x1C060  }
0x23e: {  	s12 =	sand.u32 $0x1FC0, s9;
	v7 =	vld [tilespmem:s10+$0xFFFFFFF0]  }
0x23f: {  	v1 =	vld [tilespmem:s12+$0x4000]  }
0x240: {  	s11 =	simm.s32 $0x4070;
	v8 =	vld [tilespmem:s10+$0x10]  }
0x241: {  	v4 =	vld [tilespmem:s11+$0x0];
	[tilespmem:v9+s5+$0x0] =	vst.idx.msk $0xffff, v5  }
0x242: {  	v5 =	vld [tilespmem:s11+$0xFFFFFFF0];
	[tilespmem:v10+s5+$0x0] =	vst.idx.msk $0xffff, v11  }
.LBB2_30:
0x243: {  	s9 =	sadd.s32 $0x40, s9;
	[tilespmem:v2+s5+$0x0] =	vst.idx.msk $0xffff, v3;
	v2 =	vld [tilespmem:s11+$0xFFFFFFE0]  }
0x244: {  	s12 =	sand.u32 $0x1FC0, s9;
	p0 =	slt.u32 s9, $0x1FC0;
	v9 =	vld [tilespmem:s10+$0x0];
	[tilespmem:v0+s5+$0x0] =	vst.idx.msk $0xffff, v6;
	v0 =	vmov v1;
	v3 =	vmov v7  }
0x245: {  	v1 =	vld [tilespmem:s12+$0x4000];
	v10 =	vmov v8  }
.Ltmp14:
0x246: {  	v6 =	vld [tilespmem:s10+$0xFFFFFFE0];
	s10 =	sadd.s32 $0x40, s10;
	(pc) =	sbr.rel @p0 .LBB2_30-.Ltmp14, $4  }
0x247: {  	v7 =	vld [tilespmem:s10+$0xFFFFFFF0]  }
0x248: {  	s11 =	sadd.s32 $0x40, s11;
	v8 =	vld [tilespmem:s10+$0x10]  }
0x249: {  	[tilespmem:v4+s5+$0x0] =	vst.idx.msk $0xffff, v10;
	v4 =	vld [tilespmem:s11+$0x0]  }
0x24a: {  	[tilespmem:v5+s5+$0x0] =	vst.idx.msk $0xffff, v9;
	v5 =	vld [tilespmem:s11+$0xFFFFFFF0]  }
0x24b: {  	_ =	sdelay $0x1  }
0x24c: {  	v9 =	vld [tilespmem:s11+$0xFFFFFFE0]  }
0x24d: {  	v10 =	vld [tilespmem:s10+$0x0]  }
0x24e: {  	[tilespmem:v2+s5+$0x0] =	vst.idx.msk $0xffff, v3;
	v2 =	vld [tilespmem:s10+$0xFFFFFFE0];
	_ =	sdelay $0x1  }
0x24f: {  	[tilespmem:v0+s5+$0x0] =	vst.idx.msk $0xffff, v6  }
0x250: {  	[tilespmem:v4+s5+$0x0] =	vst.idx.msk $0xffff, v8  }
0x251: {  	[tilespmem:v5+s5+$0x0] =	vst.idx.msk $0xffff, v10  }
0x252: {  	[tilespmem:v1+s5+$0x0] =	vst.idx.msk $0xffff, v2  }
0x253: {  	[tilespmem:v9+s5+$0x0] =	vst.idx.msk $0xffff, v7  }
0x254: {  	s9 =	sld [smem:$0x7E5];
	_ =	sdelay $0x2  }
0x255: {  	[tilespmem:s29], [sflag:$0x4] =	stream.strided.gather [hbm4b:s9+s23], $0x2000, s24, s23, $0x38;
	v63 =	vld [tilespmem:$0x0]  }
0x256: {  	_ =	swait.ge [sflag:s4], $0x2000  }
0x257: {  	s11 =	simm.s32 $0x0;
	[sflag:s4] =	ssyncset.done $0x0  }
0x258: {  	s9 =	sand.u32 $0x1FC0, s11;
	[sflag:s4] =	ssyncadd.s32 $0xFFFFE000  }
0x259: {  	s10 =	simm.s32 $0x1E020;
	v0 =	vld [tilespmem:s9+$0x6000]  }
0x25a: {  	v3 =	vld [tilespmem:s10+$0xFFFFFFF0]  }
0x25b: {  	s12 =	simm.s32 $0x6030;
	v5 =	vld [tilespmem:s10+$0x10]  }
0x25c: {  	v9 =	vld [tilespmem:s12+$0x0]  }
0x25d: {  	v10 =	vld [tilespmem:s12+$0xFFFFFFF0]  }
0x25e: {  	v2 =	vld [tilespmem:s12+$0xFFFFFFE0]  }
0x25f: {  	v11 =	vld [tilespmem:s10+$0x0]  }
0x260: {  	s9 =	simm.s32 $0x40;
	v6 =	vld [tilespmem:s10+$0xFFFFFFE0];
	s10 =	simm.s32 $0x1E060  }
0x261: {  	s12 =	sand.u32 $0x1FC0, s9;
	v7 =	vld [tilespmem:s10+$0xFFFFFFF0]  }
0x262: {  	v1 =	vld [tilespmem:s12+$0x6000]  }
0x263: {  	s11 =	simm.s32 $0x6070;
	v8 =	vld [tilespmem:s10+$0x10]  }
0x264: {  	v4 =	vld [tilespmem:s11+$0x0];
	[tilespmem:v9+s5+$0x0] =	vst.idx.msk $0xffff, v5  }
0x265: {  	v5 =	vld [tilespmem:s11+$0xFFFFFFF0];
	[tilespmem:v10+s5+$0x0] =	vst.idx.msk $0xffff, v11  }
.LBB2_32:
0x266: {  	s9 =	sadd.s32 $0x40, s9;
	[tilespmem:v2+s5+$0x0] =	vst.idx.msk $0xffff, v3;
	v2 =	vld [tilespmem:s11+$0xFFFFFFE0]  }
0x267: {  	s12 =	sand.u32 $0x1FC0, s9;
	p0 =	slt.u32 s9, $0x1FC0;
	v9 =	vld [tilespmem:s10+$0x0];
	[tilespmem:v0+s5+$0x0] =	vst.idx.msk $0xffff, v6;
	v0 =	vmov v1;
	v3 =	vmov v7  }
0x268: {  	v1 =	vld [tilespmem:s12+$0x6000];
	v10 =	vmov v8  }
.Ltmp15:
0x269: {  	v6 =	vld [tilespmem:s10+$0xFFFFFFE0];
	s10 =	sadd.s32 $0x40, s10;
	(pc) =	sbr.rel @p0 .LBB2_32-.Ltmp15, $4  }
0x26a: {  	v7 =	vld [tilespmem:s10+$0xFFFFFFF0]  }
0x26b: {  	s11 =	sadd.s32 $0x40, s11;
	v8 =	vld [tilespmem:s10+$0x10]  }
0x26c: {  	[tilespmem:v4+s5+$0x0] =	vst.idx.msk $0xffff, v10;
	v4 =	vld [tilespmem:s11+$0x0]  }
0x26d: {  	[tilespmem:v5+s5+$0x0] =	vst.idx.msk $0xffff, v9;
	v5 =	vld [tilespmem:s11+$0xFFFFFFF0]  }
0x26e: {  	_ =	sdelay $0x1  }
0x26f: {  	v9 =	vld [tilespmem:s11+$0xFFFFFFE0]  }
0x270: {  	v10 =	vld [tilespmem:s10+$0x0]  }
0x271: {  	[tilespmem:v2+s5+$0x0] =	vst.idx.msk $0xffff, v3;
	v2 =	vld [tilespmem:s10+$0xFFFFFFE0];
	_ =	sdelay $0x1  }
0x272: {  	[tilespmem:v0+s5+$0x0] =	vst.idx.msk $0xffff, v6  }
0x273: {  	[tilespmem:v4+s5+$0x0] =	vst.idx.msk $0xffff, v8  }
0x274: {  	[tilespmem:v5+s5+$0x0] =	vst.idx.msk $0xffff, v10  }
0x275: {  	[tilespmem:v1+s5+$0x0] =	vst.idx.msk $0xffff, v2  }
0x276: {  	[tilespmem:v9+s5+$0x0] =	vst.idx.msk $0xffff, v7  }
0x277: {  	s9 =	rddreg [dreg:$0xb]  }
0x278: {  	[hbm4b:s9+s23] =	stream.strided.scatter [tilespmem:s5], [sflag:$0x7], $0x8000, s24, s23, $0x38;
	v63 =	vld [tilespmem:$0x0]  }
0x279: {  	_ =	swait.ge [sflag:s6], $0x8000  }
0x27a: {  	s11 =	sld [smem:$0x7E6]  }
0x27b: {  	[sflag:s6] =	ssyncset.done $0x0  }
0x27c: {  	[sflag:s6] =	ssyncadd.s32 $0xFFFF8000  }
0x27d: {  	[tilespmem:s30], [sflag:$0x5] =	stream.strided.gather [hbm4b:s11+s23], $0x2000, s24, s23, $0x38;
	v63 =	vld [tilespmem:$0x0]  }
0x27e: {  	_ =	swait.ge [sflag:s0], $0x2000  }
0x27f: {  	[sflag:s0] =	ssyncset.done $0x0  }
0x280: {  	s12 =	simm.s32 $0x20;
	[sflag:s0] =	ssyncadd.s32 $0xFFFFE000  }
0x281: {  	v0 =	vld [tilespmem:s12+$0x10]  }
0x282: {  	v4 =	vld [tilespmem:s12+$0xFFFFFFF0]  }
0x283: {  	s9 =	simm.s32 $0x18020;
	v2 =	vld [tilespmem:s12+$0x0]  }
0x284: {  	v6 =	vld [tilespmem:s9+$0x10]  }
0x285: {  	v1 =	vld [tilespmem:s12+$0xFFFFFFE0]  }
0x286: {  	v3 =	vld [tilespmem:s9+$0xFFFFFFE0]  }
0x287: {  	v7 =	vld [tilespmem:s9+$0xFFFFFFF0]  }
0x288: {  	s10 =	simm.s32 $0x0;
	s11 =	simm.s32 $0x60;
	v5 =	vld [tilespmem:s9+$0x0]  }
.LBB2_34:
0x289: {  	s10 =	sadd.s32 $0x40, s10;
	[tilespmem:v0+s1+$0x0] =	vst.idx.msk $0xffff, v6;
	v0 =	vld [tilespmem:s11+$0x10]  }
0x28a: {  	v8 =	vld [tilespmem:s11+$0xFFFFFFF0];
	p0 =	slt.u32 s10, $0x1FC0  }
0x28b: {  	s9 =	sadd.s32 $0x40, s9;
	v9 =	vld [tilespmem:s11+$0x0]  }
.Ltmp16:
0x28c: {  	v6 =	vld [tilespmem:s9+$0x10];
	[tilespmem:v4+s1+$0x0] =	vst.idx.msk $0xffff, v7;
	(pc) =	sbr.rel @p0 .LBB2_34-.Ltmp16, $4  }
0x28d: {  	[tilespmem:v1+s1+$0x0] =	vst.idx.msk $0xffff, v3;
	v1 =	vld [tilespmem:s11+$0xFFFFFFE0]  }
0x28e: {  	v3 =	vld [tilespmem:s9+$0xFFFFFFE0];
	[tilespmem:v2+s1+$0x0] =	vst.idx.msk $0xffff, v5  }
0x28f: {  	v7 =	vld [tilespmem:s9+$0xFFFFFFF0];
	v4 =	vmov v8  }
0x290: {  	s11 =	sadd.s32 $0x40, s11;
	v5 =	vld [tilespmem:s9+$0x0];
	v2 =	vmov v9  }
0x291: {  	_ =	sdelay $0x3  }
0x292: {  	[tilespmem:v0+s1+$0x0] =	vst.idx.msk $0xffff, v6  }
0x293: {  	[tilespmem:v1+s1+$0x0] =	vst.idx.msk $0xffff, v3  }
0x294: {  	[tilespmem:v4+s1+$0x0] =	vst.idx.msk $0xffff, v7  }
0x295: {  	[tilespmem:v2+s1+$0x0] =	vst.idx.msk $0xffff, v5  }
0x296: {  	s9 =	rddreg [dreg:$0xc]  }
0x297: {  	[tilespmem:s25], [sflag:$0x2] =	stream.strided.gather [hbm4b:s9+s23], $0x2000, s24, s23, $0x38;
	v63 =	vld [tilespmem:$0x0]  }
0x298: {  	_ =	swait.ge [sflag:s2], $0x2000  }
0x299: {  	s11 =	simm.s32 $0x0;
	[sflag:s2] =	ssyncset.done $0x0  }
0x29a: {  	s9 =	sand.u32 $0x1FC0, s11;
	[sflag:s2] =	ssyncadd.s32 $0xFFFFE000  }
0x29b: {  	s10 =	simm.s32 $0x1A020;
	v0 =	vld [tilespmem:s9+$0x2000]  }
0x29c: {  	v3 =	vld [tilespmem:s10+$0xFFFFFFF0]  }
0x29d: {  	s11 =	simm.s32 $0x2030;
	v5 =	vld [tilespmem:s10+$0x10]  }
0x29e: {  	v9 =	vld [tilespmem:s11+$0x0]  }
0x29f: {  	v10 =	vld [tilespmem:s11+$0xFFFFFFF0]  }
0x2a0: {  	v2 =	vld [tilespmem:s11+$0xFFFFFFE0]  }
0x2a1: {  	v11 =	vld [tilespmem:s10+$0x0]  }
0x2a2: {  	s9 =	simm.s32 $0x40;
	v6 =	vld [tilespmem:s10+$0xFFFFFFE0];
	s10 =	simm.s32 $0x1A060  }
0x2a3: {  	s12 =	sand.u32 $0x1FC0, s9;
	v7 =	vld [tilespmem:s10+$0xFFFFFFF0]  }
0x2a4: {  	v1 =	vld [tilespmem:s12+$0x2000]  }
0x2a5: {  	s11 =	simm.s32 $0x2070;
	v8 =	vld [tilespmem:s10+$0x10]  }
0x2a6: {  	v4 =	vld [tilespmem:s11+$0x0];
	[tilespmem:v9+s1+$0x0] =	vst.idx.msk $0xffff, v5  }
0x2a7: {  	v5 =	vld [tilespmem:s11+$0xFFFFFFF0];
	[tilespmem:v10+s1+$0x0] =	vst.idx.msk $0xffff, v11  }
.LBB2_36:
0x2a8: {  	s9 =	sadd.s32 $0x40, s9;
	[tilespmem:v2+s1+$0x0] =	vst.idx.msk $0xffff, v3;
	v2 =	vld [tilespmem:s11+$0xFFFFFFE0]  }
0x2a9: {  	s12 =	sand.u32 $0x1FC0, s9;
	p0 =	slt.u32 s9, $0x1FC0;
	v9 =	vld [tilespmem:s10+$0x0];
	[tilespmem:v0+s1+$0x0] =	vst.idx.msk $0xffff, v6;
	v0 =	vmov v1;
	v3 =	vmov v7  }
0x2aa: {  	v1 =	vld [tilespmem:s12+$0x2000];
	v10 =	vmov v8  }
.Ltmp17:
0x2ab: {  	v6 =	vld [tilespmem:s10+$0xFFFFFFE0];
	s10 =	sadd.s32 $0x40, s10;
	(pc) =	sbr.rel @p0 .LBB2_36-.Ltmp17, $4  }
0x2ac: {  	v7 =	vld [tilespmem:s10+$0xFFFFFFF0]  }
0x2ad: {  	s11 =	sadd.s32 $0x40, s11;
	v8 =	vld [tilespmem:s10+$0x10]  }
0x2ae: {  	[tilespmem:v4+s1+$0x0] =	vst.idx.msk $0xffff, v10;
	v4 =	vld [tilespmem:s11+$0x0]  }
0x2af: {  	[tilespmem:v5+s1+$0x0] =	vst.idx.msk $0xffff, v9;
	v5 =	vld [tilespmem:s11+$0xFFFFFFF0]  }
0x2b0: {  	_ =	sdelay $0x1  }
0x2b1: {  	v9 =	vld [tilespmem:s11+$0xFFFFFFE0]  }
0x2b2: {  	v10 =	vld [tilespmem:s10+$0x0]  }
0x2b3: {  	[tilespmem:v2+s1+$0x0] =	vst.idx.msk $0xffff, v3;
	v2 =	vld [tilespmem:s10+$0xFFFFFFE0];
	_ =	sdelay $0x1  }
0x2b4: {  	[tilespmem:v0+s1+$0x0] =	vst.idx.msk $0xffff, v6  }
0x2b5: {  	[tilespmem:v4+s1+$0x0] =	vst.idx.msk $0xffff, v8  }
0x2b6: {  	[tilespmem:v5+s1+$0x0] =	vst.idx.msk $0xffff, v10  }
0x2b7: {  	[tilespmem:v1+s1+$0x0] =	vst.idx.msk $0xffff, v2  }
0x2b8: {  	[tilespmem:v9+s1+$0x0] =	vst.idx.msk $0xffff, v7  }
0x2b9: {  	s9 =	sld [smem:$0x7E7];
	_ =	sdelay $0x2  }
0x2ba: {  	[tilespmem:s26], [sflag:$0x3] =	stream.strided.gather [hbm4b:s9+s23], $0x2000, s24, s23, $0x38;
	v63 =	vld [tilespmem:$0x0]  }
0x2bb: {  	_ =	swait.ge [sflag:s3], $0x2000  }
0x2bc: {  	s11 =	simm.s32 $0x0;
	[sflag:s3] =	ssyncset.done $0x0  }
0x2bd: {  	s9 =	sand.u32 $0x1FC0, s11;
	[sflag:s3] =	ssyncadd.s32 $0xFFFFE000  }
0x2be: {  	s10 =	simm.s32 $0x1C020;
	v0 =	vld [tilespmem:s9+$0x4000]  }
0x2bf: {  	v3 =	vld [tilespmem:s10+$0xFFFFFFF0]  }
0x2c0: {  	s12 =	simm.s32 $0x4030;
	v5 =	vld [tilespmem:s10+$0x10]  }
0x2c1: {  	v9 =	vld [tilespmem:s12+$0x0]  }
0x2c2: {  	v10 =	vld [tilespmem:s12+$0xFFFFFFF0]  }
0x2c3: {  	v2 =	vld [tilespmem:s12+$0xFFFFFFE0]  }
0x2c4: {  	v11 =	vld [tilespmem:s10+$0x0]  }
0x2c5: {  	s9 =	simm.s32 $0x40;
	v6 =	vld [tilespmem:s10+$0xFFFFFFE0];
	s10 =	simm.s32 $0x1C060  }
0x2c6: {  	s12 =	sand.u32 $0x1FC0, s9;
	v7 =	vld [tilespmem:s10+$0xFFFFFFF0]  }
0x2c7: {  	v1 =	vld [tilespmem:s12+$0x4000]  }
0x2c8: {  	s11 =	simm.s32 $0x4070;
	v8 =	vld [tilespmem:s10+$0x10]  }
0x2c9: {  	v4 =	vld [tilespmem:s11+$0x0];
	[tilespmem:v9+s1+$0x0] =	vst.idx.msk $0xffff, v5  }
0x2ca: {  	v5 =	vld [tilespmem:s11+$0xFFFFFFF0];
	[tilespmem:v10+s1+$0x0] =	vst.idx.msk $0xffff, v11  }
.LBB2_38:
0x2cb: {  	s9 =	sadd.s32 $0x40, s9;
	[tilespmem:v2+s1+$0x0] =	vst.idx.msk $0xffff, v3;
	v2 =	vld [tilespmem:s11+$0xFFFFFFE0]  }
0x2cc: {  	s12 =	sand.u32 $0x1FC0, s9;
	p0 =	slt.u32 s9, $0x1FC0;
	v9 =	vld [tilespmem:s10+$0x0];
	[tilespmem:v0+s1+$0x0] =	vst.idx.msk $0xffff, v6;
	v0 =	vmov v1;
	v3 =	vmov v7  }
0x2cd: {  	v1 =	vld [tilespmem:s12+$0x4000];
	v10 =	vmov v8  }
.Ltmp18:
0x2ce: {  	v6 =	vld [tilespmem:s10+$0xFFFFFFE0];
	s10 =	sadd.s32 $0x40, s10;
	(pc) =	sbr.rel @p0 .LBB2_38-.Ltmp18, $4  }
0x2cf: {  	v7 =	vld [tilespmem:s10+$0xFFFFFFF0]  }
0x2d0: {  	s11 =	sadd.s32 $0x40, s11;
	v8 =	vld [tilespmem:s10+$0x10]  }
0x2d1: {  	[tilespmem:v4+s1+$0x0] =	vst.idx.msk $0xffff, v10;
	v4 =	vld [tilespmem:s11+$0x0]  }
0x2d2: {  	[tilespmem:v5+s1+$0x0] =	vst.idx.msk $0xffff, v9;
	v5 =	vld [tilespmem:s11+$0xFFFFFFF0]  }
0x2d3: {  	_ =	sdelay $0x1  }
0x2d4: {  	v9 =	vld [tilespmem:s11+$0xFFFFFFE0]  }
0x2d5: {  	v10 =	vld [tilespmem:s10+$0x0]  }
0x2d6: {  	[tilespmem:v2+s1+$0x0] =	vst.idx.msk $0xffff, v3;
	v2 =	vld [tilespmem:s10+$0xFFFFFFE0];
	_ =	sdelay $0x1  }
0x2d7: {  	[tilespmem:v0+s1+$0x0] =	vst.idx.msk $0xffff, v6  }
0x2d8: {  	[tilespmem:v4+s1+$0x0] =	vst.idx.msk $0xffff, v8  }
0x2d9: {  	[tilespmem:v5+s1+$0x0] =	vst.idx.msk $0xffff, v10  }
0x2da: {  	[tilespmem:v1+s1+$0x0] =	vst.idx.msk $0xffff, v2  }
0x2db: {  	[tilespmem:v9+s1+$0x0] =	vst.idx.msk $0xffff, v7  }
0x2dc: {  	s9 =	sld [smem:$0x7E8];
	_ =	sdelay $0x2  }
0x2dd: {  	[tilespmem:s29], [sflag:$0x4] =	stream.strided.gather [hbm4b:s9+s23], $0x2000, s24, s23, $0x38;
	v63 =	vld [tilespmem:$0x0]  }
0x2de: {  	_ =	swait.ge [sflag:s4], $0x2000  }
0x2df: {  	s11 =	simm.s32 $0x0;
	[sflag:s4] =	ssyncset.done $0x0  }
0x2e0: {  	s9 =	sand.u32 $0x1FC0, s11;
	[sflag:s4] =	ssyncadd.s32 $0xFFFFE000  }
0x2e1: {  	s10 =	simm.s32 $0x1E020;
	v0 =	vld [tilespmem:s9+$0x6000]  }
0x2e2: {  	v3 =	vld [tilespmem:s10+$0xFFFFFFF0]  }
0x2e3: {  	s12 =	simm.s32 $0x6030;
	v5 =	vld [tilespmem:s10+$0x10]  }
0x2e4: {  	v9 =	vld [tilespmem:s12+$0x0]  }
0x2e5: {  	v10 =	vld [tilespmem:s12+$0xFFFFFFF0]  }
0x2e6: {  	v2 =	vld [tilespmem:s12+$0xFFFFFFE0]  }
0x2e7: {  	v11 =	vld [tilespmem:s10+$0x0]  }
0x2e8: {  	s9 =	simm.s32 $0x40;
	v6 =	vld [tilespmem:s10+$0xFFFFFFE0];
	s10 =	simm.s32 $0x1E060  }
0x2e9: {  	s12 =	sand.u32 $0x1FC0, s9;
	v7 =	vld [tilespmem:s10+$0xFFFFFFF0]  }
0x2ea: {  	v1 =	vld [tilespmem:s12+$0x6000]  }
0x2eb: {  	s11 =	simm.s32 $0x6070;
	v8 =	vld [tilespmem:s10+$0x10]  }
0x2ec: {  	v4 =	vld [tilespmem:s11+$0x0];
	[tilespmem:v9+s1+$0x0] =	vst.idx.msk $0xffff, v5  }
0x2ed: {  	v5 =	vld [tilespmem:s11+$0xFFFFFFF0];
	[tilespmem:v10+s1+$0x0] =	vst.idx.msk $0xffff, v11  }
.LBB2_40:
0x2ee: {  	s9 =	sadd.s32 $0x40, s9;
	[tilespmem:v2+s1+$0x0] =	vst.idx.msk $0xffff, v3;
	v2 =	vld [tilespmem:s11+$0xFFFFFFE0]  }
0x2ef: {  	s12 =	sand.u32 $0x1FC0, s9;
	p0 =	slt.u32 s9, $0x1FC0;
	v9 =	vld [tilespmem:s10+$0x0];
	[tilespmem:v0+s1+$0x0] =	vst.idx.msk $0xffff, v6;
	v0 =	vmov v1;
	v3 =	vmov v7  }
0x2f0: {  	v1 =	vld [tilespmem:s12+$0x6000];
	v10 =	vmov v8  }
.Ltmp19:
0x2f1: {  	v6 =	vld [tilespmem:s10+$0xFFFFFFE0];
	s10 =	sadd.s32 $0x40, s10;
	(pc) =	sbr.rel @p0 .LBB2_40-.Ltmp19, $4  }
0x2f2: {  	v7 =	vld [tilespmem:s10+$0xFFFFFFF0]  }
0x2f3: {  	s11 =	sadd.s32 $0x40, s11;
	v8 =	vld [tilespmem:s10+$0x10]  }
0x2f4: {  	[tilespmem:v4+s1+$0x0] =	vst.idx.msk $0xffff, v10;
	v4 =	vld [tilespmem:s11+$0x0]  }
0x2f5: {  	[tilespmem:v5+s1+$0x0] =	vst.idx.msk $0xffff, v9;
	v5 =	vld [tilespmem:s11+$0xFFFFFFF0]  }
0x2f6: {  	_ =	sdelay $0x1  }
0x2f7: {  	v9 =	vld [tilespmem:s11+$0xFFFFFFE0]  }
0x2f8: {  	v10 =	vld [tilespmem:s10+$0x0]  }
0x2f9: {  	[tilespmem:v2+s1+$0x0] =	vst.idx.msk $0xffff, v3;
	v2 =	vld [tilespmem:s10+$0xFFFFFFE0];
	_ =	sdelay $0x1  }
0x2fa: {  	[tilespmem:v0+s1+$0x0] =	vst.idx.msk $0xffff, v6  }
0x2fb: {  	[tilespmem:v4+s1+$0x0] =	vst.idx.msk $0xffff, v8  }
0x2fc: {  	[tilespmem:v5+s1+$0x0] =	vst.idx.msk $0xffff, v10  }
0x2fd: {  	[tilespmem:v1+s1+$0x0] =	vst.idx.msk $0xffff, v2  }
0x2fe: {  	[tilespmem:v9+s1+$0x0] =	vst.idx.msk $0xffff, v7  }
0x2ff: {  	s9 =	rddreg [dreg:$0xd]  }
0x300: {  	[hbm4b:s9+s23] =	stream.strided.scatter [tilespmem:s1], [sflag:$0x6], $0x8000, s24, s23, $0x38;
	v63 =	vld [tilespmem:$0x0]  }
0x301: {  	_ =	swait.ge [sflag:s7], $0x8000  }
0x302: {  	s11 =	sld [smem:$0x7E9]  }
0x303: {  	[sflag:s7] =	ssyncset.done $0x0  }
0x304: {  	[sflag:s7] =	ssyncadd.s32 $0xFFFF8000  }
0x305: {  	[tilespmem:s30], [sflag:$0x5] =	stream.strided.gather [hbm4b:s11+s23], $0x2000, s24, s23, $0x38;
	v63 =	vld [tilespmem:$0x0]  }
0x306: {  	_ =	swait.ge [sflag:s0], $0x2000  }
0x307: {  	[sflag:s0] =	ssyncset.done $0x0  }
0x308: {  	s12 =	simm.s32 $0x20;
	[sflag:s0] =	ssyncadd.s32 $0xFFFFE000  }
0x309: {  	v0 =	vld [tilespmem:s12+$0x10]  }
0x30a: {  	v4 =	vld [tilespmem:s12+$0xFFFFFFF0]  }
0x30b: {  	s9 =	simm.s32 $0x18020;
	v2 =	vld [tilespmem:s12+$0x0]  }
0x30c: {  	v6 =	vld [tilespmem:s9+$0x10]  }
0x30d: {  	v1 =	vld [tilespmem:s12+$0xFFFFFFE0]  }
0x30e: {  	v3 =	vld [tilespmem:s9+$0xFFFFFFE0]  }
0x30f: {  	v7 =	vld [tilespmem:s9+$0xFFFFFFF0]  }
0x310: {  	s10 =	simm.s32 $0x0;
	s11 =	simm.s32 $0x60;
	v5 =	vld [tilespmem:s9+$0x0]  }
.LBB2_42:
0x311: {  	s10 =	sadd.s32 $0x40, s10;
	[tilespmem:v0+s5+$0x0] =	vst.idx.msk $0xffff, v6;
	v0 =	vld [tilespmem:s11+$0x10]  }
0x312: {  	v8 =	vld [tilespmem:s11+$0xFFFFFFF0];
	p0 =	slt.u32 s10, $0x1FC0  }
0x313: {  	s9 =	sadd.s32 $0x40, s9;
	v9 =	vld [tilespmem:s11+$0x0]  }
.Ltmp20:
0x314: {  	v6 =	vld [tilespmem:s9+$0x10];
	[tilespmem:v4+s5+$0x0] =	vst.idx.msk $0xffff, v7;
	(pc) =	sbr.rel @p0 .LBB2_42-.Ltmp20, $4  }
0x315: {  	[tilespmem:v1+s5+$0x0] =	vst.idx.msk $0xffff, v3;
	v1 =	vld [tilespmem:s11+$0xFFFFFFE0]  }
0x316: {  	v3 =	vld [tilespmem:s9+$0xFFFFFFE0];
	[tilespmem:v2+s5+$0x0] =	vst.idx.msk $0xffff, v5  }
0x317: {  	v7 =	vld [tilespmem:s9+$0xFFFFFFF0];
	v4 =	vmov v8  }
0x318: {  	s11 =	sadd.s32 $0x40, s11;
	v5 =	vld [tilespmem:s9+$0x0];
	v2 =	vmov v9  }
0x319: {  	_ =	sdelay $0x3  }
0x31a: {  	[tilespmem:v0+s5+$0x0] =	vst.idx.msk $0xffff, v6  }
0x31b: {  	[tilespmem:v1+s5+$0x0] =	vst.idx.msk $0xffff, v3  }
0x31c: {  	[tilespmem:v4+s5+$0x0] =	vst.idx.msk $0xffff, v7  }
0x31d: {  	[tilespmem:v2+s5+$0x0] =	vst.idx.msk $0xffff, v5  }
0x31e: {  	s9 =	rddreg [dreg:$0xe]  }
0x31f: {  	[tilespmem:s25], [sflag:$0x2] =	stream.strided.gather [hbm4b:s9+s23], $0x2000, s24, s23, $0x38;
	v63 =	vld [tilespmem:$0x0]  }
0x320: {  	_ =	swait.ge [sflag:s2], $0x2000  }
0x321: {  	s11 =	simm.s32 $0x0;
	[sflag:s2] =	ssyncset.done $0x0  }
0x322: {  	s9 =	sand.u32 $0x1FC0, s11;
	[sflag:s2] =	ssyncadd.s32 $0xFFFFE000  }
0x323: {  	s10 =	simm.s32 $0x1A020;
	v0 =	vld [tilespmem:s9+$0x2000]  }
0x324: {  	v3 =	vld [tilespmem:s10+$0xFFFFFFF0]  }
0x325: {  	s11 =	simm.s32 $0x2030;
	v5 =	vld [tilespmem:s10+$0x10]  }
0x326: {  	v9 =	vld [tilespmem:s11+$0x0]  }
0x327: {  	v10 =	vld [tilespmem:s11+$0xFFFFFFF0]  }
0x328: {  	v2 =	vld [tilespmem:s11+$0xFFFFFFE0]  }
0x329: {  	v11 =	vld [tilespmem:s10+$0x0]  }
0x32a: {  	s9 =	simm.s32 $0x40;
	v6 =	vld [tilespmem:s10+$0xFFFFFFE0];
	s10 =	simm.s32 $0x1A060  }
0x32b: {  	s12 =	sand.u32 $0x1FC0, s9;
	v7 =	vld [tilespmem:s10+$0xFFFFFFF0]  }
0x32c: {  	v1 =	vld [tilespmem:s12+$0x2000]  }
0x32d: {  	s11 =	simm.s32 $0x2070;
	v8 =	vld [tilespmem:s10+$0x10]  }
0x32e: {  	v4 =	vld [tilespmem:s11+$0x0];
	[tilespmem:v9+s5+$0x0] =	vst.idx.msk $0xffff, v5  }
0x32f: {  	v5 =	vld [tilespmem:s11+$0xFFFFFFF0];
	[tilespmem:v10+s5+$0x0] =	vst.idx.msk $0xffff, v11  }
.LBB2_44:
0x330: {  	s9 =	sadd.s32 $0x40, s9;
	[tilespmem:v2+s5+$0x0] =	vst.idx.msk $0xffff, v3;
	v2 =	vld [tilespmem:s11+$0xFFFFFFE0]  }
0x331: {  	s12 =	sand.u32 $0x1FC0, s9;
	p0 =	slt.u32 s9, $0x1FC0;
	v9 =	vld [tilespmem:s10+$0x0];
	[tilespmem:v0+s5+$0x0] =	vst.idx.msk $0xffff, v6;
	v0 =	vmov v1;
	v3 =	vmov v7  }
0x332: {  	v1 =	vld [tilespmem:s12+$0x2000];
	v10 =	vmov v8  }
.Ltmp21:
0x333: {  	v6 =	vld [tilespmem:s10+$0xFFFFFFE0];
	s10 =	sadd.s32 $0x40, s10;
	(pc) =	sbr.rel @p0 .LBB2_44-.Ltmp21, $4  }
0x334: {  	v7 =	vld [tilespmem:s10+$0xFFFFFFF0]  }
0x335: {  	s11 =	sadd.s32 $0x40, s11;
	v8 =	vld [tilespmem:s10+$0x10]  }
0x336: {  	[tilespmem:v4+s5+$0x0] =	vst.idx.msk $0xffff, v10;
	v4 =	vld [tilespmem:s11+$0x0]  }
0x337: {  	[tilespmem:v5+s5+$0x0] =	vst.idx.msk $0xffff, v9;
	v5 =	vld [tilespmem:s11+$0xFFFFFFF0]  }
0x338: {  	_ =	sdelay $0x1  }
0x339: {  	v9 =	vld [tilespmem:s11+$0xFFFFFFE0]  }
0x33a: {  	v10 =	vld [tilespmem:s10+$0x0]  }
0x33b: {  	[tilespmem:v2+s5+$0x0] =	vst.idx.msk $0xffff, v3;
	v2 =	vld [tilespmem:s10+$0xFFFFFFE0];
	_ =	sdelay $0x1  }
0x33c: {  	[tilespmem:v0+s5+$0x0] =	vst.idx.msk $0xffff, v6  }
0x33d: {  	[tilespmem:v4+s5+$0x0] =	vst.idx.msk $0xffff, v8  }
0x33e: {  	[tilespmem:v5+s5+$0x0] =	vst.idx.msk $0xffff, v10  }
0x33f: {  	[tilespmem:v1+s5+$0x0] =	vst.idx.msk $0xffff, v2  }
0x340: {  	[tilespmem:v9+s5+$0x0] =	vst.idx.msk $0xffff, v7  }
0x341: {  	s9 =	sld [smem:$0x7EA];
	_ =	sdelay $0x2  }
0x342: {  	[tilespmem:s26], [sflag:$0x3] =	stream.strided.gather [hbm4b:s9+s23], $0x2000, s24, s23, $0x38;
	v63 =	vld [tilespmem:$0x0]  }
0x343: {  	_ =	swait.ge [sflag:s3], $0x2000  }
0x344: {  	s11 =	simm.s32 $0x0;
	[sflag:s3] =	ssyncset.done $0x0  }
0x345: {  	s9 =	sand.u32 $0x1FC0, s11;
	[sflag:s3] =	ssyncadd.s32 $0xFFFFE000  }
0x346: {  	s10 =	simm.s32 $0x1C020;
	v0 =	vld [tilespmem:s9+$0x4000]  }
0x347: {  	v3 =	vld [tilespmem:s10+$0xFFFFFFF0]  }
0x348: {  	s12 =	simm.s32 $0x4030;
	v5 =	vld [tilespmem:s10+$0x10]  }
0x349: {  	v9 =	vld [tilespmem:s12+$0x0]  }
0x34a: {  	v10 =	vld [tilespmem:s12+$0xFFFFFFF0]  }
0x34b: {  	v2 =	vld [tilespmem:s12+$0xFFFFFFE0]  }
0x34c: {  	v11 =	vld [tilespmem:s10+$0x0]  }
0x34d: {  	s9 =	simm.s32 $0x40;
	v6 =	vld [tilespmem:s10+$0xFFFFFFE0];
	s10 =	simm.s32 $0x1C060  }
0x34e: {  	s12 =	sand.u32 $0x1FC0, s9;
	v7 =	vld [tilespmem:s10+$0xFFFFFFF0]  }
0x34f: {  	v1 =	vld [tilespmem:s12+$0x4000]  }
0x350: {  	s11 =	simm.s32 $0x4070;
	v8 =	vld [tilespmem:s10+$0x10]  }
0x351: {  	v4 =	vld [tilespmem:s11+$0x0];
	[tilespmem:v9+s5+$0x0] =	vst.idx.msk $0xffff, v5  }
0x352: {  	v5 =	vld [tilespmem:s11+$0xFFFFFFF0];
	[tilespmem:v10+s5+$0x0] =	vst.idx.msk $0xffff, v11  }
.LBB2_46:
0x353: {  	s9 =	sadd.s32 $0x40, s9;
	[tilespmem:v2+s5+$0x0] =	vst.idx.msk $0xffff, v3;
	v2 =	vld [tilespmem:s11+$0xFFFFFFE0]  }
0x354: {  	s12 =	sand.u32 $0x1FC0, s9;
	p0 =	slt.u32 s9, $0x1FC0;
	v9 =	vld [tilespmem:s10+$0x0];
	[tilespmem:v0+s5+$0x0] =	vst.idx.msk $0xffff, v6;
	v0 =	vmov v1;
	v3 =	vmov v7  }
0x355: {  	v1 =	vld [tilespmem:s12+$0x4000];
	v10 =	vmov v8  }
.Ltmp22:
0x356: {  	v6 =	vld [tilespmem:s10+$0xFFFFFFE0];
	s10 =	sadd.s32 $0x40, s10;
	(pc) =	sbr.rel @p0 .LBB2_46-.Ltmp22, $4  }
0x357: {  	v7 =	vld [tilespmem:s10+$0xFFFFFFF0]  }
0x358: {  	s11 =	sadd.s32 $0x40, s11;
	v8 =	vld [tilespmem:s10+$0x10]  }
0x359: {  	[tilespmem:v4+s5+$0x0] =	vst.idx.msk $0xffff, v10;
	v4 =	vld [tilespmem:s11+$0x0]  }
0x35a: {  	[tilespmem:v5+s5+$0x0] =	vst.idx.msk $0xffff, v9;
	v5 =	vld [tilespmem:s11+$0xFFFFFFF0]  }
0x35b: {  	_ =	sdelay $0x1  }
0x35c: {  	v9 =	vld [tilespmem:s11+$0xFFFFFFE0]  }
0x35d: {  	v10 =	vld [tilespmem:s10+$0x0]  }
0x35e: {  	[tilespmem:v2+s5+$0x0] =	vst.idx.msk $0xffff, v3;
	v2 =	vld [tilespmem:s10+$0xFFFFFFE0];
	_ =	sdelay $0x1  }
0x35f: {  	[tilespmem:v0+s5+$0x0] =	vst.idx.msk $0xffff, v6  }
0x360: {  	[tilespmem:v4+s5+$0x0] =	vst.idx.msk $0xffff, v8  }
0x361: {  	[tilespmem:v5+s5+$0x0] =	vst.idx.msk $0xffff, v10  }
0x362: {  	[tilespmem:v1+s5+$0x0] =	vst.idx.msk $0xffff, v2  }
0x363: {  	[tilespmem:v9+s5+$0x0] =	vst.idx.msk $0xffff, v7  }
0x364: {  	s9 =	sld [smem:$0x7EB];
	_ =	sdelay $0x2  }
0x365: {  	[tilespmem:s29], [sflag:$0x4] =	stream.strided.gather [hbm4b:s9+s23], $0x2000, s24, s23, $0x38;
	v63 =	vld [tilespmem:$0x0]  }
0x366: {  	_ =	swait.ge [sflag:s4], $0x2000  }
0x367: {  	s11 =	simm.s32 $0x0;
	[sflag:s4] =	ssyncset.done $0x0  }
0x368: {  	s9 =	sand.u32 $0x1FC0, s11;
	[sflag:s4] =	ssyncadd.s32 $0xFFFFE000  }
0x369: {  	s10 =	simm.s32 $0x1E020;
	v0 =	vld [tilespmem:s9+$0x6000]  }
0x36a: {  	v3 =	vld [tilespmem:s10+$0xFFFFFFF0]  }
0x36b: {  	s12 =	simm.s32 $0x6030;
	v5 =	vld [tilespmem:s10+$0x10]  }
0x36c: {  	v9 =	vld [tilespmem:s12+$0x0]  }
0x36d: {  	v10 =	vld [tilespmem:s12+$0xFFFFFFF0]  }
0x36e: {  	v2 =	vld [tilespmem:s12+$0xFFFFFFE0]  }
0x36f: {  	v11 =	vld [tilespmem:s10+$0x0]  }
0x370: {  	s9 =	simm.s32 $0x40;
	v6 =	vld [tilespmem:s10+$0xFFFFFFE0];
	s10 =	simm.s32 $0x1E060  }
0x371: {  	s12 =	sand.u32 $0x1FC0, s9;
	v7 =	vld [tilespmem:s10+$0xFFFFFFF0]  }
0x372: {  	v1 =	vld [tilespmem:s12+$0x6000]  }
0x373: {  	s11 =	simm.s32 $0x6070;
	v8 =	vld [tilespmem:s10+$0x10]  }
0x374: {  	v4 =	vld [tilespmem:s11+$0x0];
	[tilespmem:v9+s5+$0x0] =	vst.idx.msk $0xffff, v5  }
0x375: {  	v5 =	vld [tilespmem:s11+$0xFFFFFFF0];
	[tilespmem:v10+s5+$0x0] =	vst.idx.msk $0xffff, v11  }
.LBB2_48:
0x376: {  	s9 =	sadd.s32 $0x40, s9;
	[tilespmem:v2+s5+$0x0] =	vst.idx.msk $0xffff, v3;
	v2 =	vld [tilespmem:s11+$0xFFFFFFE0]  }
0x377: {  	s12 =	sand.u32 $0x1FC0, s9;
	p0 =	slt.u32 s9, $0x1FC0;
	v9 =	vld [tilespmem:s10+$0x0];
	[tilespmem:v0+s5+$0x0] =	vst.idx.msk $0xffff, v6;
	v0 =	vmov v1;
	v3 =	vmov v7  }
0x378: {  	v1 =	vld [tilespmem:s12+$0x6000];
	v10 =	vmov v8  }
.Ltmp23:
0x379: {  	v6 =	vld [tilespmem:s10+$0xFFFFFFE0];
	s10 =	sadd.s32 $0x40, s10;
	(pc) =	sbr.rel @p0 .LBB2_48-.Ltmp23, $4  }
0x37a: {  	v7 =	vld [tilespmem:s10+$0xFFFFFFF0]  }
0x37b: {  	s11 =	sadd.s32 $0x40, s11;
	v8 =	vld [tilespmem:s10+$0x10]  }
0x37c: {  	[tilespmem:v4+s5+$0x0] =	vst.idx.msk $0xffff, v10;
	v4 =	vld [tilespmem:s11+$0x0]  }
0x37d: {  	[tilespmem:v5+s5+$0x0] =	vst.idx.msk $0xffff, v9;
	v5 =	vld [tilespmem:s11+$0xFFFFFFF0]  }
0x37e: {  	_ =	sdelay $0x1  }
0x37f: {  	v9 =	vld [tilespmem:s11+$0xFFFFFFE0]  }
0x380: {  	v10 =	vld [tilespmem:s10+$0x0]  }
0x381: {  	[tilespmem:v2+s5+$0x0] =	vst.idx.msk $0xffff, v3;
	v2 =	vld [tilespmem:s10+$0xFFFFFFE0];
	_ =	sdelay $0x1  }
0x382: {  	[tilespmem:v0+s5+$0x0] =	vst.idx.msk $0xffff, v6  }
0x383: {  	[tilespmem:v4+s5+$0x0] =	vst.idx.msk $0xffff, v8  }
0x384: {  	[tilespmem:v5+s5+$0x0] =	vst.idx.msk $0xffff, v10  }
0x385: {  	[tilespmem:v1+s5+$0x0] =	vst.idx.msk $0xffff, v2  }
0x386: {  	[tilespmem:v9+s5+$0x0] =	vst.idx.msk $0xffff, v7  }
0x387: {  	s9 =	rddreg [dreg:$0xf]  }
0x388: {  	[hbm4b:s9+s23] =	stream.strided.scatter [tilespmem:s5], [sflag:$0x7], $0x8000, s24, s23, $0x38;
	v63 =	vld [tilespmem:$0x0]  }
0x389: {  	_ =	swait.ge [sflag:s6], $0x8000  }
0x38a: {  	s11 =	sld [smem:$0x7EC]  }
0x38b: {  	[sflag:s6] =	ssyncset.done $0x0  }
0x38c: {  	[sflag:s6] =	ssyncadd.s32 $0xFFFF8000  }
0x38d: {  	[tilespmem:s30], [sflag:$0x5] =	stream.strided.gather [hbm4b:s11+s23], $0x2000, s24, s23, $0x38;
	v63 =	vld [tilespmem:$0x0]  }
0x38e: {  	_ =	swait.ge [sflag:s0], $0x2000  }
0x38f: {  	[sflag:s0] =	ssyncset.done $0x0  }
0x390: {  	s12 =	simm.s32 $0x20;
	[sflag:s0] =	ssyncadd.s32 $0xFFFFE000  }
0x391: {  	v0 =	vld [tilespmem:s12+$0x10]  }
0x392: {  	v4 =	vld [tilespmem:s12+$0xFFFFFFF0]  }
0x393: {  	s9 =	simm.s32 $0x18020;
	v2 =	vld [tilespmem:s12+$0x0]  }
0x394: {  	v6 =	vld [tilespmem:s9+$0x10]  }
0x395: {  	v1 =	vld [tilespmem:s12+$0xFFFFFFE0]  }
0x396: {  	v3 =	vld [tilespmem:s9+$0xFFFFFFE0]  }
0x397: {  	v7 =	vld [tilespmem:s9+$0xFFFFFFF0]  }
0x398: {  	s10 =	simm.s32 $0x0;
	s11 =	simm.s32 $0x60;
	v5 =	vld [tilespmem:s9+$0x0]  }
.LBB2_50:
0x399: {  	s10 =	sadd.s32 $0x40, s10;
	[tilespmem:v0+s1+$0x0] =	vst.idx.msk $0xffff, v6;
	v0 =	vld [tilespmem:s11+$0x10]  }
0x39a: {  	v8 =	vld [tilespmem:s11+$0xFFFFFFF0];
	p0 =	slt.u32 s10, $0x1FC0  }
0x39b: {  	s9 =	sadd.s32 $0x40, s9;
	v9 =	vld [tilespmem:s11+$0x0]  }
.Ltmp24:
0x39c: {  	v6 =	vld [tilespmem:s9+$0x10];
	[tilespmem:v4+s1+$0x0] =	vst.idx.msk $0xffff, v7;
	(pc) =	sbr.rel @p0 .LBB2_50-.Ltmp24, $4  }
0x39d: {  	[tilespmem:v1+s1+$0x0] =	vst.idx.msk $0xffff, v3;
	v1 =	vld [tilespmem:s11+$0xFFFFFFE0]  }
0x39e: {  	v3 =	vld [tilespmem:s9+$0xFFFFFFE0];
	[tilespmem:v2+s1+$0x0] =	vst.idx.msk $0xffff, v5  }
0x39f: {  	v7 =	vld [tilespmem:s9+$0xFFFFFFF0];
	v4 =	vmov v8  }
0x3a0: {  	s11 =	sadd.s32 $0x40, s11;
	v5 =	vld [tilespmem:s9+$0x0];
	v2 =	vmov v9  }
0x3a1: {  	_ =	sdelay $0x3  }
0x3a2: {  	[tilespmem:v0+s1+$0x0] =	vst.idx.msk $0xffff, v6  }
0x3a3: {  	[tilespmem:v1+s1+$0x0] =	vst.idx.msk $0xffff, v3  }
0x3a4: {  	[tilespmem:v4+s1+$0x0] =	vst.idx.msk $0xffff, v7  }
0x3a5: {  	[tilespmem:v2+s1+$0x0] =	vst.idx.msk $0xffff, v5  }
0x3a6: {  	s9 =	rddreg [dreg:$0x10]  }
0x3a7: {  	[tilespmem:s25], [sflag:$0x2] =	stream.strided.gather [hbm4b:s9+s23], $0x2000, s24, s23, $0x38;
	v63 =	vld [tilespmem:$0x0]  }
0x3a8: {  	_ =	swait.ge [sflag:s2], $0x2000  }
0x3a9: {  	s11 =	simm.s32 $0x0;
	[sflag:s2] =	ssyncset.done $0x0  }
0x3aa: {  	s9 =	sand.u32 $0x1FC0, s11;
	[sflag:s2] =	ssyncadd.s32 $0xFFFFE000  }
0x3ab: {  	s10 =	simm.s32 $0x1A020;
	v0 =	vld [tilespmem:s9+$0x2000]  }
0x3ac: {  	v3 =	vld [tilespmem:s10+$0xFFFFFFF0]  }
0x3ad: {  	s11 =	simm.s32 $0x2030;
	v5 =	vld [tilespmem:s10+$0x10]  }
0x3ae: {  	v9 =	vld [tilespmem:s11+$0x0]  }
0x3af: {  	v10 =	vld [tilespmem:s11+$0xFFFFFFF0]  }
0x3b0: {  	v2 =	vld [tilespmem:s11+$0xFFFFFFE0]  }
0x3b1: {  	v11 =	vld [tilespmem:s10+$0x0]  }
0x3b2: {  	s9 =	simm.s32 $0x40;
	v6 =	vld [tilespmem:s10+$0xFFFFFFE0];
	s10 =	simm.s32 $0x1A060  }
0x3b3: {  	s12 =	sand.u32 $0x1FC0, s9;
	v7 =	vld [tilespmem:s10+$0xFFFFFFF0]  }
0x3b4: {  	v1 =	vld [tilespmem:s12+$0x2000]  }
0x3b5: {  	s11 =	simm.s32 $0x2070;
	v8 =	vld [tilespmem:s10+$0x10]  }
0x3b6: {  	v4 =	vld [tilespmem:s11+$0x0];
	[tilespmem:v9+s1+$0x0] =	vst.idx.msk $0xffff, v5  }
0x3b7: {  	v5 =	vld [tilespmem:s11+$0xFFFFFFF0];
	[tilespmem:v10+s1+$0x0] =	vst.idx.msk $0xffff, v11  }
.LBB2_52:
0x3b8: {  	s9 =	sadd.s32 $0x40, s9;
	[tilespmem:v2+s1+$0x0] =	vst.idx.msk $0xffff, v3;
	v2 =	vld [tilespmem:s11+$0xFFFFFFE0]  }
0x3b9: {  	s12 =	sand.u32 $0x1FC0, s9;
	p0 =	slt.u32 s9, $0x1FC0;
	v9 =	vld [tilespmem:s10+$0x0];
	[tilespmem:v0+s1+$0x0] =	vst.idx.msk $0xffff, v6;
	v0 =	vmov v1;
	v3 =	vmov v7  }
0x3ba: {  	v1 =	vld [tilespmem:s12+$0x2000];
	v10 =	vmov v8  }
.Ltmp25:
0x3bb: {  	v6 =	vld [tilespmem:s10+$0xFFFFFFE0];
	s10 =	sadd.s32 $0x40, s10;
	(pc) =	sbr.rel @p0 .LBB2_52-.Ltmp25, $4  }
0x3bc: {  	v7 =	vld [tilespmem:s10+$0xFFFFFFF0]  }
0x3bd: {  	s11 =	sadd.s32 $0x40, s11;
	v8 =	vld [tilespmem:s10+$0x10]  }
0x3be: {  	[tilespmem:v4+s1+$0x0] =	vst.idx.msk $0xffff, v10;
	v4 =	vld [tilespmem:s11+$0x0]  }
0x3bf: {  	[tilespmem:v5+s1+$0x0] =	vst.idx.msk $0xffff, v9;
	v5 =	vld [tilespmem:s11+$0xFFFFFFF0]  }
0x3c0: {  	_ =	sdelay $0x1  }
0x3c1: {  	v9 =	vld [tilespmem:s11+$0xFFFFFFE0]  }
0x3c2: {  	v10 =	vld [tilespmem:s10+$0x0]  }
0x3c3: {  	[tilespmem:v2+s1+$0x0] =	vst.idx.msk $0xffff, v3;
	v2 =	vld [tilespmem:s10+$0xFFFFFFE0];
	_ =	sdelay $0x1  }
0x3c4: {  	[tilespmem:v0+s1+$0x0] =	vst.idx.msk $0xffff, v6  }
0x3c5: {  	[tilespmem:v4+s1+$0x0] =	vst.idx.msk $0xffff, v8  }
0x3c6: {  	[tilespmem:v5+s1+$0x0] =	vst.idx.msk $0xffff, v10  }
0x3c7: {  	[tilespmem:v1+s1+$0x0] =	vst.idx.msk $0xffff, v2  }
0x3c8: {  	[tilespmem:v9+s1+$0x0] =	vst.idx.msk $0xffff, v7  }
0x3c9: {  	s9 =	sld [smem:$0x7ED];
	_ =	sdelay $0x2  }
0x3ca: {  	[tilespmem:s26], [sflag:$0x3] =	stream.strided.gather [hbm4b:s9+s23], $0x2000, s24, s23, $0x38;
	v63 =	vld [tilespmem:$0x0]  }
0x3cb: {  	_ =	swait.ge [sflag:s3], $0x2000  }
0x3cc: {  	s11 =	simm.s32 $0x0;
	[sflag:s3] =	ssyncset.done $0x0  }
0x3cd: {  	s9 =	sand.u32 $0x1FC0, s11;
	[sflag:s3] =	ssyncadd.s32 $0xFFFFE000  }
0x3ce: {  	s10 =	simm.s32 $0x1C020;
	v0 =	vld [tilespmem:s9+$0x4000]  }
0x3cf: {  	v3 =	vld [tilespmem:s10+$0xFFFFFFF0]  }
0x3d0: {  	s12 =	simm.s32 $0x4030;
	v5 =	vld [tilespmem:s10+$0x10]  }
0x3d1: {  	v9 =	vld [tilespmem:s12+$0x0]  }
0x3d2: {  	v10 =	vld [tilespmem:s12+$0xFFFFFFF0]  }
0x3d3: {  	v2 =	vld [tilespmem:s12+$0xFFFFFFE0]  }
0x3d4: {  	v11 =	vld [tilespmem:s10+$0x0]  }
0x3d5: {  	s9 =	simm.s32 $0x40;
	v6 =	vld [tilespmem:s10+$0xFFFFFFE0];
	s10 =	simm.s32 $0x1C060  }
0x3d6: {  	s12 =	sand.u32 $0x1FC0, s9;
	v7 =	vld [tilespmem:s10+$0xFFFFFFF0]  }
0x3d7: {  	v1 =	vld [tilespmem:s12+$0x4000]  }
0x3d8: {  	s11 =	simm.s32 $0x4070;
	v8 =	vld [tilespmem:s10+$0x10]  }
0x3d9: {  	v4 =	vld [tilespmem:s11+$0x0];
	[tilespmem:v9+s1+$0x0] =	vst.idx.msk $0xffff, v5  }
0x3da: {  	v5 =	vld [tilespmem:s11+$0xFFFFFFF0];
	[tilespmem:v10+s1+$0x0] =	vst.idx.msk $0xffff, v11  }
.LBB2_54:
0x3db: {  	s9 =	sadd.s32 $0x40, s9;
	[tilespmem:v2+s1+$0x0] =	vst.idx.msk $0xffff, v3;
	v2 =	vld [tilespmem:s11+$0xFFFFFFE0]  }
0x3dc: {  	s12 =	sand.u32 $0x1FC0, s9;
	p0 =	slt.u32 s9, $0x1FC0;
	v9 =	vld [tilespmem:s10+$0x0];
	[tilespmem:v0+s1+$0x0] =	vst.idx.msk $0xffff, v6;
	v0 =	vmov v1;
	v3 =	vmov v7  }
0x3dd: {  	v1 =	vld [tilespmem:s12+$0x4000];
	v10 =	vmov v8  }
.Ltmp26:
0x3de: {  	v6 =	vld [tilespmem:s10+$0xFFFFFFE0];
	s10 =	sadd.s32 $0x40, s10;
	(pc) =	sbr.rel @p0 .LBB2_54-.Ltmp26, $4  }
0x3df: {  	v7 =	vld [tilespmem:s10+$0xFFFFFFF0]  }
0x3e0: {  	s11 =	sadd.s32 $0x40, s11;
	v8 =	vld [tilespmem:s10+$0x10]  }
0x3e1: {  	[tilespmem:v4+s1+$0x0] =	vst.idx.msk $0xffff, v10;
	v4 =	vld [tilespmem:s11+$0x0]  }
0x3e2: {  	[tilespmem:v5+s1+$0x0] =	vst.idx.msk $0xffff, v9;
	v5 =	vld [tilespmem:s11+$0xFFFFFFF0]  }
0x3e3: {  	_ =	sdelay $0x1  }
0x3e4: {  	v9 =	vld [tilespmem:s11+$0xFFFFFFE0]  }
0x3e5: {  	v10 =	vld [tilespmem:s10+$0x0]  }
0x3e6: {  	[tilespmem:v2+s1+$0x0] =	vst.idx.msk $0xffff, v3;
	v2 =	vld [tilespmem:s10+$0xFFFFFFE0];
	_ =	sdelay $0x1  }
0x3e7: {  	[tilespmem:v0+s1+$0x0] =	vst.idx.msk $0xffff, v6  }
0x3e8: {  	[tilespmem:v4+s1+$0x0] =	vst.idx.msk $0xffff, v8  }
0x3e9: {  	[tilespmem:v5+s1+$0x0] =	vst.idx.msk $0xffff, v10  }
0x3ea: {  	[tilespmem:v1+s1+$0x0] =	vst.idx.msk $0xffff, v2  }
0x3eb: {  	[tilespmem:v9+s1+$0x0] =	vst.idx.msk $0xffff, v7  }
0x3ec: {  	s9 =	sld [smem:$0x7EE];
	_ =	sdelay $0x2  }
0x3ed: {  	[tilespmem:s29], [sflag:$0x4] =	stream.strided.gather [hbm4b:s9+s23], $0x2000, s24, s23, $0x38;
	v63 =	vld [tilespmem:$0x0]  }
0x3ee: {  	_ =	swait.ge [sflag:s4], $0x2000  }
0x3ef: {  	s11 =	simm.s32 $0x0;
	[sflag:s4] =	ssyncset.done $0x0  }
0x3f0: {  	s9 =	sand.u32 $0x1FC0, s11;
	[sflag:s4] =	ssyncadd.s32 $0xFFFFE000  }
0x3f1: {  	s10 =	simm.s32 $0x1E020;
	v0 =	vld [tilespmem:s9+$0x6000]  }
0x3f2: {  	v3 =	vld [tilespmem:s10+$0xFFFFFFF0]  }
0x3f3: {  	s12 =	simm.s32 $0x6030;
	v5 =	vld [tilespmem:s10+$0x10]  }
0x3f4: {  	v9 =	vld [tilespmem:s12+$0x0]  }
0x3f5: {  	v10 =	vld [tilespmem:s12+$0xFFFFFFF0]  }
0x3f6: {  	v2 =	vld [tilespmem:s12+$0xFFFFFFE0]  }
0x3f7: {  	v11 =	vld [tilespmem:s10+$0x0]  }
0x3f8: {  	s9 =	simm.s32 $0x40;
	v6 =	vld [tilespmem:s10+$0xFFFFFFE0];
	s10 =	simm.s32 $0x1E060  }
0x3f9: {  	s12 =	sand.u32 $0x1FC0, s9;
	v7 =	vld [tilespmem:s10+$0xFFFFFFF0]  }
0x3fa: {  	v1 =	vld [tilespmem:s12+$0x6000]  }
0x3fb: {  	s11 =	simm.s32 $0x6070;
	v8 =	vld [tilespmem:s10+$0x10]  }
0x3fc: {  	v4 =	vld [tilespmem:s11+$0x0];
	[tilespmem:v9+s1+$0x0] =	vst.idx.msk $0xffff, v5  }
0x3fd: {  	v5 =	vld [tilespmem:s11+$0xFFFFFFF0];
	[tilespmem:v10+s1+$0x0] =	vst.idx.msk $0xffff, v11  }
.LBB2_56:
0x3fe: {  	s9 =	sadd.s32 $0x40, s9;
	[tilespmem:v2+s1+$0x0] =	vst.idx.msk $0xffff, v3;
	v2 =	vld [tilespmem:s11+$0xFFFFFFE0]  }
0x3ff: {  	s12 =	sand.u32 $0x1FC0, s9;
	p0 =	slt.u32 s9, $0x1FC0;
	v9 =	vld [tilespmem:s10+$0x0];
	[tilespmem:v0+s1+$0x0] =	vst.idx.msk $0xffff, v6;
	v0 =	vmov v1;
	v3 =	vmov v7  }
0x400: {  	v1 =	vld [tilespmem:s12+$0x6000];
	v10 =	vmov v8  }
.Ltmp27:
0x401: {  	v6 =	vld [tilespmem:s10+$0xFFFFFFE0];
	s10 =	sadd.s32 $0x40, s10;
	(pc) =	sbr.rel @p0 .LBB2_56-.Ltmp27, $4  }
0x402: {  	v7 =	vld [tilespmem:s10+$0xFFFFFFF0]  }
0x403: {  	s11 =	sadd.s32 $0x40, s11;
	v8 =	vld [tilespmem:s10+$0x10]  }
0x404: {  	[tilespmem:v4+s1+$0x0] =	vst.idx.msk $0xffff, v10;
	v4 =	vld [tilespmem:s11+$0x0]  }
0x405: {  	[tilespmem:v5+s1+$0x0] =	vst.idx.msk $0xffff, v9;
	v5 =	vld [tilespmem:s11+$0xFFFFFFF0]  }
0x406: {  	_ =	sdelay $0x1  }
0x407: {  	v9 =	vld [tilespmem:s11+$0xFFFFFFE0]  }
0x408: {  	v10 =	vld [tilespmem:s10+$0x0]  }
0x409: {  	[tilespmem:v2+s1+$0x0] =	vst.idx.msk $0xffff, v3;
	v2 =	vld [tilespmem:s10+$0xFFFFFFE0];
	_ =	sdelay $0x1  }
0x40a: {  	[tilespmem:v0+s1+$0x0] =	vst.idx.msk $0xffff, v6  }
0x40b: {  	[tilespmem:v4+s1+$0x0] =	vst.idx.msk $0xffff, v8  }
0x40c: {  	[tilespmem:v5+s1+$0x0] =	vst.idx.msk $0xffff, v10  }
0x40d: {  	[tilespmem:v1+s1+$0x0] =	vst.idx.msk $0xffff, v2  }
0x40e: {  	[tilespmem:v9+s1+$0x0] =	vst.idx.msk $0xffff, v7  }
0x40f: {  	s9 =	rddreg [dreg:$0x11]  }
0x410: {  	[hbm4b:s9+s23] =	stream.strided.scatter [tilespmem:s1], [sflag:$0x6], $0x8000, s24, s23, $0x38;
	v63 =	vld [tilespmem:$0x0]  }
0x411: {  	_ =	swait.ge [sflag:s7], $0x8000  }
0x412: {  	s11 =	sld [smem:$0x7EF]  }
0x413: {  	[sflag:s7] =	ssyncset.done $0x0  }
0x414: {  	[sflag:s7] =	ssyncadd.s32 $0xFFFF8000  }
0x415: {  	[tilespmem:s30], [sflag:$0x5] =	stream.strided.gather [hbm4b:s11+s23], $0x2000, s24, s23, $0x38;
	v63 =	vld [tilespmem:$0x0]  }
0x416: {  	_ =	swait.ge [sflag:s0], $0x2000  }
0x417: {  	[sflag:s0] =	ssyncset.done $0x0  }
0x418: {  	s12 =	simm.s32 $0x20;
	[sflag:s0] =	ssyncadd.s32 $0xFFFFE000  }
0x419: {  	v0 =	vld [tilespmem:s12+$0x10]  }
0x41a: {  	v4 =	vld [tilespmem:s12+$0xFFFFFFF0]  }
0x41b: {  	s9 =	simm.s32 $0x18020;
	v2 =	vld [tilespmem:s12+$0x0]  }
0x41c: {  	v6 =	vld [tilespmem:s9+$0x10]  }
0x41d: {  	v1 =	vld [tilespmem:s12+$0xFFFFFFE0]  }
0x41e: {  	v3 =	vld [tilespmem:s9+$0xFFFFFFE0]  }
0x41f: {  	v7 =	vld [tilespmem:s9+$0xFFFFFFF0]  }
0x420: {  	s10 =	simm.s32 $0x0;
	s11 =	simm.s32 $0x60;
	v5 =	vld [tilespmem:s9+$0x0]  }
.LBB2_58:
0x421: {  	s10 =	sadd.s32 $0x40, s10;
	[tilespmem:v0+s5+$0x0] =	vst.idx.msk $0xffff, v6;
	v0 =	vld [tilespmem:s11+$0x10]  }
0x422: {  	v8 =	vld [tilespmem:s11+$0xFFFFFFF0];
	p0 =	slt.u32 s10, $0x1FC0  }
0x423: {  	s9 =	sadd.s32 $0x40, s9;
	v9 =	vld [tilespmem:s11+$0x0]  }
.Ltmp28:
0x424: {  	v6 =	vld [tilespmem:s9+$0x10];
	[tilespmem:v4+s5+$0x0] =	vst.idx.msk $0xffff, v7;
	(pc) =	sbr.rel @p0 .LBB2_58-.Ltmp28, $4  }
0x425: {  	[tilespmem:v1+s5+$0x0] =	vst.idx.msk $0xffff, v3;
	v1 =	vld [tilespmem:s11+$0xFFFFFFE0]  }
0x426: {  	v3 =	vld [tilespmem:s9+$0xFFFFFFE0];
	[tilespmem:v2+s5+$0x0] =	vst.idx.msk $0xffff, v5  }
0x427: {  	v7 =	vld [tilespmem:s9+$0xFFFFFFF0];
	v4 =	vmov v8  }
0x428: {  	s11 =	sadd.s32 $0x40, s11;
	v5 =	vld [tilespmem:s9+$0x0];
	v2 =	vmov v9  }
0x429: {  	_ =	sdelay $0x3  }
0x42a: {  	[tilespmem:v0+s5+$0x0] =	vst.idx.msk $0xffff, v6  }
0x42b: {  	[tilespmem:v1+s5+$0x0] =	vst.idx.msk $0xffff, v3  }
0x42c: {  	[tilespmem:v4+s5+$0x0] =	vst.idx.msk $0xffff, v7  }
0x42d: {  	[tilespmem:v2+s5+$0x0] =	vst.idx.msk $0xffff, v5  }
0x42e: {  	s9 =	rddreg [dreg:$0x12]  }
0x42f: {  	[tilespmem:s25], [sflag:$0x2] =	stream.strided.gather [hbm4b:s9+s23], $0x2000, s24, s23, $0x38;
	v63 =	vld [tilespmem:$0x0]  }
0x430: {  	_ =	swait.ge [sflag:s2], $0x2000  }
0x431: {  	s11 =	simm.s32 $0x0;
	[sflag:s2] =	ssyncset.done $0x0  }
0x432: {  	s9 =	sand.u32 $0x1FC0, s11;
	[sflag:s2] =	ssyncadd.s32 $0xFFFFE000  }
0x433: {  	s10 =	simm.s32 $0x1A020;
	v0 =	vld [tilespmem:s9+$0x2000]  }
0x434: {  	v3 =	vld [tilespmem:s10+$0xFFFFFFF0]  }
0x435: {  	s11 =	simm.s32 $0x2030;
	v5 =	vld [tilespmem:s10+$0x10]  }
0x436: {  	v9 =	vld [tilespmem:s11+$0x0]  }
0x437: {  	v10 =	vld [tilespmem:s11+$0xFFFFFFF0]  }
0x438: {  	v2 =	vld [tilespmem:s11+$0xFFFFFFE0]  }
0x439: {  	v11 =	vld [tilespmem:s10+$0x0]  }
0x43a: {  	s9 =	simm.s32 $0x40;
	v6 =	vld [tilespmem:s10+$0xFFFFFFE0];
	s10 =	simm.s32 $0x1A060  }
0x43b: {  	s12 =	sand.u32 $0x1FC0, s9;
	v7 =	vld [tilespmem:s10+$0xFFFFFFF0]  }
0x43c: {  	v1 =	vld [tilespmem:s12+$0x2000]  }
0x43d: {  	s11 =	simm.s32 $0x2070;
	v8 =	vld [tilespmem:s10+$0x10]  }
0x43e: {  	v4 =	vld [tilespmem:s11+$0x0];
	[tilespmem:v9+s5+$0x0] =	vst.idx.msk $0xffff, v5  }
0x43f: {  	v5 =	vld [tilespmem:s11+$0xFFFFFFF0];
	[tilespmem:v10+s5+$0x0] =	vst.idx.msk $0xffff, v11  }
.LBB2_60:
0x440: {  	s9 =	sadd.s32 $0x40, s9;
	[tilespmem:v2+s5+$0x0] =	vst.idx.msk $0xffff, v3;
	v2 =	vld [tilespmem:s11+$0xFFFFFFE0]  }
0x441: {  	s12 =	sand.u32 $0x1FC0, s9;
	p0 =	slt.u32 s9, $0x1FC0;
	v9 =	vld [tilespmem:s10+$0x0];
	[tilespmem:v0+s5+$0x0] =	vst.idx.msk $0xffff, v6;
	v0 =	vmov v1;
	v3 =	vmov v7  }
0x442: {  	v1 =	vld [tilespmem:s12+$0x2000];
	v10 =	vmov v8  }
.Ltmp29:
0x443: {  	v6 =	vld [tilespmem:s10+$0xFFFFFFE0];
	s10 =	sadd.s32 $0x40, s10;
	(pc) =	sbr.rel @p0 .LBB2_60-.Ltmp29, $4  }
0x444: {  	v7 =	vld [tilespmem:s10+$0xFFFFFFF0]  }
0x445: {  	s11 =	sadd.s32 $0x40, s11;
	v8 =	vld [tilespmem:s10+$0x10]  }
0x446: {  	[tilespmem:v4+s5+$0x0] =	vst.idx.msk $0xffff, v10;
	v4 =	vld [tilespmem:s11+$0x0]  }
0x447: {  	[tilespmem:v5+s5+$0x0] =	vst.idx.msk $0xffff, v9;
	v5 =	vld [tilespmem:s11+$0xFFFFFFF0]  }
0x448: {  	_ =	sdelay $0x1  }
0x449: {  	v9 =	vld [tilespmem:s11+$0xFFFFFFE0]  }
0x44a: {  	v10 =	vld [tilespmem:s10+$0x0]  }
0x44b: {  	[tilespmem:v2+s5+$0x0] =	vst.idx.msk $0xffff, v3;
	v2 =	vld [tilespmem:s10+$0xFFFFFFE0];
	_ =	sdelay $0x1  }
0x44c: {  	[tilespmem:v0+s5+$0x0] =	vst.idx.msk $0xffff, v6  }
0x44d: {  	[tilespmem:v4+s5+$0x0] =	vst.idx.msk $0xffff, v8  }
0x44e: {  	[tilespmem:v5+s5+$0x0] =	vst.idx.msk $0xffff, v10  }
0x44f: {  	[tilespmem:v1+s5+$0x0] =	vst.idx.msk $0xffff, v2  }
0x450: {  	[tilespmem:v9+s5+$0x0] =	vst.idx.msk $0xffff, v7  }
0x451: {  	s9 =	sld [smem:$0x7F0];
	_ =	sdelay $0x2  }
0x452: {  	[tilespmem:s26], [sflag:$0x3] =	stream.strided.gather [hbm4b:s9+s23], $0x2000, s24, s23, $0x38;
	v63 =	vld [tilespmem:$0x0]  }
0x453: {  	_ =	swait.ge [sflag:s3], $0x2000  }
0x454: {  	s11 =	simm.s32 $0x0;
	[sflag:s3] =	ssyncset.done $0x0  }
0x455: {  	s9 =	sand.u32 $0x1FC0, s11;
	[sflag:s3] =	ssyncadd.s32 $0xFFFFE000  }
0x456: {  	s10 =	simm.s32 $0x1C020;
	v0 =	vld [tilespmem:s9+$0x4000]  }
0x457: {  	v3 =	vld [tilespmem:s10+$0xFFFFFFF0]  }
0x458: {  	s12 =	simm.s32 $0x4030;
	v5 =	vld [tilespmem:s10+$0x10]  }
0x459: {  	v9 =	vld [tilespmem:s12+$0x0]  }
0x45a: {  	v10 =	vld [tilespmem:s12+$0xFFFFFFF0]  }
0x45b: {  	v2 =	vld [tilespmem:s12+$0xFFFFFFE0]  }
0x45c: {  	v11 =	vld [tilespmem:s10+$0x0]  }
0x45d: {  	s9 =	simm.s32 $0x40;
	v6 =	vld [tilespmem:s10+$0xFFFFFFE0];
	s10 =	simm.s32 $0x1C060  }
0x45e: {  	s12 =	sand.u32 $0x1FC0, s9;
	v7 =	vld [tilespmem:s10+$0xFFFFFFF0]  }
0x45f: {  	v1 =	vld [tilespmem:s12+$0x4000]  }
0x460: {  	s11 =	simm.s32 $0x4070;
	v8 =	vld [tilespmem:s10+$0x10]  }
0x461: {  	v4 =	vld [tilespmem:s11+$0x0];
	[tilespmem:v9+s5+$0x0] =	vst.idx.msk $0xffff, v5  }
0x462: {  	v5 =	vld [tilespmem:s11+$0xFFFFFFF0];
	[tilespmem:v10+s5+$0x0] =	vst.idx.msk $0xffff, v11  }
.LBB2_62:
0x463: {  	s9 =	sadd.s32 $0x40, s9;
	[tilespmem:v2+s5+$0x0] =	vst.idx.msk $0xffff, v3;
	v2 =	vld [tilespmem:s11+$0xFFFFFFE0]  }
0x464: {  	s12 =	sand.u32 $0x1FC0, s9;
	p0 =	slt.u32 s9, $0x1FC0;
	v9 =	vld [tilespmem:s10+$0x0];
	[tilespmem:v0+s5+$0x0] =	vst.idx.msk $0xffff, v6;
	v0 =	vmov v1;
	v3 =	vmov v7  }
0x465: {  	v1 =	vld [tilespmem:s12+$0x4000];
	v10 =	vmov v8  }
.Ltmp30:
0x466: {  	v6 =	vld [tilespmem:s10+$0xFFFFFFE0];
	s10 =	sadd.s32 $0x40, s10;
	(pc) =	sbr.rel @p0 .LBB2_62-.Ltmp30, $4  }
0x467: {  	v7 =	vld [tilespmem:s10+$0xFFFFFFF0]  }
0x468: {  	s11 =	sadd.s32 $0x40, s11;
	v8 =	vld [tilespmem:s10+$0x10]  }
0x469: {  	[tilespmem:v4+s5+$0x0] =	vst.idx.msk $0xffff, v10;
	v4 =	vld [tilespmem:s11+$0x0]  }
0x46a: {  	[tilespmem:v5+s5+$0x0] =	vst.idx.msk $0xffff, v9;
	v5 =	vld [tilespmem:s11+$0xFFFFFFF0]  }
0x46b: {  	_ =	sdelay $0x1  }
0x46c: {  	v9 =	vld [tilespmem:s11+$0xFFFFFFE0]  }
0x46d: {  	v10 =	vld [tilespmem:s10+$0x0]  }
0x46e: {  	[tilespmem:v2+s5+$0x0] =	vst.idx.msk $0xffff, v3;
	v2 =	vld [tilespmem:s10+$0xFFFFFFE0];
	_ =	sdelay $0x1  }
0x46f: {  	[tilespmem:v0+s5+$0x0] =	vst.idx.msk $0xffff, v6  }
0x470: {  	[tilespmem:v4+s5+$0x0] =	vst.idx.msk $0xffff, v8  }
0x471: {  	[tilespmem:v5+s5+$0x0] =	vst.idx.msk $0xffff, v10  }
0x472: {  	[tilespmem:v1+s5+$0x0] =	vst.idx.msk $0xffff, v2  }
0x473: {  	[tilespmem:v9+s5+$0x0] =	vst.idx.msk $0xffff, v7  }
0x474: {  	s9 =	sld [smem:$0x7F1];
	_ =	sdelay $0x2  }
0x475: {  	[tilespmem:s29], [sflag:$0x4] =	stream.strided.gather [hbm4b:s9+s23], $0x2000, s24, s23, $0x38;
	v63 =	vld [tilespmem:$0x0]  }
0x476: {  	_ =	swait.ge [sflag:s4], $0x2000  }
0x477: {  	s11 =	simm.s32 $0x0;
	[sflag:s4] =	ssyncset.done $0x0  }
0x478: {  	s9 =	sand.u32 $0x1FC0, s11;
	[sflag:s4] =	ssyncadd.s32 $0xFFFFE000  }
0x479: {  	s10 =	simm.s32 $0x1E020;
	v0 =	vld [tilespmem:s9+$0x6000]  }
0x47a: {  	v3 =	vld [tilespmem:s10+$0xFFFFFFF0]  }
0x47b: {  	s12 =	simm.s32 $0x6030;
	v5 =	vld [tilespmem:s10+$0x10]  }
0x47c: {  	v9 =	vld [tilespmem:s12+$0x0]  }
0x47d: {  	v10 =	vld [tilespmem:s12+$0xFFFFFFF0]  }
0x47e: {  	v2 =	vld [tilespmem:s12+$0xFFFFFFE0]  }
0x47f: {  	v11 =	vld [tilespmem:s10+$0x0]  }
0x480: {  	s9 =	simm.s32 $0x40;
	v6 =	vld [tilespmem:s10+$0xFFFFFFE0];
	s10 =	simm.s32 $0x1E060  }
0x481: {  	s12 =	sand.u32 $0x1FC0, s9;
	v7 =	vld [tilespmem:s10+$0xFFFFFFF0]  }
0x482: {  	v1 =	vld [tilespmem:s12+$0x6000]  }
0x483: {  	s11 =	simm.s32 $0x6070;
	v8 =	vld [tilespmem:s10+$0x10]  }
0x484: {  	v4 =	vld [tilespmem:s11+$0x0];
	[tilespmem:v9+s5+$0x0] =	vst.idx.msk $0xffff, v5  }
0x485: {  	v5 =	vld [tilespmem:s11+$0xFFFFFFF0];
	[tilespmem:v10+s5+$0x0] =	vst.idx.msk $0xffff, v11  }
.LBB2_64:
0x486: {  	s9 =	sadd.s32 $0x40, s9;
	[tilespmem:v2+s5+$0x0] =	vst.idx.msk $0xffff, v3;
	v2 =	vld [tilespmem:s11+$0xFFFFFFE0]  }
0x487: {  	s12 =	sand.u32 $0x1FC0, s9;
	p0 =	slt.u32 s9, $0x1FC0;
	v9 =	vld [tilespmem:s10+$0x0];
	[tilespmem:v0+s5+$0x0] =	vst.idx.msk $0xffff, v6;
	v0 =	vmov v1;
	v3 =	vmov v7  }
0x488: {  	v1 =	vld [tilespmem:s12+$0x6000];
	v10 =	vmov v8  }
.Ltmp31:
0x489: {  	v6 =	vld [tilespmem:s10+$0xFFFFFFE0];
	s10 =	sadd.s32 $0x40, s10;
	(pc) =	sbr.rel @p0 .LBB2_64-.Ltmp31, $4  }
0x48a: {  	v7 =	vld [tilespmem:s10+$0xFFFFFFF0]  }
0x48b: {  	s11 =	sadd.s32 $0x40, s11;
	v8 =	vld [tilespmem:s10+$0x10]  }
0x48c: {  	[tilespmem:v4+s5+$0x0] =	vst.idx.msk $0xffff, v10;
	v4 =	vld [tilespmem:s11+$0x0]  }
0x48d: {  	[tilespmem:v5+s5+$0x0] =	vst.idx.msk $0xffff, v9;
	v5 =	vld [tilespmem:s11+$0xFFFFFFF0]  }
0x48e: {  	_ =	sdelay $0x1  }
0x48f: {  	v9 =	vld [tilespmem:s11+$0xFFFFFFE0]  }
0x490: {  	v10 =	vld [tilespmem:s10+$0x0]  }
0x491: {  	[tilespmem:v2+s5+$0x0] =	vst.idx.msk $0xffff, v3;
	v2 =	vld [tilespmem:s10+$0xFFFFFFE0];
	_ =	sdelay $0x1  }
0x492: {  	[tilespmem:v0+s5+$0x0] =	vst.idx.msk $0xffff, v6  }
0x493: {  	[tilespmem:v4+s5+$0x0] =	vst.idx.msk $0xffff, v8  }
0x494: {  	[tilespmem:v5+s5+$0x0] =	vst.idx.msk $0xffff, v10  }
0x495: {  	[tilespmem:v1+s5+$0x0] =	vst.idx.msk $0xffff, v2  }
0x496: {  	[tilespmem:v9+s5+$0x0] =	vst.idx.msk $0xffff, v7  }
0x497: {  	s9 =	rddreg [dreg:$0x13]  }
0x498: {  	[hbm4b:s9+s23] =	stream.strided.scatter [tilespmem:s5], [sflag:$0x7], $0x8000, s24, s23, $0x38;
	v63 =	vld [tilespmem:$0x0]  }
0x499: {  	_ =	swait.ge [sflag:s6], $0x8000  }
0x49a: {  	s11 =	sld [smem:$0x7F2]  }
0x49b: {  	[sflag:s6] =	ssyncset.done $0x0  }
0x49c: {  	[sflag:s6] =	ssyncadd.s32 $0xFFFF8000  }
0x49d: {  	[tilespmem:s30], [sflag:$0x5] =	stream.strided.gather [hbm4b:s11+s23], $0x2000, s24, s23, $0x38;
	v63 =	vld [tilespmem:$0x0]  }
0x49e: {  	_ =	swait.ge [sflag:s0], $0x2000  }
0x49f: {  	[sflag:s0] =	ssyncset.done $0x0  }
0x4a0: {  	s12 =	simm.s32 $0x20;
	[sflag:s0] =	ssyncadd.s32 $0xFFFFE000  }
0x4a1: {  	v0 =	vld [tilespmem:s12+$0x10]  }
0x4a2: {  	v4 =	vld [tilespmem:s12+$0xFFFFFFF0]  }
0x4a3: {  	s9 =	simm.s32 $0x18020;
	v2 =	vld [tilespmem:s12+$0x0]  }
0x4a4: {  	v6 =	vld [tilespmem:s9+$0x10]  }
0x4a5: {  	v1 =	vld [tilespmem:s12+$0xFFFFFFE0]  }
0x4a6: {  	v3 =	vld [tilespmem:s9+$0xFFFFFFE0]  }
0x4a7: {  	v7 =	vld [tilespmem:s9+$0xFFFFFFF0]  }
0x4a8: {  	s10 =	simm.s32 $0x0;
	s11 =	simm.s32 $0x60;
	v5 =	vld [tilespmem:s9+$0x0]  }
.LBB2_66:
0x4a9: {  	s10 =	sadd.s32 $0x40, s10;
	[tilespmem:v0+s1+$0x0] =	vst.idx.msk $0xffff, v6;
	v0 =	vld [tilespmem:s11+$0x10]  }
0x4aa: {  	v8 =	vld [tilespmem:s11+$0xFFFFFFF0];
	p0 =	slt.u32 s10, $0x1FC0  }
0x4ab: {  	s9 =	sadd.s32 $0x40, s9;
	v9 =	vld [tilespmem:s11+$0x0]  }
.Ltmp32:
0x4ac: {  	v6 =	vld [tilespmem:s9+$0x10];
	[tilespmem:v4+s1+$0x0] =	vst.idx.msk $0xffff, v7;
	(pc) =	sbr.rel @p0 .LBB2_66-.Ltmp32, $4  }
0x4ad: {  	[tilespmem:v1+s1+$0x0] =	vst.idx.msk $0xffff, v3;
	v1 =	vld [tilespmem:s11+$0xFFFFFFE0]  }
0x4ae: {  	v3 =	vld [tilespmem:s9+$0xFFFFFFE0];
	[tilespmem:v2+s1+$0x0] =	vst.idx.msk $0xffff, v5  }
0x4af: {  	v7 =	vld [tilespmem:s9+$0xFFFFFFF0];
	v4 =	vmov v8  }
0x4b0: {  	s11 =	sadd.s32 $0x40, s11;
	v5 =	vld [tilespmem:s9+$0x0];
	v2 =	vmov v9  }
0x4b1: {  	_ =	sdelay $0x3  }
0x4b2: {  	[tilespmem:v0+s1+$0x0] =	vst.idx.msk $0xffff, v6  }
0x4b3: {  	[tilespmem:v1+s1+$0x0] =	vst.idx.msk $0xffff, v3  }
0x4b4: {  	[tilespmem:v4+s1+$0x0] =	vst.idx.msk $0xffff, v7  }
0x4b5: {  	[tilespmem:v2+s1+$0x0] =	vst.idx.msk $0xffff, v5  }
0x4b6: {  	s9 =	rddreg [dreg:$0x14]  }
0x4b7: {  	[tilespmem:s25], [sflag:$0x2] =	stream.strided.gather [hbm4b:s9+s23], $0x2000, s24, s23, $0x38;
	v63 =	vld [tilespmem:$0x0]  }
0x4b8: {  	_ =	swait.ge [sflag:s2], $0x2000  }
0x4b9: {  	s11 =	simm.s32 $0x0;
	[sflag:s2] =	ssyncset.done $0x0  }
0x4ba: {  	s9 =	sand.u32 $0x1FC0, s11;
	[sflag:s2] =	ssyncadd.s32 $0xFFFFE000  }
0x4bb: {  	s10 =	simm.s32 $0x1A020;
	v0 =	vld [tilespmem:s9+$0x2000]  }
0x4bc: {  	v3 =	vld [tilespmem:s10+$0xFFFFFFF0]  }
0x4bd: {  	s11 =	simm.s32 $0x2030;
	v5 =	vld [tilespmem:s10+$0x10]  }
0x4be: {  	v9 =	vld [tilespmem:s11+$0x0]  }
0x4bf: {  	v10 =	vld [tilespmem:s11+$0xFFFFFFF0]  }
0x4c0: {  	v2 =	vld [tilespmem:s11+$0xFFFFFFE0]  }
0x4c1: {  	v11 =	vld [tilespmem:s10+$0x0]  }
0x4c2: {  	s9 =	simm.s32 $0x40;
	v6 =	vld [tilespmem:s10+$0xFFFFFFE0];
	s10 =	simm.s32 $0x1A060  }
0x4c3: {  	s12 =	sand.u32 $0x1FC0, s9;
	v7 =	vld [tilespmem:s10+$0xFFFFFFF0]  }
0x4c4: {  	v1 =	vld [tilespmem:s12+$0x2000]  }
0x4c5: {  	s11 =	simm.s32 $0x2070;
	v8 =	vld [tilespmem:s10+$0x10]  }
0x4c6: {  	v4 =	vld [tilespmem:s11+$0x0];
	[tilespmem:v9+s1+$0x0] =	vst.idx.msk $0xffff, v5  }
0x4c7: {  	v5 =	vld [tilespmem:s11+$0xFFFFFFF0];
	[tilespmem:v10+s1+$0x0] =	vst.idx.msk $0xffff, v11  }
.LBB2_68:
0x4c8: {  	s9 =	sadd.s32 $0x40, s9;
	[tilespmem:v2+s1+$0x0] =	vst.idx.msk $0xffff, v3;
	v2 =	vld [tilespmem:s11+$0xFFFFFFE0]  }
0x4c9: {  	s12 =	sand.u32 $0x1FC0, s9;
	p0 =	slt.u32 s9, $0x1FC0;
	v9 =	vld [tilespmem:s10+$0x0];
	[tilespmem:v0+s1+$0x0] =	vst.idx.msk $0xffff, v6;
	v0 =	vmov v1;
	v3 =	vmov v7  }
0x4ca: {  	v1 =	vld [tilespmem:s12+$0x2000];
	v10 =	vmov v8  }
.Ltmp33:
0x4cb: {  	v6 =	vld [tilespmem:s10+$0xFFFFFFE0];
	s10 =	sadd.s32 $0x40, s10;
	(pc) =	sbr.rel @p0 .LBB2_68-.Ltmp33, $4  }
0x4cc: {  	v7 =	vld [tilespmem:s10+$0xFFFFFFF0]  }
0x4cd: {  	s11 =	sadd.s32 $0x40, s11;
	v8 =	vld [tilespmem:s10+$0x10]  }
0x4ce: {  	[tilespmem:v4+s1+$0x0] =	vst.idx.msk $0xffff, v10;
	v4 =	vld [tilespmem:s11+$0x0]  }
0x4cf: {  	[tilespmem:v5+s1+$0x0] =	vst.idx.msk $0xffff, v9;
	v5 =	vld [tilespmem:s11+$0xFFFFFFF0]  }
0x4d0: {  	_ =	sdelay $0x1  }
0x4d1: {  	v9 =	vld [tilespmem:s11+$0xFFFFFFE0]  }
0x4d2: {  	v10 =	vld [tilespmem:s10+$0x0]  }
0x4d3: {  	[tilespmem:v2+s1+$0x0] =	vst.idx.msk $0xffff, v3;
	v2 =	vld [tilespmem:s10+$0xFFFFFFE0];
	_ =	sdelay $0x1  }
0x4d4: {  	[tilespmem:v0+s1+$0x0] =	vst.idx.msk $0xffff, v6  }
0x4d5: {  	[tilespmem:v4+s1+$0x0] =	vst.idx.msk $0xffff, v8  }
0x4d6: {  	[tilespmem:v5+s1+$0x0] =	vst.idx.msk $0xffff, v10  }
0x4d7: {  	[tilespmem:v1+s1+$0x0] =	vst.idx.msk $0xffff, v2  }
0x4d8: {  	[tilespmem:v9+s1+$0x0] =	vst.idx.msk $0xffff, v7  }
0x4d9: {  	s9 =	sld [smem:$0x7F3];
	_ =	sdelay $0x2  }
0x4da: {  	[tilespmem:s26], [sflag:$0x3] =	stream.strided.gather [hbm4b:s9+s23], $0x2000, s24, s23, $0x38;
	v63 =	vld [tilespmem:$0x0]  }
0x4db: {  	_ =	swait.ge [sflag:s3], $0x2000  }
0x4dc: {  	s11 =	simm.s32 $0x0;
	[sflag:s3] =	ssyncset.done $0x0  }
0x4dd: {  	s9 =	sand.u32 $0x1FC0, s11;
	[sflag:s3] =	ssyncadd.s32 $0xFFFFE000  }
0x4de: {  	s10 =	simm.s32 $0x1C020;
	v0 =	vld [tilespmem:s9+$0x4000]  }
0x4df: {  	v3 =	vld [tilespmem:s10+$0xFFFFFFF0]  }
0x4e0: {  	s12 =	simm.s32 $0x4030;
	v5 =	vld [tilespmem:s10+$0x10]  }
0x4e1: {  	v9 =	vld [tilespmem:s12+$0x0]  }
0x4e2: {  	v10 =	vld [tilespmem:s12+$0xFFFFFFF0]  }
0x4e3: {  	v2 =	vld [tilespmem:s12+$0xFFFFFFE0]  }
0x4e4: {  	v11 =	vld [tilespmem:s10+$0x0]  }
0x4e5: {  	s9 =	simm.s32 $0x40;
	v6 =	vld [tilespmem:s10+$0xFFFFFFE0];
	s10 =	simm.s32 $0x1C060  }
0x4e6: {  	s12 =	sand.u32 $0x1FC0, s9;
	v7 =	vld [tilespmem:s10+$0xFFFFFFF0]  }
0x4e7: {  	v1 =	vld [tilespmem:s12+$0x4000]  }
0x4e8: {  	s11 =	simm.s32 $0x4070;
	v8 =	vld [tilespmem:s10+$0x10]  }
0x4e9: {  	v4 =	vld [tilespmem:s11+$0x0];
	[tilespmem:v9+s1+$0x0] =	vst.idx.msk $0xffff, v5  }
0x4ea: {  	v5 =	vld [tilespmem:s11+$0xFFFFFFF0];
	[tilespmem:v10+s1+$0x0] =	vst.idx.msk $0xffff, v11  }
.LBB2_70:
0x4eb: {  	s9 =	sadd.s32 $0x40, s9;
	[tilespmem:v2+s1+$0x0] =	vst.idx.msk $0xffff, v3;
	v2 =	vld [tilespmem:s11+$0xFFFFFFE0]  }
0x4ec: {  	s12 =	sand.u32 $0x1FC0, s9;
	p0 =	slt.u32 s9, $0x1FC0;
	v9 =	vld [tilespmem:s10+$0x0];
	[tilespmem:v0+s1+$0x0] =	vst.idx.msk $0xffff, v6;
	v0 =	vmov v1;
	v3 =	vmov v7  }
0x4ed: {  	v1 =	vld [tilespmem:s12+$0x4000];
	v10 =	vmov v8  }
.Ltmp34:
0x4ee: {  	v6 =	vld [tilespmem:s10+$0xFFFFFFE0];
	s10 =	sadd.s32 $0x40, s10;
	(pc) =	sbr.rel @p0 .LBB2_70-.Ltmp34, $4  }
0x4ef: {  	v7 =	vld [tilespmem:s10+$0xFFFFFFF0]  }
0x4f0: {  	s11 =	sadd.s32 $0x40, s11;
	v8 =	vld [tilespmem:s10+$0x10]  }
0x4f1: {  	[tilespmem:v4+s1+$0x0] =	vst.idx.msk $0xffff, v10;
	v4 =	vld [tilespmem:s11+$0x0]  }
0x4f2: {  	[tilespmem:v5+s1+$0x0] =	vst.idx.msk $0xffff, v9;
	v5 =	vld [tilespmem:s11+$0xFFFFFFF0]  }
0x4f3: {  	_ =	sdelay $0x1  }
0x4f4: {  	v9 =	vld [tilespmem:s11+$0xFFFFFFE0]  }
0x4f5: {  	v10 =	vld [tilespmem:s10+$0x0]  }
0x4f6: {  	[tilespmem:v2+s1+$0x0] =	vst.idx.msk $0xffff, v3;
	v2 =	vld [tilespmem:s10+$0xFFFFFFE0];
	_ =	sdelay $0x1  }
0x4f7: {  	[tilespmem:v0+s1+$0x0] =	vst.idx.msk $0xffff, v6  }
0x4f8: {  	[tilespmem:v4+s1+$0x0] =	vst.idx.msk $0xffff, v8  }
0x4f9: {  	[tilespmem:v5+s1+$0x0] =	vst.idx.msk $0xffff, v10  }
0x4fa: {  	[tilespmem:v1+s1+$0x0] =	vst.idx.msk $0xffff, v2  }
0x4fb: {  	[tilespmem:v9+s1+$0x0] =	vst.idx.msk $0xffff, v7  }
0x4fc: {  	s9 =	sld [smem:$0x7F4];
	_ =	sdelay $0x2  }
0x4fd: {  	[tilespmem:s29], [sflag:$0x4] =	stream.strided.gather [hbm4b:s9+s23], $0x2000, s24, s23, $0x38;
	v63 =	vld [tilespmem:$0x0]  }
0x4fe: {  	_ =	swait.ge [sflag:s4], $0x2000  }
0x4ff: {  	s11 =	simm.s32 $0x0;
	[sflag:s4] =	ssyncset.done $0x0  }
0x500: {  	s9 =	sand.u32 $0x1FC0, s11;
	[sflag:s4] =	ssyncadd.s32 $0xFFFFE000  }
0x501: {  	s10 =	simm.s32 $0x1E020;
	v0 =	vld [tilespmem:s9+$0x6000]  }
0x502: {  	v3 =	vld [tilespmem:s10+$0xFFFFFFF0]  }
0x503: {  	s12 =	simm.s32 $0x6030;
	v5 =	vld [tilespmem:s10+$0x10]  }
0x504: {  	v9 =	vld [tilespmem:s12+$0x0]  }
0x505: {  	v10 =	vld [tilespmem:s12+$0xFFFFFFF0]  }
0x506: {  	v2 =	vld [tilespmem:s12+$0xFFFFFFE0]  }
0x507: {  	v11 =	vld [tilespmem:s10+$0x0]  }
0x508: {  	s9 =	simm.s32 $0x40;
	v6 =	vld [tilespmem:s10+$0xFFFFFFE0];
	s10 =	simm.s32 $0x1E060  }
0x509: {  	s12 =	sand.u32 $0x1FC0, s9;
	v7 =	vld [tilespmem:s10+$0xFFFFFFF0]  }
0x50a: {  	v1 =	vld [tilespmem:s12+$0x6000]  }
0x50b: {  	s11 =	simm.s32 $0x6070;
	v8 =	vld [tilespmem:s10+$0x10]  }
0x50c: {  	v4 =	vld [tilespmem:s11+$0x0];
	[tilespmem:v9+s1+$0x0] =	vst.idx.msk $0xffff, v5  }
0x50d: {  	v5 =	vld [tilespmem:s11+$0xFFFFFFF0];
	[tilespmem:v10+s1+$0x0] =	vst.idx.msk $0xffff, v11  }
.LBB2_72:
0x50e: {  	s9 =	sadd.s32 $0x40, s9;
	[tilespmem:v2+s1+$0x0] =	vst.idx.msk $0xffff, v3;
	v2 =	vld [tilespmem:s11+$0xFFFFFFE0]  }
0x50f: {  	s12 =	sand.u32 $0x1FC0, s9;
	p0 =	slt.u32 s9, $0x1FC0;
	v9 =	vld [tilespmem:s10+$0x0];
	[tilespmem:v0+s1+$0x0] =	vst.idx.msk $0xffff, v6;
	v0 =	vmov v1;
	v3 =	vmov v7  }
0x510: {  	v1 =	vld [tilespmem:s12+$0x6000];
	v10 =	vmov v8  }
.Ltmp35:
0x511: {  	v6 =	vld [tilespmem:s10+$0xFFFFFFE0];
	s10 =	sadd.s32 $0x40, s10;
	(pc) =	sbr.rel @p0 .LBB2_72-.Ltmp35, $4  }
0x512: {  	v7 =	vld [tilespmem:s10+$0xFFFFFFF0]  }
0x513: {  	s11 =	sadd.s32 $0x40, s11;
	v8 =	vld [tilespmem:s10+$0x10]  }
0x514: {  	[tilespmem:v4+s1+$0x0] =	vst.idx.msk $0xffff, v10;
	v4 =	vld [tilespmem:s11+$0x0]  }
0x515: {  	[tilespmem:v5+s1+$0x0] =	vst.idx.msk $0xffff, v9;
	v5 =	vld [tilespmem:s11+$0xFFFFFFF0]  }
0x516: {  	_ =	sdelay $0x1  }
0x517: {  	v9 =	vld [tilespmem:s11+$0xFFFFFFE0]  }
0x518: {  	v10 =	vld [tilespmem:s10+$0x0]  }
0x519: {  	[tilespmem:v2+s1+$0x0] =	vst.idx.msk $0xffff, v3;
	v2 =	vld [tilespmem:s10+$0xFFFFFFE0];
	_ =	sdelay $0x1  }
0x51a: {  	[tilespmem:v0+s1+$0x0] =	vst.idx.msk $0xffff, v6  }
0x51b: {  	[tilespmem:v4+s1+$0x0] =	vst.idx.msk $0xffff, v8  }
0x51c: {  	[tilespmem:v5+s1+$0x0] =	vst.idx.msk $0xffff, v10  }
0x51d: {  	[tilespmem:v1+s1+$0x0] =	vst.idx.msk $0xffff, v2  }
0x51e: {  	[tilespmem:v9+s1+$0x0] =	vst.idx.msk $0xffff, v7  }
0x51f: {  	s9 =	rddreg [dreg:$0x15]  }
0x520: {  	[hbm4b:s9+s23] =	stream.strided.scatter [tilespmem:s1], [sflag:$0x6], $0x8000, s24, s23, $0x38;
	v63 =	vld [tilespmem:$0x0]  }
0x521: {  	_ =	swait.ge [sflag:s7], $0x8000  }
0x522: {  	s11 =	sld [smem:$0x7F5]  }
0x523: {  	[sflag:s7] =	ssyncset.done $0x0  }
0x524: {  	[sflag:s7] =	ssyncadd.s32 $0xFFFF8000  }
0x525: {  	[tilespmem:s30], [sflag:$0x5] =	stream.strided.gather [hbm4b:s11+s23], $0x2000, s24, s23, $0x38;
	v63 =	vld [tilespmem:$0x0]  }
0x526: {  	_ =	swait.ge [sflag:s0], $0x2000  }
0x527: {  	[sflag:s0] =	ssyncset.done $0x0  }
0x528: {  	s12 =	simm.s32 $0x20;
	[sflag:s0] =	ssyncadd.s32 $0xFFFFE000  }
0x529: {  	v0 =	vld [tilespmem:s12+$0x10]  }
0x52a: {  	v4 =	vld [tilespmem:s12+$0xFFFFFFF0]  }
0x52b: {  	s9 =	simm.s32 $0x18020;
	v2 =	vld [tilespmem:s12+$0x0]  }
0x52c: {  	v6 =	vld [tilespmem:s9+$0x10]  }
0x52d: {  	v1 =	vld [tilespmem:s12+$0xFFFFFFE0]  }
0x52e: {  	v3 =	vld [tilespmem:s9+$0xFFFFFFE0]  }
0x52f: {  	v7 =	vld [tilespmem:s9+$0xFFFFFFF0]  }
0x530: {  	s10 =	simm.s32 $0x0;
	s11 =	simm.s32 $0x60;
	v5 =	vld [tilespmem:s9+$0x0]  }
.LBB2_74:
0x531: {  	s10 =	sadd.s32 $0x40, s10;
	[tilespmem:v0+s5+$0x0] =	vst.idx.msk $0xffff, v6;
	v0 =	vld [tilespmem:s11+$0x10]  }
0x532: {  	v8 =	vld [tilespmem:s11+$0xFFFFFFF0];
	p0 =	slt.u32 s10, $0x1FC0  }
0x533: {  	s9 =	sadd.s32 $0x40, s9;
	v9 =	vld [tilespmem:s11+$0x0]  }
.Ltmp36:
0x534: {  	v6 =	vld [tilespmem:s9+$0x10];
	[tilespmem:v4+s5+$0x0] =	vst.idx.msk $0xffff, v7;
	(pc) =	sbr.rel @p0 .LBB2_74-.Ltmp36, $4  }
0x535: {  	[tilespmem:v1+s5+$0x0] =	vst.idx.msk $0xffff, v3;
	v1 =	vld [tilespmem:s11+$0xFFFFFFE0]  }
0x536: {  	v3 =	vld [tilespmem:s9+$0xFFFFFFE0];
	[tilespmem:v2+s5+$0x0] =	vst.idx.msk $0xffff, v5  }
0x537: {  	v7 =	vld [tilespmem:s9+$0xFFFFFFF0];
	v4 =	vmov v8  }
0x538: {  	s11 =	sadd.s32 $0x40, s11;
	v5 =	vld [tilespmem:s9+$0x0];
	v2 =	vmov v9  }
0x539: {  	_ =	sdelay $0x3  }
0x53a: {  	[tilespmem:v0+s5+$0x0] =	vst.idx.msk $0xffff, v6  }
0x53b: {  	[tilespmem:v1+s5+$0x0] =	vst.idx.msk $0xffff, v3  }
0x53c: {  	[tilespmem:v4+s5+$0x0] =	vst.idx.msk $0xffff, v7  }
0x53d: {  	[tilespmem:v2+s5+$0x0] =	vst.idx.msk $0xffff, v5  }
0x53e: {  	s9 =	rddreg [dreg:$0x17]  }
0x53f: {  	[tilespmem:s25], [sflag:$0x2] =	stream.strided.gather [hbm4b:s9+s23], $0x2000, s24, s23, $0x38;
	v63 =	vld [tilespmem:$0x0]  }
0x540: {  	_ =	swait.ge [sflag:s2], $0x2000  }
0x541: {  	s11 =	simm.s32 $0x0;
	[sflag:s2] =	ssyncset.done $0x0  }
0x542: {  	s9 =	sand.u32 $0x1FC0, s11;
	[sflag:s2] =	ssyncadd.s32 $0xFFFFE000  }
0x543: {  	s10 =	simm.s32 $0x1A020;
	v0 =	vld [tilespmem:s9+$0x2000]  }
0x544: {  	v3 =	vld [tilespmem:s10+$0xFFFFFFF0]  }
0x545: {  	s11 =	simm.s32 $0x2030;
	v5 =	vld [tilespmem:s10+$0x10]  }
0x546: {  	v9 =	vld [tilespmem:s11+$0x0]  }
0x547: {  	v10 =	vld [tilespmem:s11+$0xFFFFFFF0]  }
0x548: {  	v2 =	vld [tilespmem:s11+$0xFFFFFFE0]  }
0x549: {  	v11 =	vld [tilespmem:s10+$0x0]  }
0x54a: {  	s9 =	simm.s32 $0x40;
	v6 =	vld [tilespmem:s10+$0xFFFFFFE0];
	s10 =	simm.s32 $0x1A060  }
0x54b: {  	s12 =	sand.u32 $0x1FC0, s9;
	v7 =	vld [tilespmem:s10+$0xFFFFFFF0]  }
0x54c: {  	v1 =	vld [tilespmem:s12+$0x2000]  }
0x54d: {  	s11 =	simm.s32 $0x2070;
	v8 =	vld [tilespmem:s10+$0x10]  }
0x54e: {  	v4 =	vld [tilespmem:s11+$0x0];
	[tilespmem:v9+s5+$0x0] =	vst.idx.msk $0xffff, v5  }
0x54f: {  	v5 =	vld [tilespmem:s11+$0xFFFFFFF0];
	[tilespmem:v10+s5+$0x0] =	vst.idx.msk $0xffff, v11  }
.LBB2_76:
0x550: {  	s9 =	sadd.s32 $0x40, s9;
	[tilespmem:v2+s5+$0x0] =	vst.idx.msk $0xffff, v3;
	v2 =	vld [tilespmem:s11+$0xFFFFFFE0]  }
0x551: {  	s12 =	sand.u32 $0x1FC0, s9;
	p0 =	slt.u32 s9, $0x1FC0;
	v9 =	vld [tilespmem:s10+$0x0];
	[tilespmem:v0+s5+$0x0] =	vst.idx.msk $0xffff, v6;
	v0 =	vmov v1;
	v3 =	vmov v7  }
0x552: {  	v1 =	vld [tilespmem:s12+$0x2000];
	v10 =	vmov v8  }
.Ltmp37:
0x553: {  	v6 =	vld [tilespmem:s10+$0xFFFFFFE0];
	s10 =	sadd.s32 $0x40, s10;
	(pc) =	sbr.rel @p0 .LBB2_76-.Ltmp37, $4  }
0x554: {  	v7 =	vld [tilespmem:s10+$0xFFFFFFF0]  }
0x555: {  	s11 =	sadd.s32 $0x40, s11;
	v8 =	vld [tilespmem:s10+$0x10]  }
0x556: {  	[tilespmem:v4+s5+$0x0] =	vst.idx.msk $0xffff, v10;
	v4 =	vld [tilespmem:s11+$0x0]  }
0x557: {  	[tilespmem:v5+s5+$0x0] =	vst.idx.msk $0xffff, v9;
	v5 =	vld [tilespmem:s11+$0xFFFFFFF0]  }
0x558: {  	_ =	sdelay $0x1  }
0x559: {  	v9 =	vld [tilespmem:s11+$0xFFFFFFE0]  }
0x55a: {  	v10 =	vld [tilespmem:s10+$0x0]  }
0x55b: {  	[tilespmem:v2+s5+$0x0] =	vst.idx.msk $0xffff, v3;
	v2 =	vld [tilespmem:s10+$0xFFFFFFE0];
	_ =	sdelay $0x1  }
0x55c: {  	[tilespmem:v0+s5+$0x0] =	vst.idx.msk $0xffff, v6  }
0x55d: {  	[tilespmem:v4+s5+$0x0] =	vst.idx.msk $0xffff, v8  }
0x55e: {  	[tilespmem:v5+s5+$0x0] =	vst.idx.msk $0xffff, v10  }
0x55f: {  	[tilespmem:v1+s5+$0x0] =	vst.idx.msk $0xffff, v2  }
0x560: {  	[tilespmem:v9+s5+$0x0] =	vst.idx.msk $0xffff, v7  }
0x561: {  	s9 =	sld [smem:$0x7F6];
	_ =	sdelay $0x2  }
0x562: {  	[tilespmem:s26], [sflag:$0x3] =	stream.strided.gather [hbm4b:s9+s23], $0x2000, s24, s23, $0x38;
	v63 =	vld [tilespmem:$0x0]  }
0x563: {  	_ =	swait.ge [sflag:s3], $0x2000  }
0x564: {  	s11 =	simm.s32 $0x0;
	[sflag:s3] =	ssyncset.done $0x0  }
0x565: {  	s9 =	sand.u32 $0x1FC0, s11;
	[sflag:s3] =	ssyncadd.s32 $0xFFFFE000  }
0x566: {  	s10 =	simm.s32 $0x1C020;
	v0 =	vld [tilespmem:s9+$0x4000]  }
0x567: {  	v3 =	vld [tilespmem:s10+$0xFFFFFFF0]  }
0x568: {  	s12 =	simm.s32 $0x4030;
	v5 =	vld [tilespmem:s10+$0x10]  }
0x569: {  	v9 =	vld [tilespmem:s12+$0x0]  }
0x56a: {  	v10 =	vld [tilespmem:s12+$0xFFFFFFF0]  }
0x56b: {  	v2 =	vld [tilespmem:s12+$0xFFFFFFE0]  }
0x56c: {  	v11 =	vld [tilespmem:s10+$0x0]  }
0x56d: {  	s9 =	simm.s32 $0x40;
	v6 =	vld [tilespmem:s10+$0xFFFFFFE0];
	s10 =	simm.s32 $0x1C060  }
0x56e: {  	s12 =	sand.u32 $0x1FC0, s9;
	v7 =	vld [tilespmem:s10+$0xFFFFFFF0]  }
0x56f: {  	v1 =	vld [tilespmem:s12+$0x4000]  }
0x570: {  	s11 =	simm.s32 $0x4070;
	v8 =	vld [tilespmem:s10+$0x10]  }
0x571: {  	v4 =	vld [tilespmem:s11+$0x0];
	[tilespmem:v9+s5+$0x0] =	vst.idx.msk $0xffff, v5  }
0x572: {  	v5 =	vld [tilespmem:s11+$0xFFFFFFF0];
	[tilespmem:v10+s5+$0x0] =	vst.idx.msk $0xffff, v11  }
.LBB2_78:
0x573: {  	s9 =	sadd.s32 $0x40, s9;
	[tilespmem:v2+s5+$0x0] =	vst.idx.msk $0xffff, v3;
	v2 =	vld [tilespmem:s11+$0xFFFFFFE0]  }
0x574: {  	s12 =	sand.u32 $0x1FC0, s9;
	p0 =	slt.u32 s9, $0x1FC0;
	v9 =	vld [tilespmem:s10+$0x0];
	[tilespmem:v0+s5+$0x0] =	vst.idx.msk $0xffff, v6;
	v0 =	vmov v1;
	v3 =	vmov v7  }
0x575: {  	v1 =	vld [tilespmem:s12+$0x4000];
	v10 =	vmov v8  }
.Ltmp38:
0x576: {  	v6 =	vld [tilespmem:s10+$0xFFFFFFE0];
	s10 =	sadd.s32 $0x40, s10;
	(pc) =	sbr.rel @p0 .LBB2_78-.Ltmp38, $4  }
0x577: {  	v7 =	vld [tilespmem:s10+$0xFFFFFFF0]  }
0x578: {  	s11 =	sadd.s32 $0x40, s11;
	v8 =	vld [tilespmem:s10+$0x10]  }
0x579: {  	[tilespmem:v4+s5+$0x0] =	vst.idx.msk $0xffff, v10;
	v4 =	vld [tilespmem:s11+$0x0]  }
0x57a: {  	[tilespmem:v5+s5+$0x0] =	vst.idx.msk $0xffff, v9;
	v5 =	vld [tilespmem:s11+$0xFFFFFFF0]  }
0x57b: {  	_ =	sdelay $0x1  }
0x57c: {  	v9 =	vld [tilespmem:s11+$0xFFFFFFE0]  }
0x57d: {  	v10 =	vld [tilespmem:s10+$0x0]  }
0x57e: {  	[tilespmem:v2+s5+$0x0] =	vst.idx.msk $0xffff, v3;
	v2 =	vld [tilespmem:s10+$0xFFFFFFE0];
	_ =	sdelay $0x1  }
0x57f: {  	[tilespmem:v0+s5+$0x0] =	vst.idx.msk $0xffff, v6  }
0x580: {  	[tilespmem:v4+s5+$0x0] =	vst.idx.msk $0xffff, v8  }
0x581: {  	[tilespmem:v5+s5+$0x0] =	vst.idx.msk $0xffff, v10  }
0x582: {  	[tilespmem:v1+s5+$0x0] =	vst.idx.msk $0xffff, v2  }
0x583: {  	[tilespmem:v9+s5+$0x0] =	vst.idx.msk $0xffff, v7  }
0x584: {  	s9 =	sld [smem:$0x7F7];
	_ =	sdelay $0x2  }
0x585: {  	[tilespmem:s29], [sflag:$0x4] =	stream.strided.gather [hbm4b:s9+s23], $0x2000, s24, s23, $0x38;
	v63 =	vld [tilespmem:$0x0]  }
0x586: {  	_ =	swait.ge [sflag:s4], $0x2000  }
0x587: {  	s11 =	simm.s32 $0x0;
	[sflag:s4] =	ssyncset.done $0x0  }
0x588: {  	s9 =	sand.u32 $0x1FC0, s11;
	[sflag:s4] =	ssyncadd.s32 $0xFFFFE000  }
0x589: {  	s10 =	simm.s32 $0x1E020;
	v0 =	vld [tilespmem:s9+$0x6000]  }
0x58a: {  	v3 =	vld [tilespmem:s10+$0xFFFFFFF0]  }
0x58b: {  	s12 =	simm.s32 $0x6030;
	v5 =	vld [tilespmem:s10+$0x10]  }
0x58c: {  	v9 =	vld [tilespmem:s12+$0x0]  }
0x58d: {  	v10 =	vld [tilespmem:s12+$0xFFFFFFF0]  }
0x58e: {  	v2 =	vld [tilespmem:s12+$0xFFFFFFE0]  }
0x58f: {  	v11 =	vld [tilespmem:s10+$0x0]  }
0x590: {  	s9 =	simm.s32 $0x40;
	v6 =	vld [tilespmem:s10+$0xFFFFFFE0];
	s10 =	simm.s32 $0x1E060  }
0x591: {  	s12 =	sand.u32 $0x1FC0, s9;
	v7 =	vld [tilespmem:s10+$0xFFFFFFF0]  }
0x592: {  	v1 =	vld [tilespmem:s12+$0x6000]  }
0x593: {  	s11 =	simm.s32 $0x6070;
	v8 =	vld [tilespmem:s10+$0x10]  }
0x594: {  	v4 =	vld [tilespmem:s11+$0x0];
	[tilespmem:v9+s5+$0x0] =	vst.idx.msk $0xffff, v5  }
0x595: {  	v5 =	vld [tilespmem:s11+$0xFFFFFFF0];
	[tilespmem:v10+s5+$0x0] =	vst.idx.msk $0xffff, v11  }
.LBB2_80:
0x596: {  	s9 =	sadd.s32 $0x40, s9;
	[tilespmem:v2+s5+$0x0] =	vst.idx.msk $0xffff, v3;
	v2 =	vld [tilespmem:s11+$0xFFFFFFE0]  }
0x597: {  	s12 =	sand.u32 $0x1FC0, s9;
	p0 =	slt.u32 s9, $0x1FC0;
	v9 =	vld [tilespmem:s10+$0x0];
	[tilespmem:v0+s5+$0x0] =	vst.idx.msk $0xffff, v6;
	v0 =	vmov v1;
	v3 =	vmov v7  }
0x598: {  	v1 =	vld [tilespmem:s12+$0x6000];
	v10 =	vmov v8  }
.Ltmp39:
0x599: {  	v6 =	vld [tilespmem:s10+$0xFFFFFFE0];
	s10 =	sadd.s32 $0x40, s10;
	(pc) =	sbr.rel @p0 .LBB2_80-.Ltmp39, $4  }
0x59a: {  	v7 =	vld [tilespmem:s10+$0xFFFFFFF0]  }
0x59b: {  	s11 =	sadd.s32 $0x40, s11;
	v8 =	vld [tilespmem:s10+$0x10]  }
0x59c: {  	[tilespmem:v4+s5+$0x0] =	vst.idx.msk $0xffff, v10;
	v4 =	vld [tilespmem:s11+$0x0]  }
0x59d: {  	[tilespmem:v5+s5+$0x0] =	vst.idx.msk $0xffff, v9;
	v5 =	vld [tilespmem:s11+$0xFFFFFFF0]  }
0x59e: {  	_ =	sdelay $0x1  }
0x59f: {  	v9 =	vld [tilespmem:s11+$0xFFFFFFE0]  }
0x5a0: {  	v10 =	vld [tilespmem:s10+$0x0]  }
0x5a1: {  	[tilespmem:v2+s5+$0x0] =	vst.idx.msk $0xffff, v3;
	v2 =	vld [tilespmem:s10+$0xFFFFFFE0];
	_ =	sdelay $0x1  }
0x5a2: {  	[tilespmem:v0+s5+$0x0] =	vst.idx.msk $0xffff, v6  }
0x5a3: {  	[tilespmem:v4+s5+$0x0] =	vst.idx.msk $0xffff, v8  }
0x5a4: {  	[tilespmem:v5+s5+$0x0] =	vst.idx.msk $0xffff, v10  }
0x5a5: {  	[tilespmem:v1+s5+$0x0] =	vst.idx.msk $0xffff, v2  }
0x5a6: {  	[tilespmem:v9+s5+$0x0] =	vst.idx.msk $0xffff, v7  }
0x5a7: {  	s9 =	rddreg [dreg:$0x16]  }
0x5a8: {  	[hbm4b:s9+s23] =	stream.strided.scatter [tilespmem:s5], [sflag:$0x7], $0x8000, s24, s23, $0x38;
	v63 =	vld [tilespmem:$0x0]  }
0x5a9: {  	_ =	swait.ge [sflag:s6], $0x8000  }
0x5aa: {  	s11 =	sld [smem:$0x7F8]  }
0x5ab: {  	[sflag:s6] =	ssyncset.done $0x0  }
0x5ac: {  	[sflag:s6] =	ssyncadd.s32 $0xFFFF8000  }
0x5ad: {  	[tilespmem:s30], [sflag:$0x5] =	stream.strided.gather [hbm4b:s11+s23], $0x2000, s24, s23, $0x38;
	v63 =	vld [tilespmem:$0x0]  }
0x5ae: {  	_ =	swait.ge [sflag:s0], $0x2000  }
0x5af: {  	[sflag:s0] =	ssyncset.done $0x0  }
0x5b0: {  	s12 =	simm.s32 $0x20;
	[sflag:s0] =	ssyncadd.s32 $0xFFFFE000  }
0x5b1: {  	v0 =	vld [tilespmem:s12+$0x10]  }
0x5b2: {  	v4 =	vld [tilespmem:s12+$0xFFFFFFF0]  }
0x5b3: {  	s9 =	simm.s32 $0x18020;
	v2 =	vld [tilespmem:s12+$0x0]  }
0x5b4: {  	v6 =	vld [tilespmem:s9+$0x10]  }
0x5b5: {  	v1 =	vld [tilespmem:s12+$0xFFFFFFE0]  }
0x5b6: {  	v3 =	vld [tilespmem:s9+$0xFFFFFFE0]  }
0x5b7: {  	v7 =	vld [tilespmem:s9+$0xFFFFFFF0]  }
0x5b8: {  	s10 =	simm.s32 $0x0;
	s11 =	simm.s32 $0x60;
	v5 =	vld [tilespmem:s9+$0x0]  }
.LBB2_82:
0x5b9: {  	s10 =	sadd.s32 $0x40, s10;
	[tilespmem:v0+s1+$0x0] =	vst.idx.msk $0xffff, v6;
	v0 =	vld [tilespmem:s11+$0x10]  }
0x5ba: {  	v8 =	vld [tilespmem:s11+$0xFFFFFFF0];
	p0 =	slt.u32 s10, $0x1FC0  }
0x5bb: {  	s9 =	sadd.s32 $0x40, s9;
	v9 =	vld [tilespmem:s11+$0x0]  }
.Ltmp40:
0x5bc: {  	v6 =	vld [tilespmem:s9+$0x10];
	[tilespmem:v4+s1+$0x0] =	vst.idx.msk $0xffff, v7;
	(pc) =	sbr.rel @p0 .LBB2_82-.Ltmp40, $4  }
0x5bd: {  	[tilespmem:v1+s1+$0x0] =	vst.idx.msk $0xffff, v3;
	v1 =	vld [tilespmem:s11+$0xFFFFFFE0]  }
0x5be: {  	v3 =	vld [tilespmem:s9+$0xFFFFFFE0];
	[tilespmem:v2+s1+$0x0] =	vst.idx.msk $0xffff, v5  }
0x5bf: {  	v7 =	vld [tilespmem:s9+$0xFFFFFFF0];
	v4 =	vmov v8  }
0x5c0: {  	s11 =	sadd.s32 $0x40, s11;
	v5 =	vld [tilespmem:s9+$0x0];
	v2 =	vmov v9  }
0x5c1: {  	_ =	sdelay $0x3  }
0x5c2: {  	[tilespmem:v0+s1+$0x0] =	vst.idx.msk $0xffff, v6  }
0x5c3: {  	[tilespmem:v1+s1+$0x0] =	vst.idx.msk $0xffff, v3  }
0x5c4: {  	[tilespmem:v4+s1+$0x0] =	vst.idx.msk $0xffff, v7  }
0x5c5: {  	[tilespmem:v2+s1+$0x0] =	vst.idx.msk $0xffff, v5  }
0x5c6: {  	s9 =	rddreg [dreg:$0x19]  }
0x5c7: {  	[tilespmem:s25], [sflag:$0x2] =	stream.strided.gather [hbm4b:s9+s23], $0x2000, s24, s23, $0x38;
	v63 =	vld [tilespmem:$0x0]  }
0x5c8: {  	_ =	swait.ge [sflag:s2], $0x2000  }
0x5c9: {  	s11 =	simm.s32 $0x0;
	[sflag:s2] =	ssyncset.done $0x0  }
0x5ca: {  	s9 =	sand.u32 $0x1FC0, s11;
	[sflag:s2] =	ssyncadd.s32 $0xFFFFE000  }
0x5cb: {  	s10 =	simm.s32 $0x1A020;
	v0 =	vld [tilespmem:s9+$0x2000]  }
0x5cc: {  	v3 =	vld [tilespmem:s10+$0xFFFFFFF0]  }
0x5cd: {  	s11 =	simm.s32 $0x2030;
	v5 =	vld [tilespmem:s10+$0x10]  }
0x5ce: {  	v9 =	vld [tilespmem:s11+$0x0]  }
0x5cf: {  	v10 =	vld [tilespmem:s11+$0xFFFFFFF0]  }
0x5d0: {  	v2 =	vld [tilespmem:s11+$0xFFFFFFE0]  }
0x5d1: {  	v11 =	vld [tilespmem:s10+$0x0]  }
0x5d2: {  	s9 =	simm.s32 $0x40;
	v6 =	vld [tilespmem:s10+$0xFFFFFFE0];
	s10 =	simm.s32 $0x1A060  }
0x5d3: {  	s12 =	sand.u32 $0x1FC0, s9;
	v7 =	vld [tilespmem:s10+$0xFFFFFFF0]  }
0x5d4: {  	v1 =	vld [tilespmem:s12+$0x2000]  }
0x5d5: {  	s11 =	simm.s32 $0x2070;
	v8 =	vld [tilespmem:s10+$0x10]  }
0x5d6: {  	v4 =	vld [tilespmem:s11+$0x0];
	[tilespmem:v9+s1+$0x0] =	vst.idx.msk $0xffff, v5  }
0x5d7: {  	v5 =	vld [tilespmem:s11+$0xFFFFFFF0];
	[tilespmem:v10+s1+$0x0] =	vst.idx.msk $0xffff, v11  }
.LBB2_84:
0x5d8: {  	s9 =	sadd.s32 $0x40, s9;
	[tilespmem:v2+s1+$0x0] =	vst.idx.msk $0xffff, v3;
	v2 =	vld [tilespmem:s11+$0xFFFFFFE0]  }
0x5d9: {  	s12 =	sand.u32 $0x1FC0, s9;
	p0 =	slt.u32 s9, $0x1FC0;
	v9 =	vld [tilespmem:s10+$0x0];
	[tilespmem:v0+s1+$0x0] =	vst.idx.msk $0xffff, v6;
	v0 =	vmov v1;
	v3 =	vmov v7  }
0x5da: {  	v1 =	vld [tilespmem:s12+$0x2000];
	v10 =	vmov v8  }
.Ltmp41:
0x5db: {  	v6 =	vld [tilespmem:s10+$0xFFFFFFE0];
	s10 =	sadd.s32 $0x40, s10;
	(pc) =	sbr.rel @p0 .LBB2_84-.Ltmp41, $4  }
0x5dc: {  	v7 =	vld [tilespmem:s10+$0xFFFFFFF0]  }
0x5dd: {  	s11 =	sadd.s32 $0x40, s11;
	v8 =	vld [tilespmem:s10+$0x10]  }
0x5de: {  	[tilespmem:v4+s1+$0x0] =	vst.idx.msk $0xffff, v10;
	v4 =	vld [tilespmem:s11+$0x0]  }
0x5df: {  	[tilespmem:v5+s1+$0x0] =	vst.idx.msk $0xffff, v9;
	v5 =	vld [tilespmem:s11+$0xFFFFFFF0]  }
0x5e0: {  	_ =	sdelay $0x1  }
0x5e1: {  	v9 =	vld [tilespmem:s11+$0xFFFFFFE0]  }
0x5e2: {  	v10 =	vld [tilespmem:s10+$0x0]  }
0x5e3: {  	[tilespmem:v2+s1+$0x0] =	vst.idx.msk $0xffff, v3;
	v2 =	vld [tilespmem:s10+$0xFFFFFFE0];
	_ =	sdelay $0x1  }
0x5e4: {  	[tilespmem:v0+s1+$0x0] =	vst.idx.msk $0xffff, v6  }
0x5e5: {  	[tilespmem:v4+s1+$0x0] =	vst.idx.msk $0xffff, v8  }
0x5e6: {  	[tilespmem:v5+s1+$0x0] =	vst.idx.msk $0xffff, v10  }
0x5e7: {  	[tilespmem:v1+s1+$0x0] =	vst.idx.msk $0xffff, v2  }
0x5e8: {  	[tilespmem:v9+s1+$0x0] =	vst.idx.msk $0xffff, v7  }
0x5e9: {  	s9 =	sld [smem:$0x7F9];
	_ =	sdelay $0x2  }
0x5ea: {  	[tilespmem:s26], [sflag:$0x3] =	stream.strided.gather [hbm4b:s9+s23], $0x2000, s24, s23, $0x38;
	v63 =	vld [tilespmem:$0x0]  }
0x5eb: {  	_ =	swait.ge [sflag:s3], $0x2000  }
0x5ec: {  	s11 =	simm.s32 $0x0;
	[sflag:s3] =	ssyncset.done $0x0  }
0x5ed: {  	s9 =	sand.u32 $0x1FC0, s11;
	[sflag:s3] =	ssyncadd.s32 $0xFFFFE000  }
0x5ee: {  	s10 =	simm.s32 $0x1C020;
	v0 =	vld [tilespmem:s9+$0x4000]  }
0x5ef: {  	v3 =	vld [tilespmem:s10+$0xFFFFFFF0]  }
0x5f0: {  	s12 =	simm.s32 $0x4030;
	v5 =	vld [tilespmem:s10+$0x10]  }
0x5f1: {  	v9 =	vld [tilespmem:s12+$0x0]  }
0x5f2: {  	v10 =	vld [tilespmem:s12+$0xFFFFFFF0]  }
0x5f3: {  	v2 =	vld [tilespmem:s12+$0xFFFFFFE0]  }
0x5f4: {  	v11 =	vld [tilespmem:s10+$0x0]  }
0x5f5: {  	s9 =	simm.s32 $0x40;
	v6 =	vld [tilespmem:s10+$0xFFFFFFE0];
	s10 =	simm.s32 $0x1C060  }
0x5f6: {  	s12 =	sand.u32 $0x1FC0, s9;
	v7 =	vld [tilespmem:s10+$0xFFFFFFF0]  }
0x5f7: {  	v1 =	vld [tilespmem:s12+$0x4000]  }
0x5f8: {  	s11 =	simm.s32 $0x4070;
	v8 =	vld [tilespmem:s10+$0x10]  }
0x5f9: {  	v4 =	vld [tilespmem:s11+$0x0];
	[tilespmem:v9+s1+$0x0] =	vst.idx.msk $0xffff, v5  }
0x5fa: {  	v5 =	vld [tilespmem:s11+$0xFFFFFFF0];
	[tilespmem:v10+s1+$0x0] =	vst.idx.msk $0xffff, v11  }
.LBB2_86:
0x5fb: {  	s9 =	sadd.s32 $0x40, s9;
	[tilespmem:v2+s1+$0x0] =	vst.idx.msk $0xffff, v3;
	v2 =	vld [tilespmem:s11+$0xFFFFFFE0]  }
0x5fc: {  	s12 =	sand.u32 $0x1FC0, s9;
	p0 =	slt.u32 s9, $0x1FC0;
	v9 =	vld [tilespmem:s10+$0x0];
	[tilespmem:v0+s1+$0x0] =	vst.idx.msk $0xffff, v6;
	v0 =	vmov v1;
	v3 =	vmov v7  }
0x5fd: {  	v1 =	vld [tilespmem:s12+$0x4000];
	v10 =	vmov v8  }
.Ltmp42:
0x5fe: {  	v6 =	vld [tilespmem:s10+$0xFFFFFFE0];
	s10 =	sadd.s32 $0x40, s10;
	(pc) =	sbr.rel @p0 .LBB2_86-.Ltmp42, $4  }
0x5ff: {  	v7 =	vld [tilespmem:s10+$0xFFFFFFF0]  }
0x600: {  	s11 =	sadd.s32 $0x40, s11;
	v8 =	vld [tilespmem:s10+$0x10]  }
0x601: {  	[tilespmem:v4+s1+$0x0] =	vst.idx.msk $0xffff, v10;
	v4 =	vld [tilespmem:s11+$0x0]  }
0x602: {  	[tilespmem:v5+s1+$0x0] =	vst.idx.msk $0xffff, v9;
	v5 =	vld [tilespmem:s11+$0xFFFFFFF0]  }
0x603: {  	_ =	sdelay $0x1  }
0x604: {  	v9 =	vld [tilespmem:s11+$0xFFFFFFE0]  }
0x605: {  	v10 =	vld [tilespmem:s10+$0x0]  }
0x606: {  	[tilespmem:v2+s1+$0x0] =	vst.idx.msk $0xffff, v3;
	v2 =	vld [tilespmem:s10+$0xFFFFFFE0];
	_ =	sdelay $0x1  }
0x607: {  	[tilespmem:v0+s1+$0x0] =	vst.idx.msk $0xffff, v6  }
0x608: {  	[tilespmem:v4+s1+$0x0] =	vst.idx.msk $0xffff, v8  }
0x609: {  	[tilespmem:v5+s1+$0x0] =	vst.idx.msk $0xffff, v10  }
0x60a: {  	[tilespmem:v1+s1+$0x0] =	vst.idx.msk $0xffff, v2  }
0x60b: {  	[tilespmem:v9+s1+$0x0] =	vst.idx.msk $0xffff, v7  }
0x60c: {  	s9 =	sld [smem:$0x7FA];
	_ =	sdelay $0x2  }
0x60d: {  	[tilespmem:s29], [sflag:$0x4] =	stream.strided.gather [hbm4b:s9+s23], $0x2000, s24, s23, $0x38;
	v63 =	vld [tilespmem:$0x0]  }
0x60e: {  	_ =	swait.ge [sflag:s4], $0x2000  }
0x60f: {  	s11 =	simm.s32 $0x0;
	[sflag:s4] =	ssyncset.done $0x0  }
0x610: {  	s9 =	sand.u32 $0x1FC0, s11;
	[sflag:s4] =	ssyncadd.s32 $0xFFFFE000  }
0x611: {  	s10 =	simm.s32 $0x1E020;
	v0 =	vld [tilespmem:s9+$0x6000]  }
0x612: {  	v3 =	vld [tilespmem:s10+$0xFFFFFFF0]  }
0x613: {  	s12 =	simm.s32 $0x6030;
	v5 =	vld [tilespmem:s10+$0x10]  }
0x614: {  	v9 =	vld [tilespmem:s12+$0x0]  }
0x615: {  	v10 =	vld [tilespmem:s12+$0xFFFFFFF0]  }
0x616: {  	v2 =	vld [tilespmem:s12+$0xFFFFFFE0]  }
0x617: {  	v11 =	vld [tilespmem:s10+$0x0]  }
0x618: {  	s9 =	simm.s32 $0x40;
	v6 =	vld [tilespmem:s10+$0xFFFFFFE0];
	s10 =	simm.s32 $0x1E060  }
0x619: {  	s12 =	sand.u32 $0x1FC0, s9;
	v7 =	vld [tilespmem:s10+$0xFFFFFFF0]  }
0x61a: {  	v1 =	vld [tilespmem:s12+$0x6000]  }
0x61b: {  	s11 =	simm.s32 $0x6070;
	v8 =	vld [tilespmem:s10+$0x10]  }
0x61c: {  	v4 =	vld [tilespmem:s11+$0x0];
	[tilespmem:v9+s1+$0x0] =	vst.idx.msk $0xffff, v5  }
0x61d: {  	v5 =	vld [tilespmem:s11+$0xFFFFFFF0];
	[tilespmem:v10+s1+$0x0] =	vst.idx.msk $0xffff, v11  }
.LBB2_88:
0x61e: {  	s9 =	sadd.s32 $0x40, s9;
	[tilespmem:v2+s1+$0x0] =	vst.idx.msk $0xffff, v3;
	v2 =	vld [tilespmem:s11+$0xFFFFFFE0]  }
0x61f: {  	s12 =	sand.u32 $0x1FC0, s9;
	p0 =	slt.u32 s9, $0x1FC0;
	v9 =	vld [tilespmem:s10+$0x0];
	[tilespmem:v0+s1+$0x0] =	vst.idx.msk $0xffff, v6;
	v0 =	vmov v1;
	v3 =	vmov v7  }
0x620: {  	v1 =	vld [tilespmem:s12+$0x6000];
	v10 =	vmov v8  }
.Ltmp43:
0x621: {  	v6 =	vld [tilespmem:s10+$0xFFFFFFE0];
	s10 =	sadd.s32 $0x40, s10;
	(pc) =	sbr.rel @p0 .LBB2_88-.Ltmp43, $4  }
0x622: {  	v7 =	vld [tilespmem:s10+$0xFFFFFFF0]  }
0x623: {  	s11 =	sadd.s32 $0x40, s11;
	v8 =	vld [tilespmem:s10+$0x10]  }
0x624: {  	[tilespmem:v4+s1+$0x0] =	vst.idx.msk $0xffff, v10;
	v4 =	vld [tilespmem:s11+$0x0]  }
0x625: {  	[tilespmem:v5+s1+$0x0] =	vst.idx.msk $0xffff, v9;
	v5 =	vld [tilespmem:s11+$0xFFFFFFF0]  }
0x626: {  	_ =	sdelay $0x1  }
0x627: {  	v9 =	vld [tilespmem:s11+$0xFFFFFFE0]  }
0x628: {  	v10 =	vld [tilespmem:s10+$0x0]  }
0x629: {  	[tilespmem:v2+s1+$0x0] =	vst.idx.msk $0xffff, v3;
	v2 =	vld [tilespmem:s10+$0xFFFFFFE0];
	_ =	sdelay $0x1  }
0x62a: {  	[tilespmem:v0+s1+$0x0] =	vst.idx.msk $0xffff, v6  }
0x62b: {  	[tilespmem:v4+s1+$0x0] =	vst.idx.msk $0xffff, v8  }
0x62c: {  	[tilespmem:v5+s1+$0x0] =	vst.idx.msk $0xffff, v10  }
0x62d: {  	[tilespmem:v1+s1+$0x0] =	vst.idx.msk $0xffff, v2  }
0x62e: {  	[tilespmem:v9+s1+$0x0] =	vst.idx.msk $0xffff, v7  }
0x62f: {  	s9 =	rddreg [dreg:$0x18]  }
0x630: {  	[hbm4b:s9+s23] =	stream.strided.scatter [tilespmem:s1], [sflag:$0x6], $0x8000, s24, s23, $0x38;
	v63 =	vld [tilespmem:$0x0]  }
0x631: {  	_ =	swait.ge [sflag:s7], $0x8000  }
0x632: {  	s11 =	sld [smem:$0x7FB]  }
0x633: {  	[sflag:s7] =	ssyncset.done $0x0  }
0x634: {  	[sflag:s7] =	ssyncadd.s32 $0xFFFF8000  }
0x635: {  	[tilespmem:s30], [sflag:$0x5] =	stream.strided.gather [hbm4b:s11+s23], $0x2000, s24, s23, $0x38;
	v63 =	vld [tilespmem:$0x0]  }
0x636: {  	_ =	swait.ge [sflag:s0], $0x2000  }
0x637: {  	[sflag:s0] =	ssyncset.done $0x0  }
0x638: {  	s12 =	simm.s32 $0x20;
	[sflag:s0] =	ssyncadd.s32 $0xFFFFE000  }
0x639: {  	v0 =	vld [tilespmem:s12+$0x10]  }
0x63a: {  	v4 =	vld [tilespmem:s12+$0xFFFFFFF0]  }
0x63b: {  	s9 =	simm.s32 $0x18020;
	v2 =	vld [tilespmem:s12+$0x0]  }
0x63c: {  	v6 =	vld [tilespmem:s9+$0x10]  }
0x63d: {  	v1 =	vld [tilespmem:s12+$0xFFFFFFE0]  }
0x63e: {  	v3 =	vld [tilespmem:s9+$0xFFFFFFE0]  }
0x63f: {  	v7 =	vld [tilespmem:s9+$0xFFFFFFF0]  }
0x640: {  	s10 =	simm.s32 $0x0;
	s11 =	simm.s32 $0x60;
	v5 =	vld [tilespmem:s9+$0x0]  }
.LBB2_90:
0x641: {  	s10 =	sadd.s32 $0x40, s10;
	[tilespmem:v0+s5+$0x0] =	vst.idx.msk $0xffff, v6;
	v0 =	vld [tilespmem:s11+$0x10]  }
0x642: {  	v8 =	vld [tilespmem:s11+$0xFFFFFFF0];
	p0 =	slt.u32 s10, $0x1FC0  }
0x643: {  	s9 =	sadd.s32 $0x40, s9;
	v9 =	vld [tilespmem:s11+$0x0]  }
.Ltmp44:
0x644: {  	v6 =	vld [tilespmem:s9+$0x10];
	[tilespmem:v4+s5+$0x0] =	vst.idx.msk $0xffff, v7;
	(pc) =	sbr.rel @p0 .LBB2_90-.Ltmp44, $4  }
0x645: {  	[tilespmem:v1+s5+$0x0] =	vst.idx.msk $0xffff, v3;
	v1 =	vld [tilespmem:s11+$0xFFFFFFE0]  }
0x646: {  	v3 =	vld [tilespmem:s9+$0xFFFFFFE0];
	[tilespmem:v2+s5+$0x0] =	vst.idx.msk $0xffff, v5  }
0x647: {  	v7 =	vld [tilespmem:s9+$0xFFFFFFF0];
	v4 =	vmov v8  }
0x648: {  	s11 =	sadd.s32 $0x40, s11;
	v5 =	vld [tilespmem:s9+$0x0];
	v2 =	vmov v9  }
0x649: {  	_ =	sdelay $0x3  }
0x64a: {  	[tilespmem:v0+s5+$0x0] =	vst.idx.msk $0xffff, v6  }
0x64b: {  	[tilespmem:v1+s5+$0x0] =	vst.idx.msk $0xffff, v3  }
0x64c: {  	[tilespmem:v4+s5+$0x0] =	vst.idx.msk $0xffff, v7  }
0x64d: {  	[tilespmem:v2+s5+$0x0] =	vst.idx.msk $0xffff, v5  }
0x64e: {  	s9 =	rddreg [dreg:$0x1b]  }
0x64f: {  	[tilespmem:s25], [sflag:$0x2] =	stream.strided.gather [hbm4b:s9+s23], $0x2000, s24, s23, $0x38;
	v63 =	vld [tilespmem:$0x0]  }
0x650: {  	_ =	swait.ge [sflag:s2], $0x2000  }
0x651: {  	s11 =	simm.s32 $0x0;
	[sflag:s2] =	ssyncset.done $0x0  }
0x652: {  	s9 =	sand.u32 $0x1FC0, s11;
	[sflag:s2] =	ssyncadd.s32 $0xFFFFE000  }
0x653: {  	s10 =	simm.s32 $0x1A020;
	v0 =	vld [tilespmem:s9+$0x2000]  }
0x654: {  	v3 =	vld [tilespmem:s10+$0xFFFFFFF0]  }
0x655: {  	s11 =	simm.s32 $0x2030;
	v5 =	vld [tilespmem:s10+$0x10]  }
0x656: {  	v9 =	vld [tilespmem:s11+$0x0]  }
0x657: {  	v10 =	vld [tilespmem:s11+$0xFFFFFFF0]  }
0x658: {  	v2 =	vld [tilespmem:s11+$0xFFFFFFE0]  }
0x659: {  	v11 =	vld [tilespmem:s10+$0x0]  }
0x65a: {  	s9 =	simm.s32 $0x40;
	v6 =	vld [tilespmem:s10+$0xFFFFFFE0];
	s10 =	simm.s32 $0x1A060  }
0x65b: {  	s12 =	sand.u32 $0x1FC0, s9;
	v7 =	vld [tilespmem:s10+$0xFFFFFFF0]  }
0x65c: {  	v1 =	vld [tilespmem:s12+$0x2000]  }
0x65d: {  	s11 =	simm.s32 $0x2070;
	v8 =	vld [tilespmem:s10+$0x10]  }
0x65e: {  	v4 =	vld [tilespmem:s11+$0x0];
	[tilespmem:v9+s5+$0x0] =	vst.idx.msk $0xffff, v5  }
0x65f: {  	v5 =	vld [tilespmem:s11+$0xFFFFFFF0];
	[tilespmem:v10+s5+$0x0] =	vst.idx.msk $0xffff, v11  }
.LBB2_92:
0x660: {  	s9 =	sadd.s32 $0x40, s9;
	[tilespmem:v2+s5+$0x0] =	vst.idx.msk $0xffff, v3;
	v2 =	vld [tilespmem:s11+$0xFFFFFFE0]  }
0x661: {  	s12 =	sand.u32 $0x1FC0, s9;
	p0 =	slt.u32 s9, $0x1FC0;
	v9 =	vld [tilespmem:s10+$0x0];
	[tilespmem:v0+s5+$0x0] =	vst.idx.msk $0xffff, v6;
	v0 =	vmov v1;
	v3 =	vmov v7  }
0x662: {  	v1 =	vld [tilespmem:s12+$0x2000];
	v10 =	vmov v8  }
.Ltmp45:
0x663: {  	v6 =	vld [tilespmem:s10+$0xFFFFFFE0];
	s10 =	sadd.s32 $0x40, s10;
	(pc) =	sbr.rel @p0 .LBB2_92-.Ltmp45, $4  }
0x664: {  	v7 =	vld [tilespmem:s10+$0xFFFFFFF0]  }
0x665: {  	s11 =	sadd.s32 $0x40, s11;
	v8 =	vld [tilespmem:s10+$0x10]  }
0x666: {  	[tilespmem:v4+s5+$0x0] =	vst.idx.msk $0xffff, v10;
	v4 =	vld [tilespmem:s11+$0x0]  }
0x667: {  	[tilespmem:v5+s5+$0x0] =	vst.idx.msk $0xffff, v9;
	v5 =	vld [tilespmem:s11+$0xFFFFFFF0]  }
0x668: {  	_ =	sdelay $0x1  }
0x669: {  	v9 =	vld [tilespmem:s11+$0xFFFFFFE0]  }
0x66a: {  	v10 =	vld [tilespmem:s10+$0x0]  }
0x66b: {  	[tilespmem:v2+s5+$0x0] =	vst.idx.msk $0xffff, v3;
	v2 =	vld [tilespmem:s10+$0xFFFFFFE0];
	_ =	sdelay $0x1  }
0x66c: {  	[tilespmem:v0+s5+$0x0] =	vst.idx.msk $0xffff, v6  }
0x66d: {  	[tilespmem:v4+s5+$0x0] =	vst.idx.msk $0xffff, v8  }
0x66e: {  	[tilespmem:v5+s5+$0x0] =	vst.idx.msk $0xffff, v10  }
0x66f: {  	[tilespmem:v1+s5+$0x0] =	vst.idx.msk $0xffff, v2  }
0x670: {  	[tilespmem:v9+s5+$0x0] =	vst.idx.msk $0xffff, v7  }
0x671: {  	s9 =	sld [smem:$0x7FC];
	_ =	sdelay $0x2  }
0x672: {  	[tilespmem:s26], [sflag:$0x3] =	stream.strided.gather [hbm4b:s9+s23], $0x2000, s24, s23, $0x38;
	v63 =	vld [tilespmem:$0x0]  }
0x673: {  	_ =	swait.ge [sflag:s3], $0x2000  }
0x674: {  	s11 =	simm.s32 $0x0;
	[sflag:s3] =	ssyncset.done $0x0  }
0x675: {  	s9 =	sand.u32 $0x1FC0, s11;
	[sflag:s3] =	ssyncadd.s32 $0xFFFFE000  }
0x676: {  	s10 =	simm.s32 $0x1C020;
	v0 =	vld [tilespmem:s9+$0x4000]  }
0x677: {  	v3 =	vld [tilespmem:s10+$0xFFFFFFF0]  }
0x678: {  	s12 =	simm.s32 $0x4030;
	v5 =	vld [tilespmem:s10+$0x10]  }
0x679: {  	v9 =	vld [tilespmem:s12+$0x0]  }
0x67a: {  	v10 =	vld [tilespmem:s12+$0xFFFFFFF0]  }
0x67b: {  	v2 =	vld [tilespmem:s12+$0xFFFFFFE0]  }
0x67c: {  	v11 =	vld [tilespmem:s10+$0x0]  }
0x67d: {  	s9 =	simm.s32 $0x40;
	v6 =	vld [tilespmem:s10+$0xFFFFFFE0];
	s10 =	simm.s32 $0x1C060  }
0x67e: {  	s12 =	sand.u32 $0x1FC0, s9;
	v7 =	vld [tilespmem:s10+$0xFFFFFFF0]  }
0x67f: {  	v1 =	vld [tilespmem:s12+$0x4000]  }
0x680: {  	s11 =	simm.s32 $0x4070;
	v8 =	vld [tilespmem:s10+$0x10]  }
0x681: {  	v4 =	vld [tilespmem:s11+$0x0];
	[tilespmem:v9+s5+$0x0] =	vst.idx.msk $0xffff, v5  }
0x682: {  	v5 =	vld [tilespmem:s11+$0xFFFFFFF0];
	[tilespmem:v10+s5+$0x0] =	vst.idx.msk $0xffff, v11  }
.LBB2_94:
0x683: {  	s9 =	sadd.s32 $0x40, s9;
	[tilespmem:v2+s5+$0x0] =	vst.idx.msk $0xffff, v3;
	v2 =	vld [tilespmem:s11+$0xFFFFFFE0]  }
0x684: {  	s12 =	sand.u32 $0x1FC0, s9;
	p0 =	slt.u32 s9, $0x1FC0;
	v9 =	vld [tilespmem:s10+$0x0];
	[tilespmem:v0+s5+$0x0] =	vst.idx.msk $0xffff, v6;
	v0 =	vmov v1;
	v3 =	vmov v7  }
0x685: {  	v1 =	vld [tilespmem:s12+$0x4000];
	v10 =	vmov v8  }
.Ltmp46:
0x686: {  	v6 =	vld [tilespmem:s10+$0xFFFFFFE0];
	s10 =	sadd.s32 $0x40, s10;
	(pc) =	sbr.rel @p0 .LBB2_94-.Ltmp46, $4  }
0x687: {  	v7 =	vld [tilespmem:s10+$0xFFFFFFF0]  }
0x688: {  	s11 =	sadd.s32 $0x40, s11;
	v8 =	vld [tilespmem:s10+$0x10]  }
0x689: {  	[tilespmem:v4+s5+$0x0] =	vst.idx.msk $0xffff, v10;
	v4 =	vld [tilespmem:s11+$0x0]  }
0x68a: {  	[tilespmem:v5+s5+$0x0] =	vst.idx.msk $0xffff, v9;
	v5 =	vld [tilespmem:s11+$0xFFFFFFF0]  }
0x68b: {  	_ =	sdelay $0x1  }
0x68c: {  	v9 =	vld [tilespmem:s11+$0xFFFFFFE0]  }
0x68d: {  	v10 =	vld [tilespmem:s10+$0x0]  }
0x68e: {  	[tilespmem:v2+s5+$0x0] =	vst.idx.msk $0xffff, v3;
	v2 =	vld [tilespmem:s10+$0xFFFFFFE0];
	_ =	sdelay $0x1  }
0x68f: {  	[tilespmem:v0+s5+$0x0] =	vst.idx.msk $0xffff, v6  }
0x690: {  	[tilespmem:v4+s5+$0x0] =	vst.idx.msk $0xffff, v8  }
0x691: {  	[tilespmem:v5+s5+$0x0] =	vst.idx.msk $0xffff, v10  }
0x692: {  	[tilespmem:v1+s5+$0x0] =	vst.idx.msk $0xffff, v2  }
0x693: {  	[tilespmem:v9+s5+$0x0] =	vst.idx.msk $0xffff, v7  }
0x694: {  	s9 =	sld [smem:$0x7FD];
	_ =	sdelay $0x2  }
0x695: {  	[tilespmem:s29], [sflag:$0x4] =	stream.strided.gather [hbm4b:s9+s23], $0x2000, s24, s23, $0x38;
	v63 =	vld [tilespmem:$0x0]  }
0x696: {  	_ =	swait.ge [sflag:s4], $0x2000  }
0x697: {  	s11 =	simm.s32 $0x0;
	[sflag:s4] =	ssyncset.done $0x0  }
0x698: {  	s9 =	sand.u32 $0x1FC0, s11;
	[sflag:s4] =	ssyncadd.s32 $0xFFFFE000  }
0x699: {  	s10 =	simm.s32 $0x1E020;
	v0 =	vld [tilespmem:s9+$0x6000]  }
0x69a: {  	v3 =	vld [tilespmem:s10+$0xFFFFFFF0]  }
0x69b: {  	s12 =	simm.s32 $0x6030;
	v5 =	vld [tilespmem:s10+$0x10]  }
0x69c: {  	v9 =	vld [tilespmem:s12+$0x0]  }
0x69d: {  	v10 =	vld [tilespmem:s12+$0xFFFFFFF0]  }
0x69e: {  	v2 =	vld [tilespmem:s12+$0xFFFFFFE0]  }
0x69f: {  	v11 =	vld [tilespmem:s10+$0x0]  }
0x6a0: {  	s9 =	simm.s32 $0x40;
	v6 =	vld [tilespmem:s10+$0xFFFFFFE0];
	s10 =	simm.s32 $0x1E060  }
0x6a1: {  	s12 =	sand.u32 $0x1FC0, s9;
	v7 =	vld [tilespmem:s10+$0xFFFFFFF0]  }
0x6a2: {  	v1 =	vld [tilespmem:s12+$0x6000]  }
0x6a3: {  	s11 =	simm.s32 $0x6070;
	v8 =	vld [tilespmem:s10+$0x10]  }
0x6a4: {  	v4 =	vld [tilespmem:s11+$0x0];
	[tilespmem:v9+s5+$0x0] =	vst.idx.msk $0xffff, v5  }
0x6a5: {  	v5 =	vld [tilespmem:s11+$0xFFFFFFF0];
	[tilespmem:v10+s5+$0x0] =	vst.idx.msk $0xffff, v11  }
.LBB2_96:
0x6a6: {  	s9 =	sadd.s32 $0x40, s9;
	[tilespmem:v2+s5+$0x0] =	vst.idx.msk $0xffff, v3;
	v2 =	vld [tilespmem:s11+$0xFFFFFFE0]  }
0x6a7: {  	s12 =	sand.u32 $0x1FC0, s9;
	p0 =	slt.u32 s9, $0x1FC0;
	v9 =	vld [tilespmem:s10+$0x0];
	[tilespmem:v0+s5+$0x0] =	vst.idx.msk $0xffff, v6;
	v0 =	vmov v1;
	v3 =	vmov v7  }
0x6a8: {  	v1 =	vld [tilespmem:s12+$0x6000];
	v10 =	vmov v8  }
.Ltmp47:
0x6a9: {  	v6 =	vld [tilespmem:s10+$0xFFFFFFE0];
	s10 =	sadd.s32 $0x40, s10;
	(pc) =	sbr.rel @p0 .LBB2_96-.Ltmp47, $4  }
0x6aa: {  	v7 =	vld [tilespmem:s10+$0xFFFFFFF0]  }
0x6ab: {  	s11 =	sadd.s32 $0x40, s11;
	v8 =	vld [tilespmem:s10+$0x10]  }
0x6ac: {  	[tilespmem:v4+s5+$0x0] =	vst.idx.msk $0xffff, v10;
	v4 =	vld [tilespmem:s11+$0x0]  }
0x6ad: {  	[tilespmem:v5+s5+$0x0] =	vst.idx.msk $0xffff, v9;
	v5 =	vld [tilespmem:s11+$0xFFFFFFF0]  }
0x6ae: {  	_ =	sdelay $0x1  }
0x6af: {  	v9 =	vld [tilespmem:s11+$0xFFFFFFE0]  }
0x6b0: {  	v10 =	vld [tilespmem:s10+$0x0]  }
0x6b1: {  	[tilespmem:v2+s5+$0x0] =	vst.idx.msk $0xffff, v3;
	v2 =	vld [tilespmem:s10+$0xFFFFFFE0];
	_ =	sdelay $0x1  }
0x6b2: {  	[tilespmem:v0+s5+$0x0] =	vst.idx.msk $0xffff, v6  }
0x6b3: {  	[tilespmem:v4+s5+$0x0] =	vst.idx.msk $0xffff, v8  }
0x6b4: {  	[tilespmem:v5+s5+$0x0] =	vst.idx.msk $0xffff, v10  }
0x6b5: {  	[tilespmem:v1+s5+$0x0] =	vst.idx.msk $0xffff, v2  }
0x6b6: {  	[tilespmem:v9+s5+$0x0] =	vst.idx.msk $0xffff, v7  }
0x6b7: {  	s9 =	rddreg [dreg:$0x1a]  }
0x6b8: {  	[hbm4b:s9+s23] =	stream.strided.scatter [tilespmem:s5], [sflag:$0x7], $0x8000, s24, s23, $0x38;
	v63 =	vld [tilespmem:$0x0]  }
0x6b9: {  	_ =	swait.ge [sflag:s6], $0x8000  }
0x6ba: {  	[sflag:s6] =	ssyncset.done $0x0  }
0x6bb: {  	[sflag:s6] =	ssyncadd.s32 $0xFFFF8000  }
0x6bc: {  	[tilespmem:s30], [sflag:$0x5] =	stream.strided.gather [hbm4b:s13+s23], $0x2000, s24, s23, $0x38;
	v63 =	vld [tilespmem:$0x0]  }
0x6bd: {  	_ =	swait.ge [sflag:s0], $0x2000  }
0x6be: {  	[sflag:s0] =	ssyncset.done $0x0  }
0x6bf: {  	s12 =	simm.s32 $0x20;
	[sflag:s0] =	ssyncadd.s32 $0xFFFFE000  }
0x6c0: {  	v0 =	vld [tilespmem:s12+$0x10]  }
0x6c1: {  	v4 =	vld [tilespmem:s12+$0xFFFFFFF0]  }
0x6c2: {  	s9 =	simm.s32 $0x18020;
	v2 =	vld [tilespmem:s12+$0x0]  }
0x6c3: {  	v6 =	vld [tilespmem:s9+$0x10]  }
0x6c4: {  	v1 =	vld [tilespmem:s12+$0xFFFFFFE0]  }
0x6c5: {  	v3 =	vld [tilespmem:s9+$0xFFFFFFE0]  }
0x6c6: {  	v7 =	vld [tilespmem:s9+$0xFFFFFFF0]  }
0x6c7: {  	s10 =	simm.s32 $0x0;
	s11 =	simm.s32 $0x60;
	v5 =	vld [tilespmem:s9+$0x0]  }
.LBB2_98:
0x6c8: {  	s10 =	sadd.s32 $0x40, s10;
	[tilespmem:v0+s1+$0x0] =	vst.idx.msk $0xffff, v6;
	v0 =	vld [tilespmem:s11+$0x10]  }
0x6c9: {  	v8 =	vld [tilespmem:s11+$0xFFFFFFF0];
	p0 =	slt.u32 s10, $0x1FC0  }
0x6ca: {  	s9 =	sadd.s32 $0x40, s9;
	v9 =	vld [tilespmem:s11+$0x0]  }
.Ltmp48:
0x6cb: {  	v6 =	vld [tilespmem:s9+$0x10];
	[tilespmem:v4+s1+$0x0] =	vst.idx.msk $0xffff, v7;
	(pc) =	sbr.rel @p0 .LBB2_98-.Ltmp48, $4  }
0x6cc: {  	[tilespmem:v1+s1+$0x0] =	vst.idx.msk $0xffff, v3;
	v1 =	vld [tilespmem:s11+$0xFFFFFFE0]  }
0x6cd: {  	v3 =	vld [tilespmem:s9+$0xFFFFFFE0];
	[tilespmem:v2+s1+$0x0] =	vst.idx.msk $0xffff, v5  }
0x6ce: {  	v7 =	vld [tilespmem:s9+$0xFFFFFFF0];
	v4 =	vmov v8  }
0x6cf: {  	s11 =	sadd.s32 $0x40, s11;
	v5 =	vld [tilespmem:s9+$0x0];
	v2 =	vmov v9  }
0x6d0: {  	_ =	sdelay $0x3  }
0x6d1: {  	[tilespmem:v0+s1+$0x0] =	vst.idx.msk $0xffff, v6  }
0x6d2: {  	[tilespmem:v1+s1+$0x0] =	vst.idx.msk $0xffff, v3  }
0x6d3: {  	[tilespmem:v4+s1+$0x0] =	vst.idx.msk $0xffff, v7  }
0x6d4: {  	[tilespmem:v2+s1+$0x0] =	vst.idx.msk $0xffff, v5  }
0x6d5: {  	s9 =	rddreg [dreg:$0x1e]  }
0x6d6: {  	[tilespmem:s25], [sflag:$0x2] =	stream.strided.gather [hbm4b:s9+s23], $0x2000, s24, s23, $0x38;
	v63 =	vld [tilespmem:$0x0]  }
0x6d7: {  	_ =	swait.ge [sflag:s2], $0x2000  }
0x6d8: {  	s11 =	simm.s32 $0x0;
	[sflag:s2] =	ssyncset.done $0x0  }
0x6d9: {  	s9 =	sand.u32 $0x1FC0, s11;
	[sflag:s2] =	ssyncadd.s32 $0xFFFFE000  }
0x6da: {  	s10 =	simm.s32 $0x1A020;
	v0 =	vld [tilespmem:s9+$0x2000]  }
0x6db: {  	v3 =	vld [tilespmem:s10+$0xFFFFFFF0]  }
0x6dc: {  	s11 =	simm.s32 $0x2030;
	v5 =	vld [tilespmem:s10+$0x10]  }
0x6dd: {  	v9 =	vld [tilespmem:s11+$0x0]  }
0x6de: {  	v10 =	vld [tilespmem:s11+$0xFFFFFFF0]  }
0x6df: {  	v2 =	vld [tilespmem:s11+$0xFFFFFFE0]  }
0x6e0: {  	v11 =	vld [tilespmem:s10+$0x0]  }
0x6e1: {  	s9 =	simm.s32 $0x40;
	v6 =	vld [tilespmem:s10+$0xFFFFFFE0];
	s10 =	simm.s32 $0x1A060  }
0x6e2: {  	s12 =	sand.u32 $0x1FC0, s9;
	v7 =	vld [tilespmem:s10+$0xFFFFFFF0]  }
0x6e3: {  	v1 =	vld [tilespmem:s12+$0x2000]  }
0x6e4: {  	s11 =	simm.s32 $0x2070;
	v8 =	vld [tilespmem:s10+$0x10]  }
0x6e5: {  	v4 =	vld [tilespmem:s11+$0x0];
	[tilespmem:v9+s1+$0x0] =	vst.idx.msk $0xffff, v5  }
0x6e6: {  	v5 =	vld [tilespmem:s11+$0xFFFFFFF0];
	[tilespmem:v10+s1+$0x0] =	vst.idx.msk $0xffff, v11  }
.LBB2_100:
0x6e7: {  	s9 =	sadd.s32 $0x40, s9;
	[tilespmem:v2+s1+$0x0] =	vst.idx.msk $0xffff, v3;
	v2 =	vld [tilespmem:s11+$0xFFFFFFE0]  }
0x6e8: {  	s12 =	sand.u32 $0x1FC0, s9;
	p0 =	slt.u32 s9, $0x1FC0;
	v9 =	vld [tilespmem:s10+$0x0];
	[tilespmem:v0+s1+$0x0] =	vst.idx.msk $0xffff, v6;
	v0 =	vmov v1;
	v3 =	vmov v7  }
0x6e9: {  	v1 =	vld [tilespmem:s12+$0x2000];
	v10 =	vmov v8  }
.Ltmp49:
0x6ea: {  	v6 =	vld [tilespmem:s10+$0xFFFFFFE0];
	s10 =	sadd.s32 $0x40, s10;
	(pc) =	sbr.rel @p0 .LBB2_100-.Ltmp49, $4  }
0x6eb: {  	v7 =	vld [tilespmem:s10+$0xFFFFFFF0]  }
0x6ec: {  	s11 =	sadd.s32 $0x40, s11;
	v8 =	vld [tilespmem:s10+$0x10]  }
0x6ed: {  	[tilespmem:v4+s1+$0x0] =	vst.idx.msk $0xffff, v10;
	v4 =	vld [tilespmem:s11+$0x0]  }
0x6ee: {  	[tilespmem:v5+s1+$0x0] =	vst.idx.msk $0xffff, v9;
	v5 =	vld [tilespmem:s11+$0xFFFFFFF0]  }
0x6ef: {  	_ =	sdelay $0x1  }
0x6f0: {  	v9 =	vld [tilespmem:s11+$0xFFFFFFE0]  }
0x6f1: {  	v10 =	vld [tilespmem:s10+$0x0]  }
0x6f2: {  	[tilespmem:v2+s1+$0x0] =	vst.idx.msk $0xffff, v3;
	v2 =	vld [tilespmem:s10+$0xFFFFFFE0];
	_ =	sdelay $0x1  }
0x6f3: {  	[tilespmem:v0+s1+$0x0] =	vst.idx.msk $0xffff, v6  }
0x6f4: {  	[tilespmem:v4+s1+$0x0] =	vst.idx.msk $0xffff, v8  }
0x6f5: {  	[tilespmem:v5+s1+$0x0] =	vst.idx.msk $0xffff, v10  }
0x6f6: {  	[tilespmem:v1+s1+$0x0] =	vst.idx.msk $0xffff, v2  }
0x6f7: {  	[tilespmem:v9+s1+$0x0] =	vst.idx.msk $0xffff, v7  }
0x6f8: {  	[tilespmem:s26], [sflag:$0x3] =	stream.strided.gather [hbm4b:s14+s23], $0x2000, s24, s23, $0x38;
	v63 =	vld [tilespmem:$0x0]  }
0x6f9: {  	_ =	swait.ge [sflag:s3], $0x2000  }
0x6fa: {  	s9 =	simm.s32 $0x0;
	[sflag:s3] =	ssyncset.done $0x0  }
0x6fb: {  	s9 =	sand.u32 $0x1FC0, s9;
	[sflag:s3] =	ssyncadd.s32 $0xFFFFE000  }
0x6fc: {  	s10 =	simm.s32 $0x1C020;
	v0 =	vld [tilespmem:s9+$0x4000]  }
0x6fd: {  	v3 =	vld [tilespmem:s10+$0xFFFFFFF0]  }
0x6fe: {  	s12 =	simm.s32 $0x4030;
	v5 =	vld [tilespmem:s10+$0x10]  }
0x6ff: {  	v9 =	vld [tilespmem:s12+$0x0]  }
0x700: {  	v10 =	vld [tilespmem:s12+$0xFFFFFFF0]  }
0x701: {  	v2 =	vld [tilespmem:s12+$0xFFFFFFE0]  }
0x702: {  	v11 =	vld [tilespmem:s10+$0x0]  }
0x703: {  	s9 =	simm.s32 $0x40;
	v6 =	vld [tilespmem:s10+$0xFFFFFFE0];
	s10 =	simm.s32 $0x1C060  }
0x704: {  	s12 =	sand.u32 $0x1FC0, s9;
	v7 =	vld [tilespmem:s10+$0xFFFFFFF0]  }
0x705: {  	v1 =	vld [tilespmem:s12+$0x4000]  }
0x706: {  	s11 =	simm.s32 $0x4070;
	v8 =	vld [tilespmem:s10+$0x10]  }
0x707: {  	v4 =	vld [tilespmem:s11+$0x0];
	[tilespmem:v9+s1+$0x0] =	vst.idx.msk $0xffff, v5  }
0x708: {  	v5 =	vld [tilespmem:s11+$0xFFFFFFF0];
	[tilespmem:v10+s1+$0x0] =	vst.idx.msk $0xffff, v11  }
.LBB2_102:
0x709: {  	s9 =	sadd.s32 $0x40, s9;
	[tilespmem:v2+s1+$0x0] =	vst.idx.msk $0xffff, v3;
	v2 =	vld [tilespmem:s11+$0xFFFFFFE0]  }
0x70a: {  	s12 =	sand.u32 $0x1FC0, s9;
	p0 =	slt.u32 s9, $0x1FC0;
	v9 =	vld [tilespmem:s10+$0x0];
	[tilespmem:v0+s1+$0x0] =	vst.idx.msk $0xffff, v6;
	v0 =	vmov v1;
	v3 =	vmov v7  }
0x70b: {  	v1 =	vld [tilespmem:s12+$0x4000];
	v10 =	vmov v8  }
.Ltmp50:
0x70c: {  	v6 =	vld [tilespmem:s10+$0xFFFFFFE0];
	s10 =	sadd.s32 $0x40, s10;
	(pc) =	sbr.rel @p0 .LBB2_102-.Ltmp50, $4  }
0x70d: {  	v7 =	vld [tilespmem:s10+$0xFFFFFFF0]  }
0x70e: {  	s11 =	sadd.s32 $0x40, s11;
	v8 =	vld [tilespmem:s10+$0x10]  }
0x70f: {  	[tilespmem:v4+s1+$0x0] =	vst.idx.msk $0xffff, v10;
	v4 =	vld [tilespmem:s11+$0x0]  }
0x710: {  	[tilespmem:v5+s1+$0x0] =	vst.idx.msk $0xffff, v9;
	v5 =	vld [tilespmem:s11+$0xFFFFFFF0]  }
0x711: {  	_ =	sdelay $0x1  }
0x712: {  	v9 =	vld [tilespmem:s11+$0xFFFFFFE0]  }
0x713: {  	v10 =	vld [tilespmem:s10+$0x0]  }
0x714: {  	[tilespmem:v2+s1+$0x0] =	vst.idx.msk $0xffff, v3;
	v2 =	vld [tilespmem:s10+$0xFFFFFFE0];
	_ =	sdelay $0x1  }
0x715: {  	[tilespmem:v0+s1+$0x0] =	vst.idx.msk $0xffff, v6  }
0x716: {  	[tilespmem:v4+s1+$0x0] =	vst.idx.msk $0xffff, v8  }
0x717: {  	[tilespmem:v5+s1+$0x0] =	vst.idx.msk $0xffff, v10  }
0x718: {  	[tilespmem:v1+s1+$0x0] =	vst.idx.msk $0xffff, v2  }
0x719: {  	[tilespmem:v9+s1+$0x0] =	vst.idx.msk $0xffff, v7  }
0x71a: {  	[tilespmem:s29], [sflag:$0x4] =	stream.strided.gather [hbm4b:s15+s23], $0x2000, s24, s23, $0x38;
	v63 =	vld [tilespmem:$0x0]  }
0x71b: {  	_ =	swait.ge [sflag:s4], $0x2000  }
0x71c: {  	s9 =	simm.s32 $0x0;
	[sflag:s4] =	ssyncset.done $0x0  }
0x71d: {  	s9 =	sand.u32 $0x1FC0, s9;
	[sflag:s4] =	ssyncadd.s32 $0xFFFFE000  }
0x71e: {  	s10 =	simm.s32 $0x1E020;
	v0 =	vld [tilespmem:s9+$0x6000]  }
0x71f: {  	v3 =	vld [tilespmem:s10+$0xFFFFFFF0]  }
0x720: {  	s12 =	simm.s32 $0x6030;
	v5 =	vld [tilespmem:s10+$0x10]  }
0x721: {  	v9 =	vld [tilespmem:s12+$0x0]  }
0x722: {  	v10 =	vld [tilespmem:s12+$0xFFFFFFF0]  }
0x723: {  	v2 =	vld [tilespmem:s12+$0xFFFFFFE0]  }
0x724: {  	v11 =	vld [tilespmem:s10+$0x0]  }
0x725: {  	s9 =	simm.s32 $0x40;
	v6 =	vld [tilespmem:s10+$0xFFFFFFE0];
	s10 =	simm.s32 $0x1E060  }
0x726: {  	s12 =	sand.u32 $0x1FC0, s9;
	v7 =	vld [tilespmem:s10+$0xFFFFFFF0]  }
0x727: {  	v1 =	vld [tilespmem:s12+$0x6000]  }
0x728: {  	s11 =	simm.s32 $0x6070;
	v8 =	vld [tilespmem:s10+$0x10]  }
0x729: {  	v4 =	vld [tilespmem:s11+$0x0];
	[tilespmem:v9+s1+$0x0] =	vst.idx.msk $0xffff, v5  }
0x72a: {  	v5 =	vld [tilespmem:s11+$0xFFFFFFF0];
	[tilespmem:v10+s1+$0x0] =	vst.idx.msk $0xffff, v11  }
.LBB2_104:
0x72b: {  	s9 =	sadd.s32 $0x40, s9;
	[tilespmem:v2+s1+$0x0] =	vst.idx.msk $0xffff, v3;
	v2 =	vld [tilespmem:s11+$0xFFFFFFE0]  }
0x72c: {  	s12 =	sand.u32 $0x1FC0, s9;
	p0 =	slt.u32 s9, $0x1FC0;
	v9 =	vld [tilespmem:s10+$0x0];
	[tilespmem:v0+s1+$0x0] =	vst.idx.msk $0xffff, v6;
	v0 =	vmov v1;
	v3 =	vmov v7  }
0x72d: {  	v1 =	vld [tilespmem:s12+$0x6000];
	v10 =	vmov v8  }
.Ltmp51:
0x72e: {  	v6 =	vld [tilespmem:s10+$0xFFFFFFE0];
	s10 =	sadd.s32 $0x40, s10;
	(pc) =	sbr.rel @p0 .LBB2_104-.Ltmp51, $4  }
0x72f: {  	v7 =	vld [tilespmem:s10+$0xFFFFFFF0]  }
0x730: {  	s11 =	sadd.s32 $0x40, s11;
	v8 =	vld [tilespmem:s10+$0x10]  }
0x731: {  	[tilespmem:v4+s1+$0x0] =	vst.idx.msk $0xffff, v10;
	v4 =	vld [tilespmem:s11+$0x0]  }
0x732: {  	[tilespmem:v5+s1+$0x0] =	vst.idx.msk $0xffff, v9;
	v5 =	vld [tilespmem:s11+$0xFFFFFFF0]  }
0x733: {  	_ =	sdelay $0x1  }
0x734: {  	v9 =	vld [tilespmem:s11+$0xFFFFFFE0]  }
0x735: {  	v10 =	vld [tilespmem:s10+$0x0]  }
0x736: {  	[tilespmem:v2+s1+$0x0] =	vst.idx.msk $0xffff, v3;
	v2 =	vld [tilespmem:s10+$0xFFFFFFE0];
	_ =	sdelay $0x1  }
0x737: {  	[tilespmem:v0+s1+$0x0] =	vst.idx.msk $0xffff, v6  }
0x738: {  	[tilespmem:v4+s1+$0x0] =	vst.idx.msk $0xffff, v8  }
0x739: {  	[tilespmem:v5+s1+$0x0] =	vst.idx.msk $0xffff, v10  }
0x73a: {  	[tilespmem:v1+s1+$0x0] =	vst.idx.msk $0xffff, v2  }
0x73b: {  	[tilespmem:v9+s1+$0x0] =	vst.idx.msk $0xffff, v7  }
0x73c: {  	s9 =	rddreg [dreg:$0x1c]  }
0x73d: {  	[hbm4b:s9+s23] =	stream.strided.scatter [tilespmem:s1], [sflag:$0x6], $0x8000, s24, s23, $0x38;
	v63 =	vld [tilespmem:$0x0]  }
0x73e: {  	_ =	swait.ge [sflag:s7], $0x8000  }
0x73f: {  	[sflag:s7] =	ssyncset.done $0x0  }
0x740: {  	[sflag:s7] =	ssyncadd.s32 $0xFFFF8000  }
0x741: {  	[tilespmem:s30], [sflag:$0x5] =	stream.strided.gather [hbm4b:s16+s23], $0x2000, s24, s23, $0x38;
	v63 =	vld [tilespmem:$0x0]  }
0x742: {  	_ =	swait.ge [sflag:s0], $0x2000  }
0x743: {  	[sflag:s0] =	ssyncset.done $0x0  }
0x744: {  	s12 =	simm.s32 $0x20;
	[sflag:s0] =	ssyncadd.s32 $0xFFFFE000  }
0x745: {  	v0 =	vld [tilespmem:s12+$0x10]  }
0x746: {  	v4 =	vld [tilespmem:s12+$0xFFFFFFF0]  }
0x747: {  	s9 =	simm.s32 $0x18020;
	v2 =	vld [tilespmem:s12+$0x0]  }
0x748: {  	v6 =	vld [tilespmem:s9+$0x10]  }
0x749: {  	v1 =	vld [tilespmem:s12+$0xFFFFFFE0]  }
0x74a: {  	v3 =	vld [tilespmem:s9+$0xFFFFFFE0]  }
0x74b: {  	v7 =	vld [tilespmem:s9+$0xFFFFFFF0]  }
0x74c: {  	s10 =	simm.s32 $0x0;
	s11 =	simm.s32 $0x60;
	v5 =	vld [tilespmem:s9+$0x0]  }
.LBB2_106:
0x74d: {  	s10 =	sadd.s32 $0x40, s10;
	[tilespmem:v0+s5+$0x0] =	vst.idx.msk $0xffff, v6;
	v0 =	vld [tilespmem:s11+$0x10]  }
0x74e: {  	v8 =	vld [tilespmem:s11+$0xFFFFFFF0];
	p0 =	slt.u32 s10, $0x1FC0  }
0x74f: {  	s9 =	sadd.s32 $0x40, s9;
	v9 =	vld [tilespmem:s11+$0x0]  }
.Ltmp52:
0x750: {  	v6 =	vld [tilespmem:s9+$0x10];
	[tilespmem:v4+s5+$0x0] =	vst.idx.msk $0xffff, v7;
	(pc) =	sbr.rel @p0 .LBB2_106-.Ltmp52, $4  }
0x751: {  	[tilespmem:v1+s5+$0x0] =	vst.idx.msk $0xffff, v3;
	v1 =	vld [tilespmem:s11+$0xFFFFFFE0]  }
0x752: {  	v3 =	vld [tilespmem:s9+$0xFFFFFFE0];
	[tilespmem:v2+s5+$0x0] =	vst.idx.msk $0xffff, v5  }
0x753: {  	v7 =	vld [tilespmem:s9+$0xFFFFFFF0];
	v4 =	vmov v8  }
0x754: {  	s11 =	sadd.s32 $0x40, s11;
	v5 =	vld [tilespmem:s9+$0x0];
	v2 =	vmov v9  }
0x755: {  	_ =	sdelay $0x3  }
0x756: {  	[tilespmem:v0+s5+$0x0] =	vst.idx.msk $0xffff, v6  }
0x757: {  	[tilespmem:v1+s5+$0x0] =	vst.idx.msk $0xffff, v3  }
0x758: {  	[tilespmem:v4+s5+$0x0] =	vst.idx.msk $0xffff, v7  }
0x759: {  	[tilespmem:v2+s5+$0x0] =	vst.idx.msk $0xffff, v5  }
0x75a: {  	s9 =	sld [smem:$0x7D3];
	_ =	sdelay $0x2  }
0x75b: {  	[tilespmem:s25], [sflag:$0x2] =	stream.strided.gather [hbm4b:s9+s23], $0x2000, s24, s23, $0x38;
	v63 =	vld [tilespmem:$0x0]  }
0x75c: {  	_ =	swait.ge [sflag:s2], $0x2000  }
0x75d: {  	s11 =	simm.s32 $0x0;
	[sflag:s2] =	ssyncset.done $0x0  }
0x75e: {  	s9 =	sand.u32 $0x1FC0, s11;
	[sflag:s2] =	ssyncadd.s32 $0xFFFFE000  }
0x75f: {  	s10 =	simm.s32 $0x1A020;
	v0 =	vld [tilespmem:s9+$0x2000]  }
0x760: {  	v3 =	vld [tilespmem:s10+$0xFFFFFFF0]  }
0x761: {  	s11 =	simm.s32 $0x2030;
	v5 =	vld [tilespmem:s10+$0x10]  }
0x762: {  	v9 =	vld [tilespmem:s11+$0x0]  }
0x763: {  	v10 =	vld [tilespmem:s11+$0xFFFFFFF0]  }
0x764: {  	v2 =	vld [tilespmem:s11+$0xFFFFFFE0]  }
0x765: {  	v11 =	vld [tilespmem:s10+$0x0]  }
0x766: {  	s9 =	simm.s32 $0x40;
	v6 =	vld [tilespmem:s10+$0xFFFFFFE0];
	s10 =	simm.s32 $0x1A060  }
0x767: {  	s12 =	sand.u32 $0x1FC0, s9;
	v7 =	vld [tilespmem:s10+$0xFFFFFFF0]  }
0x768: {  	v1 =	vld [tilespmem:s12+$0x2000]  }
0x769: {  	s11 =	simm.s32 $0x2070;
	v8 =	vld [tilespmem:s10+$0x10]  }
0x76a: {  	v4 =	vld [tilespmem:s11+$0x0];
	[tilespmem:v9+s5+$0x0] =	vst.idx.msk $0xffff, v5  }
0x76b: {  	v5 =	vld [tilespmem:s11+$0xFFFFFFF0];
	[tilespmem:v10+s5+$0x0] =	vst.idx.msk $0xffff, v11  }
.LBB2_108:
0x76c: {  	s9 =	sadd.s32 $0x40, s9;
	[tilespmem:v2+s5+$0x0] =	vst.idx.msk $0xffff, v3;
	v2 =	vld [tilespmem:s11+$0xFFFFFFE0]  }
0x76d: {  	s12 =	sand.u32 $0x1FC0, s9;
	p0 =	slt.u32 s9, $0x1FC0;
	v9 =	vld [tilespmem:s10+$0x0];
	[tilespmem:v0+s5+$0x0] =	vst.idx.msk $0xffff, v6;
	v0 =	vmov v1;
	v3 =	vmov v7  }
0x76e: {  	v1 =	vld [tilespmem:s12+$0x2000];
	v10 =	vmov v8  }
.Ltmp53:
0x76f: {  	v6 =	vld [tilespmem:s10+$0xFFFFFFE0];
	s10 =	sadd.s32 $0x40, s10;
	(pc) =	sbr.rel @p0 .LBB2_108-.Ltmp53, $4  }
0x770: {  	v7 =	vld [tilespmem:s10+$0xFFFFFFF0]  }
0x771: {  	s11 =	sadd.s32 $0x40, s11;
	v8 =	vld [tilespmem:s10+$0x10]  }
0x772: {  	[tilespmem:v4+s5+$0x0] =	vst.idx.msk $0xffff, v10;
	v4 =	vld [tilespmem:s11+$0x0]  }
0x773: {  	[tilespmem:v5+s5+$0x0] =	vst.idx.msk $0xffff, v9;
	v5 =	vld [tilespmem:s11+$0xFFFFFFF0]  }
0x774: {  	_ =	sdelay $0x1  }
0x775: {  	v9 =	vld [tilespmem:s11+$0xFFFFFFE0]  }
0x776: {  	v10 =	vld [tilespmem:s10+$0x0]  }
0x777: {  	[tilespmem:v2+s5+$0x0] =	vst.idx.msk $0xffff, v3;
	v2 =	vld [tilespmem:s10+$0xFFFFFFE0];
	_ =	sdelay $0x1  }
0x778: {  	[tilespmem:v0+s5+$0x0] =	vst.idx.msk $0xffff, v6  }
0x779: {  	[tilespmem:v4+s5+$0x0] =	vst.idx.msk $0xffff, v8  }
0x77a: {  	[tilespmem:v5+s5+$0x0] =	vst.idx.msk $0xffff, v10  }
0x77b: {  	[tilespmem:v1+s5+$0x0] =	vst.idx.msk $0xffff, v2  }
0x77c: {  	[tilespmem:v9+s5+$0x0] =	vst.idx.msk $0xffff, v7  }
0x77d: {  	[tilespmem:s26], [sflag:$0x3] =	stream.strided.gather [hbm4b:s17+s23], $0x2000, s24, s23, $0x38;
	v63 =	vld [tilespmem:$0x0]  }
0x77e: {  	_ =	swait.ge [sflag:s3], $0x2000  }
0x77f: {  	s9 =	simm.s32 $0x0;
	[sflag:s3] =	ssyncset.done $0x0  }
0x780: {  	s9 =	sand.u32 $0x1FC0, s9;
	[sflag:s3] =	ssyncadd.s32 $0xFFFFE000  }
0x781: {  	s10 =	simm.s32 $0x1C020;
	v0 =	vld [tilespmem:s9+$0x4000]  }
0x782: {  	v3 =	vld [tilespmem:s10+$0xFFFFFFF0]  }
0x783: {  	s12 =	simm.s32 $0x4030;
	v5 =	vld [tilespmem:s10+$0x10]  }
0x784: {  	v9 =	vld [tilespmem:s12+$0x0]  }
0x785: {  	v10 =	vld [tilespmem:s12+$0xFFFFFFF0]  }
0x786: {  	v2 =	vld [tilespmem:s12+$0xFFFFFFE0]  }
0x787: {  	v11 =	vld [tilespmem:s10+$0x0]  }
0x788: {  	s9 =	simm.s32 $0x40;
	v6 =	vld [tilespmem:s10+$0xFFFFFFE0];
	s10 =	simm.s32 $0x1C060  }
0x789: {  	s12 =	sand.u32 $0x1FC0, s9;
	v7 =	vld [tilespmem:s10+$0xFFFFFFF0]  }
0x78a: {  	v1 =	vld [tilespmem:s12+$0x4000]  }
0x78b: {  	s11 =	simm.s32 $0x4070;
	v8 =	vld [tilespmem:s10+$0x10]  }
0x78c: {  	v4 =	vld [tilespmem:s11+$0x0];
	[tilespmem:v9+s5+$0x0] =	vst.idx.msk $0xffff, v5  }
0x78d: {  	v5 =	vld [tilespmem:s11+$0xFFFFFFF0];
	[tilespmem:v10+s5+$0x0] =	vst.idx.msk $0xffff, v11  }
.LBB2_110:
0x78e: {  	s9 =	sadd.s32 $0x40, s9;
	[tilespmem:v2+s5+$0x0] =	vst.idx.msk $0xffff, v3;
	v2 =	vld [tilespmem:s11+$0xFFFFFFE0]  }
0x78f: {  	s12 =	sand.u32 $0x1FC0, s9;
	p0 =	slt.u32 s9, $0x1FC0;
	v9 =	vld [tilespmem:s10+$0x0];
	[tilespmem:v0+s5+$0x0] =	vst.idx.msk $0xffff, v6;
	v0 =	vmov v1;
	v3 =	vmov v7  }
0x790: {  	v1 =	vld [tilespmem:s12+$0x4000];
	v10 =	vmov v8  }
.Ltmp54:
0x791: {  	v6 =	vld [tilespmem:s10+$0xFFFFFFE0];
	s10 =	sadd.s32 $0x40, s10;
	(pc) =	sbr.rel @p0 .LBB2_110-.Ltmp54, $4  }
0x792: {  	v7 =	vld [tilespmem:s10+$0xFFFFFFF0]  }
0x793: {  	s11 =	sadd.s32 $0x40, s11;
	v8 =	vld [tilespmem:s10+$0x10]  }
0x794: {  	[tilespmem:v4+s5+$0x0] =	vst.idx.msk $0xffff, v10;
	v4 =	vld [tilespmem:s11+$0x0]  }
0x795: {  	[tilespmem:v5+s5+$0x0] =	vst.idx.msk $0xffff, v9;
	v5 =	vld [tilespmem:s11+$0xFFFFFFF0]  }
0x796: {  	_ =	sdelay $0x1  }
0x797: {  	v9 =	vld [tilespmem:s11+$0xFFFFFFE0]  }
0x798: {  	v10 =	vld [tilespmem:s10+$0x0]  }
0x799: {  	[tilespmem:v2+s5+$0x0] =	vst.idx.msk $0xffff, v3;
	v2 =	vld [tilespmem:s10+$0xFFFFFFE0];
	_ =	sdelay $0x1  }
0x79a: {  	[tilespmem:v0+s5+$0x0] =	vst.idx.msk $0xffff, v6  }
0x79b: {  	[tilespmem:v4+s5+$0x0] =	vst.idx.msk $0xffff, v8  }
0x79c: {  	[tilespmem:v5+s5+$0x0] =	vst.idx.msk $0xffff, v10  }
0x79d: {  	[tilespmem:v1+s5+$0x0] =	vst.idx.msk $0xffff, v2  }
0x79e: {  	[tilespmem:v9+s5+$0x0] =	vst.idx.msk $0xffff, v7  }
0x79f: {  	[tilespmem:s29], [sflag:$0x4] =	stream.strided.gather [hbm4b:s18+s23], $0x2000, s24, s23, $0x38;
	v63 =	vld [tilespmem:$0x0]  }
0x7a0: {  	_ =	swait.ge [sflag:s4], $0x2000  }
0x7a1: {  	s9 =	simm.s32 $0x0;
	[sflag:s4] =	ssyncset.done $0x0  }
0x7a2: {  	s9 =	sand.u32 $0x1FC0, s9;
	[sflag:s4] =	ssyncadd.s32 $0xFFFFE000  }
0x7a3: {  	s10 =	simm.s32 $0x1E020;
	v0 =	vld [tilespmem:s9+$0x6000]  }
0x7a4: {  	v3 =	vld [tilespmem:s10+$0xFFFFFFF0]  }
0x7a5: {  	s12 =	simm.s32 $0x6030;
	v5 =	vld [tilespmem:s10+$0x10]  }
0x7a6: {  	v9 =	vld [tilespmem:s12+$0x0]  }
0x7a7: {  	v10 =	vld [tilespmem:s12+$0xFFFFFFF0]  }
0x7a8: {  	v2 =	vld [tilespmem:s12+$0xFFFFFFE0]  }
0x7a9: {  	v11 =	vld [tilespmem:s10+$0x0]  }
0x7aa: {  	s9 =	simm.s32 $0x40;
	v6 =	vld [tilespmem:s10+$0xFFFFFFE0];
	s10 =	simm.s32 $0x1E060  }
0x7ab: {  	s12 =	sand.u32 $0x1FC0, s9;
	v7 =	vld [tilespmem:s10+$0xFFFFFFF0]  }
0x7ac: {  	v1 =	vld [tilespmem:s12+$0x6000]  }
0x7ad: {  	s11 =	simm.s32 $0x6070;
	v8 =	vld [tilespmem:s10+$0x10]  }
0x7ae: {  	v4 =	vld [tilespmem:s11+$0x0];
	[tilespmem:v9+s5+$0x0] =	vst.idx.msk $0xffff, v5  }
0x7af: {  	v5 =	vld [tilespmem:s11+$0xFFFFFFF0];
	[tilespmem:v10+s5+$0x0] =	vst.idx.msk $0xffff, v11  }
.LBB2_112:
0x7b0: {  	s9 =	sadd.s32 $0x40, s9;
	[tilespmem:v2+s5+$0x0] =	vst.idx.msk $0xffff, v3;
	v2 =	vld [tilespmem:s11+$0xFFFFFFE0]  }
0x7b1: {  	s12 =	sand.u32 $0x1FC0, s9;
	p0 =	slt.u32 s9, $0x1FC0;
	v9 =	vld [tilespmem:s10+$0x0];
	[tilespmem:v0+s5+$0x0] =	vst.idx.msk $0xffff, v6;
	v0 =	vmov v1;
	v3 =	vmov v7  }
0x7b2: {  	v1 =	vld [tilespmem:s12+$0x6000];
	v10 =	vmov v8  }
.Ltmp55:
0x7b3: {  	v6 =	vld [tilespmem:s10+$0xFFFFFFE0];
	s10 =	sadd.s32 $0x40, s10;
	(pc) =	sbr.rel @p0 .LBB2_112-.Ltmp55, $4  }
0x7b4: {  	v7 =	vld [tilespmem:s10+$0xFFFFFFF0]  }
0x7b5: {  	s11 =	sadd.s32 $0x40, s11;
	v8 =	vld [tilespmem:s10+$0x10]  }
0x7b6: {  	[tilespmem:v4+s5+$0x0] =	vst.idx.msk $0xffff, v10;
	v4 =	vld [tilespmem:s11+$0x0]  }
0x7b7: {  	[tilespmem:v5+s5+$0x0] =	vst.idx.msk $0xffff, v9;
	v5 =	vld [tilespmem:s11+$0xFFFFFFF0]  }
0x7b8: {  	_ =	sdelay $0x1  }
0x7b9: {  	v9 =	vld [tilespmem:s11+$0xFFFFFFE0]  }
0x7ba: {  	v10 =	vld [tilespmem:s10+$0x0]  }
0x7bb: {  	[tilespmem:v2+s5+$0x0] =	vst.idx.msk $0xffff, v3;
	v2 =	vld [tilespmem:s10+$0xFFFFFFE0];
	_ =	sdelay $0x1  }
0x7bc: {  	[tilespmem:v0+s5+$0x0] =	vst.idx.msk $0xffff, v6  }
0x7bd: {  	[tilespmem:v4+s5+$0x0] =	vst.idx.msk $0xffff, v8  }
0x7be: {  	[tilespmem:v5+s5+$0x0] =	vst.idx.msk $0xffff, v10  }
0x7bf: {  	[tilespmem:v1+s5+$0x0] =	vst.idx.msk $0xffff, v2  }
0x7c0: {  	[tilespmem:v9+s5+$0x0] =	vst.idx.msk $0xffff, v7  }
0x7c1: {  	s9 =	rddreg [dreg:$0x1f]  }
0x7c2: {  	[hbm4b:s9+s23] =	stream.strided.scatter [tilespmem:s5], [sflag:$0x7], $0x8000, s24, s23, $0x38;
	v63 =	vld [tilespmem:$0x0]  }
0x7c3: {  	_ =	swait.ge [sflag:s6], $0x8000  }
0x7c4: {  	[sflag:s6] =	ssyncset.done $0x0  }
0x7c5: {  	[sflag:s6] =	ssyncadd.s32 $0xFFFF8000  }
0x7c6: {  	[tilespmem:s30], [sflag:$0x5] =	stream.strided.gather [hbm4b:s19+s23], $0x2000, s24, s23, $0x38;
	v63 =	vld [tilespmem:$0x0]  }
0x7c7: {  	_ =	swait.ge [sflag:s0], $0x2000  }
0x7c8: {  	[sflag:s0] =	ssyncset.done $0x0  }
0x7c9: {  	s12 =	simm.s32 $0x20;
	[sflag:s0] =	ssyncadd.s32 $0xFFFFE000  }
0x7ca: {  	v0 =	vld [tilespmem:s12+$0x10]  }
0x7cb: {  	v4 =	vld [tilespmem:s12+$0xFFFFFFF0]  }
0x7cc: {  	s9 =	simm.s32 $0x18020;
	v2 =	vld [tilespmem:s12+$0x0]  }
0x7cd: {  	v6 =	vld [tilespmem:s9+$0x10]  }
0x7ce: {  	v1 =	vld [tilespmem:s12+$0xFFFFFFE0]  }
0x7cf: {  	v3 =	vld [tilespmem:s9+$0xFFFFFFE0]  }
0x7d0: {  	v7 =	vld [tilespmem:s9+$0xFFFFFFF0]  }
0x7d1: {  	s10 =	simm.s32 $0x0;
	s11 =	simm.s32 $0x60;
	v5 =	vld [tilespmem:s9+$0x0]  }
.LBB2_114:
0x7d2: {  	s10 =	sadd.s32 $0x40, s10;
	[tilespmem:v0+s1+$0x0] =	vst.idx.msk $0xffff, v6;
	v0 =	vld [tilespmem:s11+$0x10]  }
0x7d3: {  	v8 =	vld [tilespmem:s11+$0xFFFFFFF0];
	p0 =	slt.u32 s10, $0x1FC0  }
0x7d4: {  	s9 =	sadd.s32 $0x40, s9;
	v9 =	vld [tilespmem:s11+$0x0]  }
.Ltmp56:
0x7d5: {  	v6 =	vld [tilespmem:s9+$0x10];
	[tilespmem:v4+s1+$0x0] =	vst.idx.msk $0xffff, v7;
	(pc) =	sbr.rel @p0 .LBB2_114-.Ltmp56, $4  }
0x7d6: {  	[tilespmem:v1+s1+$0x0] =	vst.idx.msk $0xffff, v3;
	v1 =	vld [tilespmem:s11+$0xFFFFFFE0]  }
0x7d7: {  	v3 =	vld [tilespmem:s9+$0xFFFFFFE0];
	[tilespmem:v2+s1+$0x0] =	vst.idx.msk $0xffff, v5  }
0x7d8: {  	v7 =	vld [tilespmem:s9+$0xFFFFFFF0];
	v4 =	vmov v8  }
0x7d9: {  	s11 =	sadd.s32 $0x40, s11;
	v5 =	vld [tilespmem:s9+$0x0];
	v2 =	vmov v9  }
0x7da: {  	_ =	sdelay $0x3  }
0x7db: {  	[tilespmem:v0+s1+$0x0] =	vst.idx.msk $0xffff, v6  }
0x7dc: {  	[tilespmem:v1+s1+$0x0] =	vst.idx.msk $0xffff, v3  }
0x7dd: {  	[tilespmem:v4+s1+$0x0] =	vst.idx.msk $0xffff, v7  }
0x7de: {  	[tilespmem:v2+s1+$0x0] =	vst.idx.msk $0xffff, v5  }
0x7df: {  	s9 =	sld [smem:$0x7D4];
	_ =	sdelay $0x2  }
0x7e0: {  	[tilespmem:s25], [sflag:$0x2] =	stream.strided.gather [hbm4b:s9+s23], $0x2000, s24, s23, $0x38;
	v63 =	vld [tilespmem:$0x0]  }
0x7e1: {  	_ =	swait.ge [sflag:s2], $0x2000  }
0x7e2: {  	s11 =	simm.s32 $0x0;
	[sflag:s2] =	ssyncset.done $0x0  }
0x7e3: {  	s9 =	sand.u32 $0x1FC0, s11;
	[sflag:s2] =	ssyncadd.s32 $0xFFFFE000  }
0x7e4: {  	s10 =	simm.s32 $0x1A020;
	v0 =	vld [tilespmem:s9+$0x2000]  }
0x7e5: {  	v3 =	vld [tilespmem:s10+$0xFFFFFFF0]  }
0x7e6: {  	s11 =	simm.s32 $0x2030;
	v5 =	vld [tilespmem:s10+$0x10]  }
0x7e7: {  	v9 =	vld [tilespmem:s11+$0x0]  }
0x7e8: {  	v10 =	vld [tilespmem:s11+$0xFFFFFFF0]  }
0x7e9: {  	v2 =	vld [tilespmem:s11+$0xFFFFFFE0]  }
0x7ea: {  	v11 =	vld [tilespmem:s10+$0x0]  }
0x7eb: {  	s9 =	simm.s32 $0x40;
	v6 =	vld [tilespmem:s10+$0xFFFFFFE0];
	s10 =	simm.s32 $0x1A060  }
0x7ec: {  	s12 =	sand.u32 $0x1FC0, s9;
	v7 =	vld [tilespmem:s10+$0xFFFFFFF0]  }
0x7ed: {  	v1 =	vld [tilespmem:s12+$0x2000]  }
0x7ee: {  	s11 =	simm.s32 $0x2070;
	v8 =	vld [tilespmem:s10+$0x10]  }
0x7ef: {  	v4 =	vld [tilespmem:s11+$0x0];
	[tilespmem:v9+s1+$0x0] =	vst.idx.msk $0xffff, v5  }
0x7f0: {  	v5 =	vld [tilespmem:s11+$0xFFFFFFF0];
	[tilespmem:v10+s1+$0x0] =	vst.idx.msk $0xffff, v11  }
.LBB2_116:
0x7f1: {  	s9 =	sadd.s32 $0x40, s9;
	[tilespmem:v2+s1+$0x0] =	vst.idx.msk $0xffff, v3;
	v2 =	vld [tilespmem:s11+$0xFFFFFFE0]  }
0x7f2: {  	s12 =	sand.u32 $0x1FC0, s9;
	p0 =	slt.u32 s9, $0x1FC0;
	v9 =	vld [tilespmem:s10+$0x0];
	[tilespmem:v0+s1+$0x0] =	vst.idx.msk $0xffff, v6;
	v0 =	vmov v1;
	v3 =	vmov v7  }
0x7f3: {  	v1 =	vld [tilespmem:s12+$0x2000];
	v10 =	vmov v8  }
.Ltmp57:
0x7f4: {  	v6 =	vld [tilespmem:s10+$0xFFFFFFE0];
	s10 =	sadd.s32 $0x40, s10;
	(pc) =	sbr.rel @p0 .LBB2_116-.Ltmp57, $4  }
0x7f5: {  	v7 =	vld [tilespmem:s10+$0xFFFFFFF0]  }
0x7f6: {  	s11 =	sadd.s32 $0x40, s11;
	v8 =	vld [tilespmem:s10+$0x10]  }
0x7f7: {  	[tilespmem:v4+s1+$0x0] =	vst.idx.msk $0xffff, v10;
	v4 =	vld [tilespmem:s11+$0x0]  }
0x7f8: {  	[tilespmem:v5+s1+$0x0] =	vst.idx.msk $0xffff, v9;
	v5 =	vld [tilespmem:s11+$0xFFFFFFF0]  }
0x7f9: {  	_ =	sdelay $0x1  }
0x7fa: {  	v9 =	vld [tilespmem:s11+$0xFFFFFFE0]  }
0x7fb: {  	v10 =	vld [tilespmem:s10+$0x0]  }
0x7fc: {  	[tilespmem:v2+s1+$0x0] =	vst.idx.msk $0xffff, v3;
	v2 =	vld [tilespmem:s10+$0xFFFFFFE0];
	_ =	sdelay $0x1  }
0x7fd: {  	[tilespmem:v0+s1+$0x0] =	vst.idx.msk $0xffff, v6  }
0x7fe: {  	[tilespmem:v4+s1+$0x0] =	vst.idx.msk $0xffff, v8  }
0x7ff: {  	[tilespmem:v5+s1+$0x0] =	vst.idx.msk $0xffff, v10  }
0x800: {  	[tilespmem:v1+s1+$0x0] =	vst.idx.msk $0xffff, v2  }
0x801: {  	[tilespmem:v9+s1+$0x0] =	vst.idx.msk $0xffff, v7  }
0x802: {  	[tilespmem:s26], [sflag:$0x3] =	stream.strided.gather [hbm4b:s20+s23], $0x2000, s24, s23, $0x38;
	v63 =	vld [tilespmem:$0x0]  }
0x803: {  	_ =	swait.ge [sflag:s3], $0x2000  }
0x804: {  	s9 =	simm.s32 $0x0;
	[sflag:s3] =	ssyncset.done $0x0  }
0x805: {  	s9 =	sand.u32 $0x1FC0, s9;
	[sflag:s3] =	ssyncadd.s32 $0xFFFFE000  }
0x806: {  	s10 =	simm.s32 $0x1C020;
	v0 =	vld [tilespmem:s9+$0x4000]  }
0x807: {  	v3 =	vld [tilespmem:s10+$0xFFFFFFF0]  }
0x808: {  	s12 =	simm.s32 $0x4030;
	v5 =	vld [tilespmem:s10+$0x10]  }
0x809: {  	v9 =	vld [tilespmem:s12+$0x0]  }
0x80a: {  	v10 =	vld [tilespmem:s12+$0xFFFFFFF0]  }
0x80b: {  	v2 =	vld [tilespmem:s12+$0xFFFFFFE0]  }
0x80c: {  	v11 =	vld [tilespmem:s10+$0x0]  }
0x80d: {  	s9 =	simm.s32 $0x40;
	v6 =	vld [tilespmem:s10+$0xFFFFFFE0];
	s10 =	simm.s32 $0x1C060  }
0x80e: {  	s12 =	sand.u32 $0x1FC0, s9;
	v7 =	vld [tilespmem:s10+$0xFFFFFFF0]  }
0x80f: {  	v1 =	vld [tilespmem:s12+$0x4000]  }
0x810: {  	s11 =	simm.s32 $0x4070;
	v8 =	vld [tilespmem:s10+$0x10]  }
0x811: {  	v4 =	vld [tilespmem:s11+$0x0];
	[tilespmem:v9+s1+$0x0] =	vst.idx.msk $0xffff, v5  }
0x812: {  	v5 =	vld [tilespmem:s11+$0xFFFFFFF0];
	[tilespmem:v10+s1+$0x0] =	vst.idx.msk $0xffff, v11  }
.LBB2_118:
0x813: {  	s9 =	sadd.s32 $0x40, s9;
	[tilespmem:v2+s1+$0x0] =	vst.idx.msk $0xffff, v3;
	v2 =	vld [tilespmem:s11+$0xFFFFFFE0]  }
0x814: {  	s12 =	sand.u32 $0x1FC0, s9;
	p0 =	slt.u32 s9, $0x1FC0;
	v9 =	vld [tilespmem:s10+$0x0];
	[tilespmem:v0+s1+$0x0] =	vst.idx.msk $0xffff, v6;
	v0 =	vmov v1;
	v3 =	vmov v7  }
0x815: {  	v1 =	vld [tilespmem:s12+$0x4000];
	v10 =	vmov v8  }
.Ltmp58:
0x816: {  	v6 =	vld [tilespmem:s10+$0xFFFFFFE0];
	s10 =	sadd.s32 $0x40, s10;
	(pc) =	sbr.rel @p0 .LBB2_118-.Ltmp58, $4  }
0x817: {  	v7 =	vld [tilespmem:s10+$0xFFFFFFF0]  }
0x818: {  	s11 =	sadd.s32 $0x40, s11;
	v8 =	vld [tilespmem:s10+$0x10]  }
0x819: {  	[tilespmem:v4+s1+$0x0] =	vst.idx.msk $0xffff, v10;
	v4 =	vld [tilespmem:s11+$0x0]  }
0x81a: {  	[tilespmem:v5+s1+$0x0] =	vst.idx.msk $0xffff, v9;
	v5 =	vld [tilespmem:s11+$0xFFFFFFF0]  }
0x81b: {  	_ =	sdelay $0x1  }
0x81c: {  	v9 =	vld [tilespmem:s11+$0xFFFFFFE0]  }
0x81d: {  	v10 =	vld [tilespmem:s10+$0x0]  }
0x81e: {  	[tilespmem:v2+s1+$0x0] =	vst.idx.msk $0xffff, v3;
	v2 =	vld [tilespmem:s10+$0xFFFFFFE0];
	_ =	sdelay $0x1  }
0x81f: {  	[tilespmem:v0+s1+$0x0] =	vst.idx.msk $0xffff, v6  }
0x820: {  	[tilespmem:v4+s1+$0x0] =	vst.idx.msk $0xffff, v8  }
0x821: {  	[tilespmem:v5+s1+$0x0] =	vst.idx.msk $0xffff, v10  }
0x822: {  	[tilespmem:v1+s1+$0x0] =	vst.idx.msk $0xffff, v2  }
0x823: {  	[tilespmem:v9+s1+$0x0] =	vst.idx.msk $0xffff, v7  }
0x824: {  	[tilespmem:s29], [sflag:$0x4] =	stream.strided.gather [hbm4b:s21+s23], $0x2000, s24, s23, $0x38;
	v63 =	vld [tilespmem:$0x0]  }
0x825: {  	_ =	swait.ge [sflag:s4], $0x2000  }
0x826: {  	s9 =	simm.s32 $0x0;
	[sflag:s4] =	ssyncset.done $0x0  }
0x827: {  	s9 =	sand.u32 $0x1FC0, s9;
	[sflag:s4] =	ssyncadd.s32 $0xFFFFE000  }
0x828: {  	s10 =	simm.s32 $0x1E020;
	v0 =	vld [tilespmem:s9+$0x6000]  }
0x829: {  	v3 =	vld [tilespmem:s10+$0xFFFFFFF0]  }
0x82a: {  	s12 =	simm.s32 $0x6030;
	v5 =	vld [tilespmem:s10+$0x10]  }
0x82b: {  	v9 =	vld [tilespmem:s12+$0x0]  }
0x82c: {  	v10 =	vld [tilespmem:s12+$0xFFFFFFF0]  }
0x82d: {  	v2 =	vld [tilespmem:s12+$0xFFFFFFE0]  }
0x82e: {  	v11 =	vld [tilespmem:s10+$0x0]  }
0x82f: {  	s9 =	simm.s32 $0x40;
	v6 =	vld [tilespmem:s10+$0xFFFFFFE0];
	s10 =	simm.s32 $0x1E060  }
0x830: {  	s12 =	sand.u32 $0x1FC0, s9;
	v7 =	vld [tilespmem:s10+$0xFFFFFFF0]  }
0x831: {  	v1 =	vld [tilespmem:s12+$0x6000]  }
0x832: {  	s11 =	simm.s32 $0x6070;
	v8 =	vld [tilespmem:s10+$0x10]  }
0x833: {  	v4 =	vld [tilespmem:s11+$0x0];
	[tilespmem:v9+s1+$0x0] =	vst.idx.msk $0xffff, v5  }
0x834: {  	v5 =	vld [tilespmem:s11+$0xFFFFFFF0];
	[tilespmem:v10+s1+$0x0] =	vst.idx.msk $0xffff, v11  }
.LBB2_120:
0x835: {  	s9 =	sadd.s32 $0x40, s9;
	[tilespmem:v2+s1+$0x0] =	vst.idx.msk $0xffff, v3;
	v2 =	vld [tilespmem:s11+$0xFFFFFFE0]  }
0x836: {  	s12 =	sand.u32 $0x1FC0, s9;
	p0 =	slt.u32 s9, $0x1FC0;
	v9 =	vld [tilespmem:s10+$0x0];
	[tilespmem:v0+s1+$0x0] =	vst.idx.msk $0xffff, v6;
	v0 =	vmov v1;
	v3 =	vmov v7  }
0x837: {  	v1 =	vld [tilespmem:s12+$0x6000];
	v10 =	vmov v8  }
.Ltmp59:
0x838: {  	v6 =	vld [tilespmem:s10+$0xFFFFFFE0];
	s10 =	sadd.s32 $0x40, s10;
	(pc) =	sbr.rel @p0 .LBB2_120-.Ltmp59, $4  }
0x839: {  	v7 =	vld [tilespmem:s10+$0xFFFFFFF0]  }
0x83a: {  	s11 =	sadd.s32 $0x40, s11;
	v8 =	vld [tilespmem:s10+$0x10]  }
0x83b: {  	[tilespmem:v4+s1+$0x0] =	vst.idx.msk $0xffff, v10;
	v4 =	vld [tilespmem:s11+$0x0]  }
0x83c: {  	[tilespmem:v5+s1+$0x0] =	vst.idx.msk $0xffff, v9;
	v5 =	vld [tilespmem:s11+$0xFFFFFFF0]  }
0x83d: {  	_ =	sdelay $0x1  }
0x83e: {  	v9 =	vld [tilespmem:s11+$0xFFFFFFE0]  }
0x83f: {  	v10 =	vld [tilespmem:s10+$0x0]  }
0x840: {  	[tilespmem:v2+s1+$0x0] =	vst.idx.msk $0xffff, v3;
	v2 =	vld [tilespmem:s10+$0xFFFFFFE0];
	_ =	sdelay $0x1  }
0x841: {  	[tilespmem:v0+s1+$0x0] =	vst.idx.msk $0xffff, v6  }
0x842: {  	[tilespmem:v4+s1+$0x0] =	vst.idx.msk $0xffff, v8  }
0x843: {  	[tilespmem:v5+s1+$0x0] =	vst.idx.msk $0xffff, v10  }
0x844: {  	[tilespmem:v1+s1+$0x0] =	vst.idx.msk $0xffff, v2  }
0x845: {  	[tilespmem:v9+s1+$0x0] =	vst.idx.msk $0xffff, v7  }
0x846: {  	s9 =	sld [smem:$0x7D5];
	_ =	sdelay $0x2  }
0x847: {  	[hbm4b:s9+s23] =	stream.strided.scatter [tilespmem:s1], [sflag:$0x6], $0x8000, s24, s23, $0x38;
	v63 =	vld [tilespmem:$0x0]  }
0x848: {  	_ =	swait.ge [sflag:s7], $0x8000  }
0x849: {  	[sflag:s7] =	ssyncset.done $0x0  }
0x84a: {  	[sflag:s7] =	ssyncadd.s32 $0xFFFF8000  }
0x84b: {  	[tilespmem:s30], [sflag:$0x5] =	stream.strided.gather [hbm4b:s22+s23], $0x2000, s24, s23, $0x38;
	v63 =	vld [tilespmem:$0x0]  }
0x84c: {  	_ =	swait.ge [sflag:s0], $0x2000  }
0x84d: {  	[sflag:s0] =	ssyncset.done $0x0  }
0x84e: {  	s12 =	simm.s32 $0x20;
	[sflag:s0] =	ssyncadd.s32 $0xFFFFE000  }
0x84f: {  	v0 =	vld [tilespmem:s12+$0x10]  }
0x850: {  	v4 =	vld [tilespmem:s12+$0xFFFFFFF0]  }
0x851: {  	s9 =	simm.s32 $0x18020;
	v2 =	vld [tilespmem:s12+$0x0]  }
0x852: {  	v6 =	vld [tilespmem:s9+$0x10]  }
0x853: {  	v1 =	vld [tilespmem:s12+$0xFFFFFFE0]  }
0x854: {  	v3 =	vld [tilespmem:s9+$0xFFFFFFE0]  }
0x855: {  	v7 =	vld [tilespmem:s9+$0xFFFFFFF0]  }
0x856: {  	s10 =	simm.s32 $0x0;
	s11 =	simm.s32 $0x60;
	v5 =	vld [tilespmem:s9+$0x0]  }
.LBB2_122:
0x857: {  	s10 =	sadd.s32 $0x40, s10;
	[tilespmem:v0+s5+$0x0] =	vst.idx.msk $0xffff, v6;
	v0 =	vld [tilespmem:s11+$0x10]  }
0x858: {  	v8 =	vld [tilespmem:s11+$0xFFFFFFF0];
	p0 =	slt.u32 s10, $0x1FC0  }
0x859: {  	s9 =	sadd.s32 $0x40, s9;
	v9 =	vld [tilespmem:s11+$0x0]  }
.Ltmp60:
0x85a: {  	v6 =	vld [tilespmem:s9+$0x10];
	[tilespmem:v4+s5+$0x0] =	vst.idx.msk $0xffff, v7;
	(pc) =	sbr.rel @p0 .LBB2_122-.Ltmp60, $4  }
0x85b: {  	[tilespmem:v1+s5+$0x0] =	vst.idx.msk $0xffff, v3;
	v1 =	vld [tilespmem:s11+$0xFFFFFFE0]  }
0x85c: {  	v3 =	vld [tilespmem:s9+$0xFFFFFFE0];
	[tilespmem:v2+s5+$0x0] =	vst.idx.msk $0xffff, v5  }
0x85d: {  	v7 =	vld [tilespmem:s9+$0xFFFFFFF0];
	v4 =	vmov v8  }
0x85e: {  	s11 =	sadd.s32 $0x40, s11;
	v5 =	vld [tilespmem:s9+$0x0];
	v2 =	vmov v9  }
0x85f: {  	_ =	sdelay $0x3  }
0x860: {  	[tilespmem:v0+s5+$0x0] =	vst.idx.msk $0xffff, v6  }
0x861: {  	[tilespmem:v1+s5+$0x0] =	vst.idx.msk $0xffff, v3  }
0x862: {  	[tilespmem:v4+s5+$0x0] =	vst.idx.msk $0xffff, v7  }
0x863: {  	[tilespmem:v2+s5+$0x0] =	vst.idx.msk $0xffff, v5  }
0x864: {  	_ =	swait.ge [sflag:s2], $0x2000  }
0x865: {  	s9 =	simm.s32 $0x0;
	[sflag:s2] =	ssyncset.done $0x0  }
0x866: {  	s9 =	sand.u32 $0x1FC0, s9;
	[sflag:s2] =	ssyncadd.s32 $0xFFFFE000  }
0x867: {  	s10 =	simm.s32 $0x1A020;
	v0 =	vld [tilespmem:s9+$0x2000]  }
0x868: {  	v3 =	vld [tilespmem:s10+$0xFFFFFFF0]  }
0x869: {  	s11 =	simm.s32 $0x2030;
	v5 =	vld [tilespmem:s10+$0x10]  }
0x86a: {  	v9 =	vld [tilespmem:s11+$0x0]  }
0x86b: {  	v10 =	vld [tilespmem:s11+$0xFFFFFFF0]  }
0x86c: {  	v2 =	vld [tilespmem:s11+$0xFFFFFFE0]  }
0x86d: {  	v11 =	vld [tilespmem:s10+$0x0]  }
0x86e: {  	s9 =	simm.s32 $0x40;
	v6 =	vld [tilespmem:s10+$0xFFFFFFE0];
	s10 =	simm.s32 $0x1A060  }
0x86f: {  	s12 =	sand.u32 $0x1FC0, s9;
	v7 =	vld [tilespmem:s10+$0xFFFFFFF0]  }
0x870: {  	v1 =	vld [tilespmem:s12+$0x2000]  }
0x871: {  	s11 =	simm.s32 $0x2070;
	v8 =	vld [tilespmem:s10+$0x10]  }
0x872: {  	v4 =	vld [tilespmem:s11+$0x0];
	[tilespmem:v9+s5+$0x0] =	vst.idx.msk $0xffff, v5  }
0x873: {  	v5 =	vld [tilespmem:s11+$0xFFFFFFF0];
	[tilespmem:v10+s5+$0x0] =	vst.idx.msk $0xffff, v11  }
.LBB2_124:
0x874: {  	s9 =	sadd.s32 $0x40, s9;
	[tilespmem:v2+s5+$0x0] =	vst.idx.msk $0xffff, v3;
	v2 =	vld [tilespmem:s11+$0xFFFFFFE0]  }
0x875: {  	s12 =	sand.u32 $0x1FC0, s9;
	p0 =	slt.u32 s9, $0x1FC0;
	v9 =	vld [tilespmem:s10+$0x0];
	[tilespmem:v0+s5+$0x0] =	vst.idx.msk $0xffff, v6;
	v0 =	vmov v1;
	v3 =	vmov v7  }
0x876: {  	v1 =	vld [tilespmem:s12+$0x2000];
	v10 =	vmov v8  }
.Ltmp61:
0x877: {  	v6 =	vld [tilespmem:s10+$0xFFFFFFE0];
	s10 =	sadd.s32 $0x40, s10;
	(pc) =	sbr.rel @p0 .LBB2_124-.Ltmp61, $4  }
0x878: {  	v7 =	vld [tilespmem:s10+$0xFFFFFFF0]  }
0x879: {  	s11 =	sadd.s32 $0x40, s11;
	v8 =	vld [tilespmem:s10+$0x10]  }
0x87a: {  	[tilespmem:v4+s5+$0x0] =	vst.idx.msk $0xffff, v10;
	v4 =	vld [tilespmem:s11+$0x0]  }
0x87b: {  	[tilespmem:v5+s5+$0x0] =	vst.idx.msk $0xffff, v9;
	v5 =	vld [tilespmem:s11+$0xFFFFFFF0]  }
0x87c: {  	_ =	sdelay $0x1  }
0x87d: {  	v9 =	vld [tilespmem:s11+$0xFFFFFFE0]  }
0x87e: {  	v10 =	vld [tilespmem:s10+$0x0]  }
0x87f: {  	[tilespmem:v2+s5+$0x0] =	vst.idx.msk $0xffff, v3;
	v2 =	vld [tilespmem:s10+$0xFFFFFFE0];
	_ =	sdelay $0x1  }
0x880: {  	[tilespmem:v0+s5+$0x0] =	vst.idx.msk $0xffff, v6  }
0x881: {  	[tilespmem:v4+s5+$0x0] =	vst.idx.msk $0xffff, v8  }
0x882: {  	[tilespmem:v5+s5+$0x0] =	vst.idx.msk $0xffff, v10  }
0x883: {  	[tilespmem:v1+s5+$0x0] =	vst.idx.msk $0xffff, v2  }
0x884: {  	[tilespmem:v9+s5+$0x0] =	vst.idx.msk $0xffff, v7  }
0x885: {  	_ =	swait.ge [sflag:s3], $0x2000  }
0x886: {  	s9 =	simm.s32 $0x0;
	[sflag:s3] =	ssyncset.done $0x0  }
0x887: {  	s9 =	sand.u32 $0x1FC0, s9;
	[sflag:s3] =	ssyncadd.s32 $0xFFFFE000  }
0x888: {  	s10 =	simm.s32 $0x1C020;
	v0 =	vld [tilespmem:s9+$0x4000]  }
0x889: {  	v3 =	vld [tilespmem:s10+$0xFFFFFFF0]  }
0x88a: {  	s12 =	simm.s32 $0x4030;
	v5 =	vld [tilespmem:s10+$0x10]  }
0x88b: {  	v9 =	vld [tilespmem:s12+$0x0]  }
0x88c: {  	v10 =	vld [tilespmem:s12+$0xFFFFFFF0]  }
0x88d: {  	v2 =	vld [tilespmem:s12+$0xFFFFFFE0]  }
0x88e: {  	v11 =	vld [tilespmem:s10+$0x0]  }
0x88f: {  	s9 =	simm.s32 $0x40;
	v6 =	vld [tilespmem:s10+$0xFFFFFFE0];
	s10 =	simm.s32 $0x1C060  }
0x890: {  	s12 =	sand.u32 $0x1FC0, s9;
	v7 =	vld [tilespmem:s10+$0xFFFFFFF0]  }
0x891: {  	v1 =	vld [tilespmem:s12+$0x4000]  }
0x892: {  	s11 =	simm.s32 $0x4070;
	v8 =	vld [tilespmem:s10+$0x10]  }
0x893: {  	v4 =	vld [tilespmem:s11+$0x0];
	[tilespmem:v9+s5+$0x0] =	vst.idx.msk $0xffff, v5  }
0x894: {  	v5 =	vld [tilespmem:s11+$0xFFFFFFF0];
	[tilespmem:v10+s5+$0x0] =	vst.idx.msk $0xffff, v11  }
.LBB2_126:
0x895: {  	s9 =	sadd.s32 $0x40, s9;
	[tilespmem:v2+s5+$0x0] =	vst.idx.msk $0xffff, v3;
	v2 =	vld [tilespmem:s11+$0xFFFFFFE0]  }
0x896: {  	s12 =	sand.u32 $0x1FC0, s9;
	p0 =	slt.u32 s9, $0x1FC0;
	v9 =	vld [tilespmem:s10+$0x0];
	[tilespmem:v0+s5+$0x0] =	vst.idx.msk $0xffff, v6;
	v0 =	vmov v1;
	v3 =	vmov v7  }
0x897: {  	v1 =	vld [tilespmem:s12+$0x4000];
	v10 =	vmov v8  }
.Ltmp62:
0x898: {  	v6 =	vld [tilespmem:s10+$0xFFFFFFE0];
	s10 =	sadd.s32 $0x40, s10;
	(pc) =	sbr.rel @p0 .LBB2_126-.Ltmp62, $4  }
0x899: {  	v7 =	vld [tilespmem:s10+$0xFFFFFFF0]  }
0x89a: {  	s11 =	sadd.s32 $0x40, s11;
	v8 =	vld [tilespmem:s10+$0x10]  }
0x89b: {  	[tilespmem:v4+s5+$0x0] =	vst.idx.msk $0xffff, v10;
	v4 =	vld [tilespmem:s11+$0x0]  }
0x89c: {  	[tilespmem:v5+s5+$0x0] =	vst.idx.msk $0xffff, v9;
	v5 =	vld [tilespmem:s11+$0xFFFFFFF0]  }
0x89d: {  	_ =	sdelay $0x1  }
0x89e: {  	v9 =	vld [tilespmem:s11+$0xFFFFFFE0]  }
0x89f: {  	v10 =	vld [tilespmem:s10+$0x0]  }
0x8a0: {  	[tilespmem:v2+s5+$0x0] =	vst.idx.msk $0xffff, v3;
	v2 =	vld [tilespmem:s10+$0xFFFFFFE0];
	_ =	sdelay $0x1  }
0x8a1: {  	[tilespmem:v0+s5+$0x0] =	vst.idx.msk $0xffff, v6  }
0x8a2: {  	[tilespmem:v4+s5+$0x0] =	vst.idx.msk $0xffff, v8  }
0x8a3: {  	[tilespmem:v5+s5+$0x0] =	vst.idx.msk $0xffff, v10  }
0x8a4: {  	[tilespmem:v1+s5+$0x0] =	vst.idx.msk $0xffff, v2  }
0x8a5: {  	[tilespmem:v9+s5+$0x0] =	vst.idx.msk $0xffff, v7  }
0x8a6: {  	_ =	swait.ge [sflag:s4], $0x2000  }
0x8a7: {  	s9 =	simm.s32 $0x0;
	[sflag:s4] =	ssyncset.done $0x0  }
0x8a8: {  	s9 =	sand.u32 $0x1FC0, s9;
	[sflag:s4] =	ssyncadd.s32 $0xFFFFE000  }
0x8a9: {  	s10 =	simm.s32 $0x1E020;
	v0 =	vld [tilespmem:s9+$0x6000]  }
0x8aa: {  	v3 =	vld [tilespmem:s10+$0xFFFFFFF0]  }
0x8ab: {  	s12 =	simm.s32 $0x6030;
	v5 =	vld [tilespmem:s10+$0x10]  }
0x8ac: {  	v9 =	vld [tilespmem:s12+$0x0]  }
0x8ad: {  	v10 =	vld [tilespmem:s12+$0xFFFFFFF0]  }
0x8ae: {  	v2 =	vld [tilespmem:s12+$0xFFFFFFE0]  }
0x8af: {  	v11 =	vld [tilespmem:s10+$0x0]  }
0x8b0: {  	s9 =	simm.s32 $0x40;
	v6 =	vld [tilespmem:s10+$0xFFFFFFE0];
	s10 =	simm.s32 $0x1E060  }
0x8b1: {  	s12 =	sand.u32 $0x1FC0, s9;
	v7 =	vld [tilespmem:s10+$0xFFFFFFF0]  }
0x8b2: {  	v1 =	vld [tilespmem:s12+$0x6000]  }
0x8b3: {  	s11 =	simm.s32 $0x6070;
	v8 =	vld [tilespmem:s10+$0x10]  }
0x8b4: {  	v4 =	vld [tilespmem:s11+$0x0];
	[tilespmem:v9+s5+$0x0] =	vst.idx.msk $0xffff, v5  }
0x8b5: {  	v5 =	vld [tilespmem:s11+$0xFFFFFFF0];
	[tilespmem:v10+s5+$0x0] =	vst.idx.msk $0xffff, v11  }
.LBB2_128:
0x8b6: {  	s9 =	sadd.s32 $0x40, s9;
	[tilespmem:v2+s5+$0x0] =	vst.idx.msk $0xffff, v3;
	v2 =	vld [tilespmem:s11+$0xFFFFFFE0]  }
0x8b7: {  	s12 =	sand.u32 $0x1FC0, s9;
	p0 =	slt.u32 s9, $0x1FC0;
	v9 =	vld [tilespmem:s10+$0x0];
	[tilespmem:v0+s5+$0x0] =	vst.idx.msk $0xffff, v6;
	v0 =	vmov v1;
	v3 =	vmov v7  }
0x8b8: {  	v1 =	vld [tilespmem:s12+$0x6000];
	v10 =	vmov v8  }
.Ltmp63:
0x8b9: {  	v6 =	vld [tilespmem:s10+$0xFFFFFFE0];
	s10 =	sadd.s32 $0x40, s10;
	(pc) =	sbr.rel @p0 .LBB2_128-.Ltmp63, $4  }
0x8ba: {  	v7 =	vld [tilespmem:s10+$0xFFFFFFF0]  }
0x8bb: {  	s11 =	sadd.s32 $0x40, s11;
	v8 =	vld [tilespmem:s10+$0x10]  }
0x8bc: {  	[tilespmem:v4+s5+$0x0] =	vst.idx.msk $0xffff, v10;
	v4 =	vld [tilespmem:s11+$0x0]  }
0x8bd: {  	[tilespmem:v5+s5+$0x0] =	vst.idx.msk $0xffff, v9;
	v5 =	vld [tilespmem:s11+$0xFFFFFFF0]  }
0x8be: {  	_ =	sdelay $0x1  }
0x8bf: {  	v9 =	vld [tilespmem:s11+$0xFFFFFFE0]  }
0x8c0: {  	v10 =	vld [tilespmem:s10+$0x0]  }
0x8c1: {  	v62 =	vld [tilespmem:s10+$0xFFFFFFE0]  }
0x8c2: {  	[tilespmem:v2+s5+$0x0] =	vst.idx.msk $0xffff, v3  }
0x8c3: {  	[tilespmem:v0+s5+$0x0] =	vst.idx.msk $0xffff, v6  }
0x8c4: {  	[tilespmem:v4+s5+$0x0] =	vst.idx.msk $0xffff, v8  }
0x8c5: {  	[tilespmem:v5+s5+$0x0] =	vst.idx.msk $0xffff, v10  }
0x8c6: {  	[tilespmem:v1+s5+$0x0] =	vst.idx.msk $0xffff, v62  }
0x8c7: {  	[tilespmem:v9+s5+$0x0] =	vst.idx.msk $0xffff, v7  }
0x8c8: {  	s9 =	sld [smem:$0x7D6];
	_ =	sdelay $0x2  }
0x8c9: {  	[hbm4b:s9+s23] =	stream.strided.scatter [tilespmem:s5], [sflag:$0x7], $0x8000, s24, s23, $0x38;
	v63 =	vld [tilespmem:$0x0]  }
0x8ca: {  	_ =	swait.ge [sflag:s6], $0x8000  }
0x8cb: {  	[sflag:s6] =	ssyncset.done $0x0  }
0x8cc: {  	[sflag:s6] =	ssyncadd.s32 $0xFFFF8000  }
0x8cd: {  	_ =	swait.ge [sflag:s7], $0x8000  }
0x8ce: {  	s12 =	sld [smem:$0x7D7];
	_ =	sdelay $0x1  }
0x8cf: {  	s8 =	sadd.s32 $0x1, s8  }
0x8d0: {  	p0 =	sne.s32 s8, s12  }
.Ltmp64:
0x8d1: {  	_ = 	snop;
	(pc) =	sbr.rel @p0 .LBB2_1-.Ltmp64, $3  }
0x8d2: {  	_ =	sdelay $0x1  }
0x8d3: {  	[sflag:s7] =	ssyncset.done $0x0  }
0x8d4: {  	[sflag:s7] =	ssyncadd.s32 $0xFFFF8000  }
0x8d5: {  	_ =	sfence.sel $0x180000  }
0x8d6: {  	[bflag:$0x0] =	sbarrier.arrive $0xFFFF  }
0x8d7: {  	_ =	strace $0x90000047  }
0x8d8: {  	s0 =	stileid.u32;
	[bflag:$0x2] =	sbarrier.arrive $0xFFFF  }
0x8d9: {  	p0 =	sne.s32 s0, $0x0;
	s0 =	rddreg [dreg:$0x3]  }
0x8da: {  	s0 =	sadd.s32 @!p0 $0x100000, s0  }
0x8db: {  	[sflag:s0] =	ssyncadd.tile.s32 @!p0 $0x1;
	_ =	shalt  }
.Lfunc_end2:
_tile_overlayer_lowered:
.L_overlay_start_2:
0x8dc: {  	(tag) =	ssettag $0x2  }
0x8dd: {  	s0 =	rddreg [dreg:$0x0];
	s2 =	stileid.u32  }
0x8de: {  	s1 =	rddreg [dreg:$0x1];
	p0 =	sne.s32 s2, $0x0  }
0x8df: {  	s3 =	rddreg [dreg:$0x2];
	[bflag:$0x3] =	sbarrier.arrive $0xFFFF;
	s2 =	simm.s32 @!p0 $0x1C08  }
0x8e0: {  	[timem:s3], [sflag:s2] =	dma.local @!p0 [hbm:s0], s1  }
0x8e1: {  	s0 =	simm.s32 @!p0 $0x8  }
0x8e2: {  	_ =	swait.ge @!p0 [sflag:s0], s1  }
0x8e3: {  	s1 =	ssub.s32 @!p0 $0x0, s1;
	[sflag:s0] =	ssyncset.done @!p0 $0x0  }
0x8e4: {  	[sflag:s0] =	ssyncadd.s32 @!p0 s1  }
0x8e5: {  	[bflag:$0x3] =	sbarrier.arrive $0xFFFF  }
0x8e6: {  	_ =	shalt  }

</sc_bundles>
